<compile_context>
chip_gen: v7x
topology: tpu7x:2x2x1
jax: 0.10.2.dev20260603
libtpu: 0.0.44.dev20260713+nightly
codegen_flags: <defaults>
</compile_context>

<pallas_src>
import functools

import jax
import jax.numpy as jnp
from jax import lax
from jax.experimental import pallas as pl
from jax.experimental.pallas import tpu as pltpu
from jax.experimental.pallas import tpu_sc as plsc

N_NODES = 10000
DEG = 32
D_FEAT = 128
L = 16
NJ = D_FEAT // L

NSC = 400
NTC = N_NODES - NSC
TC_BLOCK = 400

NB = 8
NHALF = 4
SC_CHUNKS = NSC // NB
NC, NS = 2, 16
NW = NC * NS
K = 2 * ((SC_CHUNKS + 2 * NW - 1) // (2 * NW))

_mesh = plsc.VectorSubcoreMesh(
    core_axis_name="c", subcore_axis_name="s", num_cores=NC, num_subcores=NS
)


@functools.partial(
    pl.kernel,
    out_type=jax.ShapeDtypeStruct((NSC, D_FEAT), jnp.float32),
    mesh=_mesh,
    scratch_types=[
        pltpu.VMEM((NB, DEG, D_FEAT), jnp.float32),
        pltpu.VMEM((NB, DEG, D_FEAT), jnp.float32),
        pltpu.VMEM((NB, D_FEAT), jnp.float32),
        pltpu.VMEM((NB, D_FEAT), jnp.float32),
        pltpu.SemaphoreType.DMA,
        pltpu.SemaphoreType.DMA,
        pltpu.SemaphoreType.DMA,
        pltpu.SemaphoreType.DMA,
    ],
)
def _sc_mean(x_hbm, o_hbm, buf0, buf1, acc0, acc1, ls0, ls1, os0, os1):
    wid = lax.axis_index("c") * NS + lax.axis_index("s")

    def chunk_of(k):
        return jnp.minimum(wid + k * NW, SC_CHUNKS - 1)

    def start_load(k, buf, sem):
        t = chunk_of(k)
        pltpu.make_async_copy(
            x_hbm.at[pl.ds(t * NB, NB)], buf, sem
        ).start()

    def wait_load(buf, sem):
        pltpu.make_async_copy(x_hbm.at[pl.ds(0, NB)], buf, sem).wait()

    def start_store(k, acc, sem):
        t = chunk_of(k)
        pltpu.make_async_copy(acc, o_hbm.at[pl.ds(t * NB, NB)], sem).start()

    def wait_store(acc, sem):
        pltpu.make_async_copy(acc, o_hbm.at[pl.ds(0, NB)], sem).wait()

    def compute(buf, acc):
        for h in range(NB // NHALF):
            def dbody(d, accs):
                return tuple(
                    tuple(
                        accs[n][j] + buf[h * NHALF + n, d, pl.ds(j * L, L)]
                        for j in range(NJ)
                    )
                    for n in range(NHALF)
                )

            init = tuple(
                tuple(buf[h * NHALF + n, 0, pl.ds(j * L, L)] for j in range(NJ))
                for n in range(NHALF)
            )
            accs = lax.fori_loop(1, DEG, dbody, init, unroll=2)
            for n in range(NHALF):
                for j in range(NJ):
                    acc[h * NHALF + n, pl.ds(j * L, L)] = accs[n][j] * (
                        1.0 / DEG
                    )

    start_load(0, buf0, ls0)
    start_load(1, buf1, ls1)

    def outer(j, carry):
        for b, buf, acc, lsem, osem in (
            (0, buf0, acc0, ls0, os0),
            (1, buf1, acc1, ls1, os1),
        ):
            k = 2 * j + b
            wait_load(buf, lsem)

            @pl.when(j >= 1)
            def _():
                wait_store(acc, osem)

            compute(buf, acc)

            @pl.when(j < K // 2 - 1)
            def _():
                start_load(k + 2, buf, lsem)

            start_store(k, acc, osem)
        return carry

    lax.fori_loop(0, K // 2, outer, 0, unroll=False)

    wait_store(acc0, os0)
    wait_store(acc1, os1)


def _tc_mean(x_ref, o_ref):
    o_ref[...] = jnp.sum(x_ref[...], axis=1) * (1.0 / DEG)


def kernel(neighbour):
    out_sc = _sc_mean(lax.slice_in_dim(neighbour, NTC, N_NODES, axis=0))
    out_tc = pl.pallas_call(
        _tc_mean,
        grid=(NTC // TC_BLOCK,),
        in_specs=[pl.BlockSpec((TC_BLOCK, DEG, D_FEAT), lambda i: (i, 0, 0))],
        out_specs=pl.BlockSpec((TC_BLOCK, D_FEAT), lambda i: (i, 0)),
        out_shape=jax.ShapeDtypeStruct((NTC, D_FEAT), jnp.float32),
    )(neighbour)
    return jnp.concatenate([out_tc, out_sc], axis=0)

# --- scband reference (transcript-rebuilt; emitter-appended) ---
"""Pipeline reference for scband-aggregator-6957847019596 (READ-ONLY COPY).

The authoritative reference and input builder live on the scoring server;
editing this copy changes nothing except your own understanding.
"""

import jax, jax.numpy as jnp
import numpy as np

N_NODES = 10000
DEG = 32
D_FEAT = 128

def setup_inputs(seed: int = 0) -> dict:
    key = jax.random.key(seed)
    neighbour = jax.random.normal(key, (N_NODES, DEG, D_FEAT), dtype=jnp.float32)
    return {"neighbour": neighbour}

def reference(neighbour):
    # Base Aggregator.forward: c = self.aggre(node.mailbox['m']); return {'c': c}
    # aggre is abstract in the base class; the canonical concrete subclass
    # (GraphSAGE MeanAggregator) reduces the mailbox over the neighbor axis.
    c = jnp.mean(neighbour, axis=1)
    return c

if __name__ == "__main__":
    import jax
    _d = setup_inputs()
    print(jax.jit(kernel)(*tuple(_d.values())))

</pallas_src>

<mosaic_0001>
#map = affine_map<(d0, d1) -> (0, 0, 0)>
#map1 = affine_map<(d0, d1) -> (0, 0)>
module attributes {stable_mosaic.version = 14 : i64} {
  func.func @_sc_mean(%arg0: i32, %arg1: i32, %arg2: memref<400x32x128xf32, #tpu.memory_space<hbm>>, %arg3: memref<400x128xf32, #tpu.memory_space<hbm>>, %arg4: memref<8x32x128xf32, #tpu.memory_space<vmem>>, %arg5: memref<8x32x128xf32, #tpu.memory_space<vmem>>, %arg6: memref<8x128xf32, #tpu.memory_space<vmem>>, %arg7: memref<8x128xf32, #tpu.memory_space<vmem>>, %arg8: memref<!tpu.dma_semaphore, #tpu.memory_space<semaphore_mem>>, %arg9: memref<!tpu.dma_semaphore, #tpu.memory_space<semaphore_mem>>, %arg10: memref<!tpu.dma_semaphore, #tpu.memory_space<semaphore_mem>>, %arg11: memref<!tpu.dma_semaphore, #tpu.memory_space<semaphore_mem>>) attributes {dimension_semantics = [#tpu.dimension_semantics<core_parallel>, #tpu.dimension_semantics<subcore_parallel>], iteration_bounds = array<i64: 2, 16>, scalar_prefetch = 0 : i64, scratch_operands = 8 : i64, tpu.core_type = #tpu.core_type<sc_vector_subcore>, window_params = [{transform_indices = #map}, {transform_indices = #map1}]} {
    %mul3A = arith.constant 16 : i32
    %mul3A_0 = arith.muli %arg0, %mul3A : i32
    %add3A = arith.addi %mul3A_0, %arg1 : i32
    %add3A_1 = arith.constant 0 : i32
    %add3A_2 = arith.addi %add3A, %add3A_1 : i32
    %min3A = arith.constant 49 : i32
    %min3A_3 = arith.minsi %add3A_2, %min3A : i32
    %mul3A_4 = arith.constant 8 : i32
    %mul3A_5 = arith.muli %min3A_3, %mul3A_4 : i32
    %dma_start3A = arith.constant 0 : i32
    %dma_start3A_6 = arith.constant 0 : i32
    %dma_start3A_7 = tpu.memref_slice %arg2[%mul3A_5, %dma_start3A, %dma_start3A_6] : memref<400x32x128xf32, #tpu.memory_space<hbm>> -> memref<8x32x128xf32, #tpu.memory_space<hbm>>
    %dma_start3A_8 = arith.constant 0 : i32
    %dma_start3A_9 = arith.constant 0 : i32
    %dma_start3A_10 = tpu.memref_slice %arg2[%mul3A_5, %dma_start3A_8, %dma_start3A_9] : memref<400x32x128xf32, #tpu.memory_space<hbm>> -> memref<8x32x128xf32, #tpu.memory_space<hbm>>
    tpu.enqueue_dma source(%dma_start3A_10 : memref<8x32x128xf32, #tpu.memory_space<hbm>>) target(%arg4 : memref<8x32x128xf32, #tpu.memory_space<vmem>>) target_semaphore(%arg8 : memref<!tpu.dma_semaphore, #tpu.memory_space<semaphore_mem>>)
    %add3A_11 = arith.constant 32 : i32
    %add3A_12 = arith.addi %add3A, %add3A_11 : i32
    %min3A_13 = arith.constant 49 : i32
    %min3A_14 = arith.minsi %add3A_12, %min3A_13 : i32
    %mul3A_15 = arith.constant 8 : i32
    %mul3A_16 = arith.muli %min3A_14, %mul3A_15 : i32
    %dma_start3A_17 = arith.constant 0 : i32
    %dma_start3A_18 = arith.constant 0 : i32
    %dma_start3A_19 = tpu.memref_slice %arg2[%mul3A_16, %dma_start3A_17, %dma_start3A_18] : memref<400x32x128xf32, #tpu.memory_space<hbm>> -> memref<8x32x128xf32, #tpu.memory_space<hbm>>
    %dma_start3A_20 = arith.constant 0 : i32
    %dma_start3A_21 = arith.constant 0 : i32
    %dma_start3A_22 = tpu.memref_slice %arg2[%mul3A_16, %dma_start3A_20, %dma_start3A_21] : memref<400x32x128xf32, #tpu.memory_space<hbm>> -> memref<8x32x128xf32, #tpu.memory_space<hbm>>
    tpu.enqueue_dma source(%dma_start3A_22 : memref<8x32x128xf32, #tpu.memory_space<hbm>>) target(%arg5 : memref<8x32x128xf32, #tpu.memory_space<vmem>>) target_semaphore(%arg9 : memref<!tpu.dma_semaphore, #tpu.memory_space<semaphore_mem>>)
    %scan3A = arith.constant 0 : i32
    %scan3A_23 = arith.constant 0 : i32
    %mul3A_24 = arith.constant 2 : i32
    %mul3A_25 = arith.muli %mul3A_24, %scan3A_23 : i32
    %add3A_26 = arith.constant 0 : i32
    %add3A_27 = arith.addi %mul3A_25, %add3A_26 : i32
    %dma_wait3A = arith.constant 0 : i32
    %dma_wait3A_28 = arith.constant 0 : i32
    %dma_wait3A_29 = arith.constant 0 : i32
    %dma_wait3A_30 = tpu.memref_slice %arg2[%dma_wait3A, %dma_wait3A_28, %dma_wait3A_29] : memref<400x32x128xf32, #tpu.memory_space<hbm>> -> memref<8x32x128xf32, #tpu.memory_space<hbm>>
    %dma_wait3A_31 = arith.constant 0 : i32
    %dma_wait3A_32 = arith.constant 0 : i32
    %dma_wait3A_33 = arith.constant 0 : i32
    %dma_wait3A_34 = tpu.memref_slice %arg2[%dma_wait3A_31, %dma_wait3A_32, %dma_wait3A_33] : memref<400x32x128xf32, #tpu.memory_space<hbm>> -> memref<8x32x128xf32, #tpu.memory_space<hbm>>
    tpu.wait_dma2 semaphore(%arg8 : memref<!tpu.dma_semaphore, #tpu.memory_space<semaphore_mem>>) src(%dma_wait3A_34 : memref<8x32x128xf32, #tpu.memory_space<hbm>>) dst(%arg4 : memref<8x32x128xf32, #tpu.memory_space<vmem>>)
    %ge3A = arith.constant 1 : i32
    %ge3A_35 = arith.cmpi sge, %scan3A_23, %ge3A : i32
    %convert_element_type3A = arith.extui %ge3A_35 : i1 to i32
    %cond3A = arith.constant 0 : i32
    %cond3A_36 = arith.cmpi ne, %convert_element_type3A, %cond3A : i32
    scf.if %cond3A_36 {
      %dma_wait3A_3072 = arith.constant 0 : i32
      %dma_wait3A_3073 = arith.constant 0 : i32
      %dma_wait3A_3074 = tpu.memref_slice %arg3[%dma_wait3A_3072, %dma_wait3A_3073] : memref<400x128xf32, #tpu.memory_space<hbm>> -> memref<8x128xf32, #tpu.memory_space<hbm>>
      %dma_wait3A_3075 = arith.constant 0 : i32
      %dma_wait3A_3076 = arith.constant 0 : i32
      %dma_wait3A_3077 = tpu.memref_slice %arg3[%dma_wait3A_3075, %dma_wait3A_3076] : memref<400x128xf32, #tpu.memory_space<hbm>> -> memref<8x128xf32, #tpu.memory_space<hbm>>
      tpu.wait_dma2 semaphore(%arg10 : memref<!tpu.dma_semaphore, #tpu.memory_space<semaphore_mem>>) src(%arg6 : memref<8x128xf32, #tpu.memory_space<vmem>>) dst(%dma_wait3A_3077 : memref<8x128xf32, #tpu.memory_space<hbm>>)
    } else {
    }
    %get3A = arith.constant 0 : i32
    %get3A_37 = arith.constant 0 : i32
    %get3A_38 = arith.index_cast %get3A : i32 to index
    %get3A_39 = arith.index_cast %get3A_37 : i32 to index
    %get3A_40 = arith.constant 0 : index
    %get3A_41 = tpu.vector_load %arg4[%get3A_38, %get3A_39, %get3A_40] {strides = array<i32>} : memref<8x32x128xf32, #tpu.memory_space<vmem>>, vector<1x1x16xf32>,
    %get3A_42 = vector.shape_cast %get3A_41 : vector<1x1x16xf32> to vector<16xf32>
    %get3A_43 = arith.constant 0 : i32
    %get3A_44 = arith.constant 0 : i32
    %get3A_45 = arith.index_cast %get3A_43 : i32 to index
    %get3A_46 = arith.index_cast %get3A_44 : i32 to index
    %get3A_47 = arith.constant 16 : index
    %get3A_48 = tpu.vector_load %arg4[%get3A_45, %get3A_46, %get3A_47] {strides = array<i32>} : memref<8x32x128xf32, #tpu.memory_space<vmem>>, vector<1x1x16xf32>,
    %get3A_49 = vector.shape_cast %get3A_48 : vector<1x1x16xf32> to vector<16xf32>
    %get3A_50 = arith.constant 0 : i32
    %get3A_51 = arith.constant 0 : i32
    %get3A_52 = arith.index_cast %get3A_50 : i32 to index
    %get3A_53 = arith.index_cast %get3A_51 : i32 to index
    %get3A_54 = arith.constant 32 : index
    %get3A_55 = tpu.vector_load %arg4[%get3A_52, %get3A_53, %get3A_54] {strides = array<i32>} : memref<8x32x128xf32, #tpu.memory_space<vmem>>, vector<1x1x16xf32>,
    %get3A_56 = vector.shape_cast %get3A_55 : vector<1x1x16xf32> to vector<16xf32>
    %get3A_57 = arith.constant 0 : i32
    %get3A_58 = arith.constant 0 : i32
    %get3A_59 = arith.index_cast %get3A_57 : i32 to index
    %get3A_60 = arith.index_cast %get3A_58 : i32 to index
    %get3A_61 = arith.constant 48 : index
    %get3A_62 = tpu.vector_load %arg4[%get3A_59, %get3A_60, %get3A_61] {strides = array<i32>} : memref<8x32x128xf32, #tpu.memory_space<vmem>>, vector<1x1x16xf32>,
    %get3A_63 = vector.shape_cast %get3A_62 : vector<1x1x16xf32> to vector<16xf32>
    %get3A_64 = arith.constant 0 : i32
    %get3A_65 = arith.constant 0 : i32
    %get3A_66 = arith.index_cast %get3A_64 : i32 to index
    %get3A_67 = arith.index_cast %get3A_65 : i32 to index
    %get3A_68 = arith.constant 64 : index
    %get3A_69 = tpu.vector_load %arg4[%get3A_66, %get3A_67, %get3A_68] {strides = array<i32>} : memref<8x32x128xf32, #tpu.memory_space<vmem>>, vector<1x1x16xf32>,
    %get3A_70 = vector.shape_cast %get3A_69 : vector<1x1x16xf32> to vector<16xf32>
    %get3A_71 = arith.constant 0 : i32
    %get3A_72 = arith.constant 0 : i32
    %get3A_73 = arith.index_cast %get3A_71 : i32 to index
    %get3A_74 = arith.index_cast %get3A_72 : i32 to index
    %get3A_75 = arith.constant 80 : index
    %get3A_76 = tpu.vector_load %arg4[%get3A_73, %get3A_74, %get3A_75] {strides = array<i32>} : memref<8x32x128xf32, #tpu.memory_space<vmem>>, vector<1x1x16xf32>,
    %get3A_77 = vector.shape_cast %get3A_76 : vector<1x1x16xf32> to vector<16xf32>
    %get3A_78 = arith.constant 0 : i32
    %get3A_79 = arith.constant 0 : i32
    %get3A_80 = arith.index_cast %get3A_78 : i32 to index
    %get3A_81 = arith.index_cast %get3A_79 : i32 to index
    %get3A_82 = arith.constant 96 : index
    %get3A_83 = tpu.vector_load %arg4[%get3A_80, %get3A_81, %get3A_82] {strides = array<i32>} : memref<8x32x128xf32, #tpu.memory_space<vmem>>, vector<1x1x16xf32>,
    %get3A_84 = vector.shape_cast %get3A_83 : vector<1x1x16xf32> to vector<16xf32>
    %get3A_85 = arith.constant 0 : i32
    %get3A_86 = arith.constant 0 : i32
    %get3A_87 = arith.index_cast %get3A_85 : i32 to index
    %get3A_88 = arith.index_cast %get3A_86 : i32 to index
    %get3A_89 = arith.constant 112 : index
    %get3A_90 = tpu.vector_load %arg4[%get3A_87, %get3A_88, %get3A_89] {strides = array<i32>} : memref<8x32x128xf32, #tpu.memory_space<vmem>>, vector<1x1x16xf32>,
    %get3A_91 = vector.shape_cast %get3A_90 : vector<1x1x16xf32> to vector<16xf32>
    %get3A_92 = arith.constant 1 : i32
    %get3A_93 = arith.constant 0 : i32
    %get3A_94 = arith.index_cast %get3A_92 : i32 to index
    %get3A_95 = arith.index_cast %get3A_93 : i32 to index
    %get3A_96 = arith.constant 0 : index
    %get3A_97 = tpu.vector_load %arg4[%get3A_94, %get3A_95, %get3A_96] {strides = array<i32>} : memref<8x32x128xf32, #tpu.memory_space<vmem>>, vector<1x1x16xf32>,
    %get3A_98 = vector.shape_cast %get3A_97 : vector<1x1x16xf32> to vector<16xf32>
    %get3A_99 = arith.constant 1 : i32
    %get3A_100 = arith.constant 0 : i32
    %get3A_101 = arith.index_cast %get3A_99 : i32 to index
    %get3A_102 = arith.index_cast %get3A_100 : i32 to index
    %get3A_103 = arith.constant 16 : index
    %get3A_104 = tpu.vector_load %arg4[%get3A_101, %get3A_102, %get3A_103] {strides = array<i32>} : memref<8x32x128xf32, #tpu.memory_space<vmem>>, vector<1x1x16xf32>,
    %get3A_105 = vector.shape_cast %get3A_104 : vector<1x1x16xf32> to vector<16xf32>
    %get3A_106 = arith.constant 1 : i32
    %get3A_107 = arith.constant 0 : i32
    %get3A_108 = arith.index_cast %get3A_106 : i32 to index
    %get3A_109 = arith.index_cast %get3A_107 : i32 to index
    %get3A_110 = arith.constant 32 : index
    %get3A_111 = tpu.vector_load %arg4[%get3A_108, %get3A_109, %get3A_110] {strides = array<i32>} : memref<8x32x128xf32, #tpu.memory_space<vmem>>, vector<1x1x16xf32>,
    %get3A_112 = vector.shape_cast %get3A_111 : vector<1x1x16xf32> to vector<16xf32>
    %get3A_113 = arith.constant 1 : i32
    %get3A_114 = arith.constant 0 : i32
    %get3A_115 = arith.index_cast %get3A_113 : i32 to index
    %get3A_116 = arith.index_cast %get3A_114 : i32 to index
    %get3A_117 = arith.constant 48 : index
    %get3A_118 = tpu.vector_load %arg4[%get3A_115, %get3A_116, %get3A_117] {strides = array<i32>} : memref<8x32x128xf32, #tpu.memory_space<vmem>>, vector<1x1x16xf32>,
    %get3A_119 = vector.shape_cast %get3A_118 : vector<1x1x16xf32> to vector<16xf32>
    %get3A_120 = arith.constant 1 : i32
    %get3A_121 = arith.constant 0 : i32
    %get3A_122 = arith.index_cast %get3A_120 : i32 to index
    %get3A_123 = arith.index_cast %get3A_121 : i32 to index
    %get3A_124 = arith.constant 64 : index
    %get3A_125 = tpu.vector_load %arg4[%get3A_122, %get3A_123, %get3A_124] {strides = array<i32>} : memref<8x32x128xf32, #tpu.memory_space<vmem>>, vector<1x1x16xf32>,
    %get3A_126 = vector.shape_cast %get3A_125 : vector<1x1x16xf32> to vector<16xf32>
    %get3A_127 = arith.constant 1 : i32
    %get3A_128 = arith.constant 0 : i32
    %get3A_129 = arith.index_cast %get3A_127 : i32 to index
    %get3A_130 = arith.index_cast %get3A_128 : i32 to index
    %get3A_131 = arith.constant 80 : index
    %get3A_132 = tpu.vector_load %arg4[%get3A_129, %get3A_130, %get3A_131] {strides = array<i32>} : memref<8x32x128xf32, #tpu.memory_space<vmem>>, vector<1x1x16xf32>,
    %get3A_133 = vector.shape_cast %get3A_132 : vector<1x1x16xf32> to vector<16xf32>
    %get3A_134 = arith.constant 1 : i32
    %get3A_135 = arith.constant 0 : i32
    %get3A_136 = arith.index_cast %get3A_134 : i32 to index
    %get3A_137 = arith.index_cast %get3A_135 : i32 to index
    %get3A_138 = arith.constant 96 : index
    %get3A_139 = tpu.vector_load %arg4[%get3A_136, %get3A_137, %get3A_138] {strides = array<i32>} : memref<8x32x128xf32, #tpu.memory_space<vmem>>, vector<1x1x16xf32>,
    %get3A_140 = vector.shape_cast %get3A_139 : vector<1x1x16xf32> to vector<16xf32>
    %get3A_141 = arith.constant 1 : i32
    %get3A_142 = arith.constant 0 : i32
    %get3A_143 = arith.index_cast %get3A_141 : i32 to index
    %get3A_144 = arith.index_cast %get3A_142 : i32 to index
    %get3A_145 = arith.constant 112 : index
    %get3A_146 = tpu.vector_load %arg4[%get3A_143, %get3A_144, %get3A_145] {strides = array<i32>} : memref<8x32x128xf32, #tpu.memory_space<vmem>>, vector<1x1x16xf32>,
    %get3A_147 = vector.shape_cast %get3A_146 : vector<1x1x16xf32> to vector<16xf32>
    %get3A_148 = arith.constant 2 : i32
    %get3A_149 = arith.constant 0 : i32
    %get3A_150 = arith.index_cast %get3A_148 : i32 to index
    %get3A_151 = arith.index_cast %get3A_149 : i32 to index
    %get3A_152 = arith.constant 0 : index
    %get3A_153 = tpu.vector_load %arg4[%get3A_150, %get3A_151, %get3A_152] {strides = array<i32>} : memref<8x32x128xf32, #tpu.memory_space<vmem>>, vector<1x1x16xf32>,
    %get3A_154 = vector.shape_cast %get3A_153 : vector<1x1x16xf32> to vector<16xf32>
    %get3A_155 = arith.constant 2 : i32
    %get3A_156 = arith.constant 0 : i32
    %get3A_157 = arith.index_cast %get3A_155 : i32 to index
    %get3A_158 = arith.index_cast %get3A_156 : i32 to index
    %get3A_159 = arith.constant 16 : index
    %get3A_160 = tpu.vector_load %arg4[%get3A_157, %get3A_158, %get3A_159] {strides = array<i32>} : memref<8x32x128xf32, #tpu.memory_space<vmem>>, vector<1x1x16xf32>,
    %get3A_161 = vector.shape_cast %get3A_160 : vector<1x1x16xf32> to vector<16xf32>
    %get3A_162 = arith.constant 2 : i32
    %get3A_163 = arith.constant 0 : i32
    %get3A_164 = arith.index_cast %get3A_162 : i32 to index
    %get3A_165 = arith.index_cast %get3A_163 : i32 to index
    %get3A_166 = arith.constant 32 : index
    %get3A_167 = tpu.vector_load %arg4[%get3A_164, %get3A_165, %get3A_166] {strides = array<i32>} : memref<8x32x128xf32, #tpu.memory_space<vmem>>, vector<1x1x16xf32>,
    %get3A_168 = vector.shape_cast %get3A_167 : vector<1x1x16xf32> to vector<16xf32>
    %get3A_169 = arith.constant 2 : i32
    %get3A_170 = arith.constant 0 : i32
    %get3A_171 = arith.index_cast %get3A_169 : i32 to index
    %get3A_172 = arith.index_cast %get3A_170 : i32 to index
    %get3A_173 = arith.constant 48 : index
    %get3A_174 = tpu.vector_load %arg4[%get3A_171, %get3A_172, %get3A_173] {strides = array<i32>} : memref<8x32x128xf32, #tpu.memory_space<vmem>>, vector<1x1x16xf32>,
    %get3A_175 = vector.shape_cast %get3A_174 : vector<1x1x16xf32> to vector<16xf32>
    %get3A_176 = arith.constant 2 : i32
    %get3A_177 = arith.constant 0 : i32
    %get3A_178 = arith.index_cast %get3A_176 : i32 to index
    %get3A_179 = arith.index_cast %get3A_177 : i32 to index
    %get3A_180 = arith.constant 64 : index
    %get3A_181 = tpu.vector_load %arg4[%get3A_178, %get3A_179, %get3A_180] {strides = array<i32>} : memref<8x32x128xf32, #tpu.memory_space<vmem>>, vector<1x1x16xf32>,
    %get3A_182 = vector.shape_cast %get3A_181 : vector<1x1x16xf32> to vector<16xf32>
    %get3A_183 = arith.constant 2 : i32
    %get3A_184 = arith.constant 0 : i32
    %get3A_185 = arith.index_cast %get3A_183 : i32 to index
    %get3A_186 = arith.index_cast %get3A_184 : i32 to index
    %get3A_187 = arith.constant 80 : index
    %get3A_188 = tpu.vector_load %arg4[%get3A_185, %get3A_186, %get3A_187] {strides = array<i32>} : memref<8x32x128xf32, #tpu.memory_space<vmem>>, vector<1x1x16xf32>,
    %get3A_189 = vector.shape_cast %get3A_188 : vector<1x1x16xf32> to vector<16xf32>
    %get3A_190 = arith.constant 2 : i32
    %get3A_191 = arith.constant 0 : i32
    %get3A_192 = arith.index_cast %get3A_190 : i32 to index
    %get3A_193 = arith.index_cast %get3A_191 : i32 to index
    %get3A_194 = arith.constant 96 : index
    %get3A_195 = tpu.vector_load %arg4[%get3A_192, %get3A_193, %get3A_194] {strides = array<i32>} : memref<8x32x128xf32, #tpu.memory_space<vmem>>, vector<1x1x16xf32>,
    %get3A_196 = vector.shape_cast %get3A_195 : vector<1x1x16xf32> to vector<16xf32>
    %get3A_197 = arith.constant 2 : i32
    %get3A_198 = arith.constant 0 : i32
    %get3A_199 = arith.index_cast %get3A_197 : i32 to index
    %get3A_200 = arith.index_cast %get3A_198 : i32 to index
    %get3A_201 = arith.constant 112 : index
    %get3A_202 = tpu.vector_load %arg4[%get3A_199, %get3A_200, %get3A_201] {strides = array<i32>} : memref<8x32x128xf32, #tpu.memory_space<vmem>>, vector<1x1x16xf32>,
    %get3A_203 = vector.shape_cast %get3A_202 : vector<1x1x16xf32> to vector<16xf32>
    %get3A_204 = arith.constant 3 : i32
    %get3A_205 = arith.constant 0 : i32
    %get3A_206 = arith.index_cast %get3A_204 : i32 to index
    %get3A_207 = arith.index_cast %get3A_205 : i32 to index
    %get3A_208 = arith.constant 0 : index
    %get3A_209 = tpu.vector_load %arg4[%get3A_206, %get3A_207, %get3A_208] {strides = array<i32>} : memref<8x32x128xf32, #tpu.memory_space<vmem>>, vector<1x1x16xf32>,
    %get3A_210 = vector.shape_cast %get3A_209 : vector<1x1x16xf32> to vector<16xf32>
    %get3A_211 = arith.constant 3 : i32
    %get3A_212 = arith.constant 0 : i32
    %get3A_213 = arith.index_cast %get3A_211 : i32 to index
    %get3A_214 = arith.index_cast %get3A_212 : i32 to index
    %get3A_215 = arith.constant 16 : index
    %get3A_216 = tpu.vector_load %arg4[%get3A_213, %get3A_214, %get3A_215] {strides = array<i32>} : memref<8x32x128xf32, #tpu.memory_space<vmem>>, vector<1x1x16xf32>,
    %get3A_217 = vector.shape_cast %get3A_216 : vector<1x1x16xf32> to vector<16xf32>
    %get3A_218 = arith.constant 3 : i32
    %get3A_219 = arith.constant 0 : i32
    %get3A_220 = arith.index_cast %get3A_218 : i32 to index
    %get3A_221 = arith.index_cast %get3A_219 : i32 to index
    %get3A_222 = arith.constant 32 : index
    %get3A_223 = tpu.vector_load %arg4[%get3A_220, %get3A_221, %get3A_222] {strides = array<i32>} : memref<8x32x128xf32, #tpu.memory_space<vmem>>, vector<1x1x16xf32>,
    %get3A_224 = vector.shape_cast %get3A_223 : vector<1x1x16xf32> to vector<16xf32>
    %get3A_225 = arith.constant 3 : i32
    %get3A_226 = arith.constant 0 : i32
    %get3A_227 = arith.index_cast %get3A_225 : i32 to index
    %get3A_228 = arith.index_cast %get3A_226 : i32 to index
    %get3A_229 = arith.constant 48 : index
    %get3A_230 = tpu.vector_load %arg4[%get3A_227, %get3A_228, %get3A_229] {strides = array<i32>} : memref<8x32x128xf32, #tpu.memory_space<vmem>>, vector<1x1x16xf32>,
    %get3A_231 = vector.shape_cast %get3A_230 : vector<1x1x16xf32> to vector<16xf32>
    %get3A_232 = arith.constant 3 : i32
    %get3A_233 = arith.constant 0 : i32
    %get3A_234 = arith.index_cast %get3A_232 : i32 to index
    %get3A_235 = arith.index_cast %get3A_233 : i32 to index
    %get3A_236 = arith.constant 64 : index
    %get3A_237 = tpu.vector_load %arg4[%get3A_234, %get3A_235, %get3A_236] {strides = array<i32>} : memref<8x32x128xf32, #tpu.memory_space<vmem>>, vector<1x1x16xf32>,
    %get3A_238 = vector.shape_cast %get3A_237 : vector<1x1x16xf32> to vector<16xf32>
    %get3A_239 = arith.constant 3 : i32
    %get3A_240 = arith.constant 0 : i32
    %get3A_241 = arith.index_cast %get3A_239 : i32 to index
    %get3A_242 = arith.index_cast %get3A_240 : i32 to index
    %get3A_243 = arith.constant 80 : index
    %get3A_244 = tpu.vector_load %arg4[%get3A_241, %get3A_242, %get3A_243] {strides = array<i32>} : memref<8x32x128xf32, #tpu.memory_space<vmem>>, vector<1x1x16xf32>,
    %get3A_245 = vector.shape_cast %get3A_244 : vector<1x1x16xf32> to vector<16xf32>
    %get3A_246 = arith.constant 3 : i32
    %get3A_247 = arith.constant 0 : i32
    %get3A_248 = arith.index_cast %get3A_246 : i32 to index
    %get3A_249 = arith.index_cast %get3A_247 : i32 to index
    %get3A_250 = arith.constant 96 : index
    %get3A_251 = tpu.vector_load %arg4[%get3A_248, %get3A_249, %get3A_250] {strides = array<i32>} : memref<8x32x128xf32, #tpu.memory_space<vmem>>, vector<1x1x16xf32>,
    %get3A_252 = vector.shape_cast %get3A_251 : vector<1x1x16xf32> to vector<16xf32>
    %get3A_253 = arith.constant 3 : i32
    %get3A_254 = arith.constant 0 : i32
    %get3A_255 = arith.index_cast %get3A_253 : i32 to index
    %get3A_256 = arith.index_cast %get3A_254 : i32 to index
    %get3A_257 = arith.constant 112 : index
    %get3A_258 = tpu.vector_load %arg4[%get3A_255, %get3A_256, %get3A_257] {strides = array<i32>} : memref<8x32x128xf32, #tpu.memory_space<vmem>>, vector<1x1x16xf32>,
    %get3A_259 = vector.shape_cast %get3A_258 : vector<1x1x16xf32> to vector<16xf32>
    %scan3A_260 = arith.constant 1 : i32
    %scan3A_261 = arith.constant 30 : i32
    %scan3A_262 = arith.addi %scan3A_260, %scan3A_261 : i32
    %scan3A_263 = arith.constant 2 : i32
    %scan3A_264:32 = scf.for %scan3A_3072 = %scan3A_260 to %scan3A_262 step %scan3A_263 iter_args(%scan3A_3073 = %get3A_42, %scan3A_3074 = %get3A_49, %scan3A_3075 = %get3A_56, %scan3A_3076 = %get3A_63, %scan3A_3077 = %get3A_70, %scan3A_3078 = %get3A_77, %scan3A_3079 = %get3A_84, %scan3A_3080 = %get3A_91, %scan3A_3081 = %get3A_98, %scan3A_3082 = %get3A_105, %scan3A_3083 = %get3A_112, %scan3A_3084 = %get3A_119, %scan3A_3085 = %get3A_126, %scan3A_3086 = %get3A_133, %scan3A_3087 = %get3A_140, %scan3A_3088 = %get3A_147, %scan3A_3089 = %get3A_154, %scan3A_3090 = %get3A_161, %scan3A_3091 = %get3A_168, %scan3A_3092 = %get3A_175, %scan3A_3093 = %get3A_182, %scan3A_3094 = %get3A_189, %scan3A_3095 = %get3A_196, %scan3A_3096 = %get3A_203, %scan3A_3097 = %get3A_210, %scan3A_3098 = %get3A_217, %scan3A_3099 = %get3A_224, %scan3A_3100 = %get3A_231, %scan3A_3101 = %get3A_238, %scan3A_3102 = %get3A_245, %scan3A_3103 = %get3A_252, %scan3A_3104 = %get3A_259) -> (vector<16xf32>, vector<16xf32>, vector<16xf32>, vector<16xf32>, vector<16xf32>, vector<16xf32>, vector<16xf32>, vector<16xf32>, vector<16xf32>, vector<16xf32>, vector<16xf32>, vector<16xf32>, vector<16xf32>, vector<16xf32>, vector<16xf32>, vector<16xf32>, vector<16xf32>, vector<16xf32>, vector<16xf32>, vector<16xf32>, vector<16xf32>, vector<16xf32>, vector<16xf32>, vector<16xf32>, vector<16xf32>, vector<16xf32>, vector<16xf32>, vector<16xf32>, vector<16xf32>, vector<16xf32>, vector<16xf32>, vector<16xf32>)  : i32 {
      %get3A_3105 = arith.constant 0 : i32
      %get3A_3106 = arith.index_cast %get3A_3105 : i32 to index
      %get3A_3107 = arith.index_cast %scan3A_3072 : i32 to index
      %get3A_3108 = arith.constant 0 : index
      %get3A_3109 = tpu.vector_load %arg4[%get3A_3106, %get3A_3107, %get3A_3108] {strides = array<i32>} : memref<8x32x128xf32, #tpu.memory_space<vmem>>, vector<1x1x16xf32>,
      %get3A_3110 = vector.shape_cast %get3A_3109 : vector<1x1x16xf32> to vector<16xf32>
      %add3A_3111 = arith.addf %scan3A_3073, %get3A_3110 : vector<16xf32>
      %get3A_3112 = arith.constant 0 : i32
      %get3A_3113 = arith.index_cast %get3A_3112 : i32 to index
      %get3A_3114 = arith.index_cast %scan3A_3072 : i32 to index
      %get3A_3115 = arith.constant 16 : index
      %get3A_3116 = tpu.vector_load %arg4[%get3A_3113, %get3A_3114, %get3A_3115] {strides = array<i32>} : memref<8x32x128xf32, #tpu.memory_space<vmem>>, vector<1x1x16xf32>,
      %get3A_3117 = vector.shape_cast %get3A_3116 : vector<1x1x16xf32> to vector<16xf32>
      %add3A_3118 = arith.addf %scan3A_3074, %get3A_3117 : vector<16xf32>
      %get3A_3119 = arith.constant 0 : i32
      %get3A_3120 = arith.index_cast %get3A_3119 : i32 to index
      %get3A_3121 = arith.index_cast %scan3A_3072 : i32 to index
      %get3A_3122 = arith.constant 32 : index
      %get3A_3123 = tpu.vector_load %arg4[%get3A_3120, %get3A_3121, %get3A_3122] {strides = array<i32>} : memref<8x32x128xf32, #tpu.memory_space<vmem>>, vector<1x1x16xf32>,
      %get3A_3124 = vector.shape_cast %get3A_3123 : vector<1x1x16xf32> to vector<16xf32>
      %add3A_3125 = arith.addf %scan3A_3075, %get3A_3124 : vector<16xf32>
      %get3A_3126 = arith.constant 0 : i32
      %get3A_3127 = arith.index_cast %get3A_3126 : i32 to index
      %get3A_3128 = arith.index_cast %scan3A_3072 : i32 to index
      %get3A_3129 = arith.constant 48 : index
      %get3A_3130 = tpu.vector_load %arg4[%get3A_3127, %get3A_3128, %get3A_3129] {strides = array<i32>} : memref<8x32x128xf32, #tpu.memory_space<vmem>>, vector<1x1x16xf32>,
      %get3A_3131 = vector.shape_cast %get3A_3130 : vector<1x1x16xf32> to vector<16xf32>
      %add3A_3132 = arith.addf %scan3A_3076, %get3A_3131 : vector<16xf32>
      %get3A_3133 = arith.constant 0 : i32
      %get3A_3134 = arith.index_cast %get3A_3133 : i32 to index
      %get3A_3135 = arith.index_cast %scan3A_3072 : i32 to index
      %get3A_3136 = arith.constant 64 : index
      %get3A_3137 = tpu.vector_load %arg4[%get3A_3134, %get3A_3135, %get3A_3136] {strides = array<i32>} : memref<8x32x128xf32, #tpu.memory_space<vmem>>, vector<1x1x16xf32>,
      %get3A_3138 = vector.shape_cast %get3A_3137 : vector<1x1x16xf32> to vector<16xf32>
      %add3A_3139 = arith.addf %scan3A_3077, %get3A_3138 : vector<16xf32>
      %get3A_3140 = arith.constant 0 : i32
      %get3A_3141 = arith.index_cast %get3A_3140 : i32 to index
      %get3A_3142 = arith.index_cast %scan3A_3072 : i32 to index
      %get3A_3143 = arith.constant 80 : index
      %get3A_3144 = tpu.vector_load %arg4[%get3A_3141, %get3A_3142, %get3A_3143] {strides = array<i32>} : memref<8x32x128xf32, #tpu.memory_space<vmem>>, vector<1x1x16xf32>,
      %get3A_3145 = vector.shape_cast %get3A_3144 : vector<1x1x16xf32> to vector<16xf32>
      %add3A_3146 = arith.addf %scan3A_3078, %get3A_3145 : vector<16xf32>
      %get3A_3147 = arith.constant 0 : i32
      %get3A_3148 = arith.index_cast %get3A_3147 : i32 to index
      %get3A_3149 = arith.index_cast %scan3A_3072 : i32 to index
      %get3A_3150 = arith.constant 96 : index
      %get3A_3151 = tpu.vector_load %arg4[%get3A_3148, %get3A_3149, %get3A_3150] {strides = array<i32>} : memref<8x32x128xf32, #tpu.memory_space<vmem>>, vector<1x1x16xf32>,
      %get3A_3152 = vector.shape_cast %get3A_3151 : vector<1x1x16xf32> to vector<16xf32>
      %add3A_3153 = arith.addf %scan3A_3079, %get3A_3152 : vector<16xf32>
      %get3A_3154 = arith.constant 0 : i32
      %get3A_3155 = arith.index_cast %get3A_3154 : i32 to index
      %get3A_3156 = arith.index_cast %scan3A_3072 : i32 to index
      %get3A_3157 = arith.constant 112 : index
      %get3A_3158 = tpu.vector_load %arg4[%get3A_3155, %get3A_3156, %get3A_3157] {strides = array<i32>} : memref<8x32x128xf32, #tpu.memory_space<vmem>>, vector<1x1x16xf32>,
      %get3A_3159 = vector.shape_cast %get3A_3158 : vector<1x1x16xf32> to vector<16xf32>
      %add3A_3160 = arith.addf %scan3A_3080, %get3A_3159 : vector<16xf32>
      %get3A_3161 = arith.constant 1 : i32
      %get3A_3162 = arith.index_cast %get3A_3161 : i32 to index
      %get3A_3163 = arith.index_cast %scan3A_3072 : i32 to index
      %get3A_3164 = arith.constant 0 : index
      %get3A_3165 = tpu.vector_load %arg4[%get3A_3162, %get3A_3163, %get3A_3164] {strides = array<i32>} : memref<8x32x128xf32, #tpu.memory_space<vmem>>, vector<1x1x16xf32>,
      %get3A_3166 = vector.shape_cast %get3A_3165 : vector<1x1x16xf32> to vector<16xf32>
      %add3A_3167 = arith.addf %scan3A_3081, %get3A_3166 : vector<16xf32>
      %get3A_3168 = arith.constant 1 : i32
      %get3A_3169 = arith.index_cast %get3A_3168 : i32 to index
      %get3A_3170 = arith.index_cast %scan3A_3072 : i32 to index
      %get3A_3171 = arith.constant 16 : index
      %get3A_3172 = tpu.vector_load %arg4[%get3A_3169, %get3A_3170, %get3A_3171] {strides = array<i32>} : memref<8x32x128xf32, #tpu.memory_space<vmem>>, vector<1x1x16xf32>,
      %get3A_3173 = vector.shape_cast %get3A_3172 : vector<1x1x16xf32> to vector<16xf32>
      %add3A_3174 = arith.addf %scan3A_3082, %get3A_3173 : vector<16xf32>
      %get3A_3175 = arith.constant 1 : i32
      %get3A_3176 = arith.index_cast %get3A_3175 : i32 to index
      %get3A_3177 = arith.index_cast %scan3A_3072 : i32 to index
      %get3A_3178 = arith.constant 32 : index
      %get3A_3179 = tpu.vector_load %arg4[%get3A_3176, %get3A_3177, %get3A_3178] {strides = array<i32>} : memref<8x32x128xf32, #tpu.memory_space<vmem>>, vector<1x1x16xf32>,
      %get3A_3180 = vector.shape_cast %get3A_3179 : vector<1x1x16xf32> to vector<16xf32>
      %add3A_3181 = arith.addf %scan3A_3083, %get3A_3180 : vector<16xf32>
      %get3A_3182 = arith.constant 1 : i32
      %get3A_3183 = arith.index_cast %get3A_3182 : i32 to index
      %get3A_3184 = arith.index_cast %scan3A_3072 : i32 to index
      %get3A_3185 = arith.constant 48 : index
      %get3A_3186 = tpu.vector_load %arg4[%get3A_3183, %get3A_3184, %get3A_3185] {strides = array<i32>} : memref<8x32x128xf32, #tpu.memory_space<vmem>>, vector<1x1x16xf32>,
      %get3A_3187 = vector.shape_cast %get3A_3186 : vector<1x1x16xf32> to vector<16xf32>
      %add3A_3188 = arith.addf %scan3A_3084, %get3A_3187 : vector<16xf32>
      %get3A_3189 = arith.constant 1 : i32
      %get3A_3190 = arith.index_cast %get3A_3189 : i32 to index
      %get3A_3191 = arith.index_cast %scan3A_3072 : i32 to index
      %get3A_3192 = arith.constant 64 : index
      %get3A_3193 = tpu.vector_load %arg4[%get3A_3190, %get3A_3191, %get3A_3192] {strides = array<i32>} : memref<8x32x128xf32, #tpu.memory_space<vmem>>, vector<1x1x16xf32>,
      %get3A_3194 = vector.shape_cast %get3A_3193 : vector<1x1x16xf32> to vector<16xf32>
      %add3A_3195 = arith.addf %scan3A_3085, %get3A_3194 : vector<16xf32>
      %get3A_3196 = arith.constant 1 : i32
      %get3A_3197 = arith.index_cast %get3A_3196 : i32 to index
      %get3A_3198 = arith.index_cast %scan3A_3072 : i32 to index
      %get3A_3199 = arith.constant 80 : index
      %get3A_3200 = tpu.vector_load %arg4[%get3A_3197, %get3A_3198, %get3A_3199] {strides = array<i32>} : memref<8x32x128xf32, #tpu.memory_space<vmem>>, vector<1x1x16xf32>,
      %get3A_3201 = vector.shape_cast %get3A_3200 : vector<1x1x16xf32> to vector<16xf32>
      %add3A_3202 = arith.addf %scan3A_3086, %get3A_3201 : vector<16xf32>
      %get3A_3203 = arith.constant 1 : i32
      %get3A_3204 = arith.index_cast %get3A_3203 : i32 to index
      %get3A_3205 = arith.index_cast %scan3A_3072 : i32 to index
      %get3A_3206 = arith.constant 96 : index
      %get3A_3207 = tpu.vector_load %arg4[%get3A_3204, %get3A_3205, %get3A_3206] {strides = array<i32>} : memref<8x32x128xf32, #tpu.memory_space<vmem>>, vector<1x1x16xf32>,
      %get3A_3208 = vector.shape_cast %get3A_3207 : vector<1x1x16xf32> to vector<16xf32>
      %add3A_3209 = arith.addf %scan3A_3087, %get3A_3208 : vector<16xf32>
      %get3A_3210 = arith.constant 1 : i32
      %get3A_3211 = arith.index_cast %get3A_3210 : i32 to index
      %get3A_3212 = arith.index_cast %scan3A_3072 : i32 to index
      %get3A_3213 = arith.constant 112 : index
      %get3A_3214 = tpu.vector_load %arg4[%get3A_3211, %get3A_3212, %get3A_3213] {strides = array<i32>} : memref<8x32x128xf32, #tpu.memory_space<vmem>>, vector<1x1x16xf32>,
      %get3A_3215 = vector.shape_cast %get3A_3214 : vector<1x1x16xf32> to vector<16xf32>
      %add3A_3216 = arith.addf %scan3A_3088, %get3A_3215 : vector<16xf32>
      %get3A_3217 = arith.constant 2 : i32
      %get3A_3218 = arith.index_cast %get3A_3217 : i32 to index
      %get3A_3219 = arith.index_cast %scan3A_3072 : i32 to index
      %get3A_3220 = arith.constant 0 : index
      %get3A_3221 = tpu.vector_load %arg4[%get3A_3218, %get3A_3219, %get3A_3220] {strides = array<i32>} : memref<8x32x128xf32, #tpu.memory_space<vmem>>, vector<1x1x16xf32>,
      %get3A_3222 = vector.shape_cast %get3A_3221 : vector<1x1x16xf32> to vector<16xf32>
      %add3A_3223 = arith.addf %scan3A_3089, %get3A_3222 : vector<16xf32>
      %get3A_3224 = arith.constant 2 : i32
      %get3A_3225 = arith.index_cast %get3A_3224 : i32 to index
      %get3A_3226 = arith.index_cast %scan3A_3072 : i32 to index
      %get3A_3227 = arith.constant 16 : index
      %get3A_3228 = tpu.vector_load %arg4[%get3A_3225, %get3A_3226, %get3A_3227] {strides = array<i32>} : memref<8x32x128xf32, #tpu.memory_space<vmem>>, vector<1x1x16xf32>,
      %get3A_3229 = vector.shape_cast %get3A_3228 : vector<1x1x16xf32> to vector<16xf32>
      %add3A_3230 = arith.addf %scan3A_3090, %get3A_3229 : vector<16xf32>
      %get3A_3231 = arith.constant 2 : i32
      %get3A_3232 = arith.index_cast %get3A_3231 : i32 to index
      %get3A_3233 = arith.index_cast %scan3A_3072 : i32 to index
      %get3A_3234 = arith.constant 32 : index
      %get3A_3235 = tpu.vector_load %arg4[%get3A_3232, %get3A_3233, %get3A_3234] {strides = array<i32>} : memref<8x32x128xf32, #tpu.memory_space<vmem>>, vector<1x1x16xf32>,
      %get3A_3236 = vector.shape_cast %get3A_3235 : vector<1x1x16xf32> to vector<16xf32>
      %add3A_3237 = arith.addf %scan3A_3091, %get3A_3236 : vector<16xf32>
      %get3A_3238 = arith.constant 2 : i32
      %get3A_3239 = arith.index_cast %get3A_3238 : i32 to index
      %get3A_3240 = arith.index_cast %scan3A_3072 : i32 to index
      %get3A_3241 = arith.constant 48 : index
      %get3A_3242 = tpu.vector_load %arg4[%get3A_3239, %get3A_3240, %get3A_3241] {strides = array<i32>} : memref<8x32x128xf32, #tpu.memory_space<vmem>>, vector<1x1x16xf32>,
      %get3A_3243 = vector.shape_cast %get3A_3242 : vector<1x1x16xf32> to vector<16xf32>
      %add3A_3244 = arith.addf %scan3A_3092, %get3A_3243 : vector<16xf32>
      %get3A_3245 = arith.constant 2 : i32
      %get3A_3246 = arith.index_cast %get3A_3245 : i32 to index
      %get3A_3247 = arith.index_cast %scan3A_3072 : i32 to index
      %get3A_3248 = arith.constant 64 : index
      %get3A_3249 = tpu.vector_load %arg4[%get3A_3246, %get3A_3247, %get3A_3248] {strides = array<i32>} : memref<8x32x128xf32, #tpu.memory_space<vmem>>, vector<1x1x16xf32>,
      %get3A_3250 = vector.shape_cast %get3A_3249 : vector<1x1x16xf32> to vector<16xf32>
      %add3A_3251 = arith.addf %scan3A_3093, %get3A_3250 : vector<16xf32>
      %get3A_3252 = arith.constant 2 : i32
      %get3A_3253 = arith.index_cast %get3A_3252 : i32 to index
      %get3A_3254 = arith.index_cast %scan3A_3072 : i32 to index
      %get3A_3255 = arith.constant 80 : index
      %get3A_3256 = tpu.vector_load %arg4[%get3A_3253, %get3A_3254, %get3A_3255] {strides = array<i32>} : memref<8x32x128xf32, #tpu.memory_space<vmem>>, vector<1x1x16xf32>,
      %get3A_3257 = vector.shape_cast %get3A_3256 : vector<1x1x16xf32> to vector<16xf32>
      %add3A_3258 = arith.addf %scan3A_3094, %get3A_3257 : vector<16xf32>
      %get3A_3259 = arith.constant 2 : i32
      %get3A_3260 = arith.index_cast %get3A_3259 : i32 to index
      %get3A_3261 = arith.index_cast %scan3A_3072 : i32 to index
      %get3A_3262 = arith.constant 96 : index
      %get3A_3263 = tpu.vector_load %arg4[%get3A_3260, %get3A_3261, %get3A_3262] {strides = array<i32>} : memref<8x32x128xf32, #tpu.memory_space<vmem>>, vector<1x1x16xf32>,
      %get3A_3264 = vector.shape_cast %get3A_3263 : vector<1x1x16xf32> to vector<16xf32>
      %add3A_3265 = arith.addf %scan3A_3095, %get3A_3264 : vector<16xf32>
      %get3A_3266 = arith.constant 2 : i32
      %get3A_3267 = arith.index_cast %get3A_3266 : i32 to index
      %get3A_3268 = arith.index_cast %scan3A_3072 : i32 to index
      %get3A_3269 = arith.constant 112 : index
      %get3A_3270 = tpu.vector_load %arg4[%get3A_3267, %get3A_3268, %get3A_3269] {strides = array<i32>} : memref<8x32x128xf32, #tpu.memory_space<vmem>>, vector<1x1x16xf32>,
      %get3A_3271 = vector.shape_cast %get3A_3270 : vector<1x1x16xf32> to vector<16xf32>
      %add3A_3272 = arith.addf %scan3A_3096, %get3A_3271 : vector<16xf32>
      %get3A_3273 = arith.constant 3 : i32
      %get3A_3274 = arith.index_cast %get3A_3273 : i32 to index
      %get3A_3275 = arith.index_cast %scan3A_3072 : i32 to index
      %get3A_3276 = arith.constant 0 : index
      %get3A_3277 = tpu.vector_load %arg4[%get3A_3274, %get3A_3275, %get3A_3276] {strides = array<i32>} : memref<8x32x128xf32, #tpu.memory_space<vmem>>, vector<1x1x16xf32>,
      %get3A_3278 = vector.shape_cast %get3A_3277 : vector<1x1x16xf32> to vector<16xf32>
      %add3A_3279 = arith.addf %scan3A_3097, %get3A_3278 : vector<16xf32>
      %get3A_3280 = arith.constant 3 : i32
      %get3A_3281 = arith.index_cast %get3A_3280 : i32 to index
      %get3A_3282 = arith.index_cast %scan3A_3072 : i32 to index
      %get3A_3283 = arith.constant 16 : index
      %get3A_3284 = tpu.vector_load %arg4[%get3A_3281, %get3A_3282, %get3A_3283] {strides = array<i32>} : memref<8x32x128xf32, #tpu.memory_space<vmem>>, vector<1x1x16xf32>,
      %get3A_3285 = vector.shape_cast %get3A_3284 : vector<1x1x16xf32> to vector<16xf32>
      %add3A_3286 = arith.addf %scan3A_3098, %get3A_3285 : vector<16xf32>
      %get3A_3287 = arith.constant 3 : i32
      %get3A_3288 = arith.index_cast %get3A_3287 : i32 to index
      %get3A_3289 = arith.index_cast %scan3A_3072 : i32 to index
      %get3A_3290 = arith.constant 32 : index
      %get3A_3291 = tpu.vector_load %arg4[%get3A_3288, %get3A_3289, %get3A_3290] {strides = array<i32>} : memref<8x32x128xf32, #tpu.memory_space<vmem>>, vector<1x1x16xf32>,
      %get3A_3292 = vector.shape_cast %get3A_3291 : vector<1x1x16xf32> to vector<16xf32>
      %add3A_3293 = arith.addf %scan3A_3099, %get3A_3292 : vector<16xf32>
      %get3A_3294 = arith.constant 3 : i32
      %get3A_3295 = arith.index_cast %get3A_3294 : i32 to index
      %get3A_3296 = arith.index_cast %scan3A_3072 : i32 to index
      %get3A_3297 = arith.constant 48 : index
      %get3A_3298 = tpu.vector_load %arg4[%get3A_3295, %get3A_3296, %get3A_3297] {strides = array<i32>} : memref<8x32x128xf32, #tpu.memory_space<vmem>>, vector<1x1x16xf32>,
      %get3A_3299 = vector.shape_cast %get3A_3298 : vector<1x1x16xf32> to vector<16xf32>
      %add3A_3300 = arith.addf %scan3A_3100, %get3A_3299 : vector<16xf32>
      %get3A_3301 = arith.constant 3 : i32
      %get3A_3302 = arith.index_cast %get3A_3301 : i32 to index
      %get3A_3303 = arith.index_cast %scan3A_3072 : i32 to index
      %get3A_3304 = arith.constant 64 : index
      %get3A_3305 = tpu.vector_load %arg4[%get3A_3302, %get3A_3303, %get3A_3304] {strides = array<i32>} : memref<8x32x128xf32, #tpu.memory_space<vmem>>, vector<1x1x16xf32>,
      %get3A_3306 = vector.shape_cast %get3A_3305 : vector<1x1x16xf32> to vector<16xf32>
      %add3A_3307 = arith.addf %scan3A_3101, %get3A_3306 : vector<16xf32>
      %get3A_3308 = arith.constant 3 : i32
      %get3A_3309 = arith.index_cast %get3A_3308 : i32 to index
      %get3A_3310 = arith.index_cast %scan3A_3072 : i32 to index
      %get3A_3311 = arith.constant 80 : index
      %get3A_3312 = tpu.vector_load %arg4[%get3A_3309, %get3A_3310, %get3A_3311] {strides = array<i32>} : memref<8x32x128xf32, #tpu.memory_space<vmem>>, vector<1x1x16xf32>,
      %get3A_3313 = vector.shape_cast %get3A_3312 : vector<1x1x16xf32> to vector<16xf32>
      %add3A_3314 = arith.addf %scan3A_3102, %get3A_3313 : vector<16xf32>
      %get3A_3315 = arith.constant 3 : i32
      %get3A_3316 = arith.index_cast %get3A_3315 : i32 to index
      %get3A_3317 = arith.index_cast %scan3A_3072 : i32 to index
      %get3A_3318 = arith.constant 96 : index
      %get3A_3319 = tpu.vector_load %arg4[%get3A_3316, %get3A_3317, %get3A_3318] {strides = array<i32>} : memref<8x32x128xf32, #tpu.memory_space<vmem>>, vector<1x1x16xf32>,
      %get3A_3320 = vector.shape_cast %get3A_3319 : vector<1x1x16xf32> to vector<16xf32>
      %add3A_3321 = arith.addf %scan3A_3103, %get3A_3320 : vector<16xf32>
      %get3A_3322 = arith.constant 3 : i32
      %get3A_3323 = arith.index_cast %get3A_3322 : i32 to index
      %get3A_3324 = arith.index_cast %scan3A_3072 : i32 to index
      %get3A_3325 = arith.constant 112 : index
      %get3A_3326 = tpu.vector_load %arg4[%get3A_3323, %get3A_3324, %get3A_3325] {strides = array<i32>} : memref<8x32x128xf32, #tpu.memory_space<vmem>>, vector<1x1x16xf32>,
      %get3A_3327 = vector.shape_cast %get3A_3326 : vector<1x1x16xf32> to vector<16xf32>
      %add3A_3328 = arith.addf %scan3A_3104, %get3A_3327 : vector<16xf32>
      %scan3A_3329 = arith.constant 1 : i32
      %scan3A_3330 = arith.addi %scan3A_3072, %scan3A_3329 : i32
      %get3A_3331 = arith.constant 0 : i32
      %get3A_3332 = arith.index_cast %get3A_3331 : i32 to index
      %get3A_3333 = arith.index_cast %scan3A_3330 : i32 to index
      %get3A_3334 = arith.constant 0 : index
      %get3A_3335 = tpu.vector_load %arg4[%get3A_3332, %get3A_3333, %get3A_3334] {strides = array<i32>} : memref<8x32x128xf32, #tpu.memory_space<vmem>>, vector<1x1x16xf32>,
      %get3A_3336 = vector.shape_cast %get3A_3335 : vector<1x1x16xf32> to vector<16xf32>
      %add3A_3337 = arith.addf %add3A_3111, %get3A_3336 : vector<16xf32>
      %get3A_3338 = arith.constant 0 : i32
      %get3A_3339 = arith.index_cast %get3A_3338 : i32 to index
      %get3A_3340 = arith.index_cast %scan3A_3330 : i32 to index
      %get3A_3341 = arith.constant 16 : index
      %get3A_3342 = tpu.vector_load %arg4[%get3A_3339, %get3A_3340, %get3A_3341] {strides = array<i32>} : memref<8x32x128xf32, #tpu.memory_space<vmem>>, vector<1x1x16xf32>,
      %get3A_3343 = vector.shape_cast %get3A_3342 : vector<1x1x16xf32> to vector<16xf32>
      %add3A_3344 = arith.addf %add3A_3118, %get3A_3343 : vector<16xf32>
      %get3A_3345 = arith.constant 0 : i32
      %get3A_3346 = arith.index_cast %get3A_3345 : i32 to index
      %get3A_3347 = arith.index_cast %scan3A_3330 : i32 to index
      %get3A_3348 = arith.constant 32 : index
      %get3A_3349 = tpu.vector_load %arg4[%get3A_3346, %get3A_3347, %get3A_3348] {strides = array<i32>} : memref<8x32x128xf32, #tpu.memory_space<vmem>>, vector<1x1x16xf32>,
      %get3A_3350 = vector.shape_cast %get3A_3349 : vector<1x1x16xf32> to vector<16xf32>
      %add3A_3351 = arith.addf %add3A_3125, %get3A_3350 : vector<16xf32>
      %get3A_3352 = arith.constant 0 : i32
      %get3A_3353 = arith.index_cast %get3A_3352 : i32 to index
      %get3A_3354 = arith.index_cast %scan3A_3330 : i32 to index
      %get3A_3355 = arith.constant 48 : index
      %get3A_3356 = tpu.vector_load %arg4[%get3A_3353, %get3A_3354, %get3A_3355] {strides = array<i32>} : memref<8x32x128xf32, #tpu.memory_space<vmem>>, vector<1x1x16xf32>,
      %get3A_3357 = vector.shape_cast %get3A_3356 : vector<1x1x16xf32> to vector<16xf32>
      %add3A_3358 = arith.addf %add3A_3132, %get3A_3357 : vector<16xf32>
      %get3A_3359 = arith.constant 0 : i32
      %get3A_3360 = arith.index_cast %get3A_3359 : i32 to index
      %get3A_3361 = arith.index_cast %scan3A_3330 : i32 to index
      %get3A_3362 = arith.constant 64 : index
      %get3A_3363 = tpu.vector_load %arg4[%get3A_3360, %get3A_3361, %get3A_3362] {strides = array<i32>} : memref<8x32x128xf32, #tpu.memory_space<vmem>>, vector<1x1x16xf32>,
      %get3A_3364 = vector.shape_cast %get3A_3363 : vector<1x1x16xf32> to vector<16xf32>
      %add3A_3365 = arith.addf %add3A_3139, %get3A_3364 : vector<16xf32>
      %get3A_3366 = arith.constant 0 : i32
      %get3A_3367 = arith.index_cast %get3A_3366 : i32 to index
      %get3A_3368 = arith.index_cast %scan3A_3330 : i32 to index
      %get3A_3369 = arith.constant 80 : index
      %get3A_3370 = tpu.vector_load %arg4[%get3A_3367, %get3A_3368, %get3A_3369] {strides = array<i32>} : memref<8x32x128xf32, #tpu.memory_space<vmem>>, vector<1x1x16xf32>,
      %get3A_3371 = vector.shape_cast %get3A_3370 : vector<1x1x16xf32> to vector<16xf32>
      %add3A_3372 = arith.addf %add3A_3146, %get3A_3371 : vector<16xf32>
      %get3A_3373 = arith.constant 0 : i32
      %get3A_3374 = arith.index_cast %get3A_3373 : i32 to index
      %get3A_3375 = arith.index_cast %scan3A_3330 : i32 to index
      %get3A_3376 = arith.constant 96 : index
      %get3A_3377 = tpu.vector_load %arg4[%get3A_3374, %get3A_3375, %get3A_3376] {strides = array<i32>} : memref<8x32x128xf32, #tpu.memory_space<vmem>>, vector<1x1x16xf32>,
      %get3A_3378 = vector.shape_cast %get3A_3377 : vector<1x1x16xf32> to vector<16xf32>
      %add3A_3379 = arith.addf %add3A_3153, %get3A_3378 : vector<16xf32>
      %get3A_3380 = arith.constant 0 : i32
      %get3A_3381 = arith.index_cast %get3A_3380 : i32 to index
      %get3A_3382 = arith.index_cast %scan3A_3330 : i32 to index
      %get3A_3383 = arith.constant 112 : index
      %get3A_3384 = tpu.vector_load %arg4[%get3A_3381, %get3A_3382, %get3A_3383] {strides = array<i32>} : memref<8x32x128xf32, #tpu.memory_space<vmem>>, vector<1x1x16xf32>,
      %get3A_3385 = vector.shape_cast %get3A_3384 : vector<1x1x16xf32> to vector<16xf32>
      %add3A_3386 = arith.addf %add3A_3160, %get3A_3385 : vector<16xf32>
      %get3A_3387 = arith.constant 1 : i32
      %get3A_3388 = arith.index_cast %get3A_3387 : i32 to index
      %get3A_3389 = arith.index_cast %scan3A_3330 : i32 to index
      %get3A_3390 = arith.constant 0 : index
      %get3A_3391 = tpu.vector_load %arg4[%get3A_3388, %get3A_3389, %get3A_3390] {strides = array<i32>} : memref<8x32x128xf32, #tpu.memory_space<vmem>>, vector<1x1x16xf32>,
      %get3A_3392 = vector.shape_cast %get3A_3391 : vector<1x1x16xf32> to vector<16xf32>
      %add3A_3393 = arith.addf %add3A_3167, %get3A_3392 : vector<16xf32>
      %get3A_3394 = arith.constant 1 : i32
      %get3A_3395 = arith.index_cast %get3A_3394 : i32 to index
      %get3A_3396 = arith.index_cast %scan3A_3330 : i32 to index
      %get3A_3397 = arith.constant 16 : index
      %get3A_3398 = tpu.vector_load %arg4[%get3A_3395, %get3A_3396, %get3A_3397] {strides = array<i32>} : memref<8x32x128xf32, #tpu.memory_space<vmem>>, vector<1x1x16xf32>,
      %get3A_3399 = vector.shape_cast %get3A_3398 : vector<1x1x16xf32> to vector<16xf32>
      %add3A_3400 = arith.addf %add3A_3174, %get3A_3399 : vector<16xf32>
      %get3A_3401 = arith.constant 1 : i32
      %get3A_3402 = arith.index_cast %get3A_3401 : i32 to index
      %get3A_3403 = arith.index_cast %scan3A_3330 : i32 to index
      %get3A_3404 = arith.constant 32 : index
      %get3A_3405 = tpu.vector_load %arg4[%get3A_3402, %get3A_3403, %get3A_3404] {strides = array<i32>} : memref<8x32x128xf32, #tpu.memory_space<vmem>>, vector<1x1x16xf32>,
      %get3A_3406 = vector.shape_cast %get3A_3405 : vector<1x1x16xf32> to vector<16xf32>
      %add3A_3407 = arith.addf %add3A_3181, %get3A_3406 : vector<16xf32>
      %get3A_3408 = arith.constant 1 : i32
      %get3A_3409 = arith.index_cast %get3A_3408 : i32 to index
      %get3A_3410 = arith.index_cast %scan3A_3330 : i32 to index
      %get3A_3411 = arith.constant 48 : index
      %get3A_3412 = tpu.vector_load %arg4[%get3A_3409, %get3A_3410, %get3A_3411] {strides = array<i32>} : memref<8x32x128xf32, #tpu.memory_space<vmem>>, vector<1x1x16xf32>,
      %get3A_3413 = vector.shape_cast %get3A_3412 : vector<1x1x16xf32> to vector<16xf32>
      %add3A_3414 = arith.addf %add3A_3188, %get3A_3413 : vector<16xf32>
      %get3A_3415 = arith.constant 1 : i32
      %get3A_3416 = arith.index_cast %get3A_3415 : i32 to index
      %get3A_3417 = arith.index_cast %scan3A_3330 : i32 to index
      %get3A_3418 = arith.constant 64 : index
      %get3A_3419 = tpu.vector_load %arg4[%get3A_3416, %get3A_3417, %get3A_3418] {strides = array<i32>} : memref<8x32x128xf32, #tpu.memory_space<vmem>>, vector<1x1x16xf32>,
      %get3A_3420 = vector.shape_cast %get3A_3419 : vector<1x1x16xf32> to vector<16xf32>
      %add3A_3421 = arith.addf %add3A_3195, %get3A_3420 : vector<16xf32>
      %get3A_3422 = arith.constant 1 : i32
      %get3A_3423 = arith.index_cast %get3A_3422 : i32 to index
      %get3A_3424 = arith.index_cast %scan3A_3330 : i32 to index
      %get3A_3425 = arith.constant 80 : index
      %get3A_3426 = tpu.vector_load %arg4[%get3A_3423, %get3A_3424, %get3A_3425] {strides = array<i32>} : memref<8x32x128xf32, #tpu.memory_space<vmem>>, vector<1x1x16xf32>,
      %get3A_3427 = vector.shape_cast %get3A_3426 : vector<1x1x16xf32> to vector<16xf32>
      %add3A_3428 = arith.addf %add3A_3202, %get3A_3427 : vector<16xf32>
      %get3A_3429 = arith.constant 1 : i32
      %get3A_3430 = arith.index_cast %get3A_3429 : i32 to index
      %get3A_3431 = arith.index_cast %scan3A_3330 : i32 to index
      %get3A_3432 = arith.constant 96 : index
      %get3A_3433 = tpu.vector_load %arg4[%get3A_3430, %get3A_3431, %get3A_3432] {strides = array<i32>} : memref<8x32x128xf32, #tpu.memory_space<vmem>>, vector<1x1x16xf32>,
      %get3A_3434 = vector.shape_cast %get3A_3433 : vector<1x1x16xf32> to vector<16xf32>
      %add3A_3435 = arith.addf %add3A_3209, %get3A_3434 : vector<16xf32>
      %get3A_3436 = arith.constant 1 : i32
      %get3A_3437 = arith.index_cast %get3A_3436 : i32 to index
      %get3A_3438 = arith.index_cast %scan3A_3330 : i32 to index
      %get3A_3439 = arith.constant 112 : index
      %get3A_3440 = tpu.vector_load %arg4[%get3A_3437, %get3A_3438, %get3A_3439] {strides = array<i32>} : memref<8x32x128xf32, #tpu.memory_space<vmem>>, vector<1x1x16xf32>,
      %get3A_3441 = vector.shape_cast %get3A_3440 : vector<1x1x16xf32> to vector<16xf32>
      %add3A_3442 = arith.addf %add3A_3216, %get3A_3441 : vector<16xf32>
      %get3A_3443 = arith.constant 2 : i32
      %get3A_3444 = arith.index_cast %get3A_3443 : i32 to index
      %get3A_3445 = arith.index_cast %scan3A_3330 : i32 to index
      %get3A_3446 = arith.constant 0 : index
      %get3A_3447 = tpu.vector_load %arg4[%get3A_3444, %get3A_3445, %get3A_3446] {strides = array<i32>} : memref<8x32x128xf32, #tpu.memory_space<vmem>>, vector<1x1x16xf32>,
      %get3A_3448 = vector.shape_cast %get3A_3447 : vector<1x1x16xf32> to vector<16xf32>
      %add3A_3449 = arith.addf %add3A_3223, %get3A_3448 : vector<16xf32>
      %get3A_3450 = arith.constant 2 : i32
      %get3A_3451 = arith.index_cast %get3A_3450 : i32 to index
      %get3A_3452 = arith.index_cast %scan3A_3330 : i32 to index
      %get3A_3453 = arith.constant 16 : index
      %get3A_3454 = tpu.vector_load %arg4[%get3A_3451, %get3A_3452, %get3A_3453] {strides = array<i32>} : memref<8x32x128xf32, #tpu.memory_space<vmem>>, vector<1x1x16xf32>,
      %get3A_3455 = vector.shape_cast %get3A_3454 : vector<1x1x16xf32> to vector<16xf32>
      %add3A_3456 = arith.addf %add3A_3230, %get3A_3455 : vector<16xf32>
      %get3A_3457 = arith.constant 2 : i32
      %get3A_3458 = arith.index_cast %get3A_3457 : i32 to index
      %get3A_3459 = arith.index_cast %scan3A_3330 : i32 to index
      %get3A_3460 = arith.constant 32 : index
      %get3A_3461 = tpu.vector_load %arg4[%get3A_3458, %get3A_3459, %get3A_3460] {strides = array<i32>} : memref<8x32x128xf32, #tpu.memory_space<vmem>>, vector<1x1x16xf32>,
      %get3A_3462 = vector.shape_cast %get3A_3461 : vector<1x1x16xf32> to vector<16xf32>
      %add3A_3463 = arith.addf %add3A_3237, %get3A_3462 : vector<16xf32>
      %get3A_3464 = arith.constant 2 : i32
      %get3A_3465 = arith.index_cast %get3A_3464 : i32 to index
      %get3A_3466 = arith.index_cast %scan3A_3330 : i32 to index
      %get3A_3467 = arith.constant 48 : index
      %get3A_3468 = tpu.vector_load %arg4[%get3A_3465, %get3A_3466, %get3A_3467] {strides = array<i32>} : memref<8x32x128xf32, #tpu.memory_space<vmem>>, vector<1x1x16xf32>,
      %get3A_3469 = vector.shape_cast %get3A_3468 : vector<1x1x16xf32> to vector<16xf32>
      %add3A_3470 = arith.addf %add3A_3244, %get3A_3469 : vector<16xf32>
      %get3A_3471 = arith.constant 2 : i32
      %get3A_3472 = arith.index_cast %get3A_3471 : i32 to index
      %get3A_3473 = arith.index_cast %scan3A_3330 : i32 to index
      %get3A_3474 = arith.constant 64 : index
      %get3A_3475 = tpu.vector_load %arg4[%get3A_3472, %get3A_3473, %get3A_3474] {strides = array<i32>} : memref<8x32x128xf32, #tpu.memory_space<vmem>>, vector<1x1x16xf32>,
      %get3A_3476 = vector.shape_cast %get3A_3475 : vector<1x1x16xf32> to vector<16xf32>
      %add3A_3477 = arith.addf %add3A_3251, %get3A_3476 : vector<16xf32>
      %get3A_3478 = arith.constant 2 : i32
      %get3A_3479 = arith.index_cast %get3A_3478 : i32 to index
      %get3A_3480 = arith.index_cast %scan3A_3330 : i32 to index
      %get3A_3481 = arith.constant 80 : index
      %get3A_3482 = tpu.vector_load %arg4[%get3A_3479, %get3A_3480, %get3A_3481] {strides = array<i32>} : memref<8x32x128xf32, #tpu.memory_space<vmem>>, vector<1x1x16xf32>,
      %get3A_3483 = vector.shape_cast %get3A_3482 : vector<1x1x16xf32> to vector<16xf32>
      %add3A_3484 = arith.addf %add3A_3258, %get3A_3483 : vector<16xf32>
      %get3A_3485 = arith.constant 2 : i32
      %get3A_3486 = arith.index_cast %get3A_3485 : i32 to index
      %get3A_3487 = arith.index_cast %scan3A_3330 : i32 to index
      %get3A_3488 = arith.constant 96 : index
      %get3A_3489 = tpu.vector_load %arg4[%get3A_3486, %get3A_3487, %get3A_3488] {strides = array<i32>} : memref<8x32x128xf32, #tpu.memory_space<vmem>>, vector<1x1x16xf32>,
      %get3A_3490 = vector.shape_cast %get3A_3489 : vector<1x1x16xf32> to vector<16xf32>
      %add3A_3491 = arith.addf %add3A_3265, %get3A_3490 : vector<16xf32>
      %get3A_3492 = arith.constant 2 : i32
      %get3A_3493 = arith.index_cast %get3A_3492 : i32 to index
      %get3A_3494 = arith.index_cast %scan3A_3330 : i32 to index
      %get3A_3495 = arith.constant 112 : index
      %get3A_3496 = tpu.vector_load %arg4[%get3A_3493, %get3A_3494, %get3A_3495] {strides = array<i32>} : memref<8x32x128xf32, #tpu.memory_space<vmem>>, vector<1x1x16xf32>,
      %get3A_3497 = vector.shape_cast %get3A_3496 : vector<1x1x16xf32> to vector<16xf32>
      %add3A_3498 = arith.addf %add3A_3272, %get3A_3497 : vector<16xf32>
      %get3A_3499 = arith.constant 3 : i32
      %get3A_3500 = arith.index_cast %get3A_3499 : i32 to index
      %get3A_3501 = arith.index_cast %scan3A_3330 : i32 to index
      %get3A_3502 = arith.constant 0 : index
      %get3A_3503 = tpu.vector_load %arg4[%get3A_3500, %get3A_3501, %get3A_3502] {strides = array<i32>} : memref<8x32x128xf32, #tpu.memory_space<vmem>>, vector<1x1x16xf32>,
      %get3A_3504 = vector.shape_cast %get3A_3503 : vector<1x1x16xf32> to vector<16xf32>
      %add3A_3505 = arith.addf %add3A_3279, %get3A_3504 : vector<16xf32>
      %get3A_3506 = arith.constant 3 : i32
      %get3A_3507 = arith.index_cast %get3A_3506 : i32 to index
      %get3A_3508 = arith.index_cast %scan3A_3330 : i32 to index
      %get3A_3509 = arith.constant 16 : index
      %get3A_3510 = tpu.vector_load %arg4[%get3A_3507, %get3A_3508, %get3A_3509] {strides = array<i32>} : memref<8x32x128xf32, #tpu.memory_space<vmem>>, vector<1x1x16xf32>,
      %get3A_3511 = vector.shape_cast %get3A_3510 : vector<1x1x16xf32> to vector<16xf32>
      %add3A_3512 = arith.addf %add3A_3286, %get3A_3511 : vector<16xf32>
      %get3A_3513 = arith.constant 3 : i32
      %get3A_3514 = arith.index_cast %get3A_3513 : i32 to index
      %get3A_3515 = arith.index_cast %scan3A_3330 : i32 to index
      %get3A_3516 = arith.constant 32 : index
      %get3A_3517 = tpu.vector_load %arg4[%get3A_3514, %get3A_3515, %get3A_3516] {strides = array<i32>} : memref<8x32x128xf32, #tpu.memory_space<vmem>>, vector<1x1x16xf32>,
      %get3A_3518 = vector.shape_cast %get3A_3517 : vector<1x1x16xf32> to vector<16xf32>
      %add3A_3519 = arith.addf %add3A_3293, %get3A_3518 : vector<16xf32>
      %get3A_3520 = arith.constant 3 : i32
      %get3A_3521 = arith.index_cast %get3A_3520 : i32 to index
      %get3A_3522 = arith.index_cast %scan3A_3330 : i32 to index
      %get3A_3523 = arith.constant 48 : index
      %get3A_3524 = tpu.vector_load %arg4[%get3A_3521, %get3A_3522, %get3A_3523] {strides = array<i32>} : memref<8x32x128xf32, #tpu.memory_space<vmem>>, vector<1x1x16xf32>,
      %get3A_3525 = vector.shape_cast %get3A_3524 : vector<1x1x16xf32> to vector<16xf32>
      %add3A_3526 = arith.addf %add3A_3300, %get3A_3525 : vector<16xf32>
      %get3A_3527 = arith.constant 3 : i32
      %get3A_3528 = arith.index_cast %get3A_3527 : i32 to index
      %get3A_3529 = arith.index_cast %scan3A_3330 : i32 to index
      %get3A_3530 = arith.constant 64 : index
      %get3A_3531 = tpu.vector_load %arg4[%get3A_3528, %get3A_3529, %get3A_3530] {strides = array<i32>} : memref<8x32x128xf32, #tpu.memory_space<vmem>>, vector<1x1x16xf32>,
      %get3A_3532 = vector.shape_cast %get3A_3531 : vector<1x1x16xf32> to vector<16xf32>
      %add3A_3533 = arith.addf %add3A_3307, %get3A_3532 : vector<16xf32>
      %get3A_3534 = arith.constant 3 : i32
      %get3A_3535 = arith.index_cast %get3A_3534 : i32 to index
      %get3A_3536 = arith.index_cast %scan3A_3330 : i32 to index
      %get3A_3537 = arith.constant 80 : index
      %get3A_3538 = tpu.vector_load %arg4[%get3A_3535, %get3A_3536, %get3A_3537] {strides = array<i32>} : memref<8x32x128xf32, #tpu.memory_space<vmem>>, vector<1x1x16xf32>,
      %get3A_3539 = vector.shape_cast %get3A_3538 : vector<1x1x16xf32> to vector<16xf32>
      %add3A_3540 = arith.addf %add3A_3314, %get3A_3539 : vector<16xf32>
      %get3A_3541 = arith.constant 3 : i32
      %get3A_3542 = arith.index_cast %get3A_3541 : i32 to index
      %get3A_3543 = arith.index_cast %scan3A_3330 : i32 to index
      %get3A_3544 = arith.constant 96 : index
      %get3A_3545 = tpu.vector_load %arg4[%get3A_3542, %get3A_3543, %get3A_3544] {strides = array<i32>} : memref<8x32x128xf32, #tpu.memory_space<vmem>>, vector<1x1x16xf32>,
      %get3A_3546 = vector.shape_cast %get3A_3545 : vector<1x1x16xf32> to vector<16xf32>
      %add3A_3547 = arith.addf %add3A_3321, %get3A_3546 : vector<16xf32>
      %get3A_3548 = arith.constant 3 : i32
      %get3A_3549 = arith.index_cast %get3A_3548 : i32 to index
      %get3A_3550 = arith.index_cast %scan3A_3330 : i32 to index
      %get3A_3551 = arith.constant 112 : index
      %get3A_3552 = tpu.vector_load %arg4[%get3A_3549, %get3A_3550, %get3A_3551] {strides = array<i32>} : memref<8x32x128xf32, #tpu.memory_space<vmem>>, vector<1x1x16xf32>,
      %get3A_3553 = vector.shape_cast %get3A_3552 : vector<1x1x16xf32> to vector<16xf32>
      %add3A_3554 = arith.addf %add3A_3328, %get3A_3553 : vector<16xf32>
      scf.yield %add3A_3337, %add3A_3344, %add3A_3351, %add3A_3358, %add3A_3365, %add3A_3372, %add3A_3379, %add3A_3386, %add3A_3393, %add3A_3400, %add3A_3407, %add3A_3414, %add3A_3421, %add3A_3428, %add3A_3435, %add3A_3442, %add3A_3449, %add3A_3456, %add3A_3463, %add3A_3470, %add3A_3477, %add3A_3484, %add3A_3491, %add3A_3498, %add3A_3505, %add3A_3512, %add3A_3519, %add3A_3526, %add3A_3533, %add3A_3540, %add3A_3547, %add3A_3554 : vector<16xf32>, vector<16xf32>, vector<16xf32>, vector<16xf32>, vector<16xf32>, vector<16xf32>, vector<16xf32>, vector<16xf32>, vector<16xf32>, vector<16xf32>, vector<16xf32>, vector<16xf32>, vector<16xf32>, vector<16xf32>, vector<16xf32>, vector<16xf32>, vector<16xf32>, vector<16xf32>, vector<16xf32>, vector<16xf32>, vector<16xf32>, vector<16xf32>, vector<16xf32>, vector<16xf32>, vector<16xf32>, vector<16xf32>, vector<16xf32>, vector<16xf32>, vector<16xf32>, vector<16xf32>, vector<16xf32>, vector<16xf32>
    }
    %scan3A_265 = arith.constant 30 : i32
    %scan3A_266 = arith.addi %scan3A_260, %scan3A_265 : i32
    %get3A_267 = arith.constant 0 : i32
    %get3A_268 = arith.index_cast %get3A_267 : i32 to index
    %get3A_269 = arith.index_cast %scan3A_266 : i32 to index
    %get3A_270 = arith.constant 0 : index
    %get3A_271 = tpu.vector_load %arg4[%get3A_268, %get3A_269, %get3A_270] {strides = array<i32>} : memref<8x32x128xf32, #tpu.memory_space<vmem>>, vector<1x1x16xf32>,
    %get3A_272 = vector.shape_cast %get3A_271 : vector<1x1x16xf32> to vector<16xf32>
    %add3A_273 = arith.addf %scan3A_264#0, %get3A_272 : vector<16xf32>
    %get3A_274 = arith.constant 0 : i32
    %get3A_275 = arith.index_cast %get3A_274 : i32 to index
    %get3A_276 = arith.index_cast %scan3A_266 : i32 to index
    %get3A_277 = arith.constant 16 : index
    %get3A_278 = tpu.vector_load %arg4[%get3A_275, %get3A_276, %get3A_277] {strides = array<i32>} : memref<8x32x128xf32, #tpu.memory_space<vmem>>, vector<1x1x16xf32>,
    %get3A_279 = vector.shape_cast %get3A_278 : vector<1x1x16xf32> to vector<16xf32>
    %add3A_280 = arith.addf %scan3A_264#1, %get3A_279 : vector<16xf32>
    %get3A_281 = arith.constant 0 : i32
    %get3A_282 = arith.index_cast %get3A_281 : i32 to index
    %get3A_283 = arith.index_cast %scan3A_266 : i32 to index
    %get3A_284 = arith.constant 32 : index
    %get3A_285 = tpu.vector_load %arg4[%get3A_282, %get3A_283, %get3A_284] {strides = array<i32>} : memref<8x32x128xf32, #tpu.memory_space<vmem>>, vector<1x1x16xf32>,
    %get3A_286 = vector.shape_cast %get3A_285 : vector<1x1x16xf32> to vector<16xf32>
    %add3A_287 = arith.addf %scan3A_264#2, %get3A_286 : vector<16xf32>
    %get3A_288 = arith.constant 0 : i32
    %get3A_289 = arith.index_cast %get3A_288 : i32 to index
    %get3A_290 = arith.index_cast %scan3A_266 : i32 to index
    %get3A_291 = arith.constant 48 : index
    %get3A_292 = tpu.vector_load %arg4[%get3A_289, %get3A_290, %get3A_291] {strides = array<i32>} : memref<8x32x128xf32, #tpu.memory_space<vmem>>, vector<1x1x16xf32>,
    %get3A_293 = vector.shape_cast %get3A_292 : vector<1x1x16xf32> to vector<16xf32>
    %add3A_294 = arith.addf %scan3A_264#3, %get3A_293 : vector<16xf32>
    %get3A_295 = arith.constant 0 : i32
    %get3A_296 = arith.index_cast %get3A_295 : i32 to index
    %get3A_297 = arith.index_cast %scan3A_266 : i32 to index
    %get3A_298 = arith.constant 64 : index
    %get3A_299 = tpu.vector_load %arg4[%get3A_296, %get3A_297, %get3A_298] {strides = array<i32>} : memref<8x32x128xf32, #tpu.memory_space<vmem>>, vector<1x1x16xf32>,
    %get3A_300 = vector.shape_cast %get3A_299 : vector<1x1x16xf32> to vector<16xf32>
    %add3A_301 = arith.addf %scan3A_264#4, %get3A_300 : vector<16xf32>
    %get3A_302 = arith.constant 0 : i32
    %get3A_303 = arith.index_cast %get3A_302 : i32 to index
    %get3A_304 = arith.index_cast %scan3A_266 : i32 to index
    %get3A_305 = arith.constant 80 : index
    %get3A_306 = tpu.vector_load %arg4[%get3A_303, %get3A_304, %get3A_305] {strides = array<i32>} : memref<8x32x128xf32, #tpu.memory_space<vmem>>, vector<1x1x16xf32>,
    %get3A_307 = vector.shape_cast %get3A_306 : vector<1x1x16xf32> to vector<16xf32>
    %add3A_308 = arith.addf %scan3A_264#5, %get3A_307 : vector<16xf32>
    %get3A_309 = arith.constant 0 : i32
    %get3A_310 = arith.index_cast %get3A_309 : i32 to index
    %get3A_311 = arith.index_cast %scan3A_266 : i32 to index
    %get3A_312 = arith.constant 96 : index
    %get3A_313 = tpu.vector_load %arg4[%get3A_310, %get3A_311, %get3A_312] {strides = array<i32>} : memref<8x32x128xf32, #tpu.memory_space<vmem>>, vector<1x1x16xf32>,
    %get3A_314 = vector.shape_cast %get3A_313 : vector<1x1x16xf32> to vector<16xf32>
    %add3A_315 = arith.addf %scan3A_264#6, %get3A_314 : vector<16xf32>
    %get3A_316 = arith.constant 0 : i32
    %get3A_317 = arith.index_cast %get3A_316 : i32 to index
    %get3A_318 = arith.index_cast %scan3A_266 : i32 to index
    %get3A_319 = arith.constant 112 : index
    %get3A_320 = tpu.vector_load %arg4[%get3A_317, %get3A_318, %get3A_319] {strides = array<i32>} : memref<8x32x128xf32, #tpu.memory_space<vmem>>, vector<1x1x16xf32>,
    %get3A_321 = vector.shape_cast %get3A_320 : vector<1x1x16xf32> to vector<16xf32>
    %add3A_322 = arith.addf %scan3A_264#7, %get3A_321 : vector<16xf32>
    %get3A_323 = arith.constant 1 : i32
    %get3A_324 = arith.index_cast %get3A_323 : i32 to index
    %get3A_325 = arith.index_cast %scan3A_266 : i32 to index
    %get3A_326 = arith.constant 0 : index
    %get3A_327 = tpu.vector_load %arg4[%get3A_324, %get3A_325, %get3A_326] {strides = array<i32>} : memref<8x32x128xf32, #tpu.memory_space<vmem>>, vector<1x1x16xf32>,
    %get3A_328 = vector.shape_cast %get3A_327 : vector<1x1x16xf32> to vector<16xf32>
    %add3A_329 = arith.addf %scan3A_264#8, %get3A_328 : vector<16xf32>
    %get3A_330 = arith.constant 1 : i32
    %get3A_331 = arith.index_cast %get3A_330 : i32 to index
    %get3A_332 = arith.index_cast %scan3A_266 : i32 to index
    %get3A_333 = arith.constant 16 : index
    %get3A_334 = tpu.vector_load %arg4[%get3A_331, %get3A_332, %get3A_333] {strides = array<i32>} : memref<8x32x128xf32, #tpu.memory_space<vmem>>, vector<1x1x16xf32>,
    %get3A_335 = vector.shape_cast %get3A_334 : vector<1x1x16xf32> to vector<16xf32>
    %add3A_336 = arith.addf %scan3A_264#9, %get3A_335 : vector<16xf32>
    %get3A_337 = arith.constant 1 : i32
    %get3A_338 = arith.index_cast %get3A_337 : i32 to index
    %get3A_339 = arith.index_cast %scan3A_266 : i32 to index
    %get3A_340 = arith.constant 32 : index
    %get3A_341 = tpu.vector_load %arg4[%get3A_338, %get3A_339, %get3A_340] {strides = array<i32>} : memref<8x32x128xf32, #tpu.memory_space<vmem>>, vector<1x1x16xf32>,
    %get3A_342 = vector.shape_cast %get3A_341 : vector<1x1x16xf32> to vector<16xf32>
    %add3A_343 = arith.addf %scan3A_264#10, %get3A_342 : vector<16xf32>
    %get3A_344 = arith.constant 1 : i32
    %get3A_345 = arith.index_cast %get3A_344 : i32 to index
    %get3A_346 = arith.index_cast %scan3A_266 : i32 to index
    %get3A_347 = arith.constant 48 : index
    %get3A_348 = tpu.vector_load %arg4[%get3A_345, %get3A_346, %get3A_347] {strides = array<i32>} : memref<8x32x128xf32, #tpu.memory_space<vmem>>, vector<1x1x16xf32>,
    %get3A_349 = vector.shape_cast %get3A_348 : vector<1x1x16xf32> to vector<16xf32>
    %add3A_350 = arith.addf %scan3A_264#11, %get3A_349 : vector<16xf32>
    %get3A_351 = arith.constant 1 : i32
    %get3A_352 = arith.index_cast %get3A_351 : i32 to index
    %get3A_353 = arith.index_cast %scan3A_266 : i32 to index
    %get3A_354 = arith.constant 64 : index
    %get3A_355 = tpu.vector_load %arg4[%get3A_352, %get3A_353, %get3A_354] {strides = array<i32>} : memref<8x32x128xf32, #tpu.memory_space<vmem>>, vector<1x1x16xf32>,
    %get3A_356 = vector.shape_cast %get3A_355 : vector<1x1x16xf32> to vector<16xf32>
    %add3A_357 = arith.addf %scan3A_264#12, %get3A_356 : vector<16xf32>
    %get3A_358 = arith.constant 1 : i32
    %get3A_359 = arith.index_cast %get3A_358 : i32 to index
    %get3A_360 = arith.index_cast %scan3A_266 : i32 to index
    %get3A_361 = arith.constant 80 : index
    %get3A_362 = tpu.vector_load %arg4[%get3A_359, %get3A_360, %get3A_361] {strides = array<i32>} : memref<8x32x128xf32, #tpu.memory_space<vmem>>, vector<1x1x16xf32>,
    %get3A_363 = vector.shape_cast %get3A_362 : vector<1x1x16xf32> to vector<16xf32>
    %add3A_364 = arith.addf %scan3A_264#13, %get3A_363 : vector<16xf32>
    %get3A_365 = arith.constant 1 : i32
    %get3A_366 = arith.index_cast %get3A_365 : i32 to index
    %get3A_367 = arith.index_cast %scan3A_266 : i32 to index
    %get3A_368 = arith.constant 96 : index
    %get3A_369 = tpu.vector_load %arg4[%get3A_366, %get3A_367, %get3A_368] {strides = array<i32>} : memref<8x32x128xf32, #tpu.memory_space<vmem>>, vector<1x1x16xf32>,
    %get3A_370 = vector.shape_cast %get3A_369 : vector<1x1x16xf32> to vector<16xf32>
    %add3A_371 = arith.addf %scan3A_264#14, %get3A_370 : vector<16xf32>
    %get3A_372 = arith.constant 1 : i32
    %get3A_373 = arith.index_cast %get3A_372 : i32 to index
    %get3A_374 = arith.index_cast %scan3A_266 : i32 to index
    %get3A_375 = arith.constant 112 : index
    %get3A_376 = tpu.vector_load %arg4[%get3A_373, %get3A_374, %get3A_375] {strides = array<i32>} : memref<8x32x128xf32, #tpu.memory_space<vmem>>, vector<1x1x16xf32>,
    %get3A_377 = vector.shape_cast %get3A_376 : vector<1x1x16xf32> to vector<16xf32>
    %add3A_378 = arith.addf %scan3A_264#15, %get3A_377 : vector<16xf32>
    %get3A_379 = arith.constant 2 : i32
    %get3A_380 = arith.index_cast %get3A_379 : i32 to index
    %get3A_381 = arith.index_cast %scan3A_266 : i32 to index
    %get3A_382 = arith.constant 0 : index
    %get3A_383 = tpu.vector_load %arg4[%get3A_380, %get3A_381, %get3A_382] {strides = array<i32>} : memref<8x32x128xf32, #tpu.memory_space<vmem>>, vector<1x1x16xf32>,
    %get3A_384 = vector.shape_cast %get3A_383 : vector<1x1x16xf32> to vector<16xf32>
    %add3A_385 = arith.addf %scan3A_264#16, %get3A_384 : vector<16xf32>
    %get3A_386 = arith.constant 2 : i32
    %get3A_387 = arith.index_cast %get3A_386 : i32 to index
    %get3A_388 = arith.index_cast %scan3A_266 : i32 to index
    %get3A_389 = arith.constant 16 : index
    %get3A_390 = tpu.vector_load %arg4[%get3A_387, %get3A_388, %get3A_389] {strides = array<i32>} : memref<8x32x128xf32, #tpu.memory_space<vmem>>, vector<1x1x16xf32>,
    %get3A_391 = vector.shape_cast %get3A_390 : vector<1x1x16xf32> to vector<16xf32>
    %add3A_392 = arith.addf %scan3A_264#17, %get3A_391 : vector<16xf32>
    %get3A_393 = arith.constant 2 : i32
    %get3A_394 = arith.index_cast %get3A_393 : i32 to index
    %get3A_395 = arith.index_cast %scan3A_266 : i32 to index
    %get3A_396 = arith.constant 32 : index
    %get3A_397 = tpu.vector_load %arg4[%get3A_394, %get3A_395, %get3A_396] {strides = array<i32>} : memref<8x32x128xf32, #tpu.memory_space<vmem>>, vector<1x1x16xf32>,
    %get3A_398 = vector.shape_cast %get3A_397 : vector<1x1x16xf32> to vector<16xf32>
    %add3A_399 = arith.addf %scan3A_264#18, %get3A_398 : vector<16xf32>
    %get3A_400 = arith.constant 2 : i32
    %get3A_401 = arith.index_cast %get3A_400 : i32 to index
    %get3A_402 = arith.index_cast %scan3A_266 : i32 to index
    %get3A_403 = arith.constant 48 : index
    %get3A_404 = tpu.vector_load %arg4[%get3A_401, %get3A_402, %get3A_403] {strides = array<i32>} : memref<8x32x128xf32, #tpu.memory_space<vmem>>, vector<1x1x16xf32>,
    %get3A_405 = vector.shape_cast %get3A_404 : vector<1x1x16xf32> to vector<16xf32>
    %add3A_406 = arith.addf %scan3A_264#19, %get3A_405 : vector<16xf32>
    %get3A_407 = arith.constant 2 : i32
    %get3A_408 = arith.index_cast %get3A_407 : i32 to index
    %get3A_409 = arith.index_cast %scan3A_266 : i32 to index
    %get3A_410 = arith.constant 64 : index
    %get3A_411 = tpu.vector_load %arg4[%get3A_408, %get3A_409, %get3A_410] {strides = array<i32>} : memref<8x32x128xf32, #tpu.memory_space<vmem>>, vector<1x1x16xf32>,
    %get3A_412 = vector.shape_cast %get3A_411 : vector<1x1x16xf32> to vector<16xf32>
    %add3A_413 = arith.addf %scan3A_264#20, %get3A_412 : vector<16xf32>
    %get3A_414 = arith.constant 2 : i32
    %get3A_415 = arith.index_cast %get3A_414 : i32 to index
    %get3A_416 = arith.index_cast %scan3A_266 : i32 to index
    %get3A_417 = arith.constant 80 : index
    %get3A_418 = tpu.vector_load %arg4[%get3A_415, %get3A_416, %get3A_417] {strides = array<i32>} : memref<8x32x128xf32, #tpu.memory_space<vmem>>, vector<1x1x16xf32>,
    %get3A_419 = vector.shape_cast %get3A_418 : vector<1x1x16xf32> to vector<16xf32>
    %add3A_420 = arith.addf %scan3A_264#21, %get3A_419 : vector<16xf32>
    %get3A_421 = arith.constant 2 : i32
    %get3A_422 = arith.index_cast %get3A_421 : i32 to index
    %get3A_423 = arith.index_cast %scan3A_266 : i32 to index
    %get3A_424 = arith.constant 96 : index
    %get3A_425 = tpu.vector_load %arg4[%get3A_422, %get3A_423, %get3A_424] {strides = array<i32>} : memref<8x32x128xf32, #tpu.memory_space<vmem>>, vector<1x1x16xf32>,
    %get3A_426 = vector.shape_cast %get3A_425 : vector<1x1x16xf32> to vector<16xf32>
    %add3A_427 = arith.addf %scan3A_264#22, %get3A_426 : vector<16xf32>
    %get3A_428 = arith.constant 2 : i32
    %get3A_429 = arith.index_cast %get3A_428 : i32 to index
    %get3A_430 = arith.index_cast %scan3A_266 : i32 to index
    %get3A_431 = arith.constant 112 : index
    %get3A_432 = tpu.vector_load %arg4[%get3A_429, %get3A_430, %get3A_431] {strides = array<i32>} : memref<8x32x128xf32, #tpu.memory_space<vmem>>, vector<1x1x16xf32>,
    %get3A_433 = vector.shape_cast %get3A_432 : vector<1x1x16xf32> to vector<16xf32>
    %add3A_434 = arith.addf %scan3A_264#23, %get3A_433 : vector<16xf32>
    %get3A_435 = arith.constant 3 : i32
    %get3A_436 = arith.index_cast %get3A_435 : i32 to index
    %get3A_437 = arith.index_cast %scan3A_266 : i32 to index
    %get3A_438 = arith.constant 0 : index
    %get3A_439 = tpu.vector_load %arg4[%get3A_436, %get3A_437, %get3A_438] {strides = array<i32>} : memref<8x32x128xf32, #tpu.memory_space<vmem>>, vector<1x1x16xf32>,
    %get3A_440 = vector.shape_cast %get3A_439 : vector<1x1x16xf32> to vector<16xf32>
    %add3A_441 = arith.addf %scan3A_264#24, %get3A_440 : vector<16xf32>
    %get3A_442 = arith.constant 3 : i32
    %get3A_443 = arith.index_cast %get3A_442 : i32 to index
    %get3A_444 = arith.index_cast %scan3A_266 : i32 to index
    %get3A_445 = arith.constant 16 : index
    %get3A_446 = tpu.vector_load %arg4[%get3A_443, %get3A_444, %get3A_445] {strides = array<i32>} : memref<8x32x128xf32, #tpu.memory_space<vmem>>, vector<1x1x16xf32>,
    %get3A_447 = vector.shape_cast %get3A_446 : vector<1x1x16xf32> to vector<16xf32>
    %add3A_448 = arith.addf %scan3A_264#25, %get3A_447 : vector<16xf32>
    %get3A_449 = arith.constant 3 : i32
    %get3A_450 = arith.index_cast %get3A_449 : i32 to index
    %get3A_451 = arith.index_cast %scan3A_266 : i32 to index
    %get3A_452 = arith.constant 32 : index
    %get3A_453 = tpu.vector_load %arg4[%get3A_450, %get3A_451, %get3A_452] {strides = array<i32>} : memref<8x32x128xf32, #tpu.memory_space<vmem>>, vector<1x1x16xf32>,
    %get3A_454 = vector.shape_cast %get3A_453 : vector<1x1x16xf32> to vector<16xf32>
    %add3A_455 = arith.addf %scan3A_264#26, %get3A_454 : vector<16xf32>
    %get3A_456 = arith.constant 3 : i32
    %get3A_457 = arith.index_cast %get3A_456 : i32 to index
    %get3A_458 = arith.index_cast %scan3A_266 : i32 to index
    %get3A_459 = arith.constant 48 : index
    %get3A_460 = tpu.vector_load %arg4[%get3A_457, %get3A_458, %get3A_459] {strides = array<i32>} : memref<8x32x128xf32, #tpu.memory_space<vmem>>, vector<1x1x16xf32>,
    %get3A_461 = vector.shape_cast %get3A_460 : vector<1x1x16xf32> to vector<16xf32>
    %add3A_462 = arith.addf %scan3A_264#27, %get3A_461 : vector<16xf32>
    %get3A_463 = arith.constant 3 : i32
    %get3A_464 = arith.index_cast %get3A_463 : i32 to index
    %get3A_465 = arith.index_cast %scan3A_266 : i32 to index
    %get3A_466 = arith.constant 64 : index
    %get3A_467 = tpu.vector_load %arg4[%get3A_464, %get3A_465, %get3A_466] {strides = array<i32>} : memref<8x32x128xf32, #tpu.memory_space<vmem>>, vector<1x1x16xf32>,
    %get3A_468 = vector.shape_cast %get3A_467 : vector<1x1x16xf32> to vector<16xf32>
    %add3A_469 = arith.addf %scan3A_264#28, %get3A_468 : vector<16xf32>
    %get3A_470 = arith.constant 3 : i32
    %get3A_471 = arith.index_cast %get3A_470 : i32 to index
    %get3A_472 = arith.index_cast %scan3A_266 : i32 to index
    %get3A_473 = arith.constant 80 : index
    %get3A_474 = tpu.vector_load %arg4[%get3A_471, %get3A_472, %get3A_473] {strides = array<i32>} : memref<8x32x128xf32, #tpu.memory_space<vmem>>, vector<1x1x16xf32>,
    %get3A_475 = vector.shape_cast %get3A_474 : vector<1x1x16xf32> to vector<16xf32>
    %add3A_476 = arith.addf %scan3A_264#29, %get3A_475 : vector<16xf32>
    %get3A_477 = arith.constant 3 : i32
    %get3A_478 = arith.index_cast %get3A_477 : i32 to index
    %get3A_479 = arith.index_cast %scan3A_266 : i32 to index
    %get3A_480 = arith.constant 96 : index
    %get3A_481 = tpu.vector_load %arg4[%get3A_478, %get3A_479, %get3A_480] {strides = array<i32>} : memref<8x32x128xf32, #tpu.memory_space<vmem>>, vector<1x1x16xf32>,
    %get3A_482 = vector.shape_cast %get3A_481 : vector<1x1x16xf32> to vector<16xf32>
    %add3A_483 = arith.addf %scan3A_264#30, %get3A_482 : vector<16xf32>
    %get3A_484 = arith.constant 3 : i32
    %get3A_485 = arith.index_cast %get3A_484 : i32 to index
    %get3A_486 = arith.index_cast %scan3A_266 : i32 to index
    %get3A_487 = arith.constant 112 : index
    %get3A_488 = tpu.vector_load %arg4[%get3A_485, %get3A_486, %get3A_487] {strides = array<i32>} : memref<8x32x128xf32, #tpu.memory_space<vmem>>, vector<1x1x16xf32>,
    %get3A_489 = vector.shape_cast %get3A_488 : vector<1x1x16xf32> to vector<16xf32>
    %add3A_490 = arith.addf %scan3A_264#31, %get3A_489 : vector<16xf32>
    %scan3A_491 = arith.constant 31 : i32
    %mul3A_492 = arith.constant 3.125000e-02 : f32
    %mul3A_493 = vector.broadcast %mul3A_492 : f32 to vector<16xf32>
    %mul3A_494 = arith.mulf %add3A_273, %mul3A_493 : vector<16xf32>
    %swap3A = arith.constant 0 : i32
    %swap3A_495 = arith.index_cast %swap3A : i32 to index
    %swap3A_496 = arith.constant 0 : index
    %swap3A_497 = tpu.vector_load %arg6[%swap3A_495, %swap3A_496] {strides = array<i32>} : memref<8x128xf32, #tpu.memory_space<vmem>>, vector<1x16xf32>,
    %swap3A_498 = vector.shape_cast %swap3A_497 : vector<1x16xf32> to vector<16xf32>
    %swap3A_499 = vector.shape_cast %mul3A_494 : vector<16xf32> to vector<1x16xf32>
    tpu.vector_store %arg6[%swap3A_495, %swap3A_496], %swap3A_499 {strides = array<i32>} : memref<8x128xf32, #tpu.memory_space<vmem>>, vector<1x16xf32>,
    %mul3A_500 = arith.constant 3.125000e-02 : f32
    %mul3A_501 = vector.broadcast %mul3A_500 : f32 to vector<16xf32>
    %mul3A_502 = arith.mulf %add3A_280, %mul3A_501 : vector<16xf32>
    %swap3A_503 = arith.constant 0 : i32
    %swap3A_504 = arith.index_cast %swap3A_503 : i32 to index
    %swap3A_505 = arith.constant 16 : index
    %swap3A_506 = tpu.vector_load %arg6[%swap3A_504, %swap3A_505] {strides = array<i32>} : memref<8x128xf32, #tpu.memory_space<vmem>>, vector<1x16xf32>,
    %swap3A_507 = vector.shape_cast %swap3A_506 : vector<1x16xf32> to vector<16xf32>
    %swap3A_508 = vector.shape_cast %mul3A_502 : vector<16xf32> to vector<1x16xf32>
    tpu.vector_store %arg6[%swap3A_504, %swap3A_505], %swap3A_508 {strides = array<i32>} : memref<8x128xf32, #tpu.memory_space<vmem>>, vector<1x16xf32>,
    %mul3A_509 = arith.constant 3.125000e-02 : f32
    %mul3A_510 = vector.broadcast %mul3A_509 : f32 to vector<16xf32>
    %mul3A_511 = arith.mulf %add3A_287, %mul3A_510 : vector<16xf32>
    %swap3A_512 = arith.constant 0 : i32
    %swap3A_513 = arith.index_cast %swap3A_512 : i32 to index
    %swap3A_514 = arith.constant 32 : index
    %swap3A_515 = tpu.vector_load %arg6[%swap3A_513, %swap3A_514] {strides = array<i32>} : memref<8x128xf32, #tpu.memory_space<vmem>>, vector<1x16xf32>,
    %swap3A_516 = vector.shape_cast %swap3A_515 : vector<1x16xf32> to vector<16xf32>
    %swap3A_517 = vector.shape_cast %mul3A_511 : vector<16xf32> to vector<1x16xf32>
    tpu.vector_store %arg6[%swap3A_513, %swap3A_514], %swap3A_517 {strides = array<i32>} : memref<8x128xf32, #tpu.memory_space<vmem>>, vector<1x16xf32>,
    %mul3A_518 = arith.constant 3.125000e-02 : f32
    %mul3A_519 = vector.broadcast %mul3A_518 : f32 to vector<16xf32>
    %mul3A_520 = arith.mulf %add3A_294, %mul3A_519 : vector<16xf32>
    %swap3A_521 = arith.constant 0 : i32
    %swap3A_522 = arith.index_cast %swap3A_521 : i32 to index
    %swap3A_523 = arith.constant 48 : index
    %swap3A_524 = tpu.vector_load %arg6[%swap3A_522, %swap3A_523] {strides = array<i32>} : memref<8x128xf32, #tpu.memory_space<vmem>>, vector<1x16xf32>,
    %swap3A_525 = vector.shape_cast %swap3A_524 : vector<1x16xf32> to vector<16xf32>
    %swap3A_526 = vector.shape_cast %mul3A_520 : vector<16xf32> to vector<1x16xf32>
    tpu.vector_store %arg6[%swap3A_522, %swap3A_523], %swap3A_526 {strides = array<i32>} : memref<8x128xf32, #tpu.memory_space<vmem>>, vector<1x16xf32>,
    %mul3A_527 = arith.constant 3.125000e-02 : f32
    %mul3A_528 = vector.broadcast %mul3A_527 : f32 to vector<16xf32>
    %mul3A_529 = arith.mulf %add3A_301, %mul3A_528 : vector<16xf32>
    %swap3A_530 = arith.constant 0 : i32
    %swap3A_531 = arith.index_cast %swap3A_530 : i32 to index
    %swap3A_532 = arith.constant 64 : index
    %swap3A_533 = tpu.vector_load %arg6[%swap3A_531, %swap3A_532] {strides = array<i32>} : memref<8x128xf32, #tpu.memory_space<vmem>>, vector<1x16xf32>,
    %swap3A_534 = vector.shape_cast %swap3A_533 : vector<1x16xf32> to vector<16xf32>
    %swap3A_535 = vector.shape_cast %mul3A_529 : vector<16xf32> to vector<1x16xf32>
    tpu.vector_store %arg6[%swap3A_531, %swap3A_532], %swap3A_535 {strides = array<i32>} : memref<8x128xf32, #tpu.memory_space<vmem>>, vector<1x16xf32>,
    %mul3A_536 = arith.constant 3.125000e-02 : f32
    %mul3A_537 = vector.broadcast %mul3A_536 : f32 to vector<16xf32>
    %mul3A_538 = arith.mulf %add3A_308, %mul3A_537 : vector<16xf32>
    %swap3A_539 = arith.constant 0 : i32
    %swap3A_540 = arith.index_cast %swap3A_539 : i32 to index
    %swap3A_541 = arith.constant 80 : index
    %swap3A_542 = tpu.vector_load %arg6[%swap3A_540, %swap3A_541] {strides = array<i32>} : memref<8x128xf32, #tpu.memory_space<vmem>>, vector<1x16xf32>,
    %swap3A_543 = vector.shape_cast %swap3A_542 : vector<1x16xf32> to vector<16xf32>
    %swap3A_544 = vector.shape_cast %mul3A_538 : vector<16xf32> to vector<1x16xf32>
    tpu.vector_store %arg6[%swap3A_540, %swap3A_541], %swap3A_544 {strides = array<i32>} : memref<8x128xf32, #tpu.memory_space<vmem>>, vector<1x16xf32>,
    %mul3A_545 = arith.constant 3.125000e-02 : f32
    %mul3A_546 = vector.broadcast %mul3A_545 : f32 to vector<16xf32>
    %mul3A_547 = arith.mulf %add3A_315, %mul3A_546 : vector<16xf32>
    %swap3A_548 = arith.constant 0 : i32
    %swap3A_549 = arith.index_cast %swap3A_548 : i32 to index
    %swap3A_550 = arith.constant 96 : index
    %swap3A_551 = tpu.vector_load %arg6[%swap3A_549, %swap3A_550] {strides = array<i32>} : memref<8x128xf32, #tpu.memory_space<vmem>>, vector<1x16xf32>,
    %swap3A_552 = vector.shape_cast %swap3A_551 : vector<1x16xf32> to vector<16xf32>
    %swap3A_553 = vector.shape_cast %mul3A_547 : vector<16xf32> to vector<1x16xf32>
    tpu.vector_store %arg6[%swap3A_549, %swap3A_550], %swap3A_553 {strides = array<i32>} : memref<8x128xf32, #tpu.memory_space<vmem>>, vector<1x16xf32>,
    %mul3A_554 = arith.constant 3.125000e-02 : f32
    %mul3A_555 = vector.broadcast %mul3A_554 : f32 to vector<16xf32>
    %mul3A_556 = arith.mulf %add3A_322, %mul3A_555 : vector<16xf32>
    %swap3A_557 = arith.constant 0 : i32
    %swap3A_558 = arith.index_cast %swap3A_557 : i32 to index
    %swap3A_559 = arith.constant 112 : index
    %swap3A_560 = tpu.vector_load %arg6[%swap3A_558, %swap3A_559] {strides = array<i32>} : memref<8x128xf32, #tpu.memory_space<vmem>>, vector<1x16xf32>,
    %swap3A_561 = vector.shape_cast %swap3A_560 : vector<1x16xf32> to vector<16xf32>
    %swap3A_562 = vector.shape_cast %mul3A_556 : vector<16xf32> to vector<1x16xf32>
    tpu.vector_store %arg6[%swap3A_558, %swap3A_559], %swap3A_562 {strides = array<i32>} : memref<8x128xf32, #tpu.memory_space<vmem>>, vector<1x16xf32>,
    %mul3A_563 = arith.constant 3.125000e-02 : f32
    %mul3A_564 = vector.broadcast %mul3A_563 : f32 to vector<16xf32>
    %mul3A_565 = arith.mulf %add3A_329, %mul3A_564 : vector<16xf32>
    %swap3A_566 = arith.constant 1 : i32
    %swap3A_567 = arith.index_cast %swap3A_566 : i32 to index
    %swap3A_568 = arith.constant 0 : index
    %swap3A_569 = tpu.vector_load %arg6[%swap3A_567, %swap3A_568] {strides = array<i32>} : memref<8x128xf32, #tpu.memory_space<vmem>>, vector<1x16xf32>,
    %swap3A_570 = vector.shape_cast %swap3A_569 : vector<1x16xf32> to vector<16xf32>
    %swap3A_571 = vector.shape_cast %mul3A_565 : vector<16xf32> to vector<1x16xf32>
    tpu.vector_store %arg6[%swap3A_567, %swap3A_568], %swap3A_571 {strides = array<i32>} : memref<8x128xf32, #tpu.memory_space<vmem>>, vector<1x16xf32>,
    %mul3A_572 = arith.constant 3.125000e-02 : f32
    %mul3A_573 = vector.broadcast %mul3A_572 : f32 to vector<16xf32>
    %mul3A_574 = arith.mulf %add3A_336, %mul3A_573 : vector<16xf32>
    %swap3A_575 = arith.constant 1 : i32
    %swap3A_576 = arith.index_cast %swap3A_575 : i32 to index
    %swap3A_577 = arith.constant 16 : index
    %swap3A_578 = tpu.vector_load %arg6[%swap3A_576, %swap3A_577] {strides = array<i32>} : memref<8x128xf32, #tpu.memory_space<vmem>>, vector<1x16xf32>,
    %swap3A_579 = vector.shape_cast %swap3A_578 : vector<1x16xf32> to vector<16xf32>
    %swap3A_580 = vector.shape_cast %mul3A_574 : vector<16xf32> to vector<1x16xf32>
    tpu.vector_store %arg6[%swap3A_576, %swap3A_577], %swap3A_580 {strides = array<i32>} : memref<8x128xf32, #tpu.memory_space<vmem>>, vector<1x16xf32>,
    %mul3A_581 = arith.constant 3.125000e-02 : f32
    %mul3A_582 = vector.broadcast %mul3A_581 : f32 to vector<16xf32>
    %mul3A_583 = arith.mulf %add3A_343, %mul3A_582 : vector<16xf32>
    %swap3A_584 = arith.constant 1 : i32
    %swap3A_585 = arith.index_cast %swap3A_584 : i32 to index
    %swap3A_586 = arith.constant 32 : index
    %swap3A_587 = tpu.vector_load %arg6[%swap3A_585, %swap3A_586] {strides = array<i32>} : memref<8x128xf32, #tpu.memory_space<vmem>>, vector<1x16xf32>,
    %swap3A_588 = vector.shape_cast %swap3A_587 : vector<1x16xf32> to vector<16xf32>
    %swap3A_589 = vector.shape_cast %mul3A_583 : vector<16xf32> to vector<1x16xf32>
    tpu.vector_store %arg6[%swap3A_585, %swap3A_586], %swap3A_589 {strides = array<i32>} : memref<8x128xf32, #tpu.memory_space<vmem>>, vector<1x16xf32>,
    %mul3A_590 = arith.constant 3.125000e-02 : f32
    %mul3A_591 = vector.broadcast %mul3A_590 : f32 to vector<16xf32>
    %mul3A_592 = arith.mulf %add3A_350, %mul3A_591 : vector<16xf32>
    %swap3A_593 = arith.constant 1 : i32
    %swap3A_594 = arith.index_cast %swap3A_593 : i32 to index
    %swap3A_595 = arith.constant 48 : index
    %swap3A_596 = tpu.vector_load %arg6[%swap3A_594, %swap3A_595] {strides = array<i32>} : memref<8x128xf32, #tpu.memory_space<vmem>>, vector<1x16xf32>,
    %swap3A_597 = vector.shape_cast %swap3A_596 : vector<1x16xf32> to vector<16xf32>
    %swap3A_598 = vector.shape_cast %mul3A_592 : vector<16xf32> to vector<1x16xf32>
    tpu.vector_store %arg6[%swap3A_594, %swap3A_595], %swap3A_598 {strides = array<i32>} : memref<8x128xf32, #tpu.memory_space<vmem>>, vector<1x16xf32>,
    %mul3A_599 = arith.constant 3.125000e-02 : f32
    %mul3A_600 = vector.broadcast %mul3A_599 : f32 to vector<16xf32>
    %mul3A_601 = arith.mulf %add3A_357, %mul3A_600 : vector<16xf32>
    %swap3A_602 = arith.constant 1 : i32
    %swap3A_603 = arith.index_cast %swap3A_602 : i32 to index
    %swap3A_604 = arith.constant 64 : index
    %swap3A_605 = tpu.vector_load %arg6[%swap3A_603, %swap3A_604] {strides = array<i32>} : memref<8x128xf32, #tpu.memory_space<vmem>>, vector<1x16xf32>,
    %swap3A_606 = vector.shape_cast %swap3A_605 : vector<1x16xf32> to vector<16xf32>
    %swap3A_607 = vector.shape_cast %mul3A_601 : vector<16xf32> to vector<1x16xf32>
    tpu.vector_store %arg6[%swap3A_603, %swap3A_604], %swap3A_607 {strides = array<i32>} : memref<8x128xf32, #tpu.memory_space<vmem>>, vector<1x16xf32>,
    %mul3A_608 = arith.constant 3.125000e-02 : f32
    %mul3A_609 = vector.broadcast %mul3A_608 : f32 to vector<16xf32>
    %mul3A_610 = arith.mulf %add3A_364, %mul3A_609 : vector<16xf32>
    %swap3A_611 = arith.constant 1 : i32
    %swap3A_612 = arith.index_cast %swap3A_611 : i32 to index
    %swap3A_613 = arith.constant 80 : index
    %swap3A_614 = tpu.vector_load %arg6[%swap3A_612, %swap3A_613] {strides = array<i32>} : memref<8x128xf32, #tpu.memory_space<vmem>>, vector<1x16xf32>,
    %swap3A_615 = vector.shape_cast %swap3A_614 : vector<1x16xf32> to vector<16xf32>
    %swap3A_616 = vector.shape_cast %mul3A_610 : vector<16xf32> to vector<1x16xf32>
    tpu.vector_store %arg6[%swap3A_612, %swap3A_613], %swap3A_616 {strides = array<i32>} : memref<8x128xf32, #tpu.memory_space<vmem>>, vector<1x16xf32>,
    %mul3A_617 = arith.constant 3.125000e-02 : f32
    %mul3A_618 = vector.broadcast %mul3A_617 : f32 to vector<16xf32>
    %mul3A_619 = arith.mulf %add3A_371, %mul3A_618 : vector<16xf32>
    %swap3A_620 = arith.constant 1 : i32
    %swap3A_621 = arith.index_cast %swap3A_620 : i32 to index
    %swap3A_622 = arith.constant 96 : index
    %swap3A_623 = tpu.vector_load %arg6[%swap3A_621, %swap3A_622] {strides = array<i32>} : memref<8x128xf32, #tpu.memory_space<vmem>>, vector<1x16xf32>,
    %swap3A_624 = vector.shape_cast %swap3A_623 : vector<1x16xf32> to vector<16xf32>
    %swap3A_625 = vector.shape_cast %mul3A_619 : vector<16xf32> to vector<1x16xf32>
    tpu.vector_store %arg6[%swap3A_621, %swap3A_622], %swap3A_625 {strides = array<i32>} : memref<8x128xf32, #tpu.memory_space<vmem>>, vector<1x16xf32>,
    %mul3A_626 = arith.constant 3.125000e-02 : f32
    %mul3A_627 = vector.broadcast %mul3A_626 : f32 to vector<16xf32>
    %mul3A_628 = arith.mulf %add3A_378, %mul3A_627 : vector<16xf32>
    %swap3A_629 = arith.constant 1 : i32
    %swap3A_630 = arith.index_cast %swap3A_629 : i32 to index
    %swap3A_631 = arith.constant 112 : index
    %swap3A_632 = tpu.vector_load %arg6[%swap3A_630, %swap3A_631] {strides = array<i32>} : memref<8x128xf32, #tpu.memory_space<vmem>>, vector<1x16xf32>,
    %swap3A_633 = vector.shape_cast %swap3A_632 : vector<1x16xf32> to vector<16xf32>
    %swap3A_634 = vector.shape_cast %mul3A_628 : vector<16xf32> to vector<1x16xf32>
    tpu.vector_store %arg6[%swap3A_630, %swap3A_631], %swap3A_634 {strides = array<i32>} : memref<8x128xf32, #tpu.memory_space<vmem>>, vector<1x16xf32>,
    %mul3A_635 = arith.constant 3.125000e-02 : f32
    %mul3A_636 = vector.broadcast %mul3A_635 : f32 to vector<16xf32>
    %mul3A_637 = arith.mulf %add3A_385, %mul3A_636 : vector<16xf32>
    %swap3A_638 = arith.constant 2 : i32
    %swap3A_639 = arith.index_cast %swap3A_638 : i32 to index
    %swap3A_640 = arith.constant 0 : index
    %swap3A_641 = tpu.vector_load %arg6[%swap3A_639, %swap3A_640] {strides = array<i32>} : memref<8x128xf32, #tpu.memory_space<vmem>>, vector<1x16xf32>,
    %swap3A_642 = vector.shape_cast %swap3A_641 : vector<1x16xf32> to vector<16xf32>
    %swap3A_643 = vector.shape_cast %mul3A_637 : vector<16xf32> to vector<1x16xf32>
    tpu.vector_store %arg6[%swap3A_639, %swap3A_640], %swap3A_643 {strides = array<i32>} : memref<8x128xf32, #tpu.memory_space<vmem>>, vector<1x16xf32>,
    %mul3A_644 = arith.constant 3.125000e-02 : f32
    %mul3A_645 = vector.broadcast %mul3A_644 : f32 to vector<16xf32>
    %mul3A_646 = arith.mulf %add3A_392, %mul3A_645 : vector<16xf32>
    %swap3A_647 = arith.constant 2 : i32
    %swap3A_648 = arith.index_cast %swap3A_647 : i32 to index
    %swap3A_649 = arith.constant 16 : index
    %swap3A_650 = tpu.vector_load %arg6[%swap3A_648, %swap3A_649] {strides = array<i32>} : memref<8x128xf32, #tpu.memory_space<vmem>>, vector<1x16xf32>,
    %swap3A_651 = vector.shape_cast %swap3A_650 : vector<1x16xf32> to vector<16xf32>
    %swap3A_652 = vector.shape_cast %mul3A_646 : vector<16xf32> to vector<1x16xf32>
    tpu.vector_store %arg6[%swap3A_648, %swap3A_649], %swap3A_652 {strides = array<i32>} : memref<8x128xf32, #tpu.memory_space<vmem>>, vector<1x16xf32>,
    %mul3A_653 = arith.constant 3.125000e-02 : f32
    %mul3A_654 = vector.broadcast %mul3A_653 : f32 to vector<16xf32>
    %mul3A_655 = arith.mulf %add3A_399, %mul3A_654 : vector<16xf32>
    %swap3A_656 = arith.constant 2 : i32
    %swap3A_657 = arith.index_cast %swap3A_656 : i32 to index
    %swap3A_658 = arith.constant 32 : index
    %swap3A_659 = tpu.vector_load %arg6[%swap3A_657, %swap3A_658] {strides = array<i32>} : memref<8x128xf32, #tpu.memory_space<vmem>>, vector<1x16xf32>,
    %swap3A_660 = vector.shape_cast %swap3A_659 : vector<1x16xf32> to vector<16xf32>
    %swap3A_661 = vector.shape_cast %mul3A_655 : vector<16xf32> to vector<1x16xf32>
    tpu.vector_store %arg6[%swap3A_657, %swap3A_658], %swap3A_661 {strides = array<i32>} : memref<8x128xf32, #tpu.memory_space<vmem>>, vector<1x16xf32>,
    %mul3A_662 = arith.constant 3.125000e-02 : f32
    %mul3A_663 = vector.broadcast %mul3A_662 : f32 to vector<16xf32>
    %mul3A_664 = arith.mulf %add3A_406, %mul3A_663 : vector<16xf32>
    %swap3A_665 = arith.constant 2 : i32
    %swap3A_666 = arith.index_cast %swap3A_665 : i32 to index
    %swap3A_667 = arith.constant 48 : index
    %swap3A_668 = tpu.vector_load %arg6[%swap3A_666, %swap3A_667] {strides = array<i32>} : memref<8x128xf32, #tpu.memory_space<vmem>>, vector<1x16xf32>,
    %swap3A_669 = vector.shape_cast %swap3A_668 : vector<1x16xf32> to vector<16xf32>
    %swap3A_670 = vector.shape_cast %mul3A_664 : vector<16xf32> to vector<1x16xf32>
    tpu.vector_store %arg6[%swap3A_666, %swap3A_667], %swap3A_670 {strides = array<i32>} : memref<8x128xf32, #tpu.memory_space<vmem>>, vector<1x16xf32>,
    %mul3A_671 = arith.constant 3.125000e-02 : f32
    %mul3A_672 = vector.broadcast %mul3A_671 : f32 to vector<16xf32>
    %mul3A_673 = arith.mulf %add3A_413, %mul3A_672 : vector<16xf32>
    %swap3A_674 = arith.constant 2 : i32
    %swap3A_675 = arith.index_cast %swap3A_674 : i32 to index
    %swap3A_676 = arith.constant 64 : index
    %swap3A_677 = tpu.vector_load %arg6[%swap3A_675, %swap3A_676] {strides = array<i32>} : memref<8x128xf32, #tpu.memory_space<vmem>>, vector<1x16xf32>,
    %swap3A_678 = vector.shape_cast %swap3A_677 : vector<1x16xf32> to vector<16xf32>
    %swap3A_679 = vector.shape_cast %mul3A_673 : vector<16xf32> to vector<1x16xf32>
    tpu.vector_store %arg6[%swap3A_675, %swap3A_676], %swap3A_679 {strides = array<i32>} : memref<8x128xf32, #tpu.memory_space<vmem>>, vector<1x16xf32>,
    %mul3A_680 = arith.constant 3.125000e-02 : f32
    %mul3A_681 = vector.broadcast %mul3A_680 : f32 to vector<16xf32>
    %mul3A_682 = arith.mulf %add3A_420, %mul3A_681 : vector<16xf32>
    %swap3A_683 = arith.constant 2 : i32
    %swap3A_684 = arith.index_cast %swap3A_683 : i32 to index
    %swap3A_685 = arith.constant 80 : index
    %swap3A_686 = tpu.vector_load %arg6[%swap3A_684, %swap3A_685] {strides = array<i32>} : memref<8x128xf32, #tpu.memory_space<vmem>>, vector<1x16xf32>,
    %swap3A_687 = vector.shape_cast %swap3A_686 : vector<1x16xf32> to vector<16xf32>
    %swap3A_688 = vector.shape_cast %mul3A_682 : vector<16xf32> to vector<1x16xf32>
    tpu.vector_store %arg6[%swap3A_684, %swap3A_685], %swap3A_688 {strides = array<i32>} : memref<8x128xf32, #tpu.memory_space<vmem>>, vector<1x16xf32>,
    %mul3A_689 = arith.constant 3.125000e-02 : f32
    %mul3A_690 = vector.broadcast %mul3A_689 : f32 to vector<16xf32>
    %mul3A_691 = arith.mulf %add3A_427, %mul3A_690 : vector<16xf32>
    %swap3A_692 = arith.constant 2 : i32
    %swap3A_693 = arith.index_cast %swap3A_692 : i32 to index
    %swap3A_694 = arith.constant 96 : index
    %swap3A_695 = tpu.vector_load %arg6[%swap3A_693, %swap3A_694] {strides = array<i32>} : memref<8x128xf32, #tpu.memory_space<vmem>>, vector<1x16xf32>,
    %swap3A_696 = vector.shape_cast %swap3A_695 : vector<1x16xf32> to vector<16xf32>
    %swap3A_697 = vector.shape_cast %mul3A_691 : vector<16xf32> to vector<1x16xf32>
    tpu.vector_store %arg6[%swap3A_693, %swap3A_694], %swap3A_697 {strides = array<i32>} : memref<8x128xf32, #tpu.memory_space<vmem>>, vector<1x16xf32>,
    %mul3A_698 = arith.constant 3.125000e-02 : f32
    %mul3A_699 = vector.broadcast %mul3A_698 : f32 to vector<16xf32>
    %mul3A_700 = arith.mulf %add3A_434, %mul3A_699 : vector<16xf32>
    %swap3A_701 = arith.constant 2 : i32
    %swap3A_702 = arith.index_cast %swap3A_701 : i32 to index
    %swap3A_703 = arith.constant 112 : index
    %swap3A_704 = tpu.vector_load %arg6[%swap3A_702, %swap3A_703] {strides = array<i32>} : memref<8x128xf32, #tpu.memory_space<vmem>>, vector<1x16xf32>,
    %swap3A_705 = vector.shape_cast %swap3A_704 : vector<1x16xf32> to vector<16xf32>
    %swap3A_706 = vector.shape_cast %mul3A_700 : vector<16xf32> to vector<1x16xf32>
    tpu.vector_store %arg6[%swap3A_702, %swap3A_703], %swap3A_706 {strides = array<i32>} : memref<8x128xf32, #tpu.memory_space<vmem>>, vector<1x16xf32>,
    %mul3A_707 = arith.constant 3.125000e-02 : f32
    %mul3A_708 = vector.broadcast %mul3A_707 : f32 to vector<16xf32>
    %mul3A_709 = arith.mulf %add3A_441, %mul3A_708 : vector<16xf32>
    %swap3A_710 = arith.constant 3 : i32
    %swap3A_711 = arith.index_cast %swap3A_710 : i32 to index
    %swap3A_712 = arith.constant 0 : index
    %swap3A_713 = tpu.vector_load %arg6[%swap3A_711, %swap3A_712] {strides = array<i32>} : memref<8x128xf32, #tpu.memory_space<vmem>>, vector<1x16xf32>,
    %swap3A_714 = vector.shape_cast %swap3A_713 : vector<1x16xf32> to vector<16xf32>
    %swap3A_715 = vector.shape_cast %mul3A_709 : vector<16xf32> to vector<1x16xf32>
    tpu.vector_store %arg6[%swap3A_711, %swap3A_712], %swap3A_715 {strides = array<i32>} : memref<8x128xf32, #tpu.memory_space<vmem>>, vector<1x16xf32>,
    %mul3A_716 = arith.constant 3.125000e-02 : f32
    %mul3A_717 = vector.broadcast %mul3A_716 : f32 to vector<16xf32>
    %mul3A_718 = arith.mulf %add3A_448, %mul3A_717 : vector<16xf32>
    %swap3A_719 = arith.constant 3 : i32
    %swap3A_720 = arith.index_cast %swap3A_719 : i32 to index
    %swap3A_721 = arith.constant 16 : index
    %swap3A_722 = tpu.vector_load %arg6[%swap3A_720, %swap3A_721] {strides = array<i32>} : memref<8x128xf32, #tpu.memory_space<vmem>>, vector<1x16xf32>,
    %swap3A_723 = vector.shape_cast %swap3A_722 : vector<1x16xf32> to vector<16xf32>
    %swap3A_724 = vector.shape_cast %mul3A_718 : vector<16xf32> to vector<1x16xf32>
    tpu.vector_store %arg6[%swap3A_720, %swap3A_721], %swap3A_724 {strides = array<i32>} : memref<8x128xf32, #tpu.memory_space<vmem>>, vector<1x16xf32>,
    %mul3A_725 = arith.constant 3.125000e-02 : f32
    %mul3A_726 = vector.broadcast %mul3A_725 : f32 to vector<16xf32>
    %mul3A_727 = arith.mulf %add3A_455, %mul3A_726 : vector<16xf32>
    %swap3A_728 = arith.constant 3 : i32
    %swap3A_729 = arith.index_cast %swap3A_728 : i32 to index
    %swap3A_730 = arith.constant 32 : index
    %swap3A_731 = tpu.vector_load %arg6[%swap3A_729, %swap3A_730] {strides = array<i32>} : memref<8x128xf32, #tpu.memory_space<vmem>>, vector<1x16xf32>,
    %swap3A_732 = vector.shape_cast %swap3A_731 : vector<1x16xf32> to vector<16xf32>
    %swap3A_733 = vector.shape_cast %mul3A_727 : vector<16xf32> to vector<1x16xf32>
    tpu.vector_store %arg6[%swap3A_729, %swap3A_730], %swap3A_733 {strides = array<i32>} : memref<8x128xf32, #tpu.memory_space<vmem>>, vector<1x16xf32>,
    %mul3A_734 = arith.constant 3.125000e-02 : f32
    %mul3A_735 = vector.broadcast %mul3A_734 : f32 to vector<16xf32>
    %mul3A_736 = arith.mulf %add3A_462, %mul3A_735 : vector<16xf32>
    %swap3A_737 = arith.constant 3 : i32
    %swap3A_738 = arith.index_cast %swap3A_737 : i32 to index
    %swap3A_739 = arith.constant 48 : index
    %swap3A_740 = tpu.vector_load %arg6[%swap3A_738, %swap3A_739] {strides = array<i32>} : memref<8x128xf32, #tpu.memory_space<vmem>>, vector<1x16xf32>,
    %swap3A_741 = vector.shape_cast %swap3A_740 : vector<1x16xf32> to vector<16xf32>
    %swap3A_742 = vector.shape_cast %mul3A_736 : vector<16xf32> to vector<1x16xf32>
    tpu.vector_store %arg6[%swap3A_738, %swap3A_739], %swap3A_742 {strides = array<i32>} : memref<8x128xf32, #tpu.memory_space<vmem>>, vector<1x16xf32>,
    %mul3A_743 = arith.constant 3.125000e-02 : f32
    %mul3A_744 = vector.broadcast %mul3A_743 : f32 to vector<16xf32>
    %mul3A_745 = arith.mulf %add3A_469, %mul3A_744 : vector<16xf32>
    %swap3A_746 = arith.constant 3 : i32
    %swap3A_747 = arith.index_cast %swap3A_746 : i32 to index
    %swap3A_748 = arith.constant 64 : index
    %swap3A_749 = tpu.vector_load %arg6[%swap3A_747, %swap3A_748] {strides = array<i32>} : memref<8x128xf32, #tpu.memory_space<vmem>>, vector<1x16xf32>,
    %swap3A_750 = vector.shape_cast %swap3A_749 : vector<1x16xf32> to vector<16xf32>
    %swap3A_751 = vector.shape_cast %mul3A_745 : vector<16xf32> to vector<1x16xf32>
    tpu.vector_store %arg6[%swap3A_747, %swap3A_748], %swap3A_751 {strides = array<i32>} : memref<8x128xf32, #tpu.memory_space<vmem>>, vector<1x16xf32>,
    %mul3A_752 = arith.constant 3.125000e-02 : f32
    %mul3A_753 = vector.broadcast %mul3A_752 : f32 to vector<16xf32>
    %mul3A_754 = arith.mulf %add3A_476, %mul3A_753 : vector<16xf32>
    %swap3A_755 = arith.constant 3 : i32
    %swap3A_756 = arith.index_cast %swap3A_755 : i32 to index
    %swap3A_757 = arith.constant 80 : index
    %swap3A_758 = tpu.vector_load %arg6[%swap3A_756, %swap3A_757] {strides = array<i32>} : memref<8x128xf32, #tpu.memory_space<vmem>>, vector<1x16xf32>,
    %swap3A_759 = vector.shape_cast %swap3A_758 : vector<1x16xf32> to vector<16xf32>
    %swap3A_760 = vector.shape_cast %mul3A_754 : vector<16xf32> to vector<1x16xf32>
    tpu.vector_store %arg6[%swap3A_756, %swap3A_757], %swap3A_760 {strides = array<i32>} : memref<8x128xf32, #tpu.memory_space<vmem>>, vector<1x16xf32>,
    %mul3A_761 = arith.constant 3.125000e-02 : f32
    %mul3A_762 = vector.broadcast %mul3A_761 : f32 to vector<16xf32>
    %mul3A_763 = arith.mulf %add3A_483, %mul3A_762 : vector<16xf32>
    %swap3A_764 = arith.constant 3 : i32
    %swap3A_765 = arith.index_cast %swap3A_764 : i32 to index
    %swap3A_766 = arith.constant 96 : index
    %swap3A_767 = tpu.vector_load %arg6[%swap3A_765, %swap3A_766] {strides = array<i32>} : memref<8x128xf32, #tpu.memory_space<vmem>>, vector<1x16xf32>,
    %swap3A_768 = vector.shape_cast %swap3A_767 : vector<1x16xf32> to vector<16xf32>
    %swap3A_769 = vector.shape_cast %mul3A_763 : vector<16xf32> to vector<1x16xf32>
    tpu.vector_store %arg6[%swap3A_765, %swap3A_766], %swap3A_769 {strides = array<i32>} : memref<8x128xf32, #tpu.memory_space<vmem>>, vector<1x16xf32>,
    %mul3A_770 = arith.constant 3.125000e-02 : f32
    %mul3A_771 = vector.broadcast %mul3A_770 : f32 to vector<16xf32>
    %mul3A_772 = arith.mulf %add3A_490, %mul3A_771 : vector<16xf32>
    %swap3A_773 = arith.constant 3 : i32
    %swap3A_774 = arith.index_cast %swap3A_773 : i32 to index
    %swap3A_775 = arith.constant 112 : index
    %swap3A_776 = tpu.vector_load %arg6[%swap3A_774, %swap3A_775] {strides = array<i32>} : memref<8x128xf32, #tpu.memory_space<vmem>>, vector<1x16xf32>,
    %swap3A_777 = vector.shape_cast %swap3A_776 : vector<1x16xf32> to vector<16xf32>
    %swap3A_778 = vector.shape_cast %mul3A_772 : vector<16xf32> to vector<1x16xf32>
    tpu.vector_store %arg6[%swap3A_774, %swap3A_775], %swap3A_778 {strides = array<i32>} : memref<8x128xf32, #tpu.memory_space<vmem>>, vector<1x16xf32>,
    %get3A_779 = arith.constant 4 : i32
    %get3A_780 = arith.constant 0 : i32
    %get3A_781 = arith.index_cast %get3A_779 : i32 to index
    %get3A_782 = arith.index_cast %get3A_780 : i32 to index
    %get3A_783 = arith.constant 0 : index
    %get3A_784 = tpu.vector_load %arg4[%get3A_781, %get3A_782, %get3A_783] {strides = array<i32>} : memref<8x32x128xf32, #tpu.memory_space<vmem>>, vector<1x1x16xf32>,
    %get3A_785 = vector.shape_cast %get3A_784 : vector<1x1x16xf32> to vector<16xf32>
    %get3A_786 = arith.constant 4 : i32
    %get3A_787 = arith.constant 0 : i32
    %get3A_788 = arith.index_cast %get3A_786 : i32 to index
    %get3A_789 = arith.index_cast %get3A_787 : i32 to index
    %get3A_790 = arith.constant 16 : index
    %get3A_791 = tpu.vector_load %arg4[%get3A_788, %get3A_789, %get3A_790] {strides = array<i32>} : memref<8x32x128xf32, #tpu.memory_space<vmem>>, vector<1x1x16xf32>,
    %get3A_792 = vector.shape_cast %get3A_791 : vector<1x1x16xf32> to vector<16xf32>
    %get3A_793 = arith.constant 4 : i32
    %get3A_794 = arith.constant 0 : i32
    %get3A_795 = arith.index_cast %get3A_793 : i32 to index
    %get3A_796 = arith.index_cast %get3A_794 : i32 to index
    %get3A_797 = arith.constant 32 : index
    %get3A_798 = tpu.vector_load %arg4[%get3A_795, %get3A_796, %get3A_797] {strides = array<i32>} : memref<8x32x128xf32, #tpu.memory_space<vmem>>, vector<1x1x16xf32>,
    %get3A_799 = vector.shape_cast %get3A_798 : vector<1x1x16xf32> to vector<16xf32>
    %get3A_800 = arith.constant 4 : i32
    %get3A_801 = arith.constant 0 : i32
    %get3A_802 = arith.index_cast %get3A_800 : i32 to index
    %get3A_803 = arith.index_cast %get3A_801 : i32 to index
    %get3A_804 = arith.constant 48 : index
    %get3A_805 = tpu.vector_load %arg4[%get3A_802, %get3A_803, %get3A_804] {strides = array<i32>} : memref<8x32x128xf32, #tpu.memory_space<vmem>>, vector<1x1x16xf32>,
    %get3A_806 = vector.shape_cast %get3A_805 : vector<1x1x16xf32> to vector<16xf32>
    %get3A_807 = arith.constant 4 : i32
    %get3A_808 = arith.constant 0 : i32
    %get3A_809 = arith.index_cast %get3A_807 : i32 to index
    %get3A_810 = arith.index_cast %get3A_808 : i32 to index
    %get3A_811 = arith.constant 64 : index
    %get3A_812 = tpu.vector_load %arg4[%get3A_809, %get3A_810, %get3A_811] {strides = array<i32>} : memref<8x32x128xf32, #tpu.memory_space<vmem>>, vector<1x1x16xf32>,
    %get3A_813 = vector.shape_cast %get3A_812 : vector<1x1x16xf32> to vector<16xf32>
    %get3A_814 = arith.constant 4 : i32
    %get3A_815 = arith.constant 0 : i32
    %get3A_816 = arith.index_cast %get3A_814 : i32 to index
    %get3A_817 = arith.index_cast %get3A_815 : i32 to index
    %get3A_818 = arith.constant 80 : index
    %get3A_819 = tpu.vector_load %arg4[%get3A_816, %get3A_817, %get3A_818] {strides = array<i32>} : memref<8x32x128xf32, #tpu.memory_space<vmem>>, vector<1x1x16xf32>,
    %get3A_820 = vector.shape_cast %get3A_819 : vector<1x1x16xf32> to vector<16xf32>
    %get3A_821 = arith.constant 4 : i32
    %get3A_822 = arith.constant 0 : i32
    %get3A_823 = arith.index_cast %get3A_821 : i32 to index
    %get3A_824 = arith.index_cast %get3A_822 : i32 to index
    %get3A_825 = arith.constant 96 : index
    %get3A_826 = tpu.vector_load %arg4[%get3A_823, %get3A_824, %get3A_825] {strides = array<i32>} : memref<8x32x128xf32, #tpu.memory_space<vmem>>, vector<1x1x16xf32>,
    %get3A_827 = vector.shape_cast %get3A_826 : vector<1x1x16xf32> to vector<16xf32>
    %get3A_828 = arith.constant 4 : i32
    %get3A_829 = arith.constant 0 : i32
    %get3A_830 = arith.index_cast %get3A_828 : i32 to index
    %get3A_831 = arith.index_cast %get3A_829 : i32 to index
    %get3A_832 = arith.constant 112 : index
    %get3A_833 = tpu.vector_load %arg4[%get3A_830, %get3A_831, %get3A_832] {strides = array<i32>} : memref<8x32x128xf32, #tpu.memory_space<vmem>>, vector<1x1x16xf32>,
    %get3A_834 = vector.shape_cast %get3A_833 : vector<1x1x16xf32> to vector<16xf32>
    %get3A_835 = arith.constant 5 : i32
    %get3A_836 = arith.constant 0 : i32
    %get3A_837 = arith.index_cast %get3A_835 : i32 to index
    %get3A_838 = arith.index_cast %get3A_836 : i32 to index
    %get3A_839 = arith.constant 0 : index
    %get3A_840 = tpu.vector_load %arg4[%get3A_837, %get3A_838, %get3A_839] {strides = array<i32>} : memref<8x32x128xf32, #tpu.memory_space<vmem>>, vector<1x1x16xf32>,
    %get3A_841 = vector.shape_cast %get3A_840 : vector<1x1x16xf32> to vector<16xf32>
    %get3A_842 = arith.constant 5 : i32
    %get3A_843 = arith.constant 0 : i32
    %get3A_844 = arith.index_cast %get3A_842 : i32 to index
    %get3A_845 = arith.index_cast %get3A_843 : i32 to index
    %get3A_846 = arith.constant 16 : index
    %get3A_847 = tpu.vector_load %arg4[%get3A_844, %get3A_845, %get3A_846] {strides = array<i32>} : memref<8x32x128xf32, #tpu.memory_space<vmem>>, vector<1x1x16xf32>,
    %get3A_848 = vector.shape_cast %get3A_847 : vector<1x1x16xf32> to vector<16xf32>
    %get3A_849 = arith.constant 5 : i32
    %get3A_850 = arith.constant 0 : i32
    %get3A_851 = arith.index_cast %get3A_849 : i32 to index
    %get3A_852 = arith.index_cast %get3A_850 : i32 to index
    %get3A_853 = arith.constant 32 : index
    %get3A_854 = tpu.vector_load %arg4[%get3A_851, %get3A_852, %get3A_853] {strides = array<i32>} : memref<8x32x128xf32, #tpu.memory_space<vmem>>, vector<1x1x16xf32>,
    %get3A_855 = vector.shape_cast %get3A_854 : vector<1x1x16xf32> to vector<16xf32>
    %get3A_856 = arith.constant 5 : i32
    %get3A_857 = arith.constant 0 : i32
    %get3A_858 = arith.index_cast %get3A_856 : i32 to index
    %get3A_859 = arith.index_cast %get3A_857 : i32 to index
    %get3A_860 = arith.constant 48 : index
    %get3A_861 = tpu.vector_load %arg4[%get3A_858, %get3A_859, %get3A_860] {strides = array<i32>} : memref<8x32x128xf32, #tpu.memory_space<vmem>>, vector<1x1x16xf32>,
    %get3A_862 = vector.shape_cast %get3A_861 : vector<1x1x16xf32> to vector<16xf32>
    %get3A_863 = arith.constant 5 : i32
    %get3A_864 = arith.constant 0 : i32
    %get3A_865 = arith.index_cast %get3A_863 : i32 to index
    %get3A_866 = arith.index_cast %get3A_864 : i32 to index
    %get3A_867 = arith.constant 64 : index
    %get3A_868 = tpu.vector_load %arg4[%get3A_865, %get3A_866, %get3A_867] {strides = array<i32>} : memref<8x32x128xf32, #tpu.memory_space<vmem>>, vector<1x1x16xf32>,
    %get3A_869 = vector.shape_cast %get3A_868 : vector<1x1x16xf32> to vector<16xf32>
    %get3A_870 = arith.constant 5 : i32
    %get3A_871 = arith.constant 0 : i32
    %get3A_872 = arith.index_cast %get3A_870 : i32 to index
    %get3A_873 = arith.index_cast %get3A_871 : i32 to index
    %get3A_874 = arith.constant 80 : index
    %get3A_875 = tpu.vector_load %arg4[%get3A_872, %get3A_873, %get3A_874] {strides = array<i32>} : memref<8x32x128xf32, #tpu.memory_space<vmem>>, vector<1x1x16xf32>,
    %get3A_876 = vector.shape_cast %get3A_875 : vector<1x1x16xf32> to vector<16xf32>
    %get3A_877 = arith.constant 5 : i32
    %get3A_878 = arith.constant 0 : i32
    %get3A_879 = arith.index_cast %get3A_877 : i32 to index
    %get3A_880 = arith.index_cast %get3A_878 : i32 to index
    %get3A_881 = arith.constant 96 : index
    %get3A_882 = tpu.vector_load %arg4[%get3A_879, %get3A_880, %get3A_881] {strides = array<i32>} : memref<8x32x128xf32, #tpu.memory_space<vmem>>, vector<1x1x16xf32>,
    %get3A_883 = vector.shape_cast %get3A_882 : vector<1x1x16xf32> to vector<16xf32>
    %get3A_884 = arith.constant 5 : i32
    %get3A_885 = arith.constant 0 : i32
    %get3A_886 = arith.index_cast %get3A_884 : i32 to index
    %get3A_887 = arith.index_cast %get3A_885 : i32 to index
    %get3A_888 = arith.constant 112 : index
    %get3A_889 = tpu.vector_load %arg4[%get3A_886, %get3A_887, %get3A_888] {strides = array<i32>} : memref<8x32x128xf32, #tpu.memory_space<vmem>>, vector<1x1x16xf32>,
    %get3A_890 = vector.shape_cast %get3A_889 : vector<1x1x16xf32> to vector<16xf32>
    %get3A_891 = arith.constant 6 : i32
    %get3A_892 = arith.constant 0 : i32
    %get3A_893 = arith.index_cast %get3A_891 : i32 to index
    %get3A_894 = arith.index_cast %get3A_892 : i32 to index
    %get3A_895 = arith.constant 0 : index
    %get3A_896 = tpu.vector_load %arg4[%get3A_893, %get3A_894, %get3A_895] {strides = array<i32>} : memref<8x32x128xf32, #tpu.memory_space<vmem>>, vector<1x1x16xf32>,
    %get3A_897 = vector.shape_cast %get3A_896 : vector<1x1x16xf32> to vector<16xf32>
    %get3A_898 = arith.constant 6 : i32
    %get3A_899 = arith.constant 0 : i32
    %get3A_900 = arith.index_cast %get3A_898 : i32 to index
    %get3A_901 = arith.index_cast %get3A_899 : i32 to index
    %get3A_902 = arith.constant 16 : index
    %get3A_903 = tpu.vector_load %arg4[%get3A_900, %get3A_901, %get3A_902] {strides = array<i32>} : memref<8x32x128xf32, #tpu.memory_space<vmem>>, vector<1x1x16xf32>,
    %get3A_904 = vector.shape_cast %get3A_903 : vector<1x1x16xf32> to vector<16xf32>
    %get3A_905 = arith.constant 6 : i32
    %get3A_906 = arith.constant 0 : i32
    %get3A_907 = arith.index_cast %get3A_905 : i32 to index
    %get3A_908 = arith.index_cast %get3A_906 : i32 to index
    %get3A_909 = arith.constant 32 : index
    %get3A_910 = tpu.vector_load %arg4[%get3A_907, %get3A_908, %get3A_909] {strides = array<i32>} : memref<8x32x128xf32, #tpu.memory_space<vmem>>, vector<1x1x16xf32>,
    %get3A_911 = vector.shape_cast %get3A_910 : vector<1x1x16xf32> to vector<16xf32>
    %get3A_912 = arith.constant 6 : i32
    %get3A_913 = arith.constant 0 : i32
    %get3A_914 = arith.index_cast %get3A_912 : i32 to index
    %get3A_915 = arith.index_cast %get3A_913 : i32 to index
    %get3A_916 = arith.constant 48 : index
    %get3A_917 = tpu.vector_load %arg4[%get3A_914, %get3A_915, %get3A_916] {strides = array<i32>} : memref<8x32x128xf32, #tpu.memory_space<vmem>>, vector<1x1x16xf32>,
    %get3A_918 = vector.shape_cast %get3A_917 : vector<1x1x16xf32> to vector<16xf32>
    %get3A_919 = arith.constant 6 : i32
    %get3A_920 = arith.constant 0 : i32
    %get3A_921 = arith.index_cast %get3A_919 : i32 to index
    %get3A_922 = arith.index_cast %get3A_920 : i32 to index
    %get3A_923 = arith.constant 64 : index
    %get3A_924 = tpu.vector_load %arg4[%get3A_921, %get3A_922, %get3A_923] {strides = array<i32>} : memref<8x32x128xf32, #tpu.memory_space<vmem>>, vector<1x1x16xf32>,
    %get3A_925 = vector.shape_cast %get3A_924 : vector<1x1x16xf32> to vector<16xf32>
    %get3A_926 = arith.constant 6 : i32
    %get3A_927 = arith.constant 0 : i32
    %get3A_928 = arith.index_cast %get3A_926 : i32 to index
    %get3A_929 = arith.index_cast %get3A_927 : i32 to index
    %get3A_930 = arith.constant 80 : index
    %get3A_931 = tpu.vector_load %arg4[%get3A_928, %get3A_929, %get3A_930] {strides = array<i32>} : memref<8x32x128xf32, #tpu.memory_space<vmem>>, vector<1x1x16xf32>,
    %get3A_932 = vector.shape_cast %get3A_931 : vector<1x1x16xf32> to vector<16xf32>
    %get3A_933 = arith.constant 6 : i32
    %get3A_934 = arith.constant 0 : i32
    %get3A_935 = arith.index_cast %get3A_933 : i32 to index
    %get3A_936 = arith.index_cast %get3A_934 : i32 to index
    %get3A_937 = arith.constant 96 : index
    %get3A_938 = tpu.vector_load %arg4[%get3A_935, %get3A_936, %get3A_937] {strides = array<i32>} : memref<8x32x128xf32, #tpu.memory_space<vmem>>, vector<1x1x16xf32>,
    %get3A_939 = vector.shape_cast %get3A_938 : vector<1x1x16xf32> to vector<16xf32>
    %get3A_940 = arith.constant 6 : i32
    %get3A_941 = arith.constant 0 : i32
    %get3A_942 = arith.index_cast %get3A_940 : i32 to index
    %get3A_943 = arith.index_cast %get3A_941 : i32 to index
    %get3A_944 = arith.constant 112 : index
    %get3A_945 = tpu.vector_load %arg4[%get3A_942, %get3A_943, %get3A_944] {strides = array<i32>} : memref<8x32x128xf32, #tpu.memory_space<vmem>>, vector<1x1x16xf32>,
    %get3A_946 = vector.shape_cast %get3A_945 : vector<1x1x16xf32> to vector<16xf32>
    %get3A_947 = arith.constant 7 : i32
    %get3A_948 = arith.constant 0 : i32
    %get3A_949 = arith.index_cast %get3A_947 : i32 to index
    %get3A_950 = arith.index_cast %get3A_948 : i32 to index
    %get3A_951 = arith.constant 0 : index
    %get3A_952 = tpu.vector_load %arg4[%get3A_949, %get3A_950, %get3A_951] {strides = array<i32>} : memref<8x32x128xf32, #tpu.memory_space<vmem>>, vector<1x1x16xf32>,
    %get3A_953 = vector.shape_cast %get3A_952 : vector<1x1x16xf32> to vector<16xf32>
    %get3A_954 = arith.constant 7 : i32
    %get3A_955 = arith.constant 0 : i32
    %get3A_956 = arith.index_cast %get3A_954 : i32 to index
    %get3A_957 = arith.index_cast %get3A_955 : i32 to index
    %get3A_958 = arith.constant 16 : index
    %get3A_959 = tpu.vector_load %arg4[%get3A_956, %get3A_957, %get3A_958] {strides = array<i32>} : memref<8x32x128xf32, #tpu.memory_space<vmem>>, vector<1x1x16xf32>,
    %get3A_960 = vector.shape_cast %get3A_959 : vector<1x1x16xf32> to vector<16xf32>
    %get3A_961 = arith.constant 7 : i32
    %get3A_962 = arith.constant 0 : i32
    %get3A_963 = arith.index_cast %get3A_961 : i32 to index
    %get3A_964 = arith.index_cast %get3A_962 : i32 to index
    %get3A_965 = arith.constant 32 : index
    %get3A_966 = tpu.vector_load %arg4[%get3A_963, %get3A_964, %get3A_965] {strides = array<i32>} : memref<8x32x128xf32, #tpu.memory_space<vmem>>, vector<1x1x16xf32>,
    %get3A_967 = vector.shape_cast %get3A_966 : vector<1x1x16xf32> to vector<16xf32>
    %get3A_968 = arith.constant 7 : i32
    %get3A_969 = arith.constant 0 : i32
    %get3A_970 = arith.index_cast %get3A_968 : i32 to index
    %get3A_971 = arith.index_cast %get3A_969 : i32 to index
    %get3A_972 = arith.constant 48 : index
    %get3A_973 = tpu.vector_load %arg4[%get3A_970, %get3A_971, %get3A_972] {strides = array<i32>} : memref<8x32x128xf32, #tpu.memory_space<vmem>>, vector<1x1x16xf32>,
    %get3A_974 = vector.shape_cast %get3A_973 : vector<1x1x16xf32> to vector<16xf32>
    %get3A_975 = arith.constant 7 : i32
    %get3A_976 = arith.constant 0 : i32
    %get3A_977 = arith.index_cast %get3A_975 : i32 to index
    %get3A_978 = arith.index_cast %get3A_976 : i32 to index
    %get3A_979 = arith.constant 64 : index
    %get3A_980 = tpu.vector_load %arg4[%get3A_977, %get3A_978, %get3A_979] {strides = array<i32>} : memref<8x32x128xf32, #tpu.memory_space<vmem>>, vector<1x1x16xf32>,
    %get3A_981 = vector.shape_cast %get3A_980 : vector<1x1x16xf32> to vector<16xf32>
    %get3A_982 = arith.constant 7 : i32
    %get3A_983 = arith.constant 0 : i32
    %get3A_984 = arith.index_cast %get3A_982 : i32 to index
    %get3A_985 = arith.index_cast %get3A_983 : i32 to index
    %get3A_986 = arith.constant 80 : index
    %get3A_987 = tpu.vector_load %arg4[%get3A_984, %get3A_985, %get3A_986] {strides = array<i32>} : memref<8x32x128xf32, #tpu.memory_space<vmem>>, vector<1x1x16xf32>,
    %get3A_988 = vector.shape_cast %get3A_987 : vector<1x1x16xf32> to vector<16xf32>
    %get3A_989 = arith.constant 7 : i32
    %get3A_990 = arith.constant 0 : i32
    %get3A_991 = arith.index_cast %get3A_989 : i32 to index
    %get3A_992 = arith.index_cast %get3A_990 : i32 to index
    %get3A_993 = arith.constant 96 : index
    %get3A_994 = tpu.vector_load %arg4[%get3A_991, %get3A_992, %get3A_993] {strides = array<i32>} : memref<8x32x128xf32, #tpu.memory_space<vmem>>, vector<1x1x16xf32>,
    %get3A_995 = vector.shape_cast %get3A_994 : vector<1x1x16xf32> to vector<16xf32>
    %get3A_996 = arith.constant 7 : i32
    %get3A_997 = arith.constant 0 : i32
    %get3A_998 = arith.index_cast %get3A_996 : i32 to index
    %get3A_999 = arith.index_cast %get3A_997 : i32 to index
    %get3A_1000 = arith.constant 112 : index
    %get3A_1001 = tpu.vector_load %arg4[%get3A_998, %get3A_999, %get3A_1000] {strides = array<i32>} : memref<8x32x128xf32, #tpu.memory_space<vmem>>, vector<1x1x16xf32>,
    %get3A_1002 = vector.shape_cast %get3A_1001 : vector<1x1x16xf32> to vector<16xf32>
    %scan3A_1003 = arith.constant 1 : i32
    %scan3A_1004 = arith.constant 30 : i32
    %scan3A_1005 = arith.addi %scan3A_1003, %scan3A_1004 : i32
    %scan3A_1006 = arith.constant 2 : i32
    %scan3A_1007:32 = scf.for %scan3A_3072 = %scan3A_1003 to %scan3A_1005 step %scan3A_1006 iter_args(%scan3A_3073 = %get3A_785, %scan3A_3074 = %get3A_792, %scan3A_3075 = %get3A_799, %scan3A_3076 = %get3A_806, %scan3A_3077 = %get3A_813, %scan3A_3078 = %get3A_820, %scan3A_3079 = %get3A_827, %scan3A_3080 = %get3A_834, %scan3A_3081 = %get3A_841, %scan3A_3082 = %get3A_848, %scan3A_3083 = %get3A_855, %scan3A_3084 = %get3A_862, %scan3A_3085 = %get3A_869, %scan3A_3086 = %get3A_876, %scan3A_3087 = %get3A_883, %scan3A_3088 = %get3A_890, %scan3A_3089 = %get3A_897, %scan3A_3090 = %get3A_904, %scan3A_3091 = %get3A_911, %scan3A_3092 = %get3A_918, %scan3A_3093 = %get3A_925, %scan3A_3094 = %get3A_932, %scan3A_3095 = %get3A_939, %scan3A_3096 = %get3A_946, %scan3A_3097 = %get3A_953, %scan3A_3098 = %get3A_960, %scan3A_3099 = %get3A_967, %scan3A_3100 = %get3A_974, %scan3A_3101 = %get3A_981, %scan3A_3102 = %get3A_988, %scan3A_3103 = %get3A_995, %scan3A_3104 = %get3A_1002) -> (vector<16xf32>, vector<16xf32>, vector<16xf32>, vector<16xf32>, vector<16xf32>, vector<16xf32>, vector<16xf32>, vector<16xf32>, vector<16xf32>, vector<16xf32>, vector<16xf32>, vector<16xf32>, vector<16xf32>, vector<16xf32>, vector<16xf32>, vector<16xf32>, vector<16xf32>, vector<16xf32>, vector<16xf32>, vector<16xf32>, vector<16xf32>, vector<16xf32>, vector<16xf32>, vector<16xf32>, vector<16xf32>, vector<16xf32>, vector<16xf32>, vector<16xf32>, vector<16xf32>, vector<16xf32>, vector<16xf32>, vector<16xf32>)  : i32 {
      %get3A_3105 = arith.constant 4 : i32
      %get3A_3106 = arith.index_cast %get3A_3105 : i32 to index
      %get3A_3107 = arith.index_cast %scan3A_3072 : i32 to index
      %get3A_3108 = arith.constant 0 : index
      %get3A_3109 = tpu.vector_load %arg4[%get3A_3106, %get3A_3107, %get3A_3108] {strides = array<i32>} : memref<8x32x128xf32, #tpu.memory_space<vmem>>, vector<1x1x16xf32>,
      %get3A_3110 = vector.shape_cast %get3A_3109 : vector<1x1x16xf32> to vector<16xf32>
      %add3A_3111 = arith.addf %scan3A_3073, %get3A_3110 : vector<16xf32>
      %get3A_3112 = arith.constant 4 : i32
      %get3A_3113 = arith.index_cast %get3A_3112 : i32 to index
      %get3A_3114 = arith.index_cast %scan3A_3072 : i32 to index
      %get3A_3115 = arith.constant 16 : index
      %get3A_3116 = tpu.vector_load %arg4[%get3A_3113, %get3A_3114, %get3A_3115] {strides = array<i32>} : memref<8x32x128xf32, #tpu.memory_space<vmem>>, vector<1x1x16xf32>,
      %get3A_3117 = vector.shape_cast %get3A_3116 : vector<1x1x16xf32> to vector<16xf32>
      %add3A_3118 = arith.addf %scan3A_3074, %get3A_3117 : vector<16xf32>
      %get3A_3119 = arith.constant 4 : i32
      %get3A_3120 = arith.index_cast %get3A_3119 : i32 to index
      %get3A_3121 = arith.index_cast %scan3A_3072 : i32 to index
      %get3A_3122 = arith.constant 32 : index
      %get3A_3123 = tpu.vector_load %arg4[%get3A_3120, %get3A_3121, %get3A_3122] {strides = array<i32>} : memref<8x32x128xf32, #tpu.memory_space<vmem>>, vector<1x1x16xf32>,
      %get3A_3124 = vector.shape_cast %get3A_3123 : vector<1x1x16xf32> to vector<16xf32>
      %add3A_3125 = arith.addf %scan3A_3075, %get3A_3124 : vector<16xf32>
      %get3A_3126 = arith.constant 4 : i32
      %get3A_3127 = arith.index_cast %get3A_3126 : i32 to index
      %get3A_3128 = arith.index_cast %scan3A_3072 : i32 to index
      %get3A_3129 = arith.constant 48 : index
      %get3A_3130 = tpu.vector_load %arg4[%get3A_3127, %get3A_3128, %get3A_3129] {strides = array<i32>} : memref<8x32x128xf32, #tpu.memory_space<vmem>>, vector<1x1x16xf32>,
      %get3A_3131 = vector.shape_cast %get3A_3130 : vector<1x1x16xf32> to vector<16xf32>
      %add3A_3132 = arith.addf %scan3A_3076, %get3A_3131 : vector<16xf32>
      %get3A_3133 = arith.constant 4 : i32
      %get3A_3134 = arith.index_cast %get3A_3133 : i32 to index
      %get3A_3135 = arith.index_cast %scan3A_3072 : i32 to index
      %get3A_3136 = arith.constant 64 : index
      %get3A_3137 = tpu.vector_load %arg4[%get3A_3134, %get3A_3135, %get3A_3136] {strides = array<i32>} : memref<8x32x128xf32, #tpu.memory_space<vmem>>, vector<1x1x16xf32>,
      %get3A_3138 = vector.shape_cast %get3A_3137 : vector<1x1x16xf32> to vector<16xf32>
      %add3A_3139 = arith.addf %scan3A_3077, %get3A_3138 : vector<16xf32>
      %get3A_3140 = arith.constant 4 : i32
      %get3A_3141 = arith.index_cast %get3A_3140 : i32 to index
      %get3A_3142 = arith.index_cast %scan3A_3072 : i32 to index
      %get3A_3143 = arith.constant 80 : index
      %get3A_3144 = tpu.vector_load %arg4[%get3A_3141, %get3A_3142, %get3A_3143] {strides = array<i32>} : memref<8x32x128xf32, #tpu.memory_space<vmem>>, vector<1x1x16xf32>,
      %get3A_3145 = vector.shape_cast %get3A_3144 : vector<1x1x16xf32> to vector<16xf32>
      %add3A_3146 = arith.addf %scan3A_3078, %get3A_3145 : vector<16xf32>
      %get3A_3147 = arith.constant 4 : i32
      %get3A_3148 = arith.index_cast %get3A_3147 : i32 to index
      %get3A_3149 = arith.index_cast %scan3A_3072 : i32 to index
      %get3A_3150 = arith.constant 96 : index
      %get3A_3151 = tpu.vector_load %arg4[%get3A_3148, %get3A_3149, %get3A_3150] {strides = array<i32>} : memref<8x32x128xf32, #tpu.memory_space<vmem>>, vector<1x1x16xf32>,
      %get3A_3152 = vector.shape_cast %get3A_3151 : vector<1x1x16xf32> to vector<16xf32>
      %add3A_3153 = arith.addf %scan3A_3079, %get3A_3152 : vector<16xf32>
      %get3A_3154 = arith.constant 4 : i32
      %get3A_3155 = arith.index_cast %get3A_3154 : i32 to index
      %get3A_3156 = arith.index_cast %scan3A_3072 : i32 to index
      %get3A_3157 = arith.constant 112 : index
      %get3A_3158 = tpu.vector_load %arg4[%get3A_3155, %get3A_3156, %get3A_3157] {strides = array<i32>} : memref<8x32x128xf32, #tpu.memory_space<vmem>>, vector<1x1x16xf32>,
      %get3A_3159 = vector.shape_cast %get3A_3158 : vector<1x1x16xf32> to vector<16xf32>
      %add3A_3160 = arith.addf %scan3A_3080, %get3A_3159 : vector<16xf32>
      %get3A_3161 = arith.constant 5 : i32
      %get3A_3162 = arith.index_cast %get3A_3161 : i32 to index
      %get3A_3163 = arith.index_cast %scan3A_3072 : i32 to index
      %get3A_3164 = arith.constant 0 : index
      %get3A_3165 = tpu.vector_load %arg4[%get3A_3162, %get3A_3163, %get3A_3164] {strides = array<i32>} : memref<8x32x128xf32, #tpu.memory_space<vmem>>, vector<1x1x16xf32>,
      %get3A_3166 = vector.shape_cast %get3A_3165 : vector<1x1x16xf32> to vector<16xf32>
      %add3A_3167 = arith.addf %scan3A_3081, %get3A_3166 : vector<16xf32>
      %get3A_3168 = arith.constant 5 : i32
      %get3A_3169 = arith.index_cast %get3A_3168 : i32 to index
      %get3A_3170 = arith.index_cast %scan3A_3072 : i32 to index
      %get3A_3171 = arith.constant 16 : index
      %get3A_3172 = tpu.vector_load %arg4[%get3A_3169, %get3A_3170, %get3A_3171] {strides = array<i32>} : memref<8x32x128xf32, #tpu.memory_space<vmem>>, vector<1x1x16xf32>,
      %get3A_3173 = vector.shape_cast %get3A_3172 : vector<1x1x16xf32> to vector<16xf32>
      %add3A_3174 = arith.addf %scan3A_3082, %get3A_3173 : vector<16xf32>
      %get3A_3175 = arith.constant 5 : i32
      %get3A_3176 = arith.index_cast %get3A_3175 : i32 to index
      %get3A_3177 = arith.index_cast %scan3A_3072 : i32 to index
      %get3A_3178 = arith.constant 32 : index
      %get3A_3179 = tpu.vector_load %arg4[%get3A_3176, %get3A_3177, %get3A_3178] {strides = array<i32>} : memref<8x32x128xf32, #tpu.memory_space<vmem>>, vector<1x1x16xf32>,
      %get3A_3180 = vector.shape_cast %get3A_3179 : vector<1x1x16xf32> to vector<16xf32>
      %add3A_3181 = arith.addf %scan3A_3083, %get3A_3180 : vector<16xf32>
      %get3A_3182 = arith.constant 5 : i32
      %get3A_3183 = arith.index_cast %get3A_3182 : i32 to index
      %get3A_3184 = arith.index_cast %scan3A_3072 : i32 to index
      %get3A_3185 = arith.constant 48 : index
      %get3A_3186 = tpu.vector_load %arg4[%get3A_3183, %get3A_3184, %get3A_3185] {strides = array<i32>} : memref<8x32x128xf32, #tpu.memory_space<vmem>>, vector<1x1x16xf32>,
      %get3A_3187 = vector.shape_cast %get3A_3186 : vector<1x1x16xf32> to vector<16xf32>
      %add3A_3188 = arith.addf %scan3A_3084, %get3A_3187 : vector<16xf32>
      %get3A_3189 = arith.constant 5 : i32
      %get3A_3190 = arith.index_cast %get3A_3189 : i32 to index
      %get3A_3191 = arith.index_cast %scan3A_3072 : i32 to index
      %get3A_3192 = arith.constant 64 : index
      %get3A_3193 = tpu.vector_load %arg4[%get3A_3190, %get3A_3191, %get3A_3192] {strides = array<i32>} : memref<8x32x128xf32, #tpu.memory_space<vmem>>, vector<1x1x16xf32>,
      %get3A_3194 = vector.shape_cast %get3A_3193 : vector<1x1x16xf32> to vector<16xf32>
      %add3A_3195 = arith.addf %scan3A_3085, %get3A_3194 : vector<16xf32>
      %get3A_3196 = arith.constant 5 : i32
      %get3A_3197 = arith.index_cast %get3A_3196 : i32 to index
      %get3A_3198 = arith.index_cast %scan3A_3072 : i32 to index
      %get3A_3199 = arith.constant 80 : index
      %get3A_3200 = tpu.vector_load %arg4[%get3A_3197, %get3A_3198, %get3A_3199] {strides = array<i32>} : memref<8x32x128xf32, #tpu.memory_space<vmem>>, vector<1x1x16xf32>,
      %get3A_3201 = vector.shape_cast %get3A_3200 : vector<1x1x16xf32> to vector<16xf32>
      %add3A_3202 = arith.addf %scan3A_3086, %get3A_3201 : vector<16xf32>
      %get3A_3203 = arith.constant 5 : i32
      %get3A_3204 = arith.index_cast %get3A_3203 : i32 to index
      %get3A_3205 = arith.index_cast %scan3A_3072 : i32 to index
      %get3A_3206 = arith.constant 96 : index
      %get3A_3207 = tpu.vector_load %arg4[%get3A_3204, %get3A_3205, %get3A_3206] {strides = array<i32>} : memref<8x32x128xf32, #tpu.memory_space<vmem>>, vector<1x1x16xf32>,
      %get3A_3208 = vector.shape_cast %get3A_3207 : vector<1x1x16xf32> to vector<16xf32>
      %add3A_3209 = arith.addf %scan3A_3087, %get3A_3208 : vector<16xf32>
      %get3A_3210 = arith.constant 5 : i32
      %get3A_3211 = arith.index_cast %get3A_3210 : i32 to index
      %get3A_3212 = arith.index_cast %scan3A_3072 : i32 to index
      %get3A_3213 = arith.constant 112 : index
      %get3A_3214 = tpu.vector_load %arg4[%get3A_3211, %get3A_3212, %get3A_3213] {strides = array<i32>} : memref<8x32x128xf32, #tpu.memory_space<vmem>>, vector<1x1x16xf32>,
      %get3A_3215 = vector.shape_cast %get3A_3214 : vector<1x1x16xf32> to vector<16xf32>
      %add3A_3216 = arith.addf %scan3A_3088, %get3A_3215 : vector<16xf32>
      %get3A_3217 = arith.constant 6 : i32
      %get3A_3218 = arith.index_cast %get3A_3217 : i32 to index
      %get3A_3219 = arith.index_cast %scan3A_3072 : i32 to index
      %get3A_3220 = arith.constant 0 : index
      %get3A_3221 = tpu.vector_load %arg4[%get3A_3218, %get3A_3219, %get3A_3220] {strides = array<i32>} : memref<8x32x128xf32, #tpu.memory_space<vmem>>, vector<1x1x16xf32>,
      %get3A_3222 = vector.shape_cast %get3A_3221 : vector<1x1x16xf32> to vector<16xf32>
      %add3A_3223 = arith.addf %scan3A_3089, %get3A_3222 : vector<16xf32>
      %get3A_3224 = arith.constant 6 : i32
      %get3A_3225 = arith.index_cast %get3A_3224 : i32 to index
      %get3A_3226 = arith.index_cast %scan3A_3072 : i32 to index
      %get3A_3227 = arith.constant 16 : index
      %get3A_3228 = tpu.vector_load %arg4[%get3A_3225, %get3A_3226, %get3A_3227] {strides = array<i32>} : memref<8x32x128xf32, #tpu.memory_space<vmem>>, vector<1x1x16xf32>,
      %get3A_3229 = vector.shape_cast %get3A_3228 : vector<1x1x16xf32> to vector<16xf32>
      %add3A_3230 = arith.addf %scan3A_3090, %get3A_3229 : vector<16xf32>
      %get3A_3231 = arith.constant 6 : i32
      %get3A_3232 = arith.index_cast %get3A_3231 : i32 to index
      %get3A_3233 = arith.index_cast %scan3A_3072 : i32 to index
      %get3A_3234 = arith.constant 32 : index
      %get3A_3235 = tpu.vector_load %arg4[%get3A_3232, %get3A_3233, %get3A_3234] {strides = array<i32>} : memref<8x32x128xf32, #tpu.memory_space<vmem>>, vector<1x1x16xf32>,
      %get3A_3236 = vector.shape_cast %get3A_3235 : vector<1x1x16xf32> to vector<16xf32>
      %add3A_3237 = arith.addf %scan3A_3091, %get3A_3236 : vector<16xf32>
      %get3A_3238 = arith.constant 6 : i32
      %get3A_3239 = arith.index_cast %get3A_3238 : i32 to index
      %get3A_3240 = arith.index_cast %scan3A_3072 : i32 to index
      %get3A_3241 = arith.constant 48 : index
      %get3A_3242 = tpu.vector_load %arg4[%get3A_3239, %get3A_3240, %get3A_3241] {strides = array<i32>} : memref<8x32x128xf32, #tpu.memory_space<vmem>>, vector<1x1x16xf32>,
      %get3A_3243 = vector.shape_cast %get3A_3242 : vector<1x1x16xf32> to vector<16xf32>
      %add3A_3244 = arith.addf %scan3A_3092, %get3A_3243 : vector<16xf32>
      %get3A_3245 = arith.constant 6 : i32
      %get3A_3246 = arith.index_cast %get3A_3245 : i32 to index
      %get3A_3247 = arith.index_cast %scan3A_3072 : i32 to index
      %get3A_3248 = arith.constant 64 : index
      %get3A_3249 = tpu.vector_load %arg4[%get3A_3246, %get3A_3247, %get3A_3248] {strides = array<i32>} : memref<8x32x128xf32, #tpu.memory_space<vmem>>, vector<1x1x16xf32>,
      %get3A_3250 = vector.shape_cast %get3A_3249 : vector<1x1x16xf32> to vector<16xf32>
      %add3A_3251 = arith.addf %scan3A_3093, %get3A_3250 : vector<16xf32>
      %get3A_3252 = arith.constant 6 : i32
      %get3A_3253 = arith.index_cast %get3A_3252 : i32 to index
      %get3A_3254 = arith.index_cast %scan3A_3072 : i32 to index
      %get3A_3255 = arith.constant 80 : index
      %get3A_3256 = tpu.vector_load %arg4[%get3A_3253, %get3A_3254, %get3A_3255] {strides = array<i32>} : memref<8x32x128xf32, #tpu.memory_space<vmem>>, vector<1x1x16xf32>,
      %get3A_3257 = vector.shape_cast %get3A_3256 : vector<1x1x16xf32> to vector<16xf32>
      %add3A_3258 = arith.addf %scan3A_3094, %get3A_3257 : vector<16xf32>
      %get3A_3259 = arith.constant 6 : i32
      %get3A_3260 = arith.index_cast %get3A_3259 : i32 to index
      %get3A_3261 = arith.index_cast %scan3A_3072 : i32 to index
      %get3A_3262 = arith.constant 96 : index
      %get3A_3263 = tpu.vector_load %arg4[%get3A_3260, %get3A_3261, %get3A_3262] {strides = array<i32>} : memref<8x32x128xf32, #tpu.memory_space<vmem>>, vector<1x1x16xf32>,
      %get3A_3264 = vector.shape_cast %get3A_3263 : vector<1x1x16xf32> to vector<16xf32>
      %add3A_3265 = arith.addf %scan3A_3095, %get3A_3264 : vector<16xf32>
      %get3A_3266 = arith.constant 6 : i32
      %get3A_3267 = arith.index_cast %get3A_3266 : i32 to index
      %get3A_3268 = arith.index_cast %scan3A_3072 : i32 to index
      %get3A_3269 = arith.constant 112 : index
      %get3A_3270 = tpu.vector_load %arg4[%get3A_3267, %get3A_3268, %get3A_3269] {strides = array<i32>} : memref<8x32x128xf32, #tpu.memory_space<vmem>>, vector<1x1x16xf32>,
      %get3A_3271 = vector.shape_cast %get3A_3270 : vector<1x1x16xf32> to vector<16xf32>
      %add3A_3272 = arith.addf %scan3A_3096, %get3A_3271 : vector<16xf32>
      %get3A_3273 = arith.constant 7 : i32
      %get3A_3274 = arith.index_cast %get3A_3273 : i32 to index
      %get3A_3275 = arith.index_cast %scan3A_3072 : i32 to index
      %get3A_3276 = arith.constant 0 : index
      %get3A_3277 = tpu.vector_load %arg4[%get3A_3274, %get3A_3275, %get3A_3276] {strides = array<i32>} : memref<8x32x128xf32, #tpu.memory_space<vmem>>, vector<1x1x16xf32>,
      %get3A_3278 = vector.shape_cast %get3A_3277 : vector<1x1x16xf32> to vector<16xf32>
      %add3A_3279 = arith.addf %scan3A_3097, %get3A_3278 : vector<16xf32>
      %get3A_3280 = arith.constant 7 : i32
      %get3A_3281 = arith.index_cast %get3A_3280 : i32 to index
      %get3A_3282 = arith.index_cast %scan3A_3072 : i32 to index
      %get3A_3283 = arith.constant 16 : index
      %get3A_3284 = tpu.vector_load %arg4[%get3A_3281, %get3A_3282, %get3A_3283] {strides = array<i32>} : memref<8x32x128xf32, #tpu.memory_space<vmem>>, vector<1x1x16xf32>,
      %get3A_3285 = vector.shape_cast %get3A_3284 : vector<1x1x16xf32> to vector<16xf32>
      %add3A_3286 = arith.addf %scan3A_3098, %get3A_3285 : vector<16xf32>
      %get3A_3287 = arith.constant 7 : i32
      %get3A_3288 = arith.index_cast %get3A_3287 : i32 to index
      %get3A_3289 = arith.index_cast %scan3A_3072 : i32 to index
      %get3A_3290 = arith.constant 32 : index
      %get3A_3291 = tpu.vector_load %arg4[%get3A_3288, %get3A_3289, %get3A_3290] {strides = array<i32>} : memref<8x32x128xf32, #tpu.memory_space<vmem>>, vector<1x1x16xf32>,
      %get3A_3292 = vector.shape_cast %get3A_3291 : vector<1x1x16xf32> to vector<16xf32>
      %add3A_3293 = arith.addf %scan3A_3099, %get3A_3292 : vector<16xf32>
      %get3A_3294 = arith.constant 7 : i32
      %get3A_3295 = arith.index_cast %get3A_3294 : i32 to index
      %get3A_3296 = arith.index_cast %scan3A_3072 : i32 to index
      %get3A_3297 = arith.constant 48 : index
      %get3A_3298 = tpu.vector_load %arg4[%get3A_3295, %get3A_3296, %get3A_3297] {strides = array<i32>} : memref<8x32x128xf32, #tpu.memory_space<vmem>>, vector<1x1x16xf32>,
      %get3A_3299 = vector.shape_cast %get3A_3298 : vector<1x1x16xf32> to vector<16xf32>
      %add3A_3300 = arith.addf %scan3A_3100, %get3A_3299 : vector<16xf32>
      %get3A_3301 = arith.constant 7 : i32
      %get3A_3302 = arith.index_cast %get3A_3301 : i32 to index
      %get3A_3303 = arith.index_cast %scan3A_3072 : i32 to index
      %get3A_3304 = arith.constant 64 : index
      %get3A_3305 = tpu.vector_load %arg4[%get3A_3302, %get3A_3303, %get3A_3304] {strides = array<i32>} : memref<8x32x128xf32, #tpu.memory_space<vmem>>, vector<1x1x16xf32>,
      %get3A_3306 = vector.shape_cast %get3A_3305 : vector<1x1x16xf32> to vector<16xf32>
      %add3A_3307 = arith.addf %scan3A_3101, %get3A_3306 : vector<16xf32>
      %get3A_3308 = arith.constant 7 : i32
      %get3A_3309 = arith.index_cast %get3A_3308 : i32 to index
      %get3A_3310 = arith.index_cast %scan3A_3072 : i32 to index
      %get3A_3311 = arith.constant 80 : index
      %get3A_3312 = tpu.vector_load %arg4[%get3A_3309, %get3A_3310, %get3A_3311] {strides = array<i32>} : memref<8x32x128xf32, #tpu.memory_space<vmem>>, vector<1x1x16xf32>,
      %get3A_3313 = vector.shape_cast %get3A_3312 : vector<1x1x16xf32> to vector<16xf32>
      %add3A_3314 = arith.addf %scan3A_3102, %get3A_3313 : vector<16xf32>
      %get3A_3315 = arith.constant 7 : i32
      %get3A_3316 = arith.index_cast %get3A_3315 : i32 to index
      %get3A_3317 = arith.index_cast %scan3A_3072 : i32 to index
      %get3A_3318 = arith.constant 96 : index
      %get3A_3319 = tpu.vector_load %arg4[%get3A_3316, %get3A_3317, %get3A_3318] {strides = array<i32>} : memref<8x32x128xf32, #tpu.memory_space<vmem>>, vector<1x1x16xf32>,
      %get3A_3320 = vector.shape_cast %get3A_3319 : vector<1x1x16xf32> to vector<16xf32>
      %add3A_3321 = arith.addf %scan3A_3103, %get3A_3320 : vector<16xf32>
      %get3A_3322 = arith.constant 7 : i32
      %get3A_3323 = arith.index_cast %get3A_3322 : i32 to index
      %get3A_3324 = arith.index_cast %scan3A_3072 : i32 to index
      %get3A_3325 = arith.constant 112 : index
      %get3A_3326 = tpu.vector_load %arg4[%get3A_3323, %get3A_3324, %get3A_3325] {strides = array<i32>} : memref<8x32x128xf32, #tpu.memory_space<vmem>>, vector<1x1x16xf32>,
      %get3A_3327 = vector.shape_cast %get3A_3326 : vector<1x1x16xf32> to vector<16xf32>
      %add3A_3328 = arith.addf %scan3A_3104, %get3A_3327 : vector<16xf32>
      %scan3A_3329 = arith.constant 1 : i32
      %scan3A_3330 = arith.addi %scan3A_3072, %scan3A_3329 : i32
      %get3A_3331 = arith.constant 4 : i32
      %get3A_3332 = arith.index_cast %get3A_3331 : i32 to index
      %get3A_3333 = arith.index_cast %scan3A_3330 : i32 to index
      %get3A_3334 = arith.constant 0 : index
      %get3A_3335 = tpu.vector_load %arg4[%get3A_3332, %get3A_3333, %get3A_3334] {strides = array<i32>} : memref<8x32x128xf32, #tpu.memory_space<vmem>>, vector<1x1x16xf32>,
      %get3A_3336 = vector.shape_cast %get3A_3335 : vector<1x1x16xf32> to vector<16xf32>
      %add3A_3337 = arith.addf %add3A_3111, %get3A_3336 : vector<16xf32>
      %get3A_3338 = arith.constant 4 : i32
      %get3A_3339 = arith.index_cast %get3A_3338 : i32 to index
      %get3A_3340 = arith.index_cast %scan3A_3330 : i32 to index
      %get3A_3341 = arith.constant 16 : index
      %get3A_3342 = tpu.vector_load %arg4[%get3A_3339, %get3A_3340, %get3A_3341] {strides = array<i32>} : memref<8x32x128xf32, #tpu.memory_space<vmem>>, vector<1x1x16xf32>,
      %get3A_3343 = vector.shape_cast %get3A_3342 : vector<1x1x16xf32> to vector<16xf32>
      %add3A_3344 = arith.addf %add3A_3118, %get3A_3343 : vector<16xf32>
      %get3A_3345 = arith.constant 4 : i32
      %get3A_3346 = arith.index_cast %get3A_3345 : i32 to index
      %get3A_3347 = arith.index_cast %scan3A_3330 : i32 to index
      %get3A_3348 = arith.constant 32 : index
      %get3A_3349 = tpu.vector_load %arg4[%get3A_3346, %get3A_3347, %get3A_3348] {strides = array<i32>} : memref<8x32x128xf32, #tpu.memory_space<vmem>>, vector<1x1x16xf32>,
      %get3A_3350 = vector.shape_cast %get3A_3349 : vector<1x1x16xf32> to vector<16xf32>
      %add3A_3351 = arith.addf %add3A_3125, %get3A_3350 : vector<16xf32>
      %get3A_3352 = arith.constant 4 : i32
      %get3A_3353 = arith.index_cast %get3A_3352 : i32 to index
      %get3A_3354 = arith.index_cast %scan3A_3330 : i32 to index
      %get3A_3355 = arith.constant 48 : index
      %get3A_3356 = tpu.vector_load %arg4[%get3A_3353, %get3A_3354, %get3A_3355] {strides = array<i32>} : memref<8x32x128xf32, #tpu.memory_space<vmem>>, vector<1x1x16xf32>,
      %get3A_3357 = vector.shape_cast %get3A_3356 : vector<1x1x16xf32> to vector<16xf32>
      %add3A_3358 = arith.addf %add3A_3132, %get3A_3357 : vector<16xf32>
      %get3A_3359 = arith.constant 4 : i32
      %get3A_3360 = arith.index_cast %get3A_3359 : i32 to index
      %get3A_3361 = arith.index_cast %scan3A_3330 : i32 to index
      %get3A_3362 = arith.constant 64 : index
      %get3A_3363 = tpu.vector_load %arg4[%get3A_3360, %get3A_3361, %get3A_3362] {strides = array<i32>} : memref<8x32x128xf32, #tpu.memory_space<vmem>>, vector<1x1x16xf32>,
      %get3A_3364 = vector.shape_cast %get3A_3363 : vector<1x1x16xf32> to vector<16xf32>
      %add3A_3365 = arith.addf %add3A_3139, %get3A_3364 : vector<16xf32>
      %get3A_3366 = arith.constant 4 : i32
      %get3A_3367 = arith.index_cast %get3A_3366 : i32 to index
      %get3A_3368 = arith.index_cast %scan3A_3330 : i32 to index
      %get3A_3369 = arith.constant 80 : index
      %get3A_3370 = tpu.vector_load %arg4[%get3A_3367, %get3A_3368, %get3A_3369] {strides = array<i32>} : memref<8x32x128xf32, #tpu.memory_space<vmem>>, vector<1x1x16xf32>,
      %get3A_3371 = vector.shape_cast %get3A_3370 : vector<1x1x16xf32> to vector<16xf32>
      %add3A_3372 = arith.addf %add3A_3146, %get3A_3371 : vector<16xf32>
      %get3A_3373 = arith.constant 4 : i32
      %get3A_3374 = arith.index_cast %get3A_3373 : i32 to index
      %get3A_3375 = arith.index_cast %scan3A_3330 : i32 to index
      %get3A_3376 = arith.constant 96 : index
      %get3A_3377 = tpu.vector_load %arg4[%get3A_3374, %get3A_3375, %get3A_3376] {strides = array<i32>} : memref<8x32x128xf32, #tpu.memory_space<vmem>>, vector<1x1x16xf32>,
      %get3A_3378 = vector.shape_cast %get3A_3377 : vector<1x1x16xf32> to vector<16xf32>
      %add3A_3379 = arith.addf %add3A_3153, %get3A_3378 : vector<16xf32>
      %get3A_3380 = arith.constant 4 : i32
      %get3A_3381 = arith.index_cast %get3A_3380 : i32 to index
      %get3A_3382 = arith.index_cast %scan3A_3330 : i32 to index
      %get3A_3383 = arith.constant 112 : index
      %get3A_3384 = tpu.vector_load %arg4[%get3A_3381, %get3A_3382, %get3A_3383] {strides = array<i32>} : memref<8x32x128xf32, #tpu.memory_space<vmem>>, vector<1x1x16xf32>,
      %get3A_3385 = vector.shape_cast %get3A_3384 : vector<1x1x16xf32> to vector<16xf32>
      %add3A_3386 = arith.addf %add3A_3160, %get3A_3385 : vector<16xf32>
      %get3A_3387 = arith.constant 5 : i32
      %get3A_3388 = arith.index_cast %get3A_3387 : i32 to index
      %get3A_3389 = arith.index_cast %scan3A_3330 : i32 to index
      %get3A_3390 = arith.constant 0 : index
      %get3A_3391 = tpu.vector_load %arg4[%get3A_3388, %get3A_3389, %get3A_3390] {strides = array<i32>} : memref<8x32x128xf32, #tpu.memory_space<vmem>>, vector<1x1x16xf32>,
      %get3A_3392 = vector.shape_cast %get3A_3391 : vector<1x1x16xf32> to vector<16xf32>
      %add3A_3393 = arith.addf %add3A_3167, %get3A_3392 : vector<16xf32>
      %get3A_3394 = arith.constant 5 : i32
      %get3A_3395 = arith.index_cast %get3A_3394 : i32 to index
      %get3A_3396 = arith.index_cast %scan3A_3330 : i32 to index
      %get3A_3397 = arith.constant 16 : index
      %get3A_3398 = tpu.vector_load %arg4[%get3A_3395, %get3A_3396, %get3A_3397] {strides = array<i32>} : memref<8x32x128xf32, #tpu.memory_space<vmem>>, vector<1x1x16xf32>,
      %get3A_3399 = vector.shape_cast %get3A_3398 : vector<1x1x16xf32> to vector<16xf32>
      %add3A_3400 = arith.addf %add3A_3174, %get3A_3399 : vector<16xf32>
      %get3A_3401 = arith.constant 5 : i32
      %get3A_3402 = arith.index_cast %get3A_3401 : i32 to index
      %get3A_3403 = arith.index_cast %scan3A_3330 : i32 to index
      %get3A_3404 = arith.constant 32 : index
      %get3A_3405 = tpu.vector_load %arg4[%get3A_3402, %get3A_3403, %get3A_3404] {strides = array<i32>} : memref<8x32x128xf32, #tpu.memory_space<vmem>>, vector<1x1x16xf32>,
      %get3A_3406 = vector.shape_cast %get3A_3405 : vector<1x1x16xf32> to vector<16xf32>
      %add3A_3407 = arith.addf %add3A_3181, %get3A_3406 : vector<16xf32>
      %get3A_3408 = arith.constant 5 : i32
      %get3A_3409 = arith.index_cast %get3A_3408 : i32 to index
      %get3A_3410 = arith.index_cast %scan3A_3330 : i32 to index
      %get3A_3411 = arith.constant 48 : index
      %get3A_3412 = tpu.vector_load %arg4[%get3A_3409, %get3A_3410, %get3A_3411] {strides = array<i32>} : memref<8x32x128xf32, #tpu.memory_space<vmem>>, vector<1x1x16xf32>,
      %get3A_3413 = vector.shape_cast %get3A_3412 : vector<1x1x16xf32> to vector<16xf32>
      %add3A_3414 = arith.addf %add3A_3188, %get3A_3413 : vector<16xf32>
      %get3A_3415 = arith.constant 5 : i32
      %get3A_3416 = arith.index_cast %get3A_3415 : i32 to index
      %get3A_3417 = arith.index_cast %scan3A_3330 : i32 to index
      %get3A_3418 = arith.constant 64 : index
      %get3A_3419 = tpu.vector_load %arg4[%get3A_3416, %get3A_3417, %get3A_3418] {strides = array<i32>} : memref<8x32x128xf32, #tpu.memory_space<vmem>>, vector<1x1x16xf32>,
      %get3A_3420 = vector.shape_cast %get3A_3419 : vector<1x1x16xf32> to vector<16xf32>
      %add3A_3421 = arith.addf %add3A_3195, %get3A_3420 : vector<16xf32>
      %get3A_3422 = arith.constant 5 : i32
      %get3A_3423 = arith.index_cast %get3A_3422 : i32 to index
      %get3A_3424 = arith.index_cast %scan3A_3330 : i32 to index
      %get3A_3425 = arith.constant 80 : index
      %get3A_3426 = tpu.vector_load %arg4[%get3A_3423, %get3A_3424, %get3A_3425] {strides = array<i32>} : memref<8x32x128xf32, #tpu.memory_space<vmem>>, vector<1x1x16xf32>,
      %get3A_3427 = vector.shape_cast %get3A_3426 : vector<1x1x16xf32> to vector<16xf32>
      %add3A_3428 = arith.addf %add3A_3202, %get3A_3427 : vector<16xf32>
      %get3A_3429 = arith.constant 5 : i32
      %get3A_3430 = arith.index_cast %get3A_3429 : i32 to index
      %get3A_3431 = arith.index_cast %scan3A_3330 : i32 to index
      %get3A_3432 = arith.constant 96 : index
      %get3A_3433 = tpu.vector_load %arg4[%get3A_3430, %get3A_3431, %get3A_3432] {strides = array<i32>} : memref<8x32x128xf32, #tpu.memory_space<vmem>>, vector<1x1x16xf32>,
      %get3A_3434 = vector.shape_cast %get3A_3433 : vector<1x1x16xf32> to vector<16xf32>
      %add3A_3435 = arith.addf %add3A_3209, %get3A_3434 : vector<16xf32>
      %get3A_3436 = arith.constant 5 : i32
      %get3A_3437 = arith.index_cast %get3A_3436 : i32 to index
      %get3A_3438 = arith.index_cast %scan3A_3330 : i32 to index
      %get3A_3439 = arith.constant 112 : index
      %get3A_3440 = tpu.vector_load %arg4[%get3A_3437, %get3A_3438, %get3A_3439] {strides = array<i32>} : memref<8x32x128xf32, #tpu.memory_space<vmem>>, vector<1x1x16xf32>,
      %get3A_3441 = vector.shape_cast %get3A_3440 : vector<1x1x16xf32> to vector<16xf32>
      %add3A_3442 = arith.addf %add3A_3216, %get3A_3441 : vector<16xf32>
      %get3A_3443 = arith.constant 6 : i32
      %get3A_3444 = arith.index_cast %get3A_3443 : i32 to index
      %get3A_3445 = arith.index_cast %scan3A_3330 : i32 to index
      %get3A_3446 = arith.constant 0 : index
      %get3A_3447 = tpu.vector_load %arg4[%get3A_3444, %get3A_3445, %get3A_3446] {strides = array<i32>} : memref<8x32x128xf32, #tpu.memory_space<vmem>>, vector<1x1x16xf32>,
      %get3A_3448 = vector.shape_cast %get3A_3447 : vector<1x1x16xf32> to vector<16xf32>
      %add3A_3449 = arith.addf %add3A_3223, %get3A_3448 : vector<16xf32>
      %get3A_3450 = arith.constant 6 : i32
      %get3A_3451 = arith.index_cast %get3A_3450 : i32 to index
      %get3A_3452 = arith.index_cast %scan3A_3330 : i32 to index
      %get3A_3453 = arith.constant 16 : index
      %get3A_3454 = tpu.vector_load %arg4[%get3A_3451, %get3A_3452, %get3A_3453] {strides = array<i32>} : memref<8x32x128xf32, #tpu.memory_space<vmem>>, vector<1x1x16xf32>,
      %get3A_3455 = vector.shape_cast %get3A_3454 : vector<1x1x16xf32> to vector<16xf32>
      %add3A_3456 = arith.addf %add3A_3230, %get3A_3455 : vector<16xf32>
      %get3A_3457 = arith.constant 6 : i32
      %get3A_3458 = arith.index_cast %get3A_3457 : i32 to index
      %get3A_3459 = arith.index_cast %scan3A_3330 : i32 to index
      %get3A_3460 = arith.constant 32 : index
      %get3A_3461 = tpu.vector_load %arg4[%get3A_3458, %get3A_3459, %get3A_3460] {strides = array<i32>} : memref<8x32x128xf32, #tpu.memory_space<vmem>>, vector<1x1x16xf32>,
      %get3A_3462 = vector.shape_cast %get3A_3461 : vector<1x1x16xf32> to vector<16xf32>
      %add3A_3463 = arith.addf %add3A_3237, %get3A_3462 : vector<16xf32>
      %get3A_3464 = arith.constant 6 : i32
      %get3A_3465 = arith.index_cast %get3A_3464 : i32 to index
      %get3A_3466 = arith.index_cast %scan3A_3330 : i32 to index
      %get3A_3467 = arith.constant 48 : index
      %get3A_3468 = tpu.vector_load %arg4[%get3A_3465, %get3A_3466, %get3A_3467] {strides = array<i32>} : memref<8x32x128xf32, #tpu.memory_space<vmem>>, vector<1x1x16xf32>,
      %get3A_3469 = vector.shape_cast %get3A_3468 : vector<1x1x16xf32> to vector<16xf32>
      %add3A_3470 = arith.addf %add3A_3244, %get3A_3469 : vector<16xf32>
      %get3A_3471 = arith.constant 6 : i32
      %get3A_3472 = arith.index_cast %get3A_3471 : i32 to index
      %get3A_3473 = arith.index_cast %scan3A_3330 : i32 to index
      %get3A_3474 = arith.constant 64 : index
      %get3A_3475 = tpu.vector_load %arg4[%get3A_3472, %get3A_3473, %get3A_3474] {strides = array<i32>} : memref<8x32x128xf32, #tpu.memory_space<vmem>>, vector<1x1x16xf32>,
      %get3A_3476 = vector.shape_cast %get3A_3475 : vector<1x1x16xf32> to vector<16xf32>
      %add3A_3477 = arith.addf %add3A_3251, %get3A_3476 : vector<16xf32>
      %get3A_3478 = arith.constant 6 : i32
      %get3A_3479 = arith.index_cast %get3A_3478 : i32 to index
      %get3A_3480 = arith.index_cast %scan3A_3330 : i32 to index
      %get3A_3481 = arith.constant 80 : index
      %get3A_3482 = tpu.vector_load %arg4[%get3A_3479, %get3A_3480, %get3A_3481] {strides = array<i32>} : memref<8x32x128xf32, #tpu.memory_space<vmem>>, vector<1x1x16xf32>,
      %get3A_3483 = vector.shape_cast %get3A_3482 : vector<1x1x16xf32> to vector<16xf32>
      %add3A_3484 = arith.addf %add3A_3258, %get3A_3483 : vector<16xf32>
      %get3A_3485 = arith.constant 6 : i32
      %get3A_3486 = arith.index_cast %get3A_3485 : i32 to index
      %get3A_3487 = arith.index_cast %scan3A_3330 : i32 to index
      %get3A_3488 = arith.constant 96 : index
      %get3A_3489 = tpu.vector_load %arg4[%get3A_3486, %get3A_3487, %get3A_3488] {strides = array<i32>} : memref<8x32x128xf32, #tpu.memory_space<vmem>>, vector<1x1x16xf32>,
      %get3A_3490 = vector.shape_cast %get3A_3489 : vector<1x1x16xf32> to vector<16xf32>
      %add3A_3491 = arith.addf %add3A_3265, %get3A_3490 : vector<16xf32>
      %get3A_3492 = arith.constant 6 : i32
      %get3A_3493 = arith.index_cast %get3A_3492 : i32 to index
      %get3A_3494 = arith.index_cast %scan3A_3330 : i32 to index
      %get3A_3495 = arith.constant 112 : index
      %get3A_3496 = tpu.vector_load %arg4[%get3A_3493, %get3A_3494, %get3A_3495] {strides = array<i32>} : memref<8x32x128xf32, #tpu.memory_space<vmem>>, vector<1x1x16xf32>,
      %get3A_3497 = vector.shape_cast %get3A_3496 : vector<1x1x16xf32> to vector<16xf32>
      %add3A_3498 = arith.addf %add3A_3272, %get3A_3497 : vector<16xf32>
      %get3A_3499 = arith.constant 7 : i32
      %get3A_3500 = arith.index_cast %get3A_3499 : i32 to index
      %get3A_3501 = arith.index_cast %scan3A_3330 : i32 to index
      %get3A_3502 = arith.constant 0 : index
      %get3A_3503 = tpu.vector_load %arg4[%get3A_3500, %get3A_3501, %get3A_3502] {strides = array<i32>} : memref<8x32x128xf32, #tpu.memory_space<vmem>>, vector<1x1x16xf32>,
      %get3A_3504 = vector.shape_cast %get3A_3503 : vector<1x1x16xf32> to vector<16xf32>
      %add3A_3505 = arith.addf %add3A_3279, %get3A_3504 : vector<16xf32>
      %get3A_3506 = arith.constant 7 : i32
      %get3A_3507 = arith.index_cast %get3A_3506 : i32 to index
      %get3A_3508 = arith.index_cast %scan3A_3330 : i32 to index
      %get3A_3509 = arith.constant 16 : index
      %get3A_3510 = tpu.vector_load %arg4[%get3A_3507, %get3A_3508, %get3A_3509] {strides = array<i32>} : memref<8x32x128xf32, #tpu.memory_space<vmem>>, vector<1x1x16xf32>,
      %get3A_3511 = vector.shape_cast %get3A_3510 : vector<1x1x16xf32> to vector<16xf32>
      %add3A_3512 = arith.addf %add3A_3286, %get3A_3511 : vector<16xf32>
      %get3A_3513 = arith.constant 7 : i32
      %get3A_3514 = arith.index_cast %get3A_3513 : i32 to index
      %get3A_3515 = arith.index_cast %scan3A_3330 : i32 to index
      %get3A_3516 = arith.constant 32 : index
      %get3A_3517 = tpu.vector_load %arg4[%get3A_3514, %get3A_3515, %get3A_3516] {strides = array<i32>} : memref<8x32x128xf32, #tpu.memory_space<vmem>>, vector<1x1x16xf32>,
      %get3A_3518 = vector.shape_cast %get3A_3517 : vector<1x1x16xf32> to vector<16xf32>
      %add3A_3519 = arith.addf %add3A_3293, %get3A_3518 : vector<16xf32>
      %get3A_3520 = arith.constant 7 : i32
      %get3A_3521 = arith.index_cast %get3A_3520 : i32 to index
      %get3A_3522 = arith.index_cast %scan3A_3330 : i32 to index
      %get3A_3523 = arith.constant 48 : index
      %get3A_3524 = tpu.vector_load %arg4[%get3A_3521, %get3A_3522, %get3A_3523] {strides = array<i32>} : memref<8x32x128xf32, #tpu.memory_space<vmem>>, vector<1x1x16xf32>,
      %get3A_3525 = vector.shape_cast %get3A_3524 : vector<1x1x16xf32> to vector<16xf32>
      %add3A_3526 = arith.addf %add3A_3300, %get3A_3525 : vector<16xf32>
      %get3A_3527 = arith.constant 7 : i32
      %get3A_3528 = arith.index_cast %get3A_3527 : i32 to index
      %get3A_3529 = arith.index_cast %scan3A_3330 : i32 to index
      %get3A_3530 = arith.constant 64 : index
      %get3A_3531 = tpu.vector_load %arg4[%get3A_3528, %get3A_3529, %get3A_3530] {strides = array<i32>} : memref<8x32x128xf32, #tpu.memory_space<vmem>>, vector<1x1x16xf32>,
      %get3A_3532 = vector.shape_cast %get3A_3531 : vector<1x1x16xf32> to vector<16xf32>
      %add3A_3533 = arith.addf %add3A_3307, %get3A_3532 : vector<16xf32>
      %get3A_3534 = arith.constant 7 : i32
      %get3A_3535 = arith.index_cast %get3A_3534 : i32 to index
      %get3A_3536 = arith.index_cast %scan3A_3330 : i32 to index
      %get3A_3537 = arith.constant 80 : index
      %get3A_3538 = tpu.vector_load %arg4[%get3A_3535, %get3A_3536, %get3A_3537] {strides = array<i32>} : memref<8x32x128xf32, #tpu.memory_space<vmem>>, vector<1x1x16xf32>,
      %get3A_3539 = vector.shape_cast %get3A_3538 : vector<1x1x16xf32> to vector<16xf32>
      %add3A_3540 = arith.addf %add3A_3314, %get3A_3539 : vector<16xf32>
      %get3A_3541 = arith.constant 7 : i32
      %get3A_3542 = arith.index_cast %get3A_3541 : i32 to index
      %get3A_3543 = arith.index_cast %scan3A_3330 : i32 to index
      %get3A_3544 = arith.constant 96 : index
      %get3A_3545 = tpu.vector_load %arg4[%get3A_3542, %get3A_3543, %get3A_3544] {strides = array<i32>} : memref<8x32x128xf32, #tpu.memory_space<vmem>>, vector<1x1x16xf32>,
      %get3A_3546 = vector.shape_cast %get3A_3545 : vector<1x1x16xf32> to vector<16xf32>
      %add3A_3547 = arith.addf %add3A_3321, %get3A_3546 : vector<16xf32>
      %get3A_3548 = arith.constant 7 : i32
      %get3A_3549 = arith.index_cast %get3A_3548 : i32 to index
      %get3A_3550 = arith.index_cast %scan3A_3330 : i32 to index
      %get3A_3551 = arith.constant 112 : index
      %get3A_3552 = tpu.vector_load %arg4[%get3A_3549, %get3A_3550, %get3A_3551] {strides = array<i32>} : memref<8x32x128xf32, #tpu.memory_space<vmem>>, vector<1x1x16xf32>,
      %get3A_3553 = vector.shape_cast %get3A_3552 : vector<1x1x16xf32> to vector<16xf32>
      %add3A_3554 = arith.addf %add3A_3328, %get3A_3553 : vector<16xf32>
      scf.yield %add3A_3337, %add3A_3344, %add3A_3351, %add3A_3358, %add3A_3365, %add3A_3372, %add3A_3379, %add3A_3386, %add3A_3393, %add3A_3400, %add3A_3407, %add3A_3414, %add3A_3421, %add3A_3428, %add3A_3435, %add3A_3442, %add3A_3449, %add3A_3456, %add3A_3463, %add3A_3470, %add3A_3477, %add3A_3484, %add3A_3491, %add3A_3498, %add3A_3505, %add3A_3512, %add3A_3519, %add3A_3526, %add3A_3533, %add3A_3540, %add3A_3547, %add3A_3554 : vector<16xf32>, vector<16xf32>, vector<16xf32>, vector<16xf32>, vector<16xf32>, vector<16xf32>, vector<16xf32>, vector<16xf32>, vector<16xf32>, vector<16xf32>, vector<16xf32>, vector<16xf32>, vector<16xf32>, vector<16xf32>, vector<16xf32>, vector<16xf32>, vector<16xf32>, vector<16xf32>, vector<16xf32>, vector<16xf32>, vector<16xf32>, vector<16xf32>, vector<16xf32>, vector<16xf32>, vector<16xf32>, vector<16xf32>, vector<16xf32>, vector<16xf32>, vector<16xf32>, vector<16xf32>, vector<16xf32>, vector<16xf32>
    }
    %scan3A_1008 = arith.constant 30 : i32
    %scan3A_1009 = arith.addi %scan3A_1003, %scan3A_1008 : i32
    %get3A_1010 = arith.constant 4 : i32
    %get3A_1011 = arith.index_cast %get3A_1010 : i32 to index
    %get3A_1012 = arith.index_cast %scan3A_1009 : i32 to index
    %get3A_1013 = arith.constant 0 : index
    %get3A_1014 = tpu.vector_load %arg4[%get3A_1011, %get3A_1012, %get3A_1013] {strides = array<i32>} : memref<8x32x128xf32, #tpu.memory_space<vmem>>, vector<1x1x16xf32>,
    %get3A_1015 = vector.shape_cast %get3A_1014 : vector<1x1x16xf32> to vector<16xf32>
    %add3A_1016 = arith.addf %scan3A_1007#0, %get3A_1015 : vector<16xf32>
    %get3A_1017 = arith.constant 4 : i32
    %get3A_1018 = arith.index_cast %get3A_1017 : i32 to index
    %get3A_1019 = arith.index_cast %scan3A_1009 : i32 to index
    %get3A_1020 = arith.constant 16 : index
    %get3A_1021 = tpu.vector_load %arg4[%get3A_1018, %get3A_1019, %get3A_1020] {strides = array<i32>} : memref<8x32x128xf32, #tpu.memory_space<vmem>>, vector<1x1x16xf32>,
    %get3A_1022 = vector.shape_cast %get3A_1021 : vector<1x1x16xf32> to vector<16xf32>
    %add3A_1023 = arith.addf %scan3A_1007#1, %get3A_1022 : vector<16xf32>
    %get3A_1024 = arith.constant 4 : i32
    %get3A_1025 = arith.index_cast %get3A_1024 : i32 to index
    %get3A_1026 = arith.index_cast %scan3A_1009 : i32 to index
    %get3A_1027 = arith.constant 32 : index
    %get3A_1028 = tpu.vector_load %arg4[%get3A_1025, %get3A_1026, %get3A_1027] {strides = array<i32>} : memref<8x32x128xf32, #tpu.memory_space<vmem>>, vector<1x1x16xf32>,
    %get3A_1029 = vector.shape_cast %get3A_1028 : vector<1x1x16xf32> to vector<16xf32>
    %add3A_1030 = arith.addf %scan3A_1007#2, %get3A_1029 : vector<16xf32>
    %get3A_1031 = arith.constant 4 : i32
    %get3A_1032 = arith.index_cast %get3A_1031 : i32 to index
    %get3A_1033 = arith.index_cast %scan3A_1009 : i32 to index
    %get3A_1034 = arith.constant 48 : index
    %get3A_1035 = tpu.vector_load %arg4[%get3A_1032, %get3A_1033, %get3A_1034] {strides = array<i32>} : memref<8x32x128xf32, #tpu.memory_space<vmem>>, vector<1x1x16xf32>,
    %get3A_1036 = vector.shape_cast %get3A_1035 : vector<1x1x16xf32> to vector<16xf32>
    %add3A_1037 = arith.addf %scan3A_1007#3, %get3A_1036 : vector<16xf32>
    %get3A_1038 = arith.constant 4 : i32
    %get3A_1039 = arith.index_cast %get3A_1038 : i32 to index
    %get3A_1040 = arith.index_cast %scan3A_1009 : i32 to index
    %get3A_1041 = arith.constant 64 : index
    %get3A_1042 = tpu.vector_load %arg4[%get3A_1039, %get3A_1040, %get3A_1041] {strides = array<i32>} : memref<8x32x128xf32, #tpu.memory_space<vmem>>, vector<1x1x16xf32>,
    %get3A_1043 = vector.shape_cast %get3A_1042 : vector<1x1x16xf32> to vector<16xf32>
    %add3A_1044 = arith.addf %scan3A_1007#4, %get3A_1043 : vector<16xf32>
    %get3A_1045 = arith.constant 4 : i32
    %get3A_1046 = arith.index_cast %get3A_1045 : i32 to index
    %get3A_1047 = arith.index_cast %scan3A_1009 : i32 to index
    %get3A_1048 = arith.constant 80 : index
    %get3A_1049 = tpu.vector_load %arg4[%get3A_1046, %get3A_1047, %get3A_1048] {strides = array<i32>} : memref<8x32x128xf32, #tpu.memory_space<vmem>>, vector<1x1x16xf32>,
    %get3A_1050 = vector.shape_cast %get3A_1049 : vector<1x1x16xf32> to vector<16xf32>
    %add3A_1051 = arith.addf %scan3A_1007#5, %get3A_1050 : vector<16xf32>
    %get3A_1052 = arith.constant 4 : i32
    %get3A_1053 = arith.index_cast %get3A_1052 : i32 to index
    %get3A_1054 = arith.index_cast %scan3A_1009 : i32 to index
    %get3A_1055 = arith.constant 96 : index
    %get3A_1056 = tpu.vector_load %arg4[%get3A_1053, %get3A_1054, %get3A_1055] {strides = array<i32>} : memref<8x32x128xf32, #tpu.memory_space<vmem>>, vector<1x1x16xf32>,
    %get3A_1057 = vector.shape_cast %get3A_1056 : vector<1x1x16xf32> to vector<16xf32>
    %add3A_1058 = arith.addf %scan3A_1007#6, %get3A_1057 : vector<16xf32>
    %get3A_1059 = arith.constant 4 : i32
    %get3A_1060 = arith.index_cast %get3A_1059 : i32 to index
    %get3A_1061 = arith.index_cast %scan3A_1009 : i32 to index
    %get3A_1062 = arith.constant 112 : index
    %get3A_1063 = tpu.vector_load %arg4[%get3A_1060, %get3A_1061, %get3A_1062] {strides = array<i32>} : memref<8x32x128xf32, #tpu.memory_space<vmem>>, vector<1x1x16xf32>,
    %get3A_1064 = vector.shape_cast %get3A_1063 : vector<1x1x16xf32> to vector<16xf32>
    %add3A_1065 = arith.addf %scan3A_1007#7, %get3A_1064 : vector<16xf32>
    %get3A_1066 = arith.constant 5 : i32
    %get3A_1067 = arith.index_cast %get3A_1066 : i32 to index
    %get3A_1068 = arith.index_cast %scan3A_1009 : i32 to index
    %get3A_1069 = arith.constant 0 : index
    %get3A_1070 = tpu.vector_load %arg4[%get3A_1067, %get3A_1068, %get3A_1069] {strides = array<i32>} : memref<8x32x128xf32, #tpu.memory_space<vmem>>, vector<1x1x16xf32>,
    %get3A_1071 = vector.shape_cast %get3A_1070 : vector<1x1x16xf32> to vector<16xf32>
    %add3A_1072 = arith.addf %scan3A_1007#8, %get3A_1071 : vector<16xf32>
    %get3A_1073 = arith.constant 5 : i32
    %get3A_1074 = arith.index_cast %get3A_1073 : i32 to index
    %get3A_1075 = arith.index_cast %scan3A_1009 : i32 to index
    %get3A_1076 = arith.constant 16 : index
    %get3A_1077 = tpu.vector_load %arg4[%get3A_1074, %get3A_1075, %get3A_1076] {strides = array<i32>} : memref<8x32x128xf32, #tpu.memory_space<vmem>>, vector<1x1x16xf32>,
    %get3A_1078 = vector.shape_cast %get3A_1077 : vector<1x1x16xf32> to vector<16xf32>
    %add3A_1079 = arith.addf %scan3A_1007#9, %get3A_1078 : vector<16xf32>
    %get3A_1080 = arith.constant 5 : i32
    %get3A_1081 = arith.index_cast %get3A_1080 : i32 to index
    %get3A_1082 = arith.index_cast %scan3A_1009 : i32 to index
    %get3A_1083 = arith.constant 32 : index
    %get3A_1084 = tpu.vector_load %arg4[%get3A_1081, %get3A_1082, %get3A_1083] {strides = array<i32>} : memref<8x32x128xf32, #tpu.memory_space<vmem>>, vector<1x1x16xf32>,
    %get3A_1085 = vector.shape_cast %get3A_1084 : vector<1x1x16xf32> to vector<16xf32>
    %add3A_1086 = arith.addf %scan3A_1007#10, %get3A_1085 : vector<16xf32>
    %get3A_1087 = arith.constant 5 : i32
    %get3A_1088 = arith.index_cast %get3A_1087 : i32 to index
    %get3A_1089 = arith.index_cast %scan3A_1009 : i32 to index
    %get3A_1090 = arith.constant 48 : index
    %get3A_1091 = tpu.vector_load %arg4[%get3A_1088, %get3A_1089, %get3A_1090] {strides = array<i32>} : memref<8x32x128xf32, #tpu.memory_space<vmem>>, vector<1x1x16xf32>,
    %get3A_1092 = vector.shape_cast %get3A_1091 : vector<1x1x16xf32> to vector<16xf32>
    %add3A_1093 = arith.addf %scan3A_1007#11, %get3A_1092 : vector<16xf32>
    %get3A_1094 = arith.constant 5 : i32
    %get3A_1095 = arith.index_cast %get3A_1094 : i32 to index
    %get3A_1096 = arith.index_cast %scan3A_1009 : i32 to index
    %get3A_1097 = arith.constant 64 : index
    %get3A_1098 = tpu.vector_load %arg4[%get3A_1095, %get3A_1096, %get3A_1097] {strides = array<i32>} : memref<8x32x128xf32, #tpu.memory_space<vmem>>, vector<1x1x16xf32>,
    %get3A_1099 = vector.shape_cast %get3A_1098 : vector<1x1x16xf32> to vector<16xf32>
    %add3A_1100 = arith.addf %scan3A_1007#12, %get3A_1099 : vector<16xf32>
    %get3A_1101 = arith.constant 5 : i32
    %get3A_1102 = arith.index_cast %get3A_1101 : i32 to index
    %get3A_1103 = arith.index_cast %scan3A_1009 : i32 to index
    %get3A_1104 = arith.constant 80 : index
    %get3A_1105 = tpu.vector_load %arg4[%get3A_1102, %get3A_1103, %get3A_1104] {strides = array<i32>} : memref<8x32x128xf32, #tpu.memory_space<vmem>>, vector<1x1x16xf32>,
    %get3A_1106 = vector.shape_cast %get3A_1105 : vector<1x1x16xf32> to vector<16xf32>
    %add3A_1107 = arith.addf %scan3A_1007#13, %get3A_1106 : vector<16xf32>
    %get3A_1108 = arith.constant 5 : i32
    %get3A_1109 = arith.index_cast %get3A_1108 : i32 to index
    %get3A_1110 = arith.index_cast %scan3A_1009 : i32 to index
    %get3A_1111 = arith.constant 96 : index
    %get3A_1112 = tpu.vector_load %arg4[%get3A_1109, %get3A_1110, %get3A_1111] {strides = array<i32>} : memref<8x32x128xf32, #tpu.memory_space<vmem>>, vector<1x1x16xf32>,
    %get3A_1113 = vector.shape_cast %get3A_1112 : vector<1x1x16xf32> to vector<16xf32>
    %add3A_1114 = arith.addf %scan3A_1007#14, %get3A_1113 : vector<16xf32>
    %get3A_1115 = arith.constant 5 : i32
    %get3A_1116 = arith.index_cast %get3A_1115 : i32 to index
    %get3A_1117 = arith.index_cast %scan3A_1009 : i32 to index
    %get3A_1118 = arith.constant 112 : index
    %get3A_1119 = tpu.vector_load %arg4[%get3A_1116, %get3A_1117, %get3A_1118] {strides = array<i32>} : memref<8x32x128xf32, #tpu.memory_space<vmem>>, vector<1x1x16xf32>,
    %get3A_1120 = vector.shape_cast %get3A_1119 : vector<1x1x16xf32> to vector<16xf32>
    %add3A_1121 = arith.addf %scan3A_1007#15, %get3A_1120 : vector<16xf32>
    %get3A_1122 = arith.constant 6 : i32
    %get3A_1123 = arith.index_cast %get3A_1122 : i32 to index
    %get3A_1124 = arith.index_cast %scan3A_1009 : i32 to index
    %get3A_1125 = arith.constant 0 : index
    %get3A_1126 = tpu.vector_load %arg4[%get3A_1123, %get3A_1124, %get3A_1125] {strides = array<i32>} : memref<8x32x128xf32, #tpu.memory_space<vmem>>, vector<1x1x16xf32>,
    %get3A_1127 = vector.shape_cast %get3A_1126 : vector<1x1x16xf32> to vector<16xf32>
    %add3A_1128 = arith.addf %scan3A_1007#16, %get3A_1127 : vector<16xf32>
    %get3A_1129 = arith.constant 6 : i32
    %get3A_1130 = arith.index_cast %get3A_1129 : i32 to index
    %get3A_1131 = arith.index_cast %scan3A_1009 : i32 to index
    %get3A_1132 = arith.constant 16 : index
    %get3A_1133 = tpu.vector_load %arg4[%get3A_1130, %get3A_1131, %get3A_1132] {strides = array<i32>} : memref<8x32x128xf32, #tpu.memory_space<vmem>>, vector<1x1x16xf32>,
    %get3A_1134 = vector.shape_cast %get3A_1133 : vector<1x1x16xf32> to vector<16xf32>
    %add3A_1135 = arith.addf %scan3A_1007#17, %get3A_1134 : vector<16xf32>
    %get3A_1136 = arith.constant 6 : i32
    %get3A_1137 = arith.index_cast %get3A_1136 : i32 to index
    %get3A_1138 = arith.index_cast %scan3A_1009 : i32 to index
    %get3A_1139 = arith.constant 32 : index
    %get3A_1140 = tpu.vector_load %arg4[%get3A_1137, %get3A_1138, %get3A_1139] {strides = array<i32>} : memref<8x32x128xf32, #tpu.memory_space<vmem>>, vector<1x1x16xf32>,
    %get3A_1141 = vector.shape_cast %get3A_1140 : vector<1x1x16xf32> to vector<16xf32>
    %add3A_1142 = arith.addf %scan3A_1007#18, %get3A_1141 : vector<16xf32>
    %get3A_1143 = arith.constant 6 : i32
    %get3A_1144 = arith.index_cast %get3A_1143 : i32 to index
    %get3A_1145 = arith.index_cast %scan3A_1009 : i32 to index
    %get3A_1146 = arith.constant 48 : index
    %get3A_1147 = tpu.vector_load %arg4[%get3A_1144, %get3A_1145, %get3A_1146] {strides = array<i32>} : memref<8x32x128xf32, #tpu.memory_space<vmem>>, vector<1x1x16xf32>,
    %get3A_1148 = vector.shape_cast %get3A_1147 : vector<1x1x16xf32> to vector<16xf32>
    %add3A_1149 = arith.addf %scan3A_1007#19, %get3A_1148 : vector<16xf32>
    %get3A_1150 = arith.constant 6 : i32
    %get3A_1151 = arith.index_cast %get3A_1150 : i32 to index
    %get3A_1152 = arith.index_cast %scan3A_1009 : i32 to index
    %get3A_1153 = arith.constant 64 : index
    %get3A_1154 = tpu.vector_load %arg4[%get3A_1151, %get3A_1152, %get3A_1153] {strides = array<i32>} : memref<8x32x128xf32, #tpu.memory_space<vmem>>, vector<1x1x16xf32>,
    %get3A_1155 = vector.shape_cast %get3A_1154 : vector<1x1x16xf32> to vector<16xf32>
    %add3A_1156 = arith.addf %scan3A_1007#20, %get3A_1155 : vector<16xf32>
    %get3A_1157 = arith.constant 6 : i32
    %get3A_1158 = arith.index_cast %get3A_1157 : i32 to index
    %get3A_1159 = arith.index_cast %scan3A_1009 : i32 to index
    %get3A_1160 = arith.constant 80 : index
    %get3A_1161 = tpu.vector_load %arg4[%get3A_1158, %get3A_1159, %get3A_1160] {strides = array<i32>} : memref<8x32x128xf32, #tpu.memory_space<vmem>>, vector<1x1x16xf32>,
    %get3A_1162 = vector.shape_cast %get3A_1161 : vector<1x1x16xf32> to vector<16xf32>
    %add3A_1163 = arith.addf %scan3A_1007#21, %get3A_1162 : vector<16xf32>
    %get3A_1164 = arith.constant 6 : i32
    %get3A_1165 = arith.index_cast %get3A_1164 : i32 to index
    %get3A_1166 = arith.index_cast %scan3A_1009 : i32 to index
    %get3A_1167 = arith.constant 96 : index
    %get3A_1168 = tpu.vector_load %arg4[%get3A_1165, %get3A_1166, %get3A_1167] {strides = array<i32>} : memref<8x32x128xf32, #tpu.memory_space<vmem>>, vector<1x1x16xf32>,
    %get3A_1169 = vector.shape_cast %get3A_1168 : vector<1x1x16xf32> to vector<16xf32>
    %add3A_1170 = arith.addf %scan3A_1007#22, %get3A_1169 : vector<16xf32>
    %get3A_1171 = arith.constant 6 : i32
    %get3A_1172 = arith.index_cast %get3A_1171 : i32 to index
    %get3A_1173 = arith.index_cast %scan3A_1009 : i32 to index
    %get3A_1174 = arith.constant 112 : index
    %get3A_1175 = tpu.vector_load %arg4[%get3A_1172, %get3A_1173, %get3A_1174] {strides = array<i32>} : memref<8x32x128xf32, #tpu.memory_space<vmem>>, vector<1x1x16xf32>,
    %get3A_1176 = vector.shape_cast %get3A_1175 : vector<1x1x16xf32> to vector<16xf32>
    %add3A_1177 = arith.addf %scan3A_1007#23, %get3A_1176 : vector<16xf32>
    %get3A_1178 = arith.constant 7 : i32
    %get3A_1179 = arith.index_cast %get3A_1178 : i32 to index
    %get3A_1180 = arith.index_cast %scan3A_1009 : i32 to index
    %get3A_1181 = arith.constant 0 : index
    %get3A_1182 = tpu.vector_load %arg4[%get3A_1179, %get3A_1180, %get3A_1181] {strides = array<i32>} : memref<8x32x128xf32, #tpu.memory_space<vmem>>, vector<1x1x16xf32>,
    %get3A_1183 = vector.shape_cast %get3A_1182 : vector<1x1x16xf32> to vector<16xf32>
    %add3A_1184 = arith.addf %scan3A_1007#24, %get3A_1183 : vector<16xf32>
    %get3A_1185 = arith.constant 7 : i32
    %get3A_1186 = arith.index_cast %get3A_1185 : i32 to index
    %get3A_1187 = arith.index_cast %scan3A_1009 : i32 to index
    %get3A_1188 = arith.constant 16 : index
    %get3A_1189 = tpu.vector_load %arg4[%get3A_1186, %get3A_1187, %get3A_1188] {strides = array<i32>} : memref<8x32x128xf32, #tpu.memory_space<vmem>>, vector<1x1x16xf32>,
    %get3A_1190 = vector.shape_cast %get3A_1189 : vector<1x1x16xf32> to vector<16xf32>
    %add3A_1191 = arith.addf %scan3A_1007#25, %get3A_1190 : vector<16xf32>
    %get3A_1192 = arith.constant 7 : i32
    %get3A_1193 = arith.index_cast %get3A_1192 : i32 to index
    %get3A_1194 = arith.index_cast %scan3A_1009 : i32 to index
    %get3A_1195 = arith.constant 32 : index
    %get3A_1196 = tpu.vector_load %arg4[%get3A_1193, %get3A_1194, %get3A_1195] {strides = array<i32>} : memref<8x32x128xf32, #tpu.memory_space<vmem>>, vector<1x1x16xf32>,
    %get3A_1197 = vector.shape_cast %get3A_1196 : vector<1x1x16xf32> to vector<16xf32>
    %add3A_1198 = arith.addf %scan3A_1007#26, %get3A_1197 : vector<16xf32>
    %get3A_1199 = arith.constant 7 : i32
    %get3A_1200 = arith.index_cast %get3A_1199 : i32 to index
    %get3A_1201 = arith.index_cast %scan3A_1009 : i32 to index
    %get3A_1202 = arith.constant 48 : index
    %get3A_1203 = tpu.vector_load %arg4[%get3A_1200, %get3A_1201, %get3A_1202] {strides = array<i32>} : memref<8x32x128xf32, #tpu.memory_space<vmem>>, vector<1x1x16xf32>,
    %get3A_1204 = vector.shape_cast %get3A_1203 : vector<1x1x16xf32> to vector<16xf32>
    %add3A_1205 = arith.addf %scan3A_1007#27, %get3A_1204 : vector<16xf32>
    %get3A_1206 = arith.constant 7 : i32
    %get3A_1207 = arith.index_cast %get3A_1206 : i32 to index
    %get3A_1208 = arith.index_cast %scan3A_1009 : i32 to index
    %get3A_1209 = arith.constant 64 : index
    %get3A_1210 = tpu.vector_load %arg4[%get3A_1207, %get3A_1208, %get3A_1209] {strides = array<i32>} : memref<8x32x128xf32, #tpu.memory_space<vmem>>, vector<1x1x16xf32>,
    %get3A_1211 = vector.shape_cast %get3A_1210 : vector<1x1x16xf32> to vector<16xf32>
    %add3A_1212 = arith.addf %scan3A_1007#28, %get3A_1211 : vector<16xf32>
    %get3A_1213 = arith.constant 7 : i32
    %get3A_1214 = arith.index_cast %get3A_1213 : i32 to index
    %get3A_1215 = arith.index_cast %scan3A_1009 : i32 to index
    %get3A_1216 = arith.constant 80 : index
    %get3A_1217 = tpu.vector_load %arg4[%get3A_1214, %get3A_1215, %get3A_1216] {strides = array<i32>} : memref<8x32x128xf32, #tpu.memory_space<vmem>>, vector<1x1x16xf32>,
    %get3A_1218 = vector.shape_cast %get3A_1217 : vector<1x1x16xf32> to vector<16xf32>
    %add3A_1219 = arith.addf %scan3A_1007#29, %get3A_1218 : vector<16xf32>
    %get3A_1220 = arith.constant 7 : i32
    %get3A_1221 = arith.index_cast %get3A_1220 : i32 to index
    %get3A_1222 = arith.index_cast %scan3A_1009 : i32 to index
    %get3A_1223 = arith.constant 96 : index
    %get3A_1224 = tpu.vector_load %arg4[%get3A_1221, %get3A_1222, %get3A_1223] {strides = array<i32>} : memref<8x32x128xf32, #tpu.memory_space<vmem>>, vector<1x1x16xf32>,
    %get3A_1225 = vector.shape_cast %get3A_1224 : vector<1x1x16xf32> to vector<16xf32>
    %add3A_1226 = arith.addf %scan3A_1007#30, %get3A_1225 : vector<16xf32>
    %get3A_1227 = arith.constant 7 : i32
    %get3A_1228 = arith.index_cast %get3A_1227 : i32 to index
    %get3A_1229 = arith.index_cast %scan3A_1009 : i32 to index
    %get3A_1230 = arith.constant 112 : index
    %get3A_1231 = tpu.vector_load %arg4[%get3A_1228, %get3A_1229, %get3A_1230] {strides = array<i32>} : memref<8x32x128xf32, #tpu.memory_space<vmem>>, vector<1x1x16xf32>,
    %get3A_1232 = vector.shape_cast %get3A_1231 : vector<1x1x16xf32> to vector<16xf32>
    %add3A_1233 = arith.addf %scan3A_1007#31, %get3A_1232 : vector<16xf32>
    %scan3A_1234 = arith.constant 31 : i32
    %mul3A_1235 = arith.constant 3.125000e-02 : f32
    %mul3A_1236 = vector.broadcast %mul3A_1235 : f32 to vector<16xf32>
    %mul3A_1237 = arith.mulf %add3A_1016, %mul3A_1236 : vector<16xf32>
    %swap3A_1238 = arith.constant 4 : i32
    %swap3A_1239 = arith.index_cast %swap3A_1238 : i32 to index
    %swap3A_1240 = arith.constant 0 : index
    %swap3A_1241 = tpu.vector_load %arg6[%swap3A_1239, %swap3A_1240] {strides = array<i32>} : memref<8x128xf32, #tpu.memory_space<vmem>>, vector<1x16xf32>,
    %swap3A_1242 = vector.shape_cast %swap3A_1241 : vector<1x16xf32> to vector<16xf32>
    %swap3A_1243 = vector.shape_cast %mul3A_1237 : vector<16xf32> to vector<1x16xf32>
    tpu.vector_store %arg6[%swap3A_1239, %swap3A_1240], %swap3A_1243 {strides = array<i32>} : memref<8x128xf32, #tpu.memory_space<vmem>>, vector<1x16xf32>,
    %mul3A_1244 = arith.constant 3.125000e-02 : f32
    %mul3A_1245 = vector.broadcast %mul3A_1244 : f32 to vector<16xf32>
    %mul3A_1246 = arith.mulf %add3A_1023, %mul3A_1245 : vector<16xf32>
    %swap3A_1247 = arith.constant 4 : i32
    %swap3A_1248 = arith.index_cast %swap3A_1247 : i32 to index
    %swap3A_1249 = arith.constant 16 : index
    %swap3A_1250 = tpu.vector_load %arg6[%swap3A_1248, %swap3A_1249] {strides = array<i32>} : memref<8x128xf32, #tpu.memory_space<vmem>>, vector<1x16xf32>,
    %swap3A_1251 = vector.shape_cast %swap3A_1250 : vector<1x16xf32> to vector<16xf32>
    %swap3A_1252 = vector.shape_cast %mul3A_1246 : vector<16xf32> to vector<1x16xf32>
    tpu.vector_store %arg6[%swap3A_1248, %swap3A_1249], %swap3A_1252 {strides = array<i32>} : memref<8x128xf32, #tpu.memory_space<vmem>>, vector<1x16xf32>,
    %mul3A_1253 = arith.constant 3.125000e-02 : f32
    %mul3A_1254 = vector.broadcast %mul3A_1253 : f32 to vector<16xf32>
    %mul3A_1255 = arith.mulf %add3A_1030, %mul3A_1254 : vector<16xf32>
    %swap3A_1256 = arith.constant 4 : i32
    %swap3A_1257 = arith.index_cast %swap3A_1256 : i32 to index
    %swap3A_1258 = arith.constant 32 : index
    %swap3A_1259 = tpu.vector_load %arg6[%swap3A_1257, %swap3A_1258] {strides = array<i32>} : memref<8x128xf32, #tpu.memory_space<vmem>>, vector<1x16xf32>,
    %swap3A_1260 = vector.shape_cast %swap3A_1259 : vector<1x16xf32> to vector<16xf32>
    %swap3A_1261 = vector.shape_cast %mul3A_1255 : vector<16xf32> to vector<1x16xf32>
    tpu.vector_store %arg6[%swap3A_1257, %swap3A_1258], %swap3A_1261 {strides = array<i32>} : memref<8x128xf32, #tpu.memory_space<vmem>>, vector<1x16xf32>,
    %mul3A_1262 = arith.constant 3.125000e-02 : f32
    %mul3A_1263 = vector.broadcast %mul3A_1262 : f32 to vector<16xf32>
    %mul3A_1264 = arith.mulf %add3A_1037, %mul3A_1263 : vector<16xf32>
    %swap3A_1265 = arith.constant 4 : i32
    %swap3A_1266 = arith.index_cast %swap3A_1265 : i32 to index
    %swap3A_1267 = arith.constant 48 : index
    %swap3A_1268 = tpu.vector_load %arg6[%swap3A_1266, %swap3A_1267] {strides = array<i32>} : memref<8x128xf32, #tpu.memory_space<vmem>>, vector<1x16xf32>,
    %swap3A_1269 = vector.shape_cast %swap3A_1268 : vector<1x16xf32> to vector<16xf32>
    %swap3A_1270 = vector.shape_cast %mul3A_1264 : vector<16xf32> to vector<1x16xf32>
    tpu.vector_store %arg6[%swap3A_1266, %swap3A_1267], %swap3A_1270 {strides = array<i32>} : memref<8x128xf32, #tpu.memory_space<vmem>>, vector<1x16xf32>,
    %mul3A_1271 = arith.constant 3.125000e-02 : f32
    %mul3A_1272 = vector.broadcast %mul3A_1271 : f32 to vector<16xf32>
    %mul3A_1273 = arith.mulf %add3A_1044, %mul3A_1272 : vector<16xf32>
    %swap3A_1274 = arith.constant 4 : i32
    %swap3A_1275 = arith.index_cast %swap3A_1274 : i32 to index
    %swap3A_1276 = arith.constant 64 : index
    %swap3A_1277 = tpu.vector_load %arg6[%swap3A_1275, %swap3A_1276] {strides = array<i32>} : memref<8x128xf32, #tpu.memory_space<vmem>>, vector<1x16xf32>,
    %swap3A_1278 = vector.shape_cast %swap3A_1277 : vector<1x16xf32> to vector<16xf32>
    %swap3A_1279 = vector.shape_cast %mul3A_1273 : vector<16xf32> to vector<1x16xf32>
    tpu.vector_store %arg6[%swap3A_1275, %swap3A_1276], %swap3A_1279 {strides = array<i32>} : memref<8x128xf32, #tpu.memory_space<vmem>>, vector<1x16xf32>,
    %mul3A_1280 = arith.constant 3.125000e-02 : f32
    %mul3A_1281 = vector.broadcast %mul3A_1280 : f32 to vector<16xf32>
    %mul3A_1282 = arith.mulf %add3A_1051, %mul3A_1281 : vector<16xf32>
    %swap3A_1283 = arith.constant 4 : i32
    %swap3A_1284 = arith.index_cast %swap3A_1283 : i32 to index
    %swap3A_1285 = arith.constant 80 : index
    %swap3A_1286 = tpu.vector_load %arg6[%swap3A_1284, %swap3A_1285] {strides = array<i32>} : memref<8x128xf32, #tpu.memory_space<vmem>>, vector<1x16xf32>,
    %swap3A_1287 = vector.shape_cast %swap3A_1286 : vector<1x16xf32> to vector<16xf32>
    %swap3A_1288 = vector.shape_cast %mul3A_1282 : vector<16xf32> to vector<1x16xf32>
    tpu.vector_store %arg6[%swap3A_1284, %swap3A_1285], %swap3A_1288 {strides = array<i32>} : memref<8x128xf32, #tpu.memory_space<vmem>>, vector<1x16xf32>,
    %mul3A_1289 = arith.constant 3.125000e-02 : f32
    %mul3A_1290 = vector.broadcast %mul3A_1289 : f32 to vector<16xf32>
    %mul3A_1291 = arith.mulf %add3A_1058, %mul3A_1290 : vector<16xf32>
    %swap3A_1292 = arith.constant 4 : i32
    %swap3A_1293 = arith.index_cast %swap3A_1292 : i32 to index
    %swap3A_1294 = arith.constant 96 : index
    %swap3A_1295 = tpu.vector_load %arg6[%swap3A_1293, %swap3A_1294] {strides = array<i32>} : memref<8x128xf32, #tpu.memory_space<vmem>>, vector<1x16xf32>,
    %swap3A_1296 = vector.shape_cast %swap3A_1295 : vector<1x16xf32> to vector<16xf32>
    %swap3A_1297 = vector.shape_cast %mul3A_1291 : vector<16xf32> to vector<1x16xf32>
    tpu.vector_store %arg6[%swap3A_1293, %swap3A_1294], %swap3A_1297 {strides = array<i32>} : memref<8x128xf32, #tpu.memory_space<vmem>>, vector<1x16xf32>,
    %mul3A_1298 = arith.constant 3.125000e-02 : f32
    %mul3A_1299 = vector.broadcast %mul3A_1298 : f32 to vector<16xf32>
    %mul3A_1300 = arith.mulf %add3A_1065, %mul3A_1299 : vector<16xf32>
    %swap3A_1301 = arith.constant 4 : i32
    %swap3A_1302 = arith.index_cast %swap3A_1301 : i32 to index
    %swap3A_1303 = arith.constant 112 : index
    %swap3A_1304 = tpu.vector_load %arg6[%swap3A_1302, %swap3A_1303] {strides = array<i32>} : memref<8x128xf32, #tpu.memory_space<vmem>>, vector<1x16xf32>,
    %swap3A_1305 = vector.shape_cast %swap3A_1304 : vector<1x16xf32> to vector<16xf32>
    %swap3A_1306 = vector.shape_cast %mul3A_1300 : vector<16xf32> to vector<1x16xf32>
    tpu.vector_store %arg6[%swap3A_1302, %swap3A_1303], %swap3A_1306 {strides = array<i32>} : memref<8x128xf32, #tpu.memory_space<vmem>>, vector<1x16xf32>,
    %mul3A_1307 = arith.constant 3.125000e-02 : f32
    %mul3A_1308 = vector.broadcast %mul3A_1307 : f32 to vector<16xf32>
    %mul3A_1309 = arith.mulf %add3A_1072, %mul3A_1308 : vector<16xf32>
    %swap3A_1310 = arith.constant 5 : i32
    %swap3A_1311 = arith.index_cast %swap3A_1310 : i32 to index
    %swap3A_1312 = arith.constant 0 : index
    %swap3A_1313 = tpu.vector_load %arg6[%swap3A_1311, %swap3A_1312] {strides = array<i32>} : memref<8x128xf32, #tpu.memory_space<vmem>>, vector<1x16xf32>,
    %swap3A_1314 = vector.shape_cast %swap3A_1313 : vector<1x16xf32> to vector<16xf32>
    %swap3A_1315 = vector.shape_cast %mul3A_1309 : vector<16xf32> to vector<1x16xf32>
    tpu.vector_store %arg6[%swap3A_1311, %swap3A_1312], %swap3A_1315 {strides = array<i32>} : memref<8x128xf32, #tpu.memory_space<vmem>>, vector<1x16xf32>,
    %mul3A_1316 = arith.constant 3.125000e-02 : f32
    %mul3A_1317 = vector.broadcast %mul3A_1316 : f32 to vector<16xf32>
    %mul3A_1318 = arith.mulf %add3A_1079, %mul3A_1317 : vector<16xf32>
    %swap3A_1319 = arith.constant 5 : i32
    %swap3A_1320 = arith.index_cast %swap3A_1319 : i32 to index
    %swap3A_1321 = arith.constant 16 : index
    %swap3A_1322 = tpu.vector_load %arg6[%swap3A_1320, %swap3A_1321] {strides = array<i32>} : memref<8x128xf32, #tpu.memory_space<vmem>>, vector<1x16xf32>,
    %swap3A_1323 = vector.shape_cast %swap3A_1322 : vector<1x16xf32> to vector<16xf32>
    %swap3A_1324 = vector.shape_cast %mul3A_1318 : vector<16xf32> to vector<1x16xf32>
    tpu.vector_store %arg6[%swap3A_1320, %swap3A_1321], %swap3A_1324 {strides = array<i32>} : memref<8x128xf32, #tpu.memory_space<vmem>>, vector<1x16xf32>,
    %mul3A_1325 = arith.constant 3.125000e-02 : f32
    %mul3A_1326 = vector.broadcast %mul3A_1325 : f32 to vector<16xf32>
    %mul3A_1327 = arith.mulf %add3A_1086, %mul3A_1326 : vector<16xf32>
    %swap3A_1328 = arith.constant 5 : i32
    %swap3A_1329 = arith.index_cast %swap3A_1328 : i32 to index
    %swap3A_1330 = arith.constant 32 : index
    %swap3A_1331 = tpu.vector_load %arg6[%swap3A_1329, %swap3A_1330] {strides = array<i32>} : memref<8x128xf32, #tpu.memory_space<vmem>>, vector<1x16xf32>,
    %swap3A_1332 = vector.shape_cast %swap3A_1331 : vector<1x16xf32> to vector<16xf32>
    %swap3A_1333 = vector.shape_cast %mul3A_1327 : vector<16xf32> to vector<1x16xf32>
    tpu.vector_store %arg6[%swap3A_1329, %swap3A_1330], %swap3A_1333 {strides = array<i32>} : memref<8x128xf32, #tpu.memory_space<vmem>>, vector<1x16xf32>,
    %mul3A_1334 = arith.constant 3.125000e-02 : f32
    %mul3A_1335 = vector.broadcast %mul3A_1334 : f32 to vector<16xf32>
    %mul3A_1336 = arith.mulf %add3A_1093, %mul3A_1335 : vector<16xf32>
    %swap3A_1337 = arith.constant 5 : i32
    %swap3A_1338 = arith.index_cast %swap3A_1337 : i32 to index
    %swap3A_1339 = arith.constant 48 : index
    %swap3A_1340 = tpu.vector_load %arg6[%swap3A_1338, %swap3A_1339] {strides = array<i32>} : memref<8x128xf32, #tpu.memory_space<vmem>>, vector<1x16xf32>,
    %swap3A_1341 = vector.shape_cast %swap3A_1340 : vector<1x16xf32> to vector<16xf32>
    %swap3A_1342 = vector.shape_cast %mul3A_1336 : vector<16xf32> to vector<1x16xf32>
    tpu.vector_store %arg6[%swap3A_1338, %swap3A_1339], %swap3A_1342 {strides = array<i32>} : memref<8x128xf32, #tpu.memory_space<vmem>>, vector<1x16xf32>,
    %mul3A_1343 = arith.constant 3.125000e-02 : f32
    %mul3A_1344 = vector.broadcast %mul3A_1343 : f32 to vector<16xf32>
    %mul3A_1345 = arith.mulf %add3A_1100, %mul3A_1344 : vector<16xf32>
    %swap3A_1346 = arith.constant 5 : i32
    %swap3A_1347 = arith.index_cast %swap3A_1346 : i32 to index
    %swap3A_1348 = arith.constant 64 : index
    %swap3A_1349 = tpu.vector_load %arg6[%swap3A_1347, %swap3A_1348] {strides = array<i32>} : memref<8x128xf32, #tpu.memory_space<vmem>>, vector<1x16xf32>,
    %swap3A_1350 = vector.shape_cast %swap3A_1349 : vector<1x16xf32> to vector<16xf32>
    %swap3A_1351 = vector.shape_cast %mul3A_1345 : vector<16xf32> to vector<1x16xf32>
    tpu.vector_store %arg6[%swap3A_1347, %swap3A_1348], %swap3A_1351 {strides = array<i32>} : memref<8x128xf32, #tpu.memory_space<vmem>>, vector<1x16xf32>,
    %mul3A_1352 = arith.constant 3.125000e-02 : f32
    %mul3A_1353 = vector.broadcast %mul3A_1352 : f32 to vector<16xf32>
    %mul3A_1354 = arith.mulf %add3A_1107, %mul3A_1353 : vector<16xf32>
    %swap3A_1355 = arith.constant 5 : i32
    %swap3A_1356 = arith.index_cast %swap3A_1355 : i32 to index
    %swap3A_1357 = arith.constant 80 : index
    %swap3A_1358 = tpu.vector_load %arg6[%swap3A_1356, %swap3A_1357] {strides = array<i32>} : memref<8x128xf32, #tpu.memory_space<vmem>>, vector<1x16xf32>,
    %swap3A_1359 = vector.shape_cast %swap3A_1358 : vector<1x16xf32> to vector<16xf32>
    %swap3A_1360 = vector.shape_cast %mul3A_1354 : vector<16xf32> to vector<1x16xf32>
    tpu.vector_store %arg6[%swap3A_1356, %swap3A_1357], %swap3A_1360 {strides = array<i32>} : memref<8x128xf32, #tpu.memory_space<vmem>>, vector<1x16xf32>,
    %mul3A_1361 = arith.constant 3.125000e-02 : f32
    %mul3A_1362 = vector.broadcast %mul3A_1361 : f32 to vector<16xf32>
    %mul3A_1363 = arith.mulf %add3A_1114, %mul3A_1362 : vector<16xf32>
    %swap3A_1364 = arith.constant 5 : i32
    %swap3A_1365 = arith.index_cast %swap3A_1364 : i32 to index
    %swap3A_1366 = arith.constant 96 : index
    %swap3A_1367 = tpu.vector_load %arg6[%swap3A_1365, %swap3A_1366] {strides = array<i32>} : memref<8x128xf32, #tpu.memory_space<vmem>>, vector<1x16xf32>,
    %swap3A_1368 = vector.shape_cast %swap3A_1367 : vector<1x16xf32> to vector<16xf32>
    %swap3A_1369 = vector.shape_cast %mul3A_1363 : vector<16xf32> to vector<1x16xf32>
    tpu.vector_store %arg6[%swap3A_1365, %swap3A_1366], %swap3A_1369 {strides = array<i32>} : memref<8x128xf32, #tpu.memory_space<vmem>>, vector<1x16xf32>,
    %mul3A_1370 = arith.constant 3.125000e-02 : f32
    %mul3A_1371 = vector.broadcast %mul3A_1370 : f32 to vector<16xf32>
    %mul3A_1372 = arith.mulf %add3A_1121, %mul3A_1371 : vector<16xf32>
    %swap3A_1373 = arith.constant 5 : i32
    %swap3A_1374 = arith.index_cast %swap3A_1373 : i32 to index
    %swap3A_1375 = arith.constant 112 : index
    %swap3A_1376 = tpu.vector_load %arg6[%swap3A_1374, %swap3A_1375] {strides = array<i32>} : memref<8x128xf32, #tpu.memory_space<vmem>>, vector<1x16xf32>,
    %swap3A_1377 = vector.shape_cast %swap3A_1376 : vector<1x16xf32> to vector<16xf32>
    %swap3A_1378 = vector.shape_cast %mul3A_1372 : vector<16xf32> to vector<1x16xf32>
    tpu.vector_store %arg6[%swap3A_1374, %swap3A_1375], %swap3A_1378 {strides = array<i32>} : memref<8x128xf32, #tpu.memory_space<vmem>>, vector<1x16xf32>,
    %mul3A_1379 = arith.constant 3.125000e-02 : f32
    %mul3A_1380 = vector.broadcast %mul3A_1379 : f32 to vector<16xf32>
    %mul3A_1381 = arith.mulf %add3A_1128, %mul3A_1380 : vector<16xf32>
    %swap3A_1382 = arith.constant 6 : i32
    %swap3A_1383 = arith.index_cast %swap3A_1382 : i32 to index
    %swap3A_1384 = arith.constant 0 : index
    %swap3A_1385 = tpu.vector_load %arg6[%swap3A_1383, %swap3A_1384] {strides = array<i32>} : memref<8x128xf32, #tpu.memory_space<vmem>>, vector<1x16xf32>,
    %swap3A_1386 = vector.shape_cast %swap3A_1385 : vector<1x16xf32> to vector<16xf32>
    %swap3A_1387 = vector.shape_cast %mul3A_1381 : vector<16xf32> to vector<1x16xf32>
    tpu.vector_store %arg6[%swap3A_1383, %swap3A_1384], %swap3A_1387 {strides = array<i32>} : memref<8x128xf32, #tpu.memory_space<vmem>>, vector<1x16xf32>,
    %mul3A_1388 = arith.constant 3.125000e-02 : f32
    %mul3A_1389 = vector.broadcast %mul3A_1388 : f32 to vector<16xf32>
    %mul3A_1390 = arith.mulf %add3A_1135, %mul3A_1389 : vector<16xf32>
    %swap3A_1391 = arith.constant 6 : i32
    %swap3A_1392 = arith.index_cast %swap3A_1391 : i32 to index
    %swap3A_1393 = arith.constant 16 : index
    %swap3A_1394 = tpu.vector_load %arg6[%swap3A_1392, %swap3A_1393] {strides = array<i32>} : memref<8x128xf32, #tpu.memory_space<vmem>>, vector<1x16xf32>,
    %swap3A_1395 = vector.shape_cast %swap3A_1394 : vector<1x16xf32> to vector<16xf32>
    %swap3A_1396 = vector.shape_cast %mul3A_1390 : vector<16xf32> to vector<1x16xf32>
    tpu.vector_store %arg6[%swap3A_1392, %swap3A_1393], %swap3A_1396 {strides = array<i32>} : memref<8x128xf32, #tpu.memory_space<vmem>>, vector<1x16xf32>,
    %mul3A_1397 = arith.constant 3.125000e-02 : f32
    %mul3A_1398 = vector.broadcast %mul3A_1397 : f32 to vector<16xf32>
    %mul3A_1399 = arith.mulf %add3A_1142, %mul3A_1398 : vector<16xf32>
    %swap3A_1400 = arith.constant 6 : i32
    %swap3A_1401 = arith.index_cast %swap3A_1400 : i32 to index
    %swap3A_1402 = arith.constant 32 : index
    %swap3A_1403 = tpu.vector_load %arg6[%swap3A_1401, %swap3A_1402] {strides = array<i32>} : memref<8x128xf32, #tpu.memory_space<vmem>>, vector<1x16xf32>,
    %swap3A_1404 = vector.shape_cast %swap3A_1403 : vector<1x16xf32> to vector<16xf32>
    %swap3A_1405 = vector.shape_cast %mul3A_1399 : vector<16xf32> to vector<1x16xf32>
    tpu.vector_store %arg6[%swap3A_1401, %swap3A_1402], %swap3A_1405 {strides = array<i32>} : memref<8x128xf32, #tpu.memory_space<vmem>>, vector<1x16xf32>,
    %mul3A_1406 = arith.constant 3.125000e-02 : f32
    %mul3A_1407 = vector.broadcast %mul3A_1406 : f32 to vector<16xf32>
    %mul3A_1408 = arith.mulf %add3A_1149, %mul3A_1407 : vector<16xf32>
    %swap3A_1409 = arith.constant 6 : i32
    %swap3A_1410 = arith.index_cast %swap3A_1409 : i32 to index
    %swap3A_1411 = arith.constant 48 : index
    %swap3A_1412 = tpu.vector_load %arg6[%swap3A_1410, %swap3A_1411] {strides = array<i32>} : memref<8x128xf32, #tpu.memory_space<vmem>>, vector<1x16xf32>,
    %swap3A_1413 = vector.shape_cast %swap3A_1412 : vector<1x16xf32> to vector<16xf32>
    %swap3A_1414 = vector.shape_cast %mul3A_1408 : vector<16xf32> to vector<1x16xf32>
    tpu.vector_store %arg6[%swap3A_1410, %swap3A_1411], %swap3A_1414 {strides = array<i32>} : memref<8x128xf32, #tpu.memory_space<vmem>>, vector<1x16xf32>,
    %mul3A_1415 = arith.constant 3.125000e-02 : f32
    %mul3A_1416 = vector.broadcast %mul3A_1415 : f32 to vector<16xf32>
    %mul3A_1417 = arith.mulf %add3A_1156, %mul3A_1416 : vector<16xf32>
    %swap3A_1418 = arith.constant 6 : i32
    %swap3A_1419 = arith.index_cast %swap3A_1418 : i32 to index
    %swap3A_1420 = arith.constant 64 : index
    %swap3A_1421 = tpu.vector_load %arg6[%swap3A_1419, %swap3A_1420] {strides = array<i32>} : memref<8x128xf32, #tpu.memory_space<vmem>>, vector<1x16xf32>,
    %swap3A_1422 = vector.shape_cast %swap3A_1421 : vector<1x16xf32> to vector<16xf32>
    %swap3A_1423 = vector.shape_cast %mul3A_1417 : vector<16xf32> to vector<1x16xf32>
    tpu.vector_store %arg6[%swap3A_1419, %swap3A_1420], %swap3A_1423 {strides = array<i32>} : memref<8x128xf32, #tpu.memory_space<vmem>>, vector<1x16xf32>,
    %mul3A_1424 = arith.constant 3.125000e-02 : f32
    %mul3A_1425 = vector.broadcast %mul3A_1424 : f32 to vector<16xf32>
    %mul3A_1426 = arith.mulf %add3A_1163, %mul3A_1425 : vector<16xf32>
    %swap3A_1427 = arith.constant 6 : i32
    %swap3A_1428 = arith.index_cast %swap3A_1427 : i32 to index
    %swap3A_1429 = arith.constant 80 : index
    %swap3A_1430 = tpu.vector_load %arg6[%swap3A_1428, %swap3A_1429] {strides = array<i32>} : memref<8x128xf32, #tpu.memory_space<vmem>>, vector<1x16xf32>,
    %swap3A_1431 = vector.shape_cast %swap3A_1430 : vector<1x16xf32> to vector<16xf32>
    %swap3A_1432 = vector.shape_cast %mul3A_1426 : vector<16xf32> to vector<1x16xf32>
    tpu.vector_store %arg6[%swap3A_1428, %swap3A_1429], %swap3A_1432 {strides = array<i32>} : memref<8x128xf32, #tpu.memory_space<vmem>>, vector<1x16xf32>,
    %mul3A_1433 = arith.constant 3.125000e-02 : f32
    %mul3A_1434 = vector.broadcast %mul3A_1433 : f32 to vector<16xf32>
    %mul3A_1435 = arith.mulf %add3A_1170, %mul3A_1434 : vector<16xf32>
    %swap3A_1436 = arith.constant 6 : i32
    %swap3A_1437 = arith.index_cast %swap3A_1436 : i32 to index
    %swap3A_1438 = arith.constant 96 : index
    %swap3A_1439 = tpu.vector_load %arg6[%swap3A_1437, %swap3A_1438] {strides = array<i32>} : memref<8x128xf32, #tpu.memory_space<vmem>>, vector<1x16xf32>,
    %swap3A_1440 = vector.shape_cast %swap3A_1439 : vector<1x16xf32> to vector<16xf32>
    %swap3A_1441 = vector.shape_cast %mul3A_1435 : vector<16xf32> to vector<1x16xf32>
    tpu.vector_store %arg6[%swap3A_1437, %swap3A_1438], %swap3A_1441 {strides = array<i32>} : memref<8x128xf32, #tpu.memory_space<vmem>>, vector<1x16xf32>,
    %mul3A_1442 = arith.constant 3.125000e-02 : f32
    %mul3A_1443 = vector.broadcast %mul3A_1442 : f32 to vector<16xf32>
    %mul3A_1444 = arith.mulf %add3A_1177, %mul3A_1443 : vector<16xf32>
    %swap3A_1445 = arith.constant 6 : i32
    %swap3A_1446 = arith.index_cast %swap3A_1445 : i32 to index
    %swap3A_1447 = arith.constant 112 : index
    %swap3A_1448 = tpu.vector_load %arg6[%swap3A_1446, %swap3A_1447] {strides = array<i32>} : memref<8x128xf32, #tpu.memory_space<vmem>>, vector<1x16xf32>,
    %swap3A_1449 = vector.shape_cast %swap3A_1448 : vector<1x16xf32> to vector<16xf32>
    %swap3A_1450 = vector.shape_cast %mul3A_1444 : vector<16xf32> to vector<1x16xf32>
    tpu.vector_store %arg6[%swap3A_1446, %swap3A_1447], %swap3A_1450 {strides = array<i32>} : memref<8x128xf32, #tpu.memory_space<vmem>>, vector<1x16xf32>,
    %mul3A_1451 = arith.constant 3.125000e-02 : f32
    %mul3A_1452 = vector.broadcast %mul3A_1451 : f32 to vector<16xf32>
    %mul3A_1453 = arith.mulf %add3A_1184, %mul3A_1452 : vector<16xf32>
    %swap3A_1454 = arith.constant 7 : i32
    %swap3A_1455 = arith.index_cast %swap3A_1454 : i32 to index
    %swap3A_1456 = arith.constant 0 : index
    %swap3A_1457 = tpu.vector_load %arg6[%swap3A_1455, %swap3A_1456] {strides = array<i32>} : memref<8x128xf32, #tpu.memory_space<vmem>>, vector<1x16xf32>,
    %swap3A_1458 = vector.shape_cast %swap3A_1457 : vector<1x16xf32> to vector<16xf32>
    %swap3A_1459 = vector.shape_cast %mul3A_1453 : vector<16xf32> to vector<1x16xf32>
    tpu.vector_store %arg6[%swap3A_1455, %swap3A_1456], %swap3A_1459 {strides = array<i32>} : memref<8x128xf32, #tpu.memory_space<vmem>>, vector<1x16xf32>,
    %mul3A_1460 = arith.constant 3.125000e-02 : f32
    %mul3A_1461 = vector.broadcast %mul3A_1460 : f32 to vector<16xf32>
    %mul3A_1462 = arith.mulf %add3A_1191, %mul3A_1461 : vector<16xf32>
    %swap3A_1463 = arith.constant 7 : i32
    %swap3A_1464 = arith.index_cast %swap3A_1463 : i32 to index
    %swap3A_1465 = arith.constant 16 : index
    %swap3A_1466 = tpu.vector_load %arg6[%swap3A_1464, %swap3A_1465] {strides = array<i32>} : memref<8x128xf32, #tpu.memory_space<vmem>>, vector<1x16xf32>,
    %swap3A_1467 = vector.shape_cast %swap3A_1466 : vector<1x16xf32> to vector<16xf32>
    %swap3A_1468 = vector.shape_cast %mul3A_1462 : vector<16xf32> to vector<1x16xf32>
    tpu.vector_store %arg6[%swap3A_1464, %swap3A_1465], %swap3A_1468 {strides = array<i32>} : memref<8x128xf32, #tpu.memory_space<vmem>>, vector<1x16xf32>,
    %mul3A_1469 = arith.constant 3.125000e-02 : f32
    %mul3A_1470 = vector.broadcast %mul3A_1469 : f32 to vector<16xf32>
    %mul3A_1471 = arith.mulf %add3A_1198, %mul3A_1470 : vector<16xf32>
    %swap3A_1472 = arith.constant 7 : i32
    %swap3A_1473 = arith.index_cast %swap3A_1472 : i32 to index
    %swap3A_1474 = arith.constant 32 : index
    %swap3A_1475 = tpu.vector_load %arg6[%swap3A_1473, %swap3A_1474] {strides = array<i32>} : memref<8x128xf32, #tpu.memory_space<vmem>>, vector<1x16xf32>,
    %swap3A_1476 = vector.shape_cast %swap3A_1475 : vector<1x16xf32> to vector<16xf32>
    %swap3A_1477 = vector.shape_cast %mul3A_1471 : vector<16xf32> to vector<1x16xf32>
    tpu.vector_store %arg6[%swap3A_1473, %swap3A_1474], %swap3A_1477 {strides = array<i32>} : memref<8x128xf32, #tpu.memory_space<vmem>>, vector<1x16xf32>,
    %mul3A_1478 = arith.constant 3.125000e-02 : f32
    %mul3A_1479 = vector.broadcast %mul3A_1478 : f32 to vector<16xf32>
    %mul3A_1480 = arith.mulf %add3A_1205, %mul3A_1479 : vector<16xf32>
    %swap3A_1481 = arith.constant 7 : i32
    %swap3A_1482 = arith.index_cast %swap3A_1481 : i32 to index
    %swap3A_1483 = arith.constant 48 : index
    %swap3A_1484 = tpu.vector_load %arg6[%swap3A_1482, %swap3A_1483] {strides = array<i32>} : memref<8x128xf32, #tpu.memory_space<vmem>>, vector<1x16xf32>,
    %swap3A_1485 = vector.shape_cast %swap3A_1484 : vector<1x16xf32> to vector<16xf32>
    %swap3A_1486 = vector.shape_cast %mul3A_1480 : vector<16xf32> to vector<1x16xf32>
    tpu.vector_store %arg6[%swap3A_1482, %swap3A_1483], %swap3A_1486 {strides = array<i32>} : memref<8x128xf32, #tpu.memory_space<vmem>>, vector<1x16xf32>,
    %mul3A_1487 = arith.constant 3.125000e-02 : f32
    %mul3A_1488 = vector.broadcast %mul3A_1487 : f32 to vector<16xf32>
    %mul3A_1489 = arith.mulf %add3A_1212, %mul3A_1488 : vector<16xf32>
    %swap3A_1490 = arith.constant 7 : i32
    %swap3A_1491 = arith.index_cast %swap3A_1490 : i32 to index
    %swap3A_1492 = arith.constant 64 : index
    %swap3A_1493 = tpu.vector_load %arg6[%swap3A_1491, %swap3A_1492] {strides = array<i32>} : memref<8x128xf32, #tpu.memory_space<vmem>>, vector<1x16xf32>,
    %swap3A_1494 = vector.shape_cast %swap3A_1493 : vector<1x16xf32> to vector<16xf32>
    %swap3A_1495 = vector.shape_cast %mul3A_1489 : vector<16xf32> to vector<1x16xf32>
    tpu.vector_store %arg6[%swap3A_1491, %swap3A_1492], %swap3A_1495 {strides = array<i32>} : memref<8x128xf32, #tpu.memory_space<vmem>>, vector<1x16xf32>,
    %mul3A_1496 = arith.constant 3.125000e-02 : f32
    %mul3A_1497 = vector.broadcast %mul3A_1496 : f32 to vector<16xf32>
    %mul3A_1498 = arith.mulf %add3A_1219, %mul3A_1497 : vector<16xf32>
    %swap3A_1499 = arith.constant 7 : i32
    %swap3A_1500 = arith.index_cast %swap3A_1499 : i32 to index
    %swap3A_1501 = arith.constant 80 : index
    %swap3A_1502 = tpu.vector_load %arg6[%swap3A_1500, %swap3A_1501] {strides = array<i32>} : memref<8x128xf32, #tpu.memory_space<vmem>>, vector<1x16xf32>,
    %swap3A_1503 = vector.shape_cast %swap3A_1502 : vector<1x16xf32> to vector<16xf32>
    %swap3A_1504 = vector.shape_cast %mul3A_1498 : vector<16xf32> to vector<1x16xf32>
    tpu.vector_store %arg6[%swap3A_1500, %swap3A_1501], %swap3A_1504 {strides = array<i32>} : memref<8x128xf32, #tpu.memory_space<vmem>>, vector<1x16xf32>,
    %mul3A_1505 = arith.constant 3.125000e-02 : f32
    %mul3A_1506 = vector.broadcast %mul3A_1505 : f32 to vector<16xf32>
    %mul3A_1507 = arith.mulf %add3A_1226, %mul3A_1506 : vector<16xf32>
    %swap3A_1508 = arith.constant 7 : i32
    %swap3A_1509 = arith.index_cast %swap3A_1508 : i32 to index
    %swap3A_1510 = arith.constant 96 : index
    %swap3A_1511 = tpu.vector_load %arg6[%swap3A_1509, %swap3A_1510] {strides = array<i32>} : memref<8x128xf32, #tpu.memory_space<vmem>>, vector<1x16xf32>,
    %swap3A_1512 = vector.shape_cast %swap3A_1511 : vector<1x16xf32> to vector<16xf32>
    %swap3A_1513 = vector.shape_cast %mul3A_1507 : vector<16xf32> to vector<1x16xf32>
    tpu.vector_store %arg6[%swap3A_1509, %swap3A_1510], %swap3A_1513 {strides = array<i32>} : memref<8x128xf32, #tpu.memory_space<vmem>>, vector<1x16xf32>,
    %mul3A_1514 = arith.constant 3.125000e-02 : f32
    %mul3A_1515 = vector.broadcast %mul3A_1514 : f32 to vector<16xf32>
    %mul3A_1516 = arith.mulf %add3A_1233, %mul3A_1515 : vector<16xf32>
    %swap3A_1517 = arith.constant 7 : i32
    %swap3A_1518 = arith.index_cast %swap3A_1517 : i32 to index
    %swap3A_1519 = arith.constant 112 : index
    %swap3A_1520 = tpu.vector_load %arg6[%swap3A_1518, %swap3A_1519] {strides = array<i32>} : memref<8x128xf32, #tpu.memory_space<vmem>>, vector<1x16xf32>,
    %swap3A_1521 = vector.shape_cast %swap3A_1520 : vector<1x16xf32> to vector<16xf32>
    %swap3A_1522 = vector.shape_cast %mul3A_1516 : vector<16xf32> to vector<1x16xf32>
    tpu.vector_store %arg6[%swap3A_1518, %swap3A_1519], %swap3A_1522 {strides = array<i32>} : memref<8x128xf32, #tpu.memory_space<vmem>>, vector<1x16xf32>,
    %lt3A = arith.constant 0 : i32
    %lt3A_1523 = arith.cmpi slt, %scan3A_23, %lt3A : i32
    %convert_element_type3A_1524 = arith.extui %lt3A_1523 : i1 to i32
    %cond3A_1525 = arith.constant 0 : i32
    %cond3A_1526 = arith.cmpi ne, %convert_element_type3A_1524, %cond3A_1525 : i32
    scf.if %cond3A_1526 {
      %add3A_3072 = arith.constant 2 : i32
      %add3A_3073 = arith.addi %add3A_27, %add3A_3072 : i32
      %mul3A_3074 = arith.constant 32 : i32
      %mul3A_3075 = arith.muli %add3A_3073, %mul3A_3074 : i32
      %add3A_3076 = arith.addi %add3A, %mul3A_3075 : i32
      %min3A_3077 = arith.constant 49 : i32
      %min3A_3078 = arith.minsi %add3A_3076, %min3A_3077 : i32
      %mul3A_3079 = arith.constant 8 : i32
      %mul3A_3080 = arith.muli %min3A_3078, %mul3A_3079 : i32
      %dma_start3A_3081 = arith.constant 0 : i32
      %dma_start3A_3082 = arith.constant 0 : i32
      %dma_start3A_3083 = tpu.memref_slice %arg2[%mul3A_3080, %dma_start3A_3081, %dma_start3A_3082] : memref<400x32x128xf32, #tpu.memory_space<hbm>> -> memref<8x32x128xf32, #tpu.memory_space<hbm>>
      %dma_start3A_3084 = arith.constant 0 : i32
      %dma_start3A_3085 = arith.constant 0 : i32
      %dma_start3A_3086 = tpu.memref_slice %arg2[%mul3A_3080, %dma_start3A_3084, %dma_start3A_3085] : memref<400x32x128xf32, #tpu.memory_space<hbm>> -> memref<8x32x128xf32, #tpu.memory_space<hbm>>
      tpu.enqueue_dma source(%dma_start3A_3086 : memref<8x32x128xf32, #tpu.memory_space<hbm>>) target(%arg4 : memref<8x32x128xf32, #tpu.memory_space<vmem>>) target_semaphore(%arg8 : memref<!tpu.dma_semaphore, #tpu.memory_space<semaphore_mem>>)
    } else {
    }
    %mul3A_1527 = arith.constant 32 : i32
    %mul3A_1528 = arith.muli %add3A_27, %mul3A_1527 : i32
    %add3A_1529 = arith.addi %add3A, %mul3A_1528 : i32
    %min3A_1530 = arith.constant 49 : i32
    %min3A_1531 = arith.minsi %add3A_1529, %min3A_1530 : i32
    %mul3A_1532 = arith.constant 8 : i32
    %mul3A_1533 = arith.muli %min3A_1531, %mul3A_1532 : i32
    %dma_start3A_1534 = arith.constant 0 : i32
    %dma_start3A_1535 = tpu.memref_slice %arg3[%mul3A_1533, %dma_start3A_1534] : memref<400x128xf32, #tpu.memory_space<hbm>> -> memref<8x128xf32, #tpu.memory_space<hbm>>
    %dma_start3A_1536 = arith.constant 0 : i32
    %dma_start3A_1537 = tpu.memref_slice %arg3[%mul3A_1533, %dma_start3A_1536] : memref<400x128xf32, #tpu.memory_space<hbm>> -> memref<8x128xf32, #tpu.memory_space<hbm>>
    tpu.enqueue_dma source(%arg6 : memref<8x128xf32, #tpu.memory_space<vmem>>) target(%dma_start3A_1537 : memref<8x128xf32, #tpu.memory_space<hbm>>) target_semaphore(%arg10 : memref<!tpu.dma_semaphore, #tpu.memory_space<semaphore_mem>>)
    %mul3A_1538 = arith.constant 2 : i32
    %mul3A_1539 = arith.muli %mul3A_1538, %scan3A_23 : i32
    %add3A_1540 = arith.constant 1 : i32
    %add3A_1541 = arith.addi %mul3A_1539, %add3A_1540 : i32
    %dma_wait3A_1542 = arith.constant 0 : i32
    %dma_wait3A_1543 = arith.constant 0 : i32
    %dma_wait3A_1544 = arith.constant 0 : i32
    %dma_wait3A_1545 = tpu.memref_slice %arg2[%dma_wait3A_1542, %dma_wait3A_1543, %dma_wait3A_1544] : memref<400x32x128xf32, #tpu.memory_space<hbm>> -> memref<8x32x128xf32, #tpu.memory_space<hbm>>
    %dma_wait3A_1546 = arith.constant 0 : i32
    %dma_wait3A_1547 = arith.constant 0 : i32
    %dma_wait3A_1548 = arith.constant 0 : i32
    %dma_wait3A_1549 = tpu.memref_slice %arg2[%dma_wait3A_1546, %dma_wait3A_1547, %dma_wait3A_1548] : memref<400x32x128xf32, #tpu.memory_space<hbm>> -> memref<8x32x128xf32, #tpu.memory_space<hbm>>
    tpu.wait_dma2 semaphore(%arg9 : memref<!tpu.dma_semaphore, #tpu.memory_space<semaphore_mem>>) src(%dma_wait3A_1549 : memref<8x32x128xf32, #tpu.memory_space<hbm>>) dst(%arg5 : memref<8x32x128xf32, #tpu.memory_space<vmem>>)
    %ge3A_1550 = arith.constant 1 : i32
    %ge3A_1551 = arith.cmpi sge, %scan3A_23, %ge3A_1550 : i32
    %convert_element_type3A_1552 = arith.extui %ge3A_1551 : i1 to i32
    %cond3A_1553 = arith.constant 0 : i32
    %cond3A_1554 = arith.cmpi ne, %convert_element_type3A_1552, %cond3A_1553 : i32
    scf.if %cond3A_1554 {
      %dma_wait3A_3072 = arith.constant 0 : i32
      %dma_wait3A_3073 = arith.constant 0 : i32
      %dma_wait3A_3074 = tpu.memref_slice %arg3[%dma_wait3A_3072, %dma_wait3A_3073] : memref<400x128xf32, #tpu.memory_space<hbm>> -> memref<8x128xf32, #tpu.memory_space<hbm>>
      %dma_wait3A_3075 = arith.constant 0 : i32
      %dma_wait3A_3076 = arith.constant 0 : i32
      %dma_wait3A_3077 = tpu.memref_slice %arg3[%dma_wait3A_3075, %dma_wait3A_3076] : memref<400x128xf32, #tpu.memory_space<hbm>> -> memref<8x128xf32, #tpu.memory_space<hbm>>
      tpu.wait_dma2 semaphore(%arg11 : memref<!tpu.dma_semaphore, #tpu.memory_space<semaphore_mem>>) src(%arg7 : memref<8x128xf32, #tpu.memory_space<vmem>>) dst(%dma_wait3A_3077 : memref<8x128xf32, #tpu.memory_space<hbm>>)
    } else {
    }
    %get3A_1555 = arith.constant 0 : i32
    %get3A_1556 = arith.constant 0 : i32
    %get3A_1557 = arith.index_cast %get3A_1555 : i32 to index
    %get3A_1558 = arith.index_cast %get3A_1556 : i32 to index
    %get3A_1559 = arith.constant 0 : index
    %get3A_1560 = tpu.vector_load %arg5[%get3A_1557, %get3A_1558, %get3A_1559] {strides = array<i32>} : memref<8x32x128xf32, #tpu.memory_space<vmem>>, vector<1x1x16xf32>,
    %get3A_1561 = vector.shape_cast %get3A_1560 : vector<1x1x16xf32> to vector<16xf32>
    %get3A_1562 = arith.constant 0 : i32
    %get3A_1563 = arith.constant 0 : i32
    %get3A_1564 = arith.index_cast %get3A_1562 : i32 to index
    %get3A_1565 = arith.index_cast %get3A_1563 : i32 to index
    %get3A_1566 = arith.constant 16 : index
    %get3A_1567 = tpu.vector_load %arg5[%get3A_1564, %get3A_1565, %get3A_1566] {strides = array<i32>} : memref<8x32x128xf32, #tpu.memory_space<vmem>>, vector<1x1x16xf32>,
    %get3A_1568 = vector.shape_cast %get3A_1567 : vector<1x1x16xf32> to vector<16xf32>
    %get3A_1569 = arith.constant 0 : i32
    %get3A_1570 = arith.constant 0 : i32
    %get3A_1571 = arith.index_cast %get3A_1569 : i32 to index
    %get3A_1572 = arith.index_cast %get3A_1570 : i32 to index
    %get3A_1573 = arith.constant 32 : index
    %get3A_1574 = tpu.vector_load %arg5[%get3A_1571, %get3A_1572, %get3A_1573] {strides = array<i32>} : memref<8x32x128xf32, #tpu.memory_space<vmem>>, vector<1x1x16xf32>,
    %get3A_1575 = vector.shape_cast %get3A_1574 : vector<1x1x16xf32> to vector<16xf32>
    %get3A_1576 = arith.constant 0 : i32
    %get3A_1577 = arith.constant 0 : i32
    %get3A_1578 = arith.index_cast %get3A_1576 : i32 to index
    %get3A_1579 = arith.index_cast %get3A_1577 : i32 to index
    %get3A_1580 = arith.constant 48 : index
    %get3A_1581 = tpu.vector_load %arg5[%get3A_1578, %get3A_1579, %get3A_1580] {strides = array<i32>} : memref<8x32x128xf32, #tpu.memory_space<vmem>>, vector<1x1x16xf32>,
    %get3A_1582 = vector.shape_cast %get3A_1581 : vector<1x1x16xf32> to vector<16xf32>
    %get3A_1583 = arith.constant 0 : i32
    %get3A_1584 = arith.constant 0 : i32
    %get3A_1585 = arith.index_cast %get3A_1583 : i32 to index
    %get3A_1586 = arith.index_cast %get3A_1584 : i32 to index
    %get3A_1587 = arith.constant 64 : index
    %get3A_1588 = tpu.vector_load %arg5[%get3A_1585, %get3A_1586, %get3A_1587] {strides = array<i32>} : memref<8x32x128xf32, #tpu.memory_space<vmem>>, vector<1x1x16xf32>,
    %get3A_1589 = vector.shape_cast %get3A_1588 : vector<1x1x16xf32> to vector<16xf32>
    %get3A_1590 = arith.constant 0 : i32
    %get3A_1591 = arith.constant 0 : i32
    %get3A_1592 = arith.index_cast %get3A_1590 : i32 to index
    %get3A_1593 = arith.index_cast %get3A_1591 : i32 to index
    %get3A_1594 = arith.constant 80 : index
    %get3A_1595 = tpu.vector_load %arg5[%get3A_1592, %get3A_1593, %get3A_1594] {strides = array<i32>} : memref<8x32x128xf32, #tpu.memory_space<vmem>>, vector<1x1x16xf32>,
    %get3A_1596 = vector.shape_cast %get3A_1595 : vector<1x1x16xf32> to vector<16xf32>
    %get3A_1597 = arith.constant 0 : i32
    %get3A_1598 = arith.constant 0 : i32
    %get3A_1599 = arith.index_cast %get3A_1597 : i32 to index
    %get3A_1600 = arith.index_cast %get3A_1598 : i32 to index
    %get3A_1601 = arith.constant 96 : index
    %get3A_1602 = tpu.vector_load %arg5[%get3A_1599, %get3A_1600, %get3A_1601] {strides = array<i32>} : memref<8x32x128xf32, #tpu.memory_space<vmem>>, vector<1x1x16xf32>,
    %get3A_1603 = vector.shape_cast %get3A_1602 : vector<1x1x16xf32> to vector<16xf32>
    %get3A_1604 = arith.constant 0 : i32
    %get3A_1605 = arith.constant 0 : i32
    %get3A_1606 = arith.index_cast %get3A_1604 : i32 to index
    %get3A_1607 = arith.index_cast %get3A_1605 : i32 to index
    %get3A_1608 = arith.constant 112 : index
    %get3A_1609 = tpu.vector_load %arg5[%get3A_1606, %get3A_1607, %get3A_1608] {strides = array<i32>} : memref<8x32x128xf32, #tpu.memory_space<vmem>>, vector<1x1x16xf32>,
    %get3A_1610 = vector.shape_cast %get3A_1609 : vector<1x1x16xf32> to vector<16xf32>
    %get3A_1611 = arith.constant 1 : i32
    %get3A_1612 = arith.constant 0 : i32
    %get3A_1613 = arith.index_cast %get3A_1611 : i32 to index
    %get3A_1614 = arith.index_cast %get3A_1612 : i32 to index
    %get3A_1615 = arith.constant 0 : index
    %get3A_1616 = tpu.vector_load %arg5[%get3A_1613, %get3A_1614, %get3A_1615] {strides = array<i32>} : memref<8x32x128xf32, #tpu.memory_space<vmem>>, vector<1x1x16xf32>,
    %get3A_1617 = vector.shape_cast %get3A_1616 : vector<1x1x16xf32> to vector<16xf32>
    %get3A_1618 = arith.constant 1 : i32
    %get3A_1619 = arith.constant 0 : i32
    %get3A_1620 = arith.index_cast %get3A_1618 : i32 to index
    %get3A_1621 = arith.index_cast %get3A_1619 : i32 to index
    %get3A_1622 = arith.constant 16 : index
    %get3A_1623 = tpu.vector_load %arg5[%get3A_1620, %get3A_1621, %get3A_1622] {strides = array<i32>} : memref<8x32x128xf32, #tpu.memory_space<vmem>>, vector<1x1x16xf32>,
    %get3A_1624 = vector.shape_cast %get3A_1623 : vector<1x1x16xf32> to vector<16xf32>
    %get3A_1625 = arith.constant 1 : i32
    %get3A_1626 = arith.constant 0 : i32
    %get3A_1627 = arith.index_cast %get3A_1625 : i32 to index
    %get3A_1628 = arith.index_cast %get3A_1626 : i32 to index
    %get3A_1629 = arith.constant 32 : index
    %get3A_1630 = tpu.vector_load %arg5[%get3A_1627, %get3A_1628, %get3A_1629] {strides = array<i32>} : memref<8x32x128xf32, #tpu.memory_space<vmem>>, vector<1x1x16xf32>,
    %get3A_1631 = vector.shape_cast %get3A_1630 : vector<1x1x16xf32> to vector<16xf32>
    %get3A_1632 = arith.constant 1 : i32
    %get3A_1633 = arith.constant 0 : i32
    %get3A_1634 = arith.index_cast %get3A_1632 : i32 to index
    %get3A_1635 = arith.index_cast %get3A_1633 : i32 to index
    %get3A_1636 = arith.constant 48 : index
    %get3A_1637 = tpu.vector_load %arg5[%get3A_1634, %get3A_1635, %get3A_1636] {strides = array<i32>} : memref<8x32x128xf32, #tpu.memory_space<vmem>>, vector<1x1x16xf32>,
    %get3A_1638 = vector.shape_cast %get3A_1637 : vector<1x1x16xf32> to vector<16xf32>
    %get3A_1639 = arith.constant 1 : i32
    %get3A_1640 = arith.constant 0 : i32
    %get3A_1641 = arith.index_cast %get3A_1639 : i32 to index
    %get3A_1642 = arith.index_cast %get3A_1640 : i32 to index
    %get3A_1643 = arith.constant 64 : index
    %get3A_1644 = tpu.vector_load %arg5[%get3A_1641, %get3A_1642, %get3A_1643] {strides = array<i32>} : memref<8x32x128xf32, #tpu.memory_space<vmem>>, vector<1x1x16xf32>,
    %get3A_1645 = vector.shape_cast %get3A_1644 : vector<1x1x16xf32> to vector<16xf32>
    %get3A_1646 = arith.constant 1 : i32
    %get3A_1647 = arith.constant 0 : i32
    %get3A_1648 = arith.index_cast %get3A_1646 : i32 to index
    %get3A_1649 = arith.index_cast %get3A_1647 : i32 to index
    %get3A_1650 = arith.constant 80 : index
    %get3A_1651 = tpu.vector_load %arg5[%get3A_1648, %get3A_1649, %get3A_1650] {strides = array<i32>} : memref<8x32x128xf32, #tpu.memory_space<vmem>>, vector<1x1x16xf32>,
    %get3A_1652 = vector.shape_cast %get3A_1651 : vector<1x1x16xf32> to vector<16xf32>
    %get3A_1653 = arith.constant 1 : i32
    %get3A_1654 = arith.constant 0 : i32
    %get3A_1655 = arith.index_cast %get3A_1653 : i32 to index
    %get3A_1656 = arith.index_cast %get3A_1654 : i32 to index
    %get3A_1657 = arith.constant 96 : index
    %get3A_1658 = tpu.vector_load %arg5[%get3A_1655, %get3A_1656, %get3A_1657] {strides = array<i32>} : memref<8x32x128xf32, #tpu.memory_space<vmem>>, vector<1x1x16xf32>,
    %get3A_1659 = vector.shape_cast %get3A_1658 : vector<1x1x16xf32> to vector<16xf32>
    %get3A_1660 = arith.constant 1 : i32
    %get3A_1661 = arith.constant 0 : i32
    %get3A_1662 = arith.index_cast %get3A_1660 : i32 to index
    %get3A_1663 = arith.index_cast %get3A_1661 : i32 to index
    %get3A_1664 = arith.constant 112 : index
    %get3A_1665 = tpu.vector_load %arg5[%get3A_1662, %get3A_1663, %get3A_1664] {strides = array<i32>} : memref<8x32x128xf32, #tpu.memory_space<vmem>>, vector<1x1x16xf32>,
    %get3A_1666 = vector.shape_cast %get3A_1665 : vector<1x1x16xf32> to vector<16xf32>
    %get3A_1667 = arith.constant 2 : i32
    %get3A_1668 = arith.constant 0 : i32
    %get3A_1669 = arith.index_cast %get3A_1667 : i32 to index
    %get3A_1670 = arith.index_cast %get3A_1668 : i32 to index
    %get3A_1671 = arith.constant 0 : index
    %get3A_1672 = tpu.vector_load %arg5[%get3A_1669, %get3A_1670, %get3A_1671] {strides = array<i32>} : memref<8x32x128xf32, #tpu.memory_space<vmem>>, vector<1x1x16xf32>,
    %get3A_1673 = vector.shape_cast %get3A_1672 : vector<1x1x16xf32> to vector<16xf32>
    %get3A_1674 = arith.constant 2 : i32
    %get3A_1675 = arith.constant 0 : i32
    %get3A_1676 = arith.index_cast %get3A_1674 : i32 to index
    %get3A_1677 = arith.index_cast %get3A_1675 : i32 to index
    %get3A_1678 = arith.constant 16 : index
    %get3A_1679 = tpu.vector_load %arg5[%get3A_1676, %get3A_1677, %get3A_1678] {strides = array<i32>} : memref<8x32x128xf32, #tpu.memory_space<vmem>>, vector<1x1x16xf32>,
    %get3A_1680 = vector.shape_cast %get3A_1679 : vector<1x1x16xf32> to vector<16xf32>
    %get3A_1681 = arith.constant 2 : i32
    %get3A_1682 = arith.constant 0 : i32
    %get3A_1683 = arith.index_cast %get3A_1681 : i32 to index
    %get3A_1684 = arith.index_cast %get3A_1682 : i32 to index
    %get3A_1685 = arith.constant 32 : index
    %get3A_1686 = tpu.vector_load %arg5[%get3A_1683, %get3A_1684, %get3A_1685] {strides = array<i32>} : memref<8x32x128xf32, #tpu.memory_space<vmem>>, vector<1x1x16xf32>,
    %get3A_1687 = vector.shape_cast %get3A_1686 : vector<1x1x16xf32> to vector<16xf32>
    %get3A_1688 = arith.constant 2 : i32
    %get3A_1689 = arith.constant 0 : i32
    %get3A_1690 = arith.index_cast %get3A_1688 : i32 to index
    %get3A_1691 = arith.index_cast %get3A_1689 : i32 to index
    %get3A_1692 = arith.constant 48 : index
    %get3A_1693 = tpu.vector_load %arg5[%get3A_1690, %get3A_1691, %get3A_1692] {strides = array<i32>} : memref<8x32x128xf32, #tpu.memory_space<vmem>>, vector<1x1x16xf32>,
    %get3A_1694 = vector.shape_cast %get3A_1693 : vector<1x1x16xf32> to vector<16xf32>
    %get3A_1695 = arith.constant 2 : i32
    %get3A_1696 = arith.constant 0 : i32
    %get3A_1697 = arith.index_cast %get3A_1695 : i32 to index
    %get3A_1698 = arith.index_cast %get3A_1696 : i32 to index
    %get3A_1699 = arith.constant 64 : index
    %get3A_1700 = tpu.vector_load %arg5[%get3A_1697, %get3A_1698, %get3A_1699] {strides = array<i32>} : memref<8x32x128xf32, #tpu.memory_space<vmem>>, vector<1x1x16xf32>,
    %get3A_1701 = vector.shape_cast %get3A_1700 : vector<1x1x16xf32> to vector<16xf32>
    %get3A_1702 = arith.constant 2 : i32
    %get3A_1703 = arith.constant 0 : i32
    %get3A_1704 = arith.index_cast %get3A_1702 : i32 to index
    %get3A_1705 = arith.index_cast %get3A_1703 : i32 to index
    %get3A_1706 = arith.constant 80 : index
    %get3A_1707 = tpu.vector_load %arg5[%get3A_1704, %get3A_1705, %get3A_1706] {strides = array<i32>} : memref<8x32x128xf32, #tpu.memory_space<vmem>>, vector<1x1x16xf32>,
    %get3A_1708 = vector.shape_cast %get3A_1707 : vector<1x1x16xf32> to vector<16xf32>
    %get3A_1709 = arith.constant 2 : i32
    %get3A_1710 = arith.constant 0 : i32
    %get3A_1711 = arith.index_cast %get3A_1709 : i32 to index
    %get3A_1712 = arith.index_cast %get3A_1710 : i32 to index
    %get3A_1713 = arith.constant 96 : index
    %get3A_1714 = tpu.vector_load %arg5[%get3A_1711, %get3A_1712, %get3A_1713] {strides = array<i32>} : memref<8x32x128xf32, #tpu.memory_space<vmem>>, vector<1x1x16xf32>,
    %get3A_1715 = vector.shape_cast %get3A_1714 : vector<1x1x16xf32> to vector<16xf32>
    %get3A_1716 = arith.constant 2 : i32
    %get3A_1717 = arith.constant 0 : i32
    %get3A_1718 = arith.index_cast %get3A_1716 : i32 to index
    %get3A_1719 = arith.index_cast %get3A_1717 : i32 to index
    %get3A_1720 = arith.constant 112 : index
    %get3A_1721 = tpu.vector_load %arg5[%get3A_1718, %get3A_1719, %get3A_1720] {strides = array<i32>} : memref<8x32x128xf32, #tpu.memory_space<vmem>>, vector<1x1x16xf32>,
    %get3A_1722 = vector.shape_cast %get3A_1721 : vector<1x1x16xf32> to vector<16xf32>
    %get3A_1723 = arith.constant 3 : i32
    %get3A_1724 = arith.constant 0 : i32
    %get3A_1725 = arith.index_cast %get3A_1723 : i32 to index
    %get3A_1726 = arith.index_cast %get3A_1724 : i32 to index
    %get3A_1727 = arith.constant 0 : index
    %get3A_1728 = tpu.vector_load %arg5[%get3A_1725, %get3A_1726, %get3A_1727] {strides = array<i32>} : memref<8x32x128xf32, #tpu.memory_space<vmem>>, vector<1x1x16xf32>,
    %get3A_1729 = vector.shape_cast %get3A_1728 : vector<1x1x16xf32> to vector<16xf32>
    %get3A_1730 = arith.constant 3 : i32
    %get3A_1731 = arith.constant 0 : i32
    %get3A_1732 = arith.index_cast %get3A_1730 : i32 to index
    %get3A_1733 = arith.index_cast %get3A_1731 : i32 to index
    %get3A_1734 = arith.constant 16 : index
    %get3A_1735 = tpu.vector_load %arg5[%get3A_1732, %get3A_1733, %get3A_1734] {strides = array<i32>} : memref<8x32x128xf32, #tpu.memory_space<vmem>>, vector<1x1x16xf32>,
    %get3A_1736 = vector.shape_cast %get3A_1735 : vector<1x1x16xf32> to vector<16xf32>
    %get3A_1737 = arith.constant 3 : i32
    %get3A_1738 = arith.constant 0 : i32
    %get3A_1739 = arith.index_cast %get3A_1737 : i32 to index
    %get3A_1740 = arith.index_cast %get3A_1738 : i32 to index
    %get3A_1741 = arith.constant 32 : index
    %get3A_1742 = tpu.vector_load %arg5[%get3A_1739, %get3A_1740, %get3A_1741] {strides = array<i32>} : memref<8x32x128xf32, #tpu.memory_space<vmem>>, vector<1x1x16xf32>,
    %get3A_1743 = vector.shape_cast %get3A_1742 : vector<1x1x16xf32> to vector<16xf32>
    %get3A_1744 = arith.constant 3 : i32
    %get3A_1745 = arith.constant 0 : i32
    %get3A_1746 = arith.index_cast %get3A_1744 : i32 to index
    %get3A_1747 = arith.index_cast %get3A_1745 : i32 to index
    %get3A_1748 = arith.constant 48 : index
    %get3A_1749 = tpu.vector_load %arg5[%get3A_1746, %get3A_1747, %get3A_1748] {strides = array<i32>} : memref<8x32x128xf32, #tpu.memory_space<vmem>>, vector<1x1x16xf32>,
    %get3A_1750 = vector.shape_cast %get3A_1749 : vector<1x1x16xf32> to vector<16xf32>
    %get3A_1751 = arith.constant 3 : i32
    %get3A_1752 = arith.constant 0 : i32
    %get3A_1753 = arith.index_cast %get3A_1751 : i32 to index
    %get3A_1754 = arith.index_cast %get3A_1752 : i32 to index
    %get3A_1755 = arith.constant 64 : index
    %get3A_1756 = tpu.vector_load %arg5[%get3A_1753, %get3A_1754, %get3A_1755] {strides = array<i32>} : memref<8x32x128xf32, #tpu.memory_space<vmem>>, vector<1x1x16xf32>,
    %get3A_1757 = vector.shape_cast %get3A_1756 : vector<1x1x16xf32> to vector<16xf32>
    %get3A_1758 = arith.constant 3 : i32
    %get3A_1759 = arith.constant 0 : i32
    %get3A_1760 = arith.index_cast %get3A_1758 : i32 to index
    %get3A_1761 = arith.index_cast %get3A_1759 : i32 to index
    %get3A_1762 = arith.constant 80 : index
    %get3A_1763 = tpu.vector_load %arg5[%get3A_1760, %get3A_1761, %get3A_1762] {strides = array<i32>} : memref<8x32x128xf32, #tpu.memory_space<vmem>>, vector<1x1x16xf32>,
    %get3A_1764 = vector.shape_cast %get3A_1763 : vector<1x1x16xf32> to vector<16xf32>
    %get3A_1765 = arith.constant 3 : i32
    %get3A_1766 = arith.constant 0 : i32
    %get3A_1767 = arith.index_cast %get3A_1765 : i32 to index
    %get3A_1768 = arith.index_cast %get3A_1766 : i32 to index
    %get3A_1769 = arith.constant 96 : index
    %get3A_1770 = tpu.vector_load %arg5[%get3A_1767, %get3A_1768, %get3A_1769] {strides = array<i32>} : memref<8x32x128xf32, #tpu.memory_space<vmem>>, vector<1x1x16xf32>,
    %get3A_1771 = vector.shape_cast %get3A_1770 : vector<1x1x16xf32> to vector<16xf32>
    %get3A_1772 = arith.constant 3 : i32
    %get3A_1773 = arith.constant 0 : i32
    %get3A_1774 = arith.index_cast %get3A_1772 : i32 to index
    %get3A_1775 = arith.index_cast %get3A_1773 : i32 to index
    %get3A_1776 = arith.constant 112 : index
    %get3A_1777 = tpu.vector_load %arg5[%get3A_1774, %get3A_1775, %get3A_1776] {strides = array<i32>} : memref<8x32x128xf32, #tpu.memory_space<vmem>>, vector<1x1x16xf32>,
    %get3A_1778 = vector.shape_cast %get3A_1777 : vector<1x1x16xf32> to vector<16xf32>
    %scan3A_1779 = arith.constant 1 : i32
    %scan3A_1780 = arith.constant 30 : i32
    %scan3A_1781 = arith.addi %scan3A_1779, %scan3A_1780 : i32
    %scan3A_1782 = arith.constant 2 : i32
    %scan3A_1783:32 = scf.for %scan3A_3072 = %scan3A_1779 to %scan3A_1781 step %scan3A_1782 iter_args(%scan3A_3073 = %get3A_1561, %scan3A_3074 = %get3A_1568, %scan3A_3075 = %get3A_1575, %scan3A_3076 = %get3A_1582, %scan3A_3077 = %get3A_1589, %scan3A_3078 = %get3A_1596, %scan3A_3079 = %get3A_1603, %scan3A_3080 = %get3A_1610, %scan3A_3081 = %get3A_1617, %scan3A_3082 = %get3A_1624, %scan3A_3083 = %get3A_1631, %scan3A_3084 = %get3A_1638, %scan3A_3085 = %get3A_1645, %scan3A_3086 = %get3A_1652, %scan3A_3087 = %get3A_1659, %scan3A_3088 = %get3A_1666, %scan3A_3089 = %get3A_1673, %scan3A_3090 = %get3A_1680, %scan3A_3091 = %get3A_1687, %scan3A_3092 = %get3A_1694, %scan3A_3093 = %get3A_1701, %scan3A_3094 = %get3A_1708, %scan3A_3095 = %get3A_1715, %scan3A_3096 = %get3A_1722, %scan3A_3097 = %get3A_1729, %scan3A_3098 = %get3A_1736, %scan3A_3099 = %get3A_1743, %scan3A_3100 = %get3A_1750, %scan3A_3101 = %get3A_1757, %scan3A_3102 = %get3A_1764, %scan3A_3103 = %get3A_1771, %scan3A_3104 = %get3A_1778) -> (vector<16xf32>, vector<16xf32>, vector<16xf32>, vector<16xf32>, vector<16xf32>, vector<16xf32>, vector<16xf32>, vector<16xf32>, vector<16xf32>, vector<16xf32>, vector<16xf32>, vector<16xf32>, vector<16xf32>, vector<16xf32>, vector<16xf32>, vector<16xf32>, vector<16xf32>, vector<16xf32>, vector<16xf32>, vector<16xf32>, vector<16xf32>, vector<16xf32>, vector<16xf32>, vector<16xf32>, vector<16xf32>, vector<16xf32>, vector<16xf32>, vector<16xf32>, vector<16xf32>, vector<16xf32>, vector<16xf32>, vector<16xf32>)  : i32 {
      %get3A_3105 = arith.constant 0 : i32
      %get3A_3106 = arith.index_cast %get3A_3105 : i32 to index
      %get3A_3107 = arith.index_cast %scan3A_3072 : i32 to index
      %get3A_3108 = arith.constant 0 : index
      %get3A_3109 = tpu.vector_load %arg5[%get3A_3106, %get3A_3107, %get3A_3108] {strides = array<i32>} : memref<8x32x128xf32, #tpu.memory_space<vmem>>, vector<1x1x16xf32>,
      %get3A_3110 = vector.shape_cast %get3A_3109 : vector<1x1x16xf32> to vector<16xf32>
      %add3A_3111 = arith.addf %scan3A_3073, %get3A_3110 : vector<16xf32>
      %get3A_3112 = arith.constant 0 : i32
      %get3A_3113 = arith.index_cast %get3A_3112 : i32 to index
      %get3A_3114 = arith.index_cast %scan3A_3072 : i32 to index
      %get3A_3115 = arith.constant 16 : index
      %get3A_3116 = tpu.vector_load %arg5[%get3A_3113, %get3A_3114, %get3A_3115] {strides = array<i32>} : memref<8x32x128xf32, #tpu.memory_space<vmem>>, vector<1x1x16xf32>,
      %get3A_3117 = vector.shape_cast %get3A_3116 : vector<1x1x16xf32> to vector<16xf32>
      %add3A_3118 = arith.addf %scan3A_3074, %get3A_3117 : vector<16xf32>
      %get3A_3119 = arith.constant 0 : i32
      %get3A_3120 = arith.index_cast %get3A_3119 : i32 to index
      %get3A_3121 = arith.index_cast %scan3A_3072 : i32 to index
      %get3A_3122 = arith.constant 32 : index
      %get3A_3123 = tpu.vector_load %arg5[%get3A_3120, %get3A_3121, %get3A_3122] {strides = array<i32>} : memref<8x32x128xf32, #tpu.memory_space<vmem>>, vector<1x1x16xf32>,
      %get3A_3124 = vector.shape_cast %get3A_3123 : vector<1x1x16xf32> to vector<16xf32>
      %add3A_3125 = arith.addf %scan3A_3075, %get3A_3124 : vector<16xf32>
      %get3A_3126 = arith.constant 0 : i32
      %get3A_3127 = arith.index_cast %get3A_3126 : i32 to index
      %get3A_3128 = arith.index_cast %scan3A_3072 : i32 to index
      %get3A_3129 = arith.constant 48 : index
      %get3A_3130 = tpu.vector_load %arg5[%get3A_3127, %get3A_3128, %get3A_3129] {strides = array<i32>} : memref<8x32x128xf32, #tpu.memory_space<vmem>>, vector<1x1x16xf32>,
      %get3A_3131 = vector.shape_cast %get3A_3130 : vector<1x1x16xf32> to vector<16xf32>
      %add3A_3132 = arith.addf %scan3A_3076, %get3A_3131 : vector<16xf32>
      %get3A_3133 = arith.constant 0 : i32
      %get3A_3134 = arith.index_cast %get3A_3133 : i32 to index
      %get3A_3135 = arith.index_cast %scan3A_3072 : i32 to index
      %get3A_3136 = arith.constant 64 : index
      %get3A_3137 = tpu.vector_load %arg5[%get3A_3134, %get3A_3135, %get3A_3136] {strides = array<i32>} : memref<8x32x128xf32, #tpu.memory_space<vmem>>, vector<1x1x16xf32>,
      %get3A_3138 = vector.shape_cast %get3A_3137 : vector<1x1x16xf32> to vector<16xf32>
      %add3A_3139 = arith.addf %scan3A_3077, %get3A_3138 : vector<16xf32>
      %get3A_3140 = arith.constant 0 : i32
      %get3A_3141 = arith.index_cast %get3A_3140 : i32 to index
      %get3A_3142 = arith.index_cast %scan3A_3072 : i32 to index
      %get3A_3143 = arith.constant 80 : index
      %get3A_3144 = tpu.vector_load %arg5[%get3A_3141, %get3A_3142, %get3A_3143] {strides = array<i32>} : memref<8x32x128xf32, #tpu.memory_space<vmem>>, vector<1x1x16xf32>,
      %get3A_3145 = vector.shape_cast %get3A_3144 : vector<1x1x16xf32> to vector<16xf32>
      %add3A_3146 = arith.addf %scan3A_3078, %get3A_3145 : vector<16xf32>
      %get3A_3147 = arith.constant 0 : i32
      %get3A_3148 = arith.index_cast %get3A_3147 : i32 to index
      %get3A_3149 = arith.index_cast %scan3A_3072 : i32 to index
      %get3A_3150 = arith.constant 96 : index
      %get3A_3151 = tpu.vector_load %arg5[%get3A_3148, %get3A_3149, %get3A_3150] {strides = array<i32>} : memref<8x32x128xf32, #tpu.memory_space<vmem>>, vector<1x1x16xf32>,
      %get3A_3152 = vector.shape_cast %get3A_3151 : vector<1x1x16xf32> to vector<16xf32>
      %add3A_3153 = arith.addf %scan3A_3079, %get3A_3152 : vector<16xf32>
      %get3A_3154 = arith.constant 0 : i32
      %get3A_3155 = arith.index_cast %get3A_3154 : i32 to index
      %get3A_3156 = arith.index_cast %scan3A_3072 : i32 to index
      %get3A_3157 = arith.constant 112 : index
      %get3A_3158 = tpu.vector_load %arg5[%get3A_3155, %get3A_3156, %get3A_3157] {strides = array<i32>} : memref<8x32x128xf32, #tpu.memory_space<vmem>>, vector<1x1x16xf32>,
      %get3A_3159 = vector.shape_cast %get3A_3158 : vector<1x1x16xf32> to vector<16xf32>
      %add3A_3160 = arith.addf %scan3A_3080, %get3A_3159 : vector<16xf32>
      %get3A_3161 = arith.constant 1 : i32
      %get3A_3162 = arith.index_cast %get3A_3161 : i32 to index
      %get3A_3163 = arith.index_cast %scan3A_3072 : i32 to index
      %get3A_3164 = arith.constant 0 : index
      %get3A_3165 = tpu.vector_load %arg5[%get3A_3162, %get3A_3163, %get3A_3164] {strides = array<i32>} : memref<8x32x128xf32, #tpu.memory_space<vmem>>, vector<1x1x16xf32>,
      %get3A_3166 = vector.shape_cast %get3A_3165 : vector<1x1x16xf32> to vector<16xf32>
      %add3A_3167 = arith.addf %scan3A_3081, %get3A_3166 : vector<16xf32>
      %get3A_3168 = arith.constant 1 : i32
      %get3A_3169 = arith.index_cast %get3A_3168 : i32 to index
      %get3A_3170 = arith.index_cast %scan3A_3072 : i32 to index
      %get3A_3171 = arith.constant 16 : index
      %get3A_3172 = tpu.vector_load %arg5[%get3A_3169, %get3A_3170, %get3A_3171] {strides = array<i32>} : memref<8x32x128xf32, #tpu.memory_space<vmem>>, vector<1x1x16xf32>,
      %get3A_3173 = vector.shape_cast %get3A_3172 : vector<1x1x16xf32> to vector<16xf32>
      %add3A_3174 = arith.addf %scan3A_3082, %get3A_3173 : vector<16xf32>
      %get3A_3175 = arith.constant 1 : i32
      %get3A_3176 = arith.index_cast %get3A_3175 : i32 to index
      %get3A_3177 = arith.index_cast %scan3A_3072 : i32 to index
      %get3A_3178 = arith.constant 32 : index
      %get3A_3179 = tpu.vector_load %arg5[%get3A_3176, %get3A_3177, %get3A_3178] {strides = array<i32>} : memref<8x32x128xf32, #tpu.memory_space<vmem>>, vector<1x1x16xf32>,
      %get3A_3180 = vector.shape_cast %get3A_3179 : vector<1x1x16xf32> to vector<16xf32>
      %add3A_3181 = arith.addf %scan3A_3083, %get3A_3180 : vector<16xf32>
      %get3A_3182 = arith.constant 1 : i32
      %get3A_3183 = arith.index_cast %get3A_3182 : i32 to index
      %get3A_3184 = arith.index_cast %scan3A_3072 : i32 to index
      %get3A_3185 = arith.constant 48 : index
      %get3A_3186 = tpu.vector_load %arg5[%get3A_3183, %get3A_3184, %get3A_3185] {strides = array<i32>} : memref<8x32x128xf32, #tpu.memory_space<vmem>>, vector<1x1x16xf32>,
      %get3A_3187 = vector.shape_cast %get3A_3186 : vector<1x1x16xf32> to vector<16xf32>
      %add3A_3188 = arith.addf %scan3A_3084, %get3A_3187 : vector<16xf32>
      %get3A_3189 = arith.constant 1 : i32
      %get3A_3190 = arith.index_cast %get3A_3189 : i32 to index
      %get3A_3191 = arith.index_cast %scan3A_3072 : i32 to index
      %get3A_3192 = arith.constant 64 : index
      %get3A_3193 = tpu.vector_load %arg5[%get3A_3190, %get3A_3191, %get3A_3192] {strides = array<i32>} : memref<8x32x128xf32, #tpu.memory_space<vmem>>, vector<1x1x16xf32>,
      %get3A_3194 = vector.shape_cast %get3A_3193 : vector<1x1x16xf32> to vector<16xf32>
      %add3A_3195 = arith.addf %scan3A_3085, %get3A_3194 : vector<16xf32>
      %get3A_3196 = arith.constant 1 : i32
      %get3A_3197 = arith.index_cast %get3A_3196 : i32 to index
      %get3A_3198 = arith.index_cast %scan3A_3072 : i32 to index
      %get3A_3199 = arith.constant 80 : index
      %get3A_3200 = tpu.vector_load %arg5[%get3A_3197, %get3A_3198, %get3A_3199] {strides = array<i32>} : memref<8x32x128xf32, #tpu.memory_space<vmem>>, vector<1x1x16xf32>,
      %get3A_3201 = vector.shape_cast %get3A_3200 : vector<1x1x16xf32> to vector<16xf32>
      %add3A_3202 = arith.addf %scan3A_3086, %get3A_3201 : vector<16xf32>
      %get3A_3203 = arith.constant 1 : i32
      %get3A_3204 = arith.index_cast %get3A_3203 : i32 to index
      %get3A_3205 = arith.index_cast %scan3A_3072 : i32 to index
      %get3A_3206 = arith.constant 96 : index
      %get3A_3207 = tpu.vector_load %arg5[%get3A_3204, %get3A_3205, %get3A_3206] {strides = array<i32>} : memref<8x32x128xf32, #tpu.memory_space<vmem>>, vector<1x1x16xf32>,
      %get3A_3208 = vector.shape_cast %get3A_3207 : vector<1x1x16xf32> to vector<16xf32>
      %add3A_3209 = arith.addf %scan3A_3087, %get3A_3208 : vector<16xf32>
      %get3A_3210 = arith.constant 1 : i32
      %get3A_3211 = arith.index_cast %get3A_3210 : i32 to index
      %get3A_3212 = arith.index_cast %scan3A_3072 : i32 to index
      %get3A_3213 = arith.constant 112 : index
      %get3A_3214 = tpu.vector_load %arg5[%get3A_3211, %get3A_3212, %get3A_3213] {strides = array<i32>} : memref<8x32x128xf32, #tpu.memory_space<vmem>>, vector<1x1x16xf32>,
      %get3A_3215 = vector.shape_cast %get3A_3214 : vector<1x1x16xf32> to vector<16xf32>
      %add3A_3216 = arith.addf %scan3A_3088, %get3A_3215 : vector<16xf32>
      %get3A_3217 = arith.constant 2 : i32
      %get3A_3218 = arith.index_cast %get3A_3217 : i32 to index
      %get3A_3219 = arith.index_cast %scan3A_3072 : i32 to index
      %get3A_3220 = arith.constant 0 : index
      %get3A_3221 = tpu.vector_load %arg5[%get3A_3218, %get3A_3219, %get3A_3220] {strides = array<i32>} : memref<8x32x128xf32, #tpu.memory_space<vmem>>, vector<1x1x16xf32>,
      %get3A_3222 = vector.shape_cast %get3A_3221 : vector<1x1x16xf32> to vector<16xf32>
      %add3A_3223 = arith.addf %scan3A_3089, %get3A_3222 : vector<16xf32>
      %get3A_3224 = arith.constant 2 : i32
      %get3A_3225 = arith.index_cast %get3A_3224 : i32 to index
      %get3A_3226 = arith.index_cast %scan3A_3072 : i32 to index
      %get3A_3227 = arith.constant 16 : index
      %get3A_3228 = tpu.vector_load %arg5[%get3A_3225, %get3A_3226, %get3A_3227] {strides = array<i32>} : memref<8x32x128xf32, #tpu.memory_space<vmem>>, vector<1x1x16xf32>,
      %get3A_3229 = vector.shape_cast %get3A_3228 : vector<1x1x16xf32> to vector<16xf32>
      %add3A_3230 = arith.addf %scan3A_3090, %get3A_3229 : vector<16xf32>
      %get3A_3231 = arith.constant 2 : i32
      %get3A_3232 = arith.index_cast %get3A_3231 : i32 to index
      %get3A_3233 = arith.index_cast %scan3A_3072 : i32 to index
      %get3A_3234 = arith.constant 32 : index
      %get3A_3235 = tpu.vector_load %arg5[%get3A_3232, %get3A_3233, %get3A_3234] {strides = array<i32>} : memref<8x32x128xf32, #tpu.memory_space<vmem>>, vector<1x1x16xf32>,
      %get3A_3236 = vector.shape_cast %get3A_3235 : vector<1x1x16xf32> to vector<16xf32>
      %add3A_3237 = arith.addf %scan3A_3091, %get3A_3236 : vector<16xf32>
      %get3A_3238 = arith.constant 2 : i32
      %get3A_3239 = arith.index_cast %get3A_3238 : i32 to index
      %get3A_3240 = arith.index_cast %scan3A_3072 : i32 to index
      %get3A_3241 = arith.constant 48 : index
      %get3A_3242 = tpu.vector_load %arg5[%get3A_3239, %get3A_3240, %get3A_3241] {strides = array<i32>} : memref<8x32x128xf32, #tpu.memory_space<vmem>>, vector<1x1x16xf32>,
      %get3A_3243 = vector.shape_cast %get3A_3242 : vector<1x1x16xf32> to vector<16xf32>
      %add3A_3244 = arith.addf %scan3A_3092, %get3A_3243 : vector<16xf32>
      %get3A_3245 = arith.constant 2 : i32
      %get3A_3246 = arith.index_cast %get3A_3245 : i32 to index
      %get3A_3247 = arith.index_cast %scan3A_3072 : i32 to index
      %get3A_3248 = arith.constant 64 : index
      %get3A_3249 = tpu.vector_load %arg5[%get3A_3246, %get3A_3247, %get3A_3248] {strides = array<i32>} : memref<8x32x128xf32, #tpu.memory_space<vmem>>, vector<1x1x16xf32>,
      %get3A_3250 = vector.shape_cast %get3A_3249 : vector<1x1x16xf32> to vector<16xf32>
      %add3A_3251 = arith.addf %scan3A_3093, %get3A_3250 : vector<16xf32>
      %get3A_3252 = arith.constant 2 : i32
      %get3A_3253 = arith.index_cast %get3A_3252 : i32 to index
      %get3A_3254 = arith.index_cast %scan3A_3072 : i32 to index
      %get3A_3255 = arith.constant 80 : index
      %get3A_3256 = tpu.vector_load %arg5[%get3A_3253, %get3A_3254, %get3A_3255] {strides = array<i32>} : memref<8x32x128xf32, #tpu.memory_space<vmem>>, vector<1x1x16xf32>,
      %get3A_3257 = vector.shape_cast %get3A_3256 : vector<1x1x16xf32> to vector<16xf32>
      %add3A_3258 = arith.addf %scan3A_3094, %get3A_3257 : vector<16xf32>
      %get3A_3259 = arith.constant 2 : i32
      %get3A_3260 = arith.index_cast %get3A_3259 : i32 to index
      %get3A_3261 = arith.index_cast %scan3A_3072 : i32 to index
      %get3A_3262 = arith.constant 96 : index
      %get3A_3263 = tpu.vector_load %arg5[%get3A_3260, %get3A_3261, %get3A_3262] {strides = array<i32>} : memref<8x32x128xf32, #tpu.memory_space<vmem>>, vector<1x1x16xf32>,
      %get3A_3264 = vector.shape_cast %get3A_3263 : vector<1x1x16xf32> to vector<16xf32>
      %add3A_3265 = arith.addf %scan3A_3095, %get3A_3264 : vector<16xf32>
      %get3A_3266 = arith.constant 2 : i32
      %get3A_3267 = arith.index_cast %get3A_3266 : i32 to index
      %get3A_3268 = arith.index_cast %scan3A_3072 : i32 to index
      %get3A_3269 = arith.constant 112 : index
      %get3A_3270 = tpu.vector_load %arg5[%get3A_3267, %get3A_3268, %get3A_3269] {strides = array<i32>} : memref<8x32x128xf32, #tpu.memory_space<vmem>>, vector<1x1x16xf32>,
      %get3A_3271 = vector.shape_cast %get3A_3270 : vector<1x1x16xf32> to vector<16xf32>
      %add3A_3272 = arith.addf %scan3A_3096, %get3A_3271 : vector<16xf32>
      %get3A_3273 = arith.constant 3 : i32
      %get3A_3274 = arith.index_cast %get3A_3273 : i32 to index
      %get3A_3275 = arith.index_cast %scan3A_3072 : i32 to index
      %get3A_3276 = arith.constant 0 : index
      %get3A_3277 = tpu.vector_load %arg5[%get3A_3274, %get3A_3275, %get3A_3276] {strides = array<i32>} : memref<8x32x128xf32, #tpu.memory_space<vmem>>, vector<1x1x16xf32>,
      %get3A_3278 = vector.shape_cast %get3A_3277 : vector<1x1x16xf32> to vector<16xf32>
      %add3A_3279 = arith.addf %scan3A_3097, %get3A_3278 : vector<16xf32>
      %get3A_3280 = arith.constant 3 : i32
      %get3A_3281 = arith.index_cast %get3A_3280 : i32 to index
      %get3A_3282 = arith.index_cast %scan3A_3072 : i32 to index
      %get3A_3283 = arith.constant 16 : index
      %get3A_3284 = tpu.vector_load %arg5[%get3A_3281, %get3A_3282, %get3A_3283] {strides = array<i32>} : memref<8x32x128xf32, #tpu.memory_space<vmem>>, vector<1x1x16xf32>,
      %get3A_3285 = vector.shape_cast %get3A_3284 : vector<1x1x16xf32> to vector<16xf32>
      %add3A_3286 = arith.addf %scan3A_3098, %get3A_3285 : vector<16xf32>
      %get3A_3287 = arith.constant 3 : i32
      %get3A_3288 = arith.index_cast %get3A_3287 : i32 to index
      %get3A_3289 = arith.index_cast %scan3A_3072 : i32 to index
      %get3A_3290 = arith.constant 32 : index
      %get3A_3291 = tpu.vector_load %arg5[%get3A_3288, %get3A_3289, %get3A_3290] {strides = array<i32>} : memref<8x32x128xf32, #tpu.memory_space<vmem>>, vector<1x1x16xf32>,
      %get3A_3292 = vector.shape_cast %get3A_3291 : vector<1x1x16xf32> to vector<16xf32>
      %add3A_3293 = arith.addf %scan3A_3099, %get3A_3292 : vector<16xf32>
      %get3A_3294 = arith.constant 3 : i32
      %get3A_3295 = arith.index_cast %get3A_3294 : i32 to index
      %get3A_3296 = arith.index_cast %scan3A_3072 : i32 to index
      %get3A_3297 = arith.constant 48 : index
      %get3A_3298 = tpu.vector_load %arg5[%get3A_3295, %get3A_3296, %get3A_3297] {strides = array<i32>} : memref<8x32x128xf32, #tpu.memory_space<vmem>>, vector<1x1x16xf32>,
      %get3A_3299 = vector.shape_cast %get3A_3298 : vector<1x1x16xf32> to vector<16xf32>
      %add3A_3300 = arith.addf %scan3A_3100, %get3A_3299 : vector<16xf32>
      %get3A_3301 = arith.constant 3 : i32
      %get3A_3302 = arith.index_cast %get3A_3301 : i32 to index
      %get3A_3303 = arith.index_cast %scan3A_3072 : i32 to index
      %get3A_3304 = arith.constant 64 : index
      %get3A_3305 = tpu.vector_load %arg5[%get3A_3302, %get3A_3303, %get3A_3304] {strides = array<i32>} : memref<8x32x128xf32, #tpu.memory_space<vmem>>, vector<1x1x16xf32>,
      %get3A_3306 = vector.shape_cast %get3A_3305 : vector<1x1x16xf32> to vector<16xf32>
      %add3A_3307 = arith.addf %scan3A_3101, %get3A_3306 : vector<16xf32>
      %get3A_3308 = arith.constant 3 : i32
      %get3A_3309 = arith.index_cast %get3A_3308 : i32 to index
      %get3A_3310 = arith.index_cast %scan3A_3072 : i32 to index
      %get3A_3311 = arith.constant 80 : index
      %get3A_3312 = tpu.vector_load %arg5[%get3A_3309, %get3A_3310, %get3A_3311] {strides = array<i32>} : memref<8x32x128xf32, #tpu.memory_space<vmem>>, vector<1x1x16xf32>,
      %get3A_3313 = vector.shape_cast %get3A_3312 : vector<1x1x16xf32> to vector<16xf32>
      %add3A_3314 = arith.addf %scan3A_3102, %get3A_3313 : vector<16xf32>
      %get3A_3315 = arith.constant 3 : i32
      %get3A_3316 = arith.index_cast %get3A_3315 : i32 to index
      %get3A_3317 = arith.index_cast %scan3A_3072 : i32 to index
      %get3A_3318 = arith.constant 96 : index
      %get3A_3319 = tpu.vector_load %arg5[%get3A_3316, %get3A_3317, %get3A_3318] {strides = array<i32>} : memref<8x32x128xf32, #tpu.memory_space<vmem>>, vector<1x1x16xf32>,
      %get3A_3320 = vector.shape_cast %get3A_3319 : vector<1x1x16xf32> to vector<16xf32>
      %add3A_3321 = arith.addf %scan3A_3103, %get3A_3320 : vector<16xf32>
      %get3A_3322 = arith.constant 3 : i32
      %get3A_3323 = arith.index_cast %get3A_3322 : i32 to index
      %get3A_3324 = arith.index_cast %scan3A_3072 : i32 to index
      %get3A_3325 = arith.constant 112 : index
      %get3A_3326 = tpu.vector_load %arg5[%get3A_3323, %get3A_3324, %get3A_3325] {strides = array<i32>} : memref<8x32x128xf32, #tpu.memory_space<vmem>>, vector<1x1x16xf32>,
      %get3A_3327 = vector.shape_cast %get3A_3326 : vector<1x1x16xf32> to vector<16xf32>
      %add3A_3328 = arith.addf %scan3A_3104, %get3A_3327 : vector<16xf32>
      %scan3A_3329 = arith.constant 1 : i32
      %scan3A_3330 = arith.addi %scan3A_3072, %scan3A_3329 : i32
      %get3A_3331 = arith.constant 0 : i32
      %get3A_3332 = arith.index_cast %get3A_3331 : i32 to index
      %get3A_3333 = arith.index_cast %scan3A_3330 : i32 to index
      %get3A_3334 = arith.constant 0 : index
      %get3A_3335 = tpu.vector_load %arg5[%get3A_3332, %get3A_3333, %get3A_3334] {strides = array<i32>} : memref<8x32x128xf32, #tpu.memory_space<vmem>>, vector<1x1x16xf32>,
      %get3A_3336 = vector.shape_cast %get3A_3335 : vector<1x1x16xf32> to vector<16xf32>
      %add3A_3337 = arith.addf %add3A_3111, %get3A_3336 : vector<16xf32>
      %get3A_3338 = arith.constant 0 : i32
      %get3A_3339 = arith.index_cast %get3A_3338 : i32 to index
      %get3A_3340 = arith.index_cast %scan3A_3330 : i32 to index
      %get3A_3341 = arith.constant 16 : index
      %get3A_3342 = tpu.vector_load %arg5[%get3A_3339, %get3A_3340, %get3A_3341] {strides = array<i32>} : memref<8x32x128xf32, #tpu.memory_space<vmem>>, vector<1x1x16xf32>,
      %get3A_3343 = vector.shape_cast %get3A_3342 : vector<1x1x16xf32> to vector<16xf32>
      %add3A_3344 = arith.addf %add3A_3118, %get3A_3343 : vector<16xf32>
      %get3A_3345 = arith.constant 0 : i32
      %get3A_3346 = arith.index_cast %get3A_3345 : i32 to index
      %get3A_3347 = arith.index_cast %scan3A_3330 : i32 to index
      %get3A_3348 = arith.constant 32 : index
      %get3A_3349 = tpu.vector_load %arg5[%get3A_3346, %get3A_3347, %get3A_3348] {strides = array<i32>} : memref<8x32x128xf32, #tpu.memory_space<vmem>>, vector<1x1x16xf32>,
      %get3A_3350 = vector.shape_cast %get3A_3349 : vector<1x1x16xf32> to vector<16xf32>
      %add3A_3351 = arith.addf %add3A_3125, %get3A_3350 : vector<16xf32>
      %get3A_3352 = arith.constant 0 : i32
      %get3A_3353 = arith.index_cast %get3A_3352 : i32 to index
      %get3A_3354 = arith.index_cast %scan3A_3330 : i32 to index
      %get3A_3355 = arith.constant 48 : index
      %get3A_3356 = tpu.vector_load %arg5[%get3A_3353, %get3A_3354, %get3A_3355] {strides = array<i32>} : memref<8x32x128xf32, #tpu.memory_space<vmem>>, vector<1x1x16xf32>,
      %get3A_3357 = vector.shape_cast %get3A_3356 : vector<1x1x16xf32> to vector<16xf32>
      %add3A_3358 = arith.addf %add3A_3132, %get3A_3357 : vector<16xf32>
      %get3A_3359 = arith.constant 0 : i32
      %get3A_3360 = arith.index_cast %get3A_3359 : i32 to index
      %get3A_3361 = arith.index_cast %scan3A_3330 : i32 to index
      %get3A_3362 = arith.constant 64 : index
      %get3A_3363 = tpu.vector_load %arg5[%get3A_3360, %get3A_3361, %get3A_3362] {strides = array<i32>} : memref<8x32x128xf32, #tpu.memory_space<vmem>>, vector<1x1x16xf32>,
      %get3A_3364 = vector.shape_cast %get3A_3363 : vector<1x1x16xf32> to vector<16xf32>
      %add3A_3365 = arith.addf %add3A_3139, %get3A_3364 : vector<16xf32>
      %get3A_3366 = arith.constant 0 : i32
      %get3A_3367 = arith.index_cast %get3A_3366 : i32 to index
      %get3A_3368 = arith.index_cast %scan3A_3330 : i32 to index
      %get3A_3369 = arith.constant 80 : index
      %get3A_3370 = tpu.vector_load %arg5[%get3A_3367, %get3A_3368, %get3A_3369] {strides = array<i32>} : memref<8x32x128xf32, #tpu.memory_space<vmem>>, vector<1x1x16xf32>,
      %get3A_3371 = vector.shape_cast %get3A_3370 : vector<1x1x16xf32> to vector<16xf32>
      %add3A_3372 = arith.addf %add3A_3146, %get3A_3371 : vector<16xf32>
      %get3A_3373 = arith.constant 0 : i32
      %get3A_3374 = arith.index_cast %get3A_3373 : i32 to index
      %get3A_3375 = arith.index_cast %scan3A_3330 : i32 to index
      %get3A_3376 = arith.constant 96 : index
      %get3A_3377 = tpu.vector_load %arg5[%get3A_3374, %get3A_3375, %get3A_3376] {strides = array<i32>} : memref<8x32x128xf32, #tpu.memory_space<vmem>>, vector<1x1x16xf32>,
      %get3A_3378 = vector.shape_cast %get3A_3377 : vector<1x1x16xf32> to vector<16xf32>
      %add3A_3379 = arith.addf %add3A_3153, %get3A_3378 : vector<16xf32>
      %get3A_3380 = arith.constant 0 : i32
      %get3A_3381 = arith.index_cast %get3A_3380 : i32 to index
      %get3A_3382 = arith.index_cast %scan3A_3330 : i32 to index
      %get3A_3383 = arith.constant 112 : index
      %get3A_3384 = tpu.vector_load %arg5[%get3A_3381, %get3A_3382, %get3A_3383] {strides = array<i32>} : memref<8x32x128xf32, #tpu.memory_space<vmem>>, vector<1x1x16xf32>,
      %get3A_3385 = vector.shape_cast %get3A_3384 : vector<1x1x16xf32> to vector<16xf32>
      %add3A_3386 = arith.addf %add3A_3160, %get3A_3385 : vector<16xf32>
      %get3A_3387 = arith.constant 1 : i32
      %get3A_3388 = arith.index_cast %get3A_3387 : i32 to index
      %get3A_3389 = arith.index_cast %scan3A_3330 : i32 to index
      %get3A_3390 = arith.constant 0 : index
      %get3A_3391 = tpu.vector_load %arg5[%get3A_3388, %get3A_3389, %get3A_3390] {strides = array<i32>} : memref<8x32x128xf32, #tpu.memory_space<vmem>>, vector<1x1x16xf32>,
      %get3A_3392 = vector.shape_cast %get3A_3391 : vector<1x1x16xf32> to vector<16xf32>
      %add3A_3393 = arith.addf %add3A_3167, %get3A_3392 : vector<16xf32>
      %get3A_3394 = arith.constant 1 : i32
      %get3A_3395 = arith.index_cast %get3A_3394 : i32 to index
      %get3A_3396 = arith.index_cast %scan3A_3330 : i32 to index
      %get3A_3397 = arith.constant 16 : index
      %get3A_3398 = tpu.vector_load %arg5[%get3A_3395, %get3A_3396, %get3A_3397] {strides = array<i32>} : memref<8x32x128xf32, #tpu.memory_space<vmem>>, vector<1x1x16xf32>,
      %get3A_3399 = vector.shape_cast %get3A_3398 : vector<1x1x16xf32> to vector<16xf32>
      %add3A_3400 = arith.addf %add3A_3174, %get3A_3399 : vector<16xf32>
      %get3A_3401 = arith.constant 1 : i32
      %get3A_3402 = arith.index_cast %get3A_3401 : i32 to index
      %get3A_3403 = arith.index_cast %scan3A_3330 : i32 to index
      %get3A_3404 = arith.constant 32 : index
      %get3A_3405 = tpu.vector_load %arg5[%get3A_3402, %get3A_3403, %get3A_3404] {strides = array<i32>} : memref<8x32x128xf32, #tpu.memory_space<vmem>>, vector<1x1x16xf32>,
      %get3A_3406 = vector.shape_cast %get3A_3405 : vector<1x1x16xf32> to vector<16xf32>
      %add3A_3407 = arith.addf %add3A_3181, %get3A_3406 : vector<16xf32>
      %get3A_3408 = arith.constant 1 : i32
      %get3A_3409 = arith.index_cast %get3A_3408 : i32 to index
      %get3A_3410 = arith.index_cast %scan3A_3330 : i32 to index
      %get3A_3411 = arith.constant 48 : index
      %get3A_3412 = tpu.vector_load %arg5[%get3A_3409, %get3A_3410, %get3A_3411] {strides = array<i32>} : memref<8x32x128xf32, #tpu.memory_space<vmem>>, vector<1x1x16xf32>,
      %get3A_3413 = vector.shape_cast %get3A_3412 : vector<1x1x16xf32> to vector<16xf32>
      %add3A_3414 = arith.addf %add3A_3188, %get3A_3413 : vector<16xf32>
      %get3A_3415 = arith.constant 1 : i32
      %get3A_3416 = arith.index_cast %get3A_3415 : i32 to index
      %get3A_3417 = arith.index_cast %scan3A_3330 : i32 to index
      %get3A_3418 = arith.constant 64 : index
      %get3A_3419 = tpu.vector_load %arg5[%get3A_3416, %get3A_3417, %get3A_3418] {strides = array<i32>} : memref<8x32x128xf32, #tpu.memory_space<vmem>>, vector<1x1x16xf32>,
      %get3A_3420 = vector.shape_cast %get3A_3419 : vector<1x1x16xf32> to vector<16xf32>
      %add3A_3421 = arith.addf %add3A_3195, %get3A_3420 : vector<16xf32>
      %get3A_3422 = arith.constant 1 : i32
      %get3A_3423 = arith.index_cast %get3A_3422 : i32 to index
      %get3A_3424 = arith.index_cast %scan3A_3330 : i32 to index
      %get3A_3425 = arith.constant 80 : index
      %get3A_3426 = tpu.vector_load %arg5[%get3A_3423, %get3A_3424, %get3A_3425] {strides = array<i32>} : memref<8x32x128xf32, #tpu.memory_space<vmem>>, vector<1x1x16xf32>,
      %get3A_3427 = vector.shape_cast %get3A_3426 : vector<1x1x16xf32> to vector<16xf32>
      %add3A_3428 = arith.addf %add3A_3202, %get3A_3427 : vector<16xf32>
      %get3A_3429 = arith.constant 1 : i32
      %get3A_3430 = arith.index_cast %get3A_3429 : i32 to index
      %get3A_3431 = arith.index_cast %scan3A_3330 : i32 to index
      %get3A_3432 = arith.constant 96 : index
      %get3A_3433 = tpu.vector_load %arg5[%get3A_3430, %get3A_3431, %get3A_3432] {strides = array<i32>} : memref<8x32x128xf32, #tpu.memory_space<vmem>>, vector<1x1x16xf32>,
      %get3A_3434 = vector.shape_cast %get3A_3433 : vector<1x1x16xf32> to vector<16xf32>
      %add3A_3435 = arith.addf %add3A_3209, %get3A_3434 : vector<16xf32>
      %get3A_3436 = arith.constant 1 : i32
      %get3A_3437 = arith.index_cast %get3A_3436 : i32 to index
      %get3A_3438 = arith.index_cast %scan3A_3330 : i32 to index
      %get3A_3439 = arith.constant 112 : index
      %get3A_3440 = tpu.vector_load %arg5[%get3A_3437, %get3A_3438, %get3A_3439] {strides = array<i32>} : memref<8x32x128xf32, #tpu.memory_space<vmem>>, vector<1x1x16xf32>,
      %get3A_3441 = vector.shape_cast %get3A_3440 : vector<1x1x16xf32> to vector<16xf32>
      %add3A_3442 = arith.addf %add3A_3216, %get3A_3441 : vector<16xf32>
      %get3A_3443 = arith.constant 2 : i32
      %get3A_3444 = arith.index_cast %get3A_3443 : i32 to index
      %get3A_3445 = arith.index_cast %scan3A_3330 : i32 to index
      %get3A_3446 = arith.constant 0 : index
      %get3A_3447 = tpu.vector_load %arg5[%get3A_3444, %get3A_3445, %get3A_3446] {strides = array<i32>} : memref<8x32x128xf32, #tpu.memory_space<vmem>>, vector<1x1x16xf32>,
      %get3A_3448 = vector.shape_cast %get3A_3447 : vector<1x1x16xf32> to vector<16xf32>
      %add3A_3449 = arith.addf %add3A_3223, %get3A_3448 : vector<16xf32>
      %get3A_3450 = arith.constant 2 : i32
      %get3A_3451 = arith.index_cast %get3A_3450 : i32 to index
      %get3A_3452 = arith.index_cast %scan3A_3330 : i32 to index
      %get3A_3453 = arith.constant 16 : index
      %get3A_3454 = tpu.vector_load %arg5[%get3A_3451, %get3A_3452, %get3A_3453] {strides = array<i32>} : memref<8x32x128xf32, #tpu.memory_space<vmem>>, vector<1x1x16xf32>,
      %get3A_3455 = vector.shape_cast %get3A_3454 : vector<1x1x16xf32> to vector<16xf32>
      %add3A_3456 = arith.addf %add3A_3230, %get3A_3455 : vector<16xf32>
      %get3A_3457 = arith.constant 2 : i32
      %get3A_3458 = arith.index_cast %get3A_3457 : i32 to index
      %get3A_3459 = arith.index_cast %scan3A_3330 : i32 to index
      %get3A_3460 = arith.constant 32 : index
      %get3A_3461 = tpu.vector_load %arg5[%get3A_3458, %get3A_3459, %get3A_3460] {strides = array<i32>} : memref<8x32x128xf32, #tpu.memory_space<vmem>>, vector<1x1x16xf32>,
      %get3A_3462 = vector.shape_cast %get3A_3461 : vector<1x1x16xf32> to vector<16xf32>
      %add3A_3463 = arith.addf %add3A_3237, %get3A_3462 : vector<16xf32>
      %get3A_3464 = arith.constant 2 : i32
      %get3A_3465 = arith.index_cast %get3A_3464 : i32 to index
      %get3A_3466 = arith.index_cast %scan3A_3330 : i32 to index
      %get3A_3467 = arith.constant 48 : index
      %get3A_3468 = tpu.vector_load %arg5[%get3A_3465, %get3A_3466, %get3A_3467] {strides = array<i32>} : memref<8x32x128xf32, #tpu.memory_space<vmem>>, vector<1x1x16xf32>,
      %get3A_3469 = vector.shape_cast %get3A_3468 : vector<1x1x16xf32> to vector<16xf32>
      %add3A_3470 = arith.addf %add3A_3244, %get3A_3469 : vector<16xf32>
      %get3A_3471 = arith.constant 2 : i32
      %get3A_3472 = arith.index_cast %get3A_3471 : i32 to index
      %get3A_3473 = arith.index_cast %scan3A_3330 : i32 to index
      %get3A_3474 = arith.constant 64 : index
      %get3A_3475 = tpu.vector_load %arg5[%get3A_3472, %get3A_3473, %get3A_3474] {strides = array<i32>} : memref<8x32x128xf32, #tpu.memory_space<vmem>>, vector<1x1x16xf32>,
      %get3A_3476 = vector.shape_cast %get3A_3475 : vector<1x1x16xf32> to vector<16xf32>
      %add3A_3477 = arith.addf %add3A_3251, %get3A_3476 : vector<16xf32>
      %get3A_3478 = arith.constant 2 : i32
      %get3A_3479 = arith.index_cast %get3A_3478 : i32 to index
      %get3A_3480 = arith.index_cast %scan3A_3330 : i32 to index
      %get3A_3481 = arith.constant 80 : index
      %get3A_3482 = tpu.vector_load %arg5[%get3A_3479, %get3A_3480, %get3A_3481] {strides = array<i32>} : memref<8x32x128xf32, #tpu.memory_space<vmem>>, vector<1x1x16xf32>,
      %get3A_3483 = vector.shape_cast %get3A_3482 : vector<1x1x16xf32> to vector<16xf32>
      %add3A_3484 = arith.addf %add3A_3258, %get3A_3483 : vector<16xf32>
      %get3A_3485 = arith.constant 2 : i32
      %get3A_3486 = arith.index_cast %get3A_3485 : i32 to index
      %get3A_3487 = arith.index_cast %scan3A_3330 : i32 to index
      %get3A_3488 = arith.constant 96 : index
      %get3A_3489 = tpu.vector_load %arg5[%get3A_3486, %get3A_3487, %get3A_3488] {strides = array<i32>} : memref<8x32x128xf32, #tpu.memory_space<vmem>>, vector<1x1x16xf32>,
      %get3A_3490 = vector.shape_cast %get3A_3489 : vector<1x1x16xf32> to vector<16xf32>
      %add3A_3491 = arith.addf %add3A_3265, %get3A_3490 : vector<16xf32>
      %get3A_3492 = arith.constant 2 : i32
      %get3A_3493 = arith.index_cast %get3A_3492 : i32 to index
      %get3A_3494 = arith.index_cast %scan3A_3330 : i32 to index
      %get3A_3495 = arith.constant 112 : index
      %get3A_3496 = tpu.vector_load %arg5[%get3A_3493, %get3A_3494, %get3A_3495] {strides = array<i32>} : memref<8x32x128xf32, #tpu.memory_space<vmem>>, vector<1x1x16xf32>,
      %get3A_3497 = vector.shape_cast %get3A_3496 : vector<1x1x16xf32> to vector<16xf32>
      %add3A_3498 = arith.addf %add3A_3272, %get3A_3497 : vector<16xf32>
      %get3A_3499 = arith.constant 3 : i32
      %get3A_3500 = arith.index_cast %get3A_3499 : i32 to index
      %get3A_3501 = arith.index_cast %scan3A_3330 : i32 to index
      %get3A_3502 = arith.constant 0 : index
      %get3A_3503 = tpu.vector_load %arg5[%get3A_3500, %get3A_3501, %get3A_3502] {strides = array<i32>} : memref<8x32x128xf32, #tpu.memory_space<vmem>>, vector<1x1x16xf32>,
      %get3A_3504 = vector.shape_cast %get3A_3503 : vector<1x1x16xf32> to vector<16xf32>
      %add3A_3505 = arith.addf %add3A_3279, %get3A_3504 : vector<16xf32>
      %get3A_3506 = arith.constant 3 : i32
      %get3A_3507 = arith.index_cast %get3A_3506 : i32 to index
      %get3A_3508 = arith.index_cast %scan3A_3330 : i32 to index
      %get3A_3509 = arith.constant 16 : index
      %get3A_3510 = tpu.vector_load %arg5[%get3A_3507, %get3A_3508, %get3A_3509] {strides = array<i32>} : memref<8x32x128xf32, #tpu.memory_space<vmem>>, vector<1x1x16xf32>,
      %get3A_3511 = vector.shape_cast %get3A_3510 : vector<1x1x16xf32> to vector<16xf32>
      %add3A_3512 = arith.addf %add3A_3286, %get3A_3511 : vector<16xf32>
      %get3A_3513 = arith.constant 3 : i32
      %get3A_3514 = arith.index_cast %get3A_3513 : i32 to index
      %get3A_3515 = arith.index_cast %scan3A_3330 : i32 to index
      %get3A_3516 = arith.constant 32 : index
      %get3A_3517 = tpu.vector_load %arg5[%get3A_3514, %get3A_3515, %get3A_3516] {strides = array<i32>} : memref<8x32x128xf32, #tpu.memory_space<vmem>>, vector<1x1x16xf32>,
      %get3A_3518 = vector.shape_cast %get3A_3517 : vector<1x1x16xf32> to vector<16xf32>
      %add3A_3519 = arith.addf %add3A_3293, %get3A_3518 : vector<16xf32>
      %get3A_3520 = arith.constant 3 : i32
      %get3A_3521 = arith.index_cast %get3A_3520 : i32 to index
      %get3A_3522 = arith.index_cast %scan3A_3330 : i32 to index
      %get3A_3523 = arith.constant 48 : index
      %get3A_3524 = tpu.vector_load %arg5[%get3A_3521, %get3A_3522, %get3A_3523] {strides = array<i32>} : memref<8x32x128xf32, #tpu.memory_space<vmem>>, vector<1x1x16xf32>,
      %get3A_3525 = vector.shape_cast %get3A_3524 : vector<1x1x16xf32> to vector<16xf32>
      %add3A_3526 = arith.addf %add3A_3300, %get3A_3525 : vector<16xf32>
      %get3A_3527 = arith.constant 3 : i32
      %get3A_3528 = arith.index_cast %get3A_3527 : i32 to index
      %get3A_3529 = arith.index_cast %scan3A_3330 : i32 to index
      %get3A_3530 = arith.constant 64 : index
      %get3A_3531 = tpu.vector_load %arg5[%get3A_3528, %get3A_3529, %get3A_3530] {strides = array<i32>} : memref<8x32x128xf32, #tpu.memory_space<vmem>>, vector<1x1x16xf32>,
      %get3A_3532 = vector.shape_cast %get3A_3531 : vector<1x1x16xf32> to vector<16xf32>
      %add3A_3533 = arith.addf %add3A_3307, %get3A_3532 : vector<16xf32>
      %get3A_3534 = arith.constant 3 : i32
      %get3A_3535 = arith.index_cast %get3A_3534 : i32 to index
      %get3A_3536 = arith.index_cast %scan3A_3330 : i32 to index
      %get3A_3537 = arith.constant 80 : index
      %get3A_3538 = tpu.vector_load %arg5[%get3A_3535, %get3A_3536, %get3A_3537] {strides = array<i32>} : memref<8x32x128xf32, #tpu.memory_space<vmem>>, vector<1x1x16xf32>,
      %get3A_3539 = vector.shape_cast %get3A_3538 : vector<1x1x16xf32> to vector<16xf32>
      %add3A_3540 = arith.addf %add3A_3314, %get3A_3539 : vector<16xf32>
      %get3A_3541 = arith.constant 3 : i32
      %get3A_3542 = arith.index_cast %get3A_3541 : i32 to index
      %get3A_3543 = arith.index_cast %scan3A_3330 : i32 to index
      %get3A_3544 = arith.constant 96 : index
      %get3A_3545 = tpu.vector_load %arg5[%get3A_3542, %get3A_3543, %get3A_3544] {strides = array<i32>} : memref<8x32x128xf32, #tpu.memory_space<vmem>>, vector<1x1x16xf32>,
      %get3A_3546 = vector.shape_cast %get3A_3545 : vector<1x1x16xf32> to vector<16xf32>
      %add3A_3547 = arith.addf %add3A_3321, %get3A_3546 : vector<16xf32>
      %get3A_3548 = arith.constant 3 : i32
      %get3A_3549 = arith.index_cast %get3A_3548 : i32 to index
      %get3A_3550 = arith.index_cast %scan3A_3330 : i32 to index
      %get3A_3551 = arith.constant 112 : index
      %get3A_3552 = tpu.vector_load %arg5[%get3A_3549, %get3A_3550, %get3A_3551] {strides = array<i32>} : memref<8x32x128xf32, #tpu.memory_space<vmem>>, vector<1x1x16xf32>,
      %get3A_3553 = vector.shape_cast %get3A_3552 : vector<1x1x16xf32> to vector<16xf32>
      %add3A_3554 = arith.addf %add3A_3328, %get3A_3553 : vector<16xf32>
      scf.yield %add3A_3337, %add3A_3344, %add3A_3351, %add3A_3358, %add3A_3365, %add3A_3372, %add3A_3379, %add3A_3386, %add3A_3393, %add3A_3400, %add3A_3407, %add3A_3414, %add3A_3421, %add3A_3428, %add3A_3435, %add3A_3442, %add3A_3449, %add3A_3456, %add3A_3463, %add3A_3470, %add3A_3477, %add3A_3484, %add3A_3491, %add3A_3498, %add3A_3505, %add3A_3512, %add3A_3519, %add3A_3526, %add3A_3533, %add3A_3540, %add3A_3547, %add3A_3554 : vector<16xf32>, vector<16xf32>, vector<16xf32>, vector<16xf32>, vector<16xf32>, vector<16xf32>, vector<16xf32>, vector<16xf32>, vector<16xf32>, vector<16xf32>, vector<16xf32>, vector<16xf32>, vector<16xf32>, vector<16xf32>, vector<16xf32>, vector<16xf32>, vector<16xf32>, vector<16xf32>, vector<16xf32>, vector<16xf32>, vector<16xf32>, vector<16xf32>, vector<16xf32>, vector<16xf32>, vector<16xf32>, vector<16xf32>, vector<16xf32>, vector<16xf32>, vector<16xf32>, vector<16xf32>, vector<16xf32>, vector<16xf32>
    }
    %scan3A_1784 = arith.constant 30 : i32
    %scan3A_1785 = arith.addi %scan3A_1779, %scan3A_1784 : i32
    %get3A_1786 = arith.constant 0 : i32
    %get3A_1787 = arith.index_cast %get3A_1786 : i32 to index
    %get3A_1788 = arith.index_cast %scan3A_1785 : i32 to index
    %get3A_1789 = arith.constant 0 : index
    %get3A_1790 = tpu.vector_load %arg5[%get3A_1787, %get3A_1788, %get3A_1789] {strides = array<i32>} : memref<8x32x128xf32, #tpu.memory_space<vmem>>, vector<1x1x16xf32>,
    %get3A_1791 = vector.shape_cast %get3A_1790 : vector<1x1x16xf32> to vector<16xf32>
    %add3A_1792 = arith.addf %scan3A_1783#0, %get3A_1791 : vector<16xf32>
    %get3A_1793 = arith.constant 0 : i32
    %get3A_1794 = arith.index_cast %get3A_1793 : i32 to index
    %get3A_1795 = arith.index_cast %scan3A_1785 : i32 to index
    %get3A_1796 = arith.constant 16 : index
    %get3A_1797 = tpu.vector_load %arg5[%get3A_1794, %get3A_1795, %get3A_1796] {strides = array<i32>} : memref<8x32x128xf32, #tpu.memory_space<vmem>>, vector<1x1x16xf32>,
    %get3A_1798 = vector.shape_cast %get3A_1797 : vector<1x1x16xf32> to vector<16xf32>
    %add3A_1799 = arith.addf %scan3A_1783#1, %get3A_1798 : vector<16xf32>
    %get3A_1800 = arith.constant 0 : i32
    %get3A_1801 = arith.index_cast %get3A_1800 : i32 to index
    %get3A_1802 = arith.index_cast %scan3A_1785 : i32 to index
    %get3A_1803 = arith.constant 32 : index
    %get3A_1804 = tpu.vector_load %arg5[%get3A_1801, %get3A_1802, %get3A_1803] {strides = array<i32>} : memref<8x32x128xf32, #tpu.memory_space<vmem>>, vector<1x1x16xf32>,
    %get3A_1805 = vector.shape_cast %get3A_1804 : vector<1x1x16xf32> to vector<16xf32>
    %add3A_1806 = arith.addf %scan3A_1783#2, %get3A_1805 : vector<16xf32>
    %get3A_1807 = arith.constant 0 : i32
    %get3A_1808 = arith.index_cast %get3A_1807 : i32 to index
    %get3A_1809 = arith.index_cast %scan3A_1785 : i32 to index
    %get3A_1810 = arith.constant 48 : index
    %get3A_1811 = tpu.vector_load %arg5[%get3A_1808, %get3A_1809, %get3A_1810] {strides = array<i32>} : memref<8x32x128xf32, #tpu.memory_space<vmem>>, vector<1x1x16xf32>,
    %get3A_1812 = vector.shape_cast %get3A_1811 : vector<1x1x16xf32> to vector<16xf32>
    %add3A_1813 = arith.addf %scan3A_1783#3, %get3A_1812 : vector<16xf32>
    %get3A_1814 = arith.constant 0 : i32
    %get3A_1815 = arith.index_cast %get3A_1814 : i32 to index
    %get3A_1816 = arith.index_cast %scan3A_1785 : i32 to index
    %get3A_1817 = arith.constant 64 : index
    %get3A_1818 = tpu.vector_load %arg5[%get3A_1815, %get3A_1816, %get3A_1817] {strides = array<i32>} : memref<8x32x128xf32, #tpu.memory_space<vmem>>, vector<1x1x16xf32>,
    %get3A_1819 = vector.shape_cast %get3A_1818 : vector<1x1x16xf32> to vector<16xf32>
    %add3A_1820 = arith.addf %scan3A_1783#4, %get3A_1819 : vector<16xf32>
    %get3A_1821 = arith.constant 0 : i32
    %get3A_1822 = arith.index_cast %get3A_1821 : i32 to index
    %get3A_1823 = arith.index_cast %scan3A_1785 : i32 to index
    %get3A_1824 = arith.constant 80 : index
    %get3A_1825 = tpu.vector_load %arg5[%get3A_1822, %get3A_1823, %get3A_1824] {strides = array<i32>} : memref<8x32x128xf32, #tpu.memory_space<vmem>>, vector<1x1x16xf32>,
    %get3A_1826 = vector.shape_cast %get3A_1825 : vector<1x1x16xf32> to vector<16xf32>
    %add3A_1827 = arith.addf %scan3A_1783#5, %get3A_1826 : vector<16xf32>
    %get3A_1828 = arith.constant 0 : i32
    %get3A_1829 = arith.index_cast %get3A_1828 : i32 to index
    %get3A_1830 = arith.index_cast %scan3A_1785 : i32 to index
    %get3A_1831 = arith.constant 96 : index
    %get3A_1832 = tpu.vector_load %arg5[%get3A_1829, %get3A_1830, %get3A_1831] {strides = array<i32>} : memref<8x32x128xf32, #tpu.memory_space<vmem>>, vector<1x1x16xf32>,
    %get3A_1833 = vector.shape_cast %get3A_1832 : vector<1x1x16xf32> to vector<16xf32>
    %add3A_1834 = arith.addf %scan3A_1783#6, %get3A_1833 : vector<16xf32>
    %get3A_1835 = arith.constant 0 : i32
    %get3A_1836 = arith.index_cast %get3A_1835 : i32 to index
    %get3A_1837 = arith.index_cast %scan3A_1785 : i32 to index
    %get3A_1838 = arith.constant 112 : index
    %get3A_1839 = tpu.vector_load %arg5[%get3A_1836, %get3A_1837, %get3A_1838] {strides = array<i32>} : memref<8x32x128xf32, #tpu.memory_space<vmem>>, vector<1x1x16xf32>,
    %get3A_1840 = vector.shape_cast %get3A_1839 : vector<1x1x16xf32> to vector<16xf32>
    %add3A_1841 = arith.addf %scan3A_1783#7, %get3A_1840 : vector<16xf32>
    %get3A_1842 = arith.constant 1 : i32
    %get3A_1843 = arith.index_cast %get3A_1842 : i32 to index
    %get3A_1844 = arith.index_cast %scan3A_1785 : i32 to index
    %get3A_1845 = arith.constant 0 : index
    %get3A_1846 = tpu.vector_load %arg5[%get3A_1843, %get3A_1844, %get3A_1845] {strides = array<i32>} : memref<8x32x128xf32, #tpu.memory_space<vmem>>, vector<1x1x16xf32>,
    %get3A_1847 = vector.shape_cast %get3A_1846 : vector<1x1x16xf32> to vector<16xf32>
    %add3A_1848 = arith.addf %scan3A_1783#8, %get3A_1847 : vector<16xf32>
    %get3A_1849 = arith.constant 1 : i32
    %get3A_1850 = arith.index_cast %get3A_1849 : i32 to index
    %get3A_1851 = arith.index_cast %scan3A_1785 : i32 to index
    %get3A_1852 = arith.constant 16 : index
    %get3A_1853 = tpu.vector_load %arg5[%get3A_1850, %get3A_1851, %get3A_1852] {strides = array<i32>} : memref<8x32x128xf32, #tpu.memory_space<vmem>>, vector<1x1x16xf32>,
    %get3A_1854 = vector.shape_cast %get3A_1853 : vector<1x1x16xf32> to vector<16xf32>
    %add3A_1855 = arith.addf %scan3A_1783#9, %get3A_1854 : vector<16xf32>
    %get3A_1856 = arith.constant 1 : i32
    %get3A_1857 = arith.index_cast %get3A_1856 : i32 to index
    %get3A_1858 = arith.index_cast %scan3A_1785 : i32 to index
    %get3A_1859 = arith.constant 32 : index
    %get3A_1860 = tpu.vector_load %arg5[%get3A_1857, %get3A_1858, %get3A_1859] {strides = array<i32>} : memref<8x32x128xf32, #tpu.memory_space<vmem>>, vector<1x1x16xf32>,
    %get3A_1861 = vector.shape_cast %get3A_1860 : vector<1x1x16xf32> to vector<16xf32>
    %add3A_1862 = arith.addf %scan3A_1783#10, %get3A_1861 : vector<16xf32>
    %get3A_1863 = arith.constant 1 : i32
    %get3A_1864 = arith.index_cast %get3A_1863 : i32 to index
    %get3A_1865 = arith.index_cast %scan3A_1785 : i32 to index
    %get3A_1866 = arith.constant 48 : index
    %get3A_1867 = tpu.vector_load %arg5[%get3A_1864, %get3A_1865, %get3A_1866] {strides = array<i32>} : memref<8x32x128xf32, #tpu.memory_space<vmem>>, vector<1x1x16xf32>,
    %get3A_1868 = vector.shape_cast %get3A_1867 : vector<1x1x16xf32> to vector<16xf32>
    %add3A_1869 = arith.addf %scan3A_1783#11, %get3A_1868 : vector<16xf32>
    %get3A_1870 = arith.constant 1 : i32
    %get3A_1871 = arith.index_cast %get3A_1870 : i32 to index
    %get3A_1872 = arith.index_cast %scan3A_1785 : i32 to index
    %get3A_1873 = arith.constant 64 : index
    %get3A_1874 = tpu.vector_load %arg5[%get3A_1871, %get3A_1872, %get3A_1873] {strides = array<i32>} : memref<8x32x128xf32, #tpu.memory_space<vmem>>, vector<1x1x16xf32>,
    %get3A_1875 = vector.shape_cast %get3A_1874 : vector<1x1x16xf32> to vector<16xf32>
    %add3A_1876 = arith.addf %scan3A_1783#12, %get3A_1875 : vector<16xf32>
    %get3A_1877 = arith.constant 1 : i32
    %get3A_1878 = arith.index_cast %get3A_1877 : i32 to index
    %get3A_1879 = arith.index_cast %scan3A_1785 : i32 to index
    %get3A_1880 = arith.constant 80 : index
    %get3A_1881 = tpu.vector_load %arg5[%get3A_1878, %get3A_1879, %get3A_1880] {strides = array<i32>} : memref<8x32x128xf32, #tpu.memory_space<vmem>>, vector<1x1x16xf32>,
    %get3A_1882 = vector.shape_cast %get3A_1881 : vector<1x1x16xf32> to vector<16xf32>
    %add3A_1883 = arith.addf %scan3A_1783#13, %get3A_1882 : vector<16xf32>
    %get3A_1884 = arith.constant 1 : i32
    %get3A_1885 = arith.index_cast %get3A_1884 : i32 to index
    %get3A_1886 = arith.index_cast %scan3A_1785 : i32 to index
    %get3A_1887 = arith.constant 96 : index
    %get3A_1888 = tpu.vector_load %arg5[%get3A_1885, %get3A_1886, %get3A_1887] {strides = array<i32>} : memref<8x32x128xf32, #tpu.memory_space<vmem>>, vector<1x1x16xf32>,
    %get3A_1889 = vector.shape_cast %get3A_1888 : vector<1x1x16xf32> to vector<16xf32>
    %add3A_1890 = arith.addf %scan3A_1783#14, %get3A_1889 : vector<16xf32>
    %get3A_1891 = arith.constant 1 : i32
    %get3A_1892 = arith.index_cast %get3A_1891 : i32 to index
    %get3A_1893 = arith.index_cast %scan3A_1785 : i32 to index
    %get3A_1894 = arith.constant 112 : index
    %get3A_1895 = tpu.vector_load %arg5[%get3A_1892, %get3A_1893, %get3A_1894] {strides = array<i32>} : memref<8x32x128xf32, #tpu.memory_space<vmem>>, vector<1x1x16xf32>,
    %get3A_1896 = vector.shape_cast %get3A_1895 : vector<1x1x16xf32> to vector<16xf32>
    %add3A_1897 = arith.addf %scan3A_1783#15, %get3A_1896 : vector<16xf32>
    %get3A_1898 = arith.constant 2 : i32
    %get3A_1899 = arith.index_cast %get3A_1898 : i32 to index
    %get3A_1900 = arith.index_cast %scan3A_1785 : i32 to index
    %get3A_1901 = arith.constant 0 : index
    %get3A_1902 = tpu.vector_load %arg5[%get3A_1899, %get3A_1900, %get3A_1901] {strides = array<i32>} : memref<8x32x128xf32, #tpu.memory_space<vmem>>, vector<1x1x16xf32>,
    %get3A_1903 = vector.shape_cast %get3A_1902 : vector<1x1x16xf32> to vector<16xf32>
    %add3A_1904 = arith.addf %scan3A_1783#16, %get3A_1903 : vector<16xf32>
    %get3A_1905 = arith.constant 2 : i32
    %get3A_1906 = arith.index_cast %get3A_1905 : i32 to index
    %get3A_1907 = arith.index_cast %scan3A_1785 : i32 to index
    %get3A_1908 = arith.constant 16 : index
    %get3A_1909 = tpu.vector_load %arg5[%get3A_1906, %get3A_1907, %get3A_1908] {strides = array<i32>} : memref<8x32x128xf32, #tpu.memory_space<vmem>>, vector<1x1x16xf32>,
    %get3A_1910 = vector.shape_cast %get3A_1909 : vector<1x1x16xf32> to vector<16xf32>
    %add3A_1911 = arith.addf %scan3A_1783#17, %get3A_1910 : vector<16xf32>
    %get3A_1912 = arith.constant 2 : i32
    %get3A_1913 = arith.index_cast %get3A_1912 : i32 to index
    %get3A_1914 = arith.index_cast %scan3A_1785 : i32 to index
    %get3A_1915 = arith.constant 32 : index
    %get3A_1916 = tpu.vector_load %arg5[%get3A_1913, %get3A_1914, %get3A_1915] {strides = array<i32>} : memref<8x32x128xf32, #tpu.memory_space<vmem>>, vector<1x1x16xf32>,
    %get3A_1917 = vector.shape_cast %get3A_1916 : vector<1x1x16xf32> to vector<16xf32>
    %add3A_1918 = arith.addf %scan3A_1783#18, %get3A_1917 : vector<16xf32>
    %get3A_1919 = arith.constant 2 : i32
    %get3A_1920 = arith.index_cast %get3A_1919 : i32 to index
    %get3A_1921 = arith.index_cast %scan3A_1785 : i32 to index
    %get3A_1922 = arith.constant 48 : index
    %get3A_1923 = tpu.vector_load %arg5[%get3A_1920, %get3A_1921, %get3A_1922] {strides = array<i32>} : memref<8x32x128xf32, #tpu.memory_space<vmem>>, vector<1x1x16xf32>,
    %get3A_1924 = vector.shape_cast %get3A_1923 : vector<1x1x16xf32> to vector<16xf32>
    %add3A_1925 = arith.addf %scan3A_1783#19, %get3A_1924 : vector<16xf32>
    %get3A_1926 = arith.constant 2 : i32
    %get3A_1927 = arith.index_cast %get3A_1926 : i32 to index
    %get3A_1928 = arith.index_cast %scan3A_1785 : i32 to index
    %get3A_1929 = arith.constant 64 : index
    %get3A_1930 = tpu.vector_load %arg5[%get3A_1927, %get3A_1928, %get3A_1929] {strides = array<i32>} : memref<8x32x128xf32, #tpu.memory_space<vmem>>, vector<1x1x16xf32>,
    %get3A_1931 = vector.shape_cast %get3A_1930 : vector<1x1x16xf32> to vector<16xf32>
    %add3A_1932 = arith.addf %scan3A_1783#20, %get3A_1931 : vector<16xf32>
    %get3A_1933 = arith.constant 2 : i32
    %get3A_1934 = arith.index_cast %get3A_1933 : i32 to index
    %get3A_1935 = arith.index_cast %scan3A_1785 : i32 to index
    %get3A_1936 = arith.constant 80 : index
    %get3A_1937 = tpu.vector_load %arg5[%get3A_1934, %get3A_1935, %get3A_1936] {strides = array<i32>} : memref<8x32x128xf32, #tpu.memory_space<vmem>>, vector<1x1x16xf32>,
    %get3A_1938 = vector.shape_cast %get3A_1937 : vector<1x1x16xf32> to vector<16xf32>
    %add3A_1939 = arith.addf %scan3A_1783#21, %get3A_1938 : vector<16xf32>
    %get3A_1940 = arith.constant 2 : i32
    %get3A_1941 = arith.index_cast %get3A_1940 : i32 to index
    %get3A_1942 = arith.index_cast %scan3A_1785 : i32 to index
    %get3A_1943 = arith.constant 96 : index
    %get3A_1944 = tpu.vector_load %arg5[%get3A_1941, %get3A_1942, %get3A_1943] {strides = array<i32>} : memref<8x32x128xf32, #tpu.memory_space<vmem>>, vector<1x1x16xf32>,
    %get3A_1945 = vector.shape_cast %get3A_1944 : vector<1x1x16xf32> to vector<16xf32>
    %add3A_1946 = arith.addf %scan3A_1783#22, %get3A_1945 : vector<16xf32>
    %get3A_1947 = arith.constant 2 : i32
    %get3A_1948 = arith.index_cast %get3A_1947 : i32 to index
    %get3A_1949 = arith.index_cast %scan3A_1785 : i32 to index
    %get3A_1950 = arith.constant 112 : index
    %get3A_1951 = tpu.vector_load %arg5[%get3A_1948, %get3A_1949, %get3A_1950] {strides = array<i32>} : memref<8x32x128xf32, #tpu.memory_space<vmem>>, vector<1x1x16xf32>,
    %get3A_1952 = vector.shape_cast %get3A_1951 : vector<1x1x16xf32> to vector<16xf32>
    %add3A_1953 = arith.addf %scan3A_1783#23, %get3A_1952 : vector<16xf32>
    %get3A_1954 = arith.constant 3 : i32
    %get3A_1955 = arith.index_cast %get3A_1954 : i32 to index
    %get3A_1956 = arith.index_cast %scan3A_1785 : i32 to index
    %get3A_1957 = arith.constant 0 : index
    %get3A_1958 = tpu.vector_load %arg5[%get3A_1955, %get3A_1956, %get3A_1957] {strides = array<i32>} : memref<8x32x128xf32, #tpu.memory_space<vmem>>, vector<1x1x16xf32>,
    %get3A_1959 = vector.shape_cast %get3A_1958 : vector<1x1x16xf32> to vector<16xf32>
    %add3A_1960 = arith.addf %scan3A_1783#24, %get3A_1959 : vector<16xf32>
    %get3A_1961 = arith.constant 3 : i32
    %get3A_1962 = arith.index_cast %get3A_1961 : i32 to index
    %get3A_1963 = arith.index_cast %scan3A_1785 : i32 to index
    %get3A_1964 = arith.constant 16 : index
    %get3A_1965 = tpu.vector_load %arg5[%get3A_1962, %get3A_1963, %get3A_1964] {strides = array<i32>} : memref<8x32x128xf32, #tpu.memory_space<vmem>>, vector<1x1x16xf32>,
    %get3A_1966 = vector.shape_cast %get3A_1965 : vector<1x1x16xf32> to vector<16xf32>
    %add3A_1967 = arith.addf %scan3A_1783#25, %get3A_1966 : vector<16xf32>
    %get3A_1968 = arith.constant 3 : i32
    %get3A_1969 = arith.index_cast %get3A_1968 : i32 to index
    %get3A_1970 = arith.index_cast %scan3A_1785 : i32 to index
    %get3A_1971 = arith.constant 32 : index
    %get3A_1972 = tpu.vector_load %arg5[%get3A_1969, %get3A_1970, %get3A_1971] {strides = array<i32>} : memref<8x32x128xf32, #tpu.memory_space<vmem>>, vector<1x1x16xf32>,
    %get3A_1973 = vector.shape_cast %get3A_1972 : vector<1x1x16xf32> to vector<16xf32>
    %add3A_1974 = arith.addf %scan3A_1783#26, %get3A_1973 : vector<16xf32>
    %get3A_1975 = arith.constant 3 : i32
    %get3A_1976 = arith.index_cast %get3A_1975 : i32 to index
    %get3A_1977 = arith.index_cast %scan3A_1785 : i32 to index
    %get3A_1978 = arith.constant 48 : index
    %get3A_1979 = tpu.vector_load %arg5[%get3A_1976, %get3A_1977, %get3A_1978] {strides = array<i32>} : memref<8x32x128xf32, #tpu.memory_space<vmem>>, vector<1x1x16xf32>,
    %get3A_1980 = vector.shape_cast %get3A_1979 : vector<1x1x16xf32> to vector<16xf32>
    %add3A_1981 = arith.addf %scan3A_1783#27, %get3A_1980 : vector<16xf32>
    %get3A_1982 = arith.constant 3 : i32
    %get3A_1983 = arith.index_cast %get3A_1982 : i32 to index
    %get3A_1984 = arith.index_cast %scan3A_1785 : i32 to index
    %get3A_1985 = arith.constant 64 : index
    %get3A_1986 = tpu.vector_load %arg5[%get3A_1983, %get3A_1984, %get3A_1985] {strides = array<i32>} : memref<8x32x128xf32, #tpu.memory_space<vmem>>, vector<1x1x16xf32>,
    %get3A_1987 = vector.shape_cast %get3A_1986 : vector<1x1x16xf32> to vector<16xf32>
    %add3A_1988 = arith.addf %scan3A_1783#28, %get3A_1987 : vector<16xf32>
    %get3A_1989 = arith.constant 3 : i32
    %get3A_1990 = arith.index_cast %get3A_1989 : i32 to index
    %get3A_1991 = arith.index_cast %scan3A_1785 : i32 to index
    %get3A_1992 = arith.constant 80 : index
    %get3A_1993 = tpu.vector_load %arg5[%get3A_1990, %get3A_1991, %get3A_1992] {strides = array<i32>} : memref<8x32x128xf32, #tpu.memory_space<vmem>>, vector<1x1x16xf32>,
    %get3A_1994 = vector.shape_cast %get3A_1993 : vector<1x1x16xf32> to vector<16xf32>
    %add3A_1995 = arith.addf %scan3A_1783#29, %get3A_1994 : vector<16xf32>
    %get3A_1996 = arith.constant 3 : i32
    %get3A_1997 = arith.index_cast %get3A_1996 : i32 to index
    %get3A_1998 = arith.index_cast %scan3A_1785 : i32 to index
    %get3A_1999 = arith.constant 96 : index
    %get3A_2000 = tpu.vector_load %arg5[%get3A_1997, %get3A_1998, %get3A_1999] {strides = array<i32>} : memref<8x32x128xf32, #tpu.memory_space<vmem>>, vector<1x1x16xf32>,
    %get3A_2001 = vector.shape_cast %get3A_2000 : vector<1x1x16xf32> to vector<16xf32>
    %add3A_2002 = arith.addf %scan3A_1783#30, %get3A_2001 : vector<16xf32>
    %get3A_2003 = arith.constant 3 : i32
    %get3A_2004 = arith.index_cast %get3A_2003 : i32 to index
    %get3A_2005 = arith.index_cast %scan3A_1785 : i32 to index
    %get3A_2006 = arith.constant 112 : index
    %get3A_2007 = tpu.vector_load %arg5[%get3A_2004, %get3A_2005, %get3A_2006] {strides = array<i32>} : memref<8x32x128xf32, #tpu.memory_space<vmem>>, vector<1x1x16xf32>,
    %get3A_2008 = vector.shape_cast %get3A_2007 : vector<1x1x16xf32> to vector<16xf32>
    %add3A_2009 = arith.addf %scan3A_1783#31, %get3A_2008 : vector<16xf32>
    %scan3A_2010 = arith.constant 31 : i32
    %mul3A_2011 = arith.constant 3.125000e-02 : f32
    %mul3A_2012 = vector.broadcast %mul3A_2011 : f32 to vector<16xf32>
    %mul3A_2013 = arith.mulf %add3A_1792, %mul3A_2012 : vector<16xf32>
    %swap3A_2014 = arith.constant 0 : i32
    %swap3A_2015 = arith.index_cast %swap3A_2014 : i32 to index
    %swap3A_2016 = arith.constant 0 : index
    %swap3A_2017 = tpu.vector_load %arg7[%swap3A_2015, %swap3A_2016] {strides = array<i32>} : memref<8x128xf32, #tpu.memory_space<vmem>>, vector<1x16xf32>,
    %swap3A_2018 = vector.shape_cast %swap3A_2017 : vector<1x16xf32> to vector<16xf32>
    %swap3A_2019 = vector.shape_cast %mul3A_2013 : vector<16xf32> to vector<1x16xf32>
    tpu.vector_store %arg7[%swap3A_2015, %swap3A_2016], %swap3A_2019 {strides = array<i32>} : memref<8x128xf32, #tpu.memory_space<vmem>>, vector<1x16xf32>,
    %mul3A_2020 = arith.constant 3.125000e-02 : f32
    %mul3A_2021 = vector.broadcast %mul3A_2020 : f32 to vector<16xf32>
    %mul3A_2022 = arith.mulf %add3A_1799, %mul3A_2021 : vector<16xf32>
    %swap3A_2023 = arith.constant 0 : i32
    %swap3A_2024 = arith.index_cast %swap3A_2023 : i32 to index
    %swap3A_2025 = arith.constant 16 : index
    %swap3A_2026 = tpu.vector_load %arg7[%swap3A_2024, %swap3A_2025] {strides = array<i32>} : memref<8x128xf32, #tpu.memory_space<vmem>>, vector<1x16xf32>,
    %swap3A_2027 = vector.shape_cast %swap3A_2026 : vector<1x16xf32> to vector<16xf32>
    %swap3A_2028 = vector.shape_cast %mul3A_2022 : vector<16xf32> to vector<1x16xf32>
    tpu.vector_store %arg7[%swap3A_2024, %swap3A_2025], %swap3A_2028 {strides = array<i32>} : memref<8x128xf32, #tpu.memory_space<vmem>>, vector<1x16xf32>,
    %mul3A_2029 = arith.constant 3.125000e-02 : f32
    %mul3A_2030 = vector.broadcast %mul3A_2029 : f32 to vector<16xf32>
    %mul3A_2031 = arith.mulf %add3A_1806, %mul3A_2030 : vector<16xf32>
    %swap3A_2032 = arith.constant 0 : i32
    %swap3A_2033 = arith.index_cast %swap3A_2032 : i32 to index
    %swap3A_2034 = arith.constant 32 : index
    %swap3A_2035 = tpu.vector_load %arg7[%swap3A_2033, %swap3A_2034] {strides = array<i32>} : memref<8x128xf32, #tpu.memory_space<vmem>>, vector<1x16xf32>,
    %swap3A_2036 = vector.shape_cast %swap3A_2035 : vector<1x16xf32> to vector<16xf32>
    %swap3A_2037 = vector.shape_cast %mul3A_2031 : vector<16xf32> to vector<1x16xf32>
    tpu.vector_store %arg7[%swap3A_2033, %swap3A_2034], %swap3A_2037 {strides = array<i32>} : memref<8x128xf32, #tpu.memory_space<vmem>>, vector<1x16xf32>,
    %mul3A_2038 = arith.constant 3.125000e-02 : f32
    %mul3A_2039 = vector.broadcast %mul3A_2038 : f32 to vector<16xf32>
    %mul3A_2040 = arith.mulf %add3A_1813, %mul3A_2039 : vector<16xf32>
    %swap3A_2041 = arith.constant 0 : i32
    %swap3A_2042 = arith.index_cast %swap3A_2041 : i32 to index
    %swap3A_2043 = arith.constant 48 : index
    %swap3A_2044 = tpu.vector_load %arg7[%swap3A_2042, %swap3A_2043] {strides = array<i32>} : memref<8x128xf32, #tpu.memory_space<vmem>>, vector<1x16xf32>,
    %swap3A_2045 = vector.shape_cast %swap3A_2044 : vector<1x16xf32> to vector<16xf32>
    %swap3A_2046 = vector.shape_cast %mul3A_2040 : vector<16xf32> to vector<1x16xf32>
    tpu.vector_store %arg7[%swap3A_2042, %swap3A_2043], %swap3A_2046 {strides = array<i32>} : memref<8x128xf32, #tpu.memory_space<vmem>>, vector<1x16xf32>,
    %mul3A_2047 = arith.constant 3.125000e-02 : f32
    %mul3A_2048 = vector.broadcast %mul3A_2047 : f32 to vector<16xf32>
    %mul3A_2049 = arith.mulf %add3A_1820, %mul3A_2048 : vector<16xf32>
    %swap3A_2050 = arith.constant 0 : i32
    %swap3A_2051 = arith.index_cast %swap3A_2050 : i32 to index
    %swap3A_2052 = arith.constant 64 : index
    %swap3A_2053 = tpu.vector_load %arg7[%swap3A_2051, %swap3A_2052] {strides = array<i32>} : memref<8x128xf32, #tpu.memory_space<vmem>>, vector<1x16xf32>,
    %swap3A_2054 = vector.shape_cast %swap3A_2053 : vector<1x16xf32> to vector<16xf32>
    %swap3A_2055 = vector.shape_cast %mul3A_2049 : vector<16xf32> to vector<1x16xf32>
    tpu.vector_store %arg7[%swap3A_2051, %swap3A_2052], %swap3A_2055 {strides = array<i32>} : memref<8x128xf32, #tpu.memory_space<vmem>>, vector<1x16xf32>,
    %mul3A_2056 = arith.constant 3.125000e-02 : f32
    %mul3A_2057 = vector.broadcast %mul3A_2056 : f32 to vector<16xf32>
    %mul3A_2058 = arith.mulf %add3A_1827, %mul3A_2057 : vector<16xf32>
    %swap3A_2059 = arith.constant 0 : i32
    %swap3A_2060 = arith.index_cast %swap3A_2059 : i32 to index
    %swap3A_2061 = arith.constant 80 : index
    %swap3A_2062 = tpu.vector_load %arg7[%swap3A_2060, %swap3A_2061] {strides = array<i32>} : memref<8x128xf32, #tpu.memory_space<vmem>>, vector<1x16xf32>,
    %swap3A_2063 = vector.shape_cast %swap3A_2062 : vector<1x16xf32> to vector<16xf32>
    %swap3A_2064 = vector.shape_cast %mul3A_2058 : vector<16xf32> to vector<1x16xf32>
    tpu.vector_store %arg7[%swap3A_2060, %swap3A_2061], %swap3A_2064 {strides = array<i32>} : memref<8x128xf32, #tpu.memory_space<vmem>>, vector<1x16xf32>,
    %mul3A_2065 = arith.constant 3.125000e-02 : f32
    %mul3A_2066 = vector.broadcast %mul3A_2065 : f32 to vector<16xf32>
    %mul3A_2067 = arith.mulf %add3A_1834, %mul3A_2066 : vector<16xf32>
    %swap3A_2068 = arith.constant 0 : i32
    %swap3A_2069 = arith.index_cast %swap3A_2068 : i32 to index
    %swap3A_2070 = arith.constant 96 : index
    %swap3A_2071 = tpu.vector_load %arg7[%swap3A_2069, %swap3A_2070] {strides = array<i32>} : memref<8x128xf32, #tpu.memory_space<vmem>>, vector<1x16xf32>,
    %swap3A_2072 = vector.shape_cast %swap3A_2071 : vector<1x16xf32> to vector<16xf32>
    %swap3A_2073 = vector.shape_cast %mul3A_2067 : vector<16xf32> to vector<1x16xf32>
    tpu.vector_store %arg7[%swap3A_2069, %swap3A_2070], %swap3A_2073 {strides = array<i32>} : memref<8x128xf32, #tpu.memory_space<vmem>>, vector<1x16xf32>,
    %mul3A_2074 = arith.constant 3.125000e-02 : f32
    %mul3A_2075 = vector.broadcast %mul3A_2074 : f32 to vector<16xf32>
    %mul3A_2076 = arith.mulf %add3A_1841, %mul3A_2075 : vector<16xf32>
    %swap3A_2077 = arith.constant 0 : i32
    %swap3A_2078 = arith.index_cast %swap3A_2077 : i32 to index
    %swap3A_2079 = arith.constant 112 : index
    %swap3A_2080 = tpu.vector_load %arg7[%swap3A_2078, %swap3A_2079] {strides = array<i32>} : memref<8x128xf32, #tpu.memory_space<vmem>>, vector<1x16xf32>,
    %swap3A_2081 = vector.shape_cast %swap3A_2080 : vector<1x16xf32> to vector<16xf32>
    %swap3A_2082 = vector.shape_cast %mul3A_2076 : vector<16xf32> to vector<1x16xf32>
    tpu.vector_store %arg7[%swap3A_2078, %swap3A_2079], %swap3A_2082 {strides = array<i32>} : memref<8x128xf32, #tpu.memory_space<vmem>>, vector<1x16xf32>,
    %mul3A_2083 = arith.constant 3.125000e-02 : f32
    %mul3A_2084 = vector.broadcast %mul3A_2083 : f32 to vector<16xf32>
    %mul3A_2085 = arith.mulf %add3A_1848, %mul3A_2084 : vector<16xf32>
    %swap3A_2086 = arith.constant 1 : i32
    %swap3A_2087 = arith.index_cast %swap3A_2086 : i32 to index
    %swap3A_2088 = arith.constant 0 : index
    %swap3A_2089 = tpu.vector_load %arg7[%swap3A_2087, %swap3A_2088] {strides = array<i32>} : memref<8x128xf32, #tpu.memory_space<vmem>>, vector<1x16xf32>,
    %swap3A_2090 = vector.shape_cast %swap3A_2089 : vector<1x16xf32> to vector<16xf32>
    %swap3A_2091 = vector.shape_cast %mul3A_2085 : vector<16xf32> to vector<1x16xf32>
    tpu.vector_store %arg7[%swap3A_2087, %swap3A_2088], %swap3A_2091 {strides = array<i32>} : memref<8x128xf32, #tpu.memory_space<vmem>>, vector<1x16xf32>,
    %mul3A_2092 = arith.constant 3.125000e-02 : f32
    %mul3A_2093 = vector.broadcast %mul3A_2092 : f32 to vector<16xf32>
    %mul3A_2094 = arith.mulf %add3A_1855, %mul3A_2093 : vector<16xf32>
    %swap3A_2095 = arith.constant 1 : i32
    %swap3A_2096 = arith.index_cast %swap3A_2095 : i32 to index
    %swap3A_2097 = arith.constant 16 : index
    %swap3A_2098 = tpu.vector_load %arg7[%swap3A_2096, %swap3A_2097] {strides = array<i32>} : memref<8x128xf32, #tpu.memory_space<vmem>>, vector<1x16xf32>,
    %swap3A_2099 = vector.shape_cast %swap3A_2098 : vector<1x16xf32> to vector<16xf32>
    %swap3A_2100 = vector.shape_cast %mul3A_2094 : vector<16xf32> to vector<1x16xf32>
    tpu.vector_store %arg7[%swap3A_2096, %swap3A_2097], %swap3A_2100 {strides = array<i32>} : memref<8x128xf32, #tpu.memory_space<vmem>>, vector<1x16xf32>,
    %mul3A_2101 = arith.constant 3.125000e-02 : f32
    %mul3A_2102 = vector.broadcast %mul3A_2101 : f32 to vector<16xf32>
    %mul3A_2103 = arith.mulf %add3A_1862, %mul3A_2102 : vector<16xf32>
    %swap3A_2104 = arith.constant 1 : i32
    %swap3A_2105 = arith.index_cast %swap3A_2104 : i32 to index
    %swap3A_2106 = arith.constant 32 : index
    %swap3A_2107 = tpu.vector_load %arg7[%swap3A_2105, %swap3A_2106] {strides = array<i32>} : memref<8x128xf32, #tpu.memory_space<vmem>>, vector<1x16xf32>,
    %swap3A_2108 = vector.shape_cast %swap3A_2107 : vector<1x16xf32> to vector<16xf32>
    %swap3A_2109 = vector.shape_cast %mul3A_2103 : vector<16xf32> to vector<1x16xf32>
    tpu.vector_store %arg7[%swap3A_2105, %swap3A_2106], %swap3A_2109 {strides = array<i32>} : memref<8x128xf32, #tpu.memory_space<vmem>>, vector<1x16xf32>,
    %mul3A_2110 = arith.constant 3.125000e-02 : f32
    %mul3A_2111 = vector.broadcast %mul3A_2110 : f32 to vector<16xf32>
    %mul3A_2112 = arith.mulf %add3A_1869, %mul3A_2111 : vector<16xf32>
    %swap3A_2113 = arith.constant 1 : i32
    %swap3A_2114 = arith.index_cast %swap3A_2113 : i32 to index
    %swap3A_2115 = arith.constant 48 : index
    %swap3A_2116 = tpu.vector_load %arg7[%swap3A_2114, %swap3A_2115] {strides = array<i32>} : memref<8x128xf32, #tpu.memory_space<vmem>>, vector<1x16xf32>,
    %swap3A_2117 = vector.shape_cast %swap3A_2116 : vector<1x16xf32> to vector<16xf32>
    %swap3A_2118 = vector.shape_cast %mul3A_2112 : vector<16xf32> to vector<1x16xf32>
    tpu.vector_store %arg7[%swap3A_2114, %swap3A_2115], %swap3A_2118 {strides = array<i32>} : memref<8x128xf32, #tpu.memory_space<vmem>>, vector<1x16xf32>,
    %mul3A_2119 = arith.constant 3.125000e-02 : f32
    %mul3A_2120 = vector.broadcast %mul3A_2119 : f32 to vector<16xf32>
    %mul3A_2121 = arith.mulf %add3A_1876, %mul3A_2120 : vector<16xf32>
    %swap3A_2122 = arith.constant 1 : i32
    %swap3A_2123 = arith.index_cast %swap3A_2122 : i32 to index
    %swap3A_2124 = arith.constant 64 : index
    %swap3A_2125 = tpu.vector_load %arg7[%swap3A_2123, %swap3A_2124] {strides = array<i32>} : memref<8x128xf32, #tpu.memory_space<vmem>>, vector<1x16xf32>,
    %swap3A_2126 = vector.shape_cast %swap3A_2125 : vector<1x16xf32> to vector<16xf32>
    %swap3A_2127 = vector.shape_cast %mul3A_2121 : vector<16xf32> to vector<1x16xf32>
    tpu.vector_store %arg7[%swap3A_2123, %swap3A_2124], %swap3A_2127 {strides = array<i32>} : memref<8x128xf32, #tpu.memory_space<vmem>>, vector<1x16xf32>,
    %mul3A_2128 = arith.constant 3.125000e-02 : f32
    %mul3A_2129 = vector.broadcast %mul3A_2128 : f32 to vector<16xf32>
    %mul3A_2130 = arith.mulf %add3A_1883, %mul3A_2129 : vector<16xf32>
    %swap3A_2131 = arith.constant 1 : i32
    %swap3A_2132 = arith.index_cast %swap3A_2131 : i32 to index
    %swap3A_2133 = arith.constant 80 : index
    %swap3A_2134 = tpu.vector_load %arg7[%swap3A_2132, %swap3A_2133] {strides = array<i32>} : memref<8x128xf32, #tpu.memory_space<vmem>>, vector<1x16xf32>,
    %swap3A_2135 = vector.shape_cast %swap3A_2134 : vector<1x16xf32> to vector<16xf32>
    %swap3A_2136 = vector.shape_cast %mul3A_2130 : vector<16xf32> to vector<1x16xf32>
    tpu.vector_store %arg7[%swap3A_2132, %swap3A_2133], %swap3A_2136 {strides = array<i32>} : memref<8x128xf32, #tpu.memory_space<vmem>>, vector<1x16xf32>,
    %mul3A_2137 = arith.constant 3.125000e-02 : f32
    %mul3A_2138 = vector.broadcast %mul3A_2137 : f32 to vector<16xf32>
    %mul3A_2139 = arith.mulf %add3A_1890, %mul3A_2138 : vector<16xf32>
    %swap3A_2140 = arith.constant 1 : i32
    %swap3A_2141 = arith.index_cast %swap3A_2140 : i32 to index
    %swap3A_2142 = arith.constant 96 : index
    %swap3A_2143 = tpu.vector_load %arg7[%swap3A_2141, %swap3A_2142] {strides = array<i32>} : memref<8x128xf32, #tpu.memory_space<vmem>>, vector<1x16xf32>,
    %swap3A_2144 = vector.shape_cast %swap3A_2143 : vector<1x16xf32> to vector<16xf32>
    %swap3A_2145 = vector.shape_cast %mul3A_2139 : vector<16xf32> to vector<1x16xf32>
    tpu.vector_store %arg7[%swap3A_2141, %swap3A_2142], %swap3A_2145 {strides = array<i32>} : memref<8x128xf32, #tpu.memory_space<vmem>>, vector<1x16xf32>,
    %mul3A_2146 = arith.constant 3.125000e-02 : f32
    %mul3A_2147 = vector.broadcast %mul3A_2146 : f32 to vector<16xf32>
    %mul3A_2148 = arith.mulf %add3A_1897, %mul3A_2147 : vector<16xf32>
    %swap3A_2149 = arith.constant 1 : i32
    %swap3A_2150 = arith.index_cast %swap3A_2149 : i32 to index
    %swap3A_2151 = arith.constant 112 : index
    %swap3A_2152 = tpu.vector_load %arg7[%swap3A_2150, %swap3A_2151] {strides = array<i32>} : memref<8x128xf32, #tpu.memory_space<vmem>>, vector<1x16xf32>,
    %swap3A_2153 = vector.shape_cast %swap3A_2152 : vector<1x16xf32> to vector<16xf32>
    %swap3A_2154 = vector.shape_cast %mul3A_2148 : vector<16xf32> to vector<1x16xf32>
    tpu.vector_store %arg7[%swap3A_2150, %swap3A_2151], %swap3A_2154 {strides = array<i32>} : memref<8x128xf32, #tpu.memory_space<vmem>>, vector<1x16xf32>,
    %mul3A_2155 = arith.constant 3.125000e-02 : f32
    %mul3A_2156 = vector.broadcast %mul3A_2155 : f32 to vector<16xf32>
    %mul3A_2157 = arith.mulf %add3A_1904, %mul3A_2156 : vector<16xf32>
    %swap3A_2158 = arith.constant 2 : i32
    %swap3A_2159 = arith.index_cast %swap3A_2158 : i32 to index
    %swap3A_2160 = arith.constant 0 : index
    %swap3A_2161 = tpu.vector_load %arg7[%swap3A_2159, %swap3A_2160] {strides = array<i32>} : memref<8x128xf32, #tpu.memory_space<vmem>>, vector<1x16xf32>,
    %swap3A_2162 = vector.shape_cast %swap3A_2161 : vector<1x16xf32> to vector<16xf32>
    %swap3A_2163 = vector.shape_cast %mul3A_2157 : vector<16xf32> to vector<1x16xf32>
    tpu.vector_store %arg7[%swap3A_2159, %swap3A_2160], %swap3A_2163 {strides = array<i32>} : memref<8x128xf32, #tpu.memory_space<vmem>>, vector<1x16xf32>,
    %mul3A_2164 = arith.constant 3.125000e-02 : f32
    %mul3A_2165 = vector.broadcast %mul3A_2164 : f32 to vector<16xf32>
    %mul3A_2166 = arith.mulf %add3A_1911, %mul3A_2165 : vector<16xf32>
    %swap3A_2167 = arith.constant 2 : i32
    %swap3A_2168 = arith.index_cast %swap3A_2167 : i32 to index
    %swap3A_2169 = arith.constant 16 : index
    %swap3A_2170 = tpu.vector_load %arg7[%swap3A_2168, %swap3A_2169] {strides = array<i32>} : memref<8x128xf32, #tpu.memory_space<vmem>>, vector<1x16xf32>,
    %swap3A_2171 = vector.shape_cast %swap3A_2170 : vector<1x16xf32> to vector<16xf32>
    %swap3A_2172 = vector.shape_cast %mul3A_2166 : vector<16xf32> to vector<1x16xf32>
    tpu.vector_store %arg7[%swap3A_2168, %swap3A_2169], %swap3A_2172 {strides = array<i32>} : memref<8x128xf32, #tpu.memory_space<vmem>>, vector<1x16xf32>,
    %mul3A_2173 = arith.constant 3.125000e-02 : f32
    %mul3A_2174 = vector.broadcast %mul3A_2173 : f32 to vector<16xf32>
    %mul3A_2175 = arith.mulf %add3A_1918, %mul3A_2174 : vector<16xf32>
    %swap3A_2176 = arith.constant 2 : i32
    %swap3A_2177 = arith.index_cast %swap3A_2176 : i32 to index
    %swap3A_2178 = arith.constant 32 : index
    %swap3A_2179 = tpu.vector_load %arg7[%swap3A_2177, %swap3A_2178] {strides = array<i32>} : memref<8x128xf32, #tpu.memory_space<vmem>>, vector<1x16xf32>,
    %swap3A_2180 = vector.shape_cast %swap3A_2179 : vector<1x16xf32> to vector<16xf32>
    %swap3A_2181 = vector.shape_cast %mul3A_2175 : vector<16xf32> to vector<1x16xf32>
    tpu.vector_store %arg7[%swap3A_2177, %swap3A_2178], %swap3A_2181 {strides = array<i32>} : memref<8x128xf32, #tpu.memory_space<vmem>>, vector<1x16xf32>,
    %mul3A_2182 = arith.constant 3.125000e-02 : f32
    %mul3A_2183 = vector.broadcast %mul3A_2182 : f32 to vector<16xf32>
    %mul3A_2184 = arith.mulf %add3A_1925, %mul3A_2183 : vector<16xf32>
    %swap3A_2185 = arith.constant 2 : i32
    %swap3A_2186 = arith.index_cast %swap3A_2185 : i32 to index
    %swap3A_2187 = arith.constant 48 : index
    %swap3A_2188 = tpu.vector_load %arg7[%swap3A_2186, %swap3A_2187] {strides = array<i32>} : memref<8x128xf32, #tpu.memory_space<vmem>>, vector<1x16xf32>,
    %swap3A_2189 = vector.shape_cast %swap3A_2188 : vector<1x16xf32> to vector<16xf32>
    %swap3A_2190 = vector.shape_cast %mul3A_2184 : vector<16xf32> to vector<1x16xf32>
    tpu.vector_store %arg7[%swap3A_2186, %swap3A_2187], %swap3A_2190 {strides = array<i32>} : memref<8x128xf32, #tpu.memory_space<vmem>>, vector<1x16xf32>,
    %mul3A_2191 = arith.constant 3.125000e-02 : f32
    %mul3A_2192 = vector.broadcast %mul3A_2191 : f32 to vector<16xf32>
    %mul3A_2193 = arith.mulf %add3A_1932, %mul3A_2192 : vector<16xf32>
    %swap3A_2194 = arith.constant 2 : i32
    %swap3A_2195 = arith.index_cast %swap3A_2194 : i32 to index
    %swap3A_2196 = arith.constant 64 : index
    %swap3A_2197 = tpu.vector_load %arg7[%swap3A_2195, %swap3A_2196] {strides = array<i32>} : memref<8x128xf32, #tpu.memory_space<vmem>>, vector<1x16xf32>,
    %swap3A_2198 = vector.shape_cast %swap3A_2197 : vector<1x16xf32> to vector<16xf32>
    %swap3A_2199 = vector.shape_cast %mul3A_2193 : vector<16xf32> to vector<1x16xf32>
    tpu.vector_store %arg7[%swap3A_2195, %swap3A_2196], %swap3A_2199 {strides = array<i32>} : memref<8x128xf32, #tpu.memory_space<vmem>>, vector<1x16xf32>,
    %mul3A_2200 = arith.constant 3.125000e-02 : f32
    %mul3A_2201 = vector.broadcast %mul3A_2200 : f32 to vector<16xf32>
    %mul3A_2202 = arith.mulf %add3A_1939, %mul3A_2201 : vector<16xf32>
    %swap3A_2203 = arith.constant 2 : i32
    %swap3A_2204 = arith.index_cast %swap3A_2203 : i32 to index
    %swap3A_2205 = arith.constant 80 : index
    %swap3A_2206 = tpu.vector_load %arg7[%swap3A_2204, %swap3A_2205] {strides = array<i32>} : memref<8x128xf32, #tpu.memory_space<vmem>>, vector<1x16xf32>,
    %swap3A_2207 = vector.shape_cast %swap3A_2206 : vector<1x16xf32> to vector<16xf32>
    %swap3A_2208 = vector.shape_cast %mul3A_2202 : vector<16xf32> to vector<1x16xf32>
    tpu.vector_store %arg7[%swap3A_2204, %swap3A_2205], %swap3A_2208 {strides = array<i32>} : memref<8x128xf32, #tpu.memory_space<vmem>>, vector<1x16xf32>,
    %mul3A_2209 = arith.constant 3.125000e-02 : f32
    %mul3A_2210 = vector.broadcast %mul3A_2209 : f32 to vector<16xf32>
    %mul3A_2211 = arith.mulf %add3A_1946, %mul3A_2210 : vector<16xf32>
    %swap3A_2212 = arith.constant 2 : i32
    %swap3A_2213 = arith.index_cast %swap3A_2212 : i32 to index
    %swap3A_2214 = arith.constant 96 : index
    %swap3A_2215 = tpu.vector_load %arg7[%swap3A_2213, %swap3A_2214] {strides = array<i32>} : memref<8x128xf32, #tpu.memory_space<vmem>>, vector<1x16xf32>,
    %swap3A_2216 = vector.shape_cast %swap3A_2215 : vector<1x16xf32> to vector<16xf32>
    %swap3A_2217 = vector.shape_cast %mul3A_2211 : vector<16xf32> to vector<1x16xf32>
    tpu.vector_store %arg7[%swap3A_2213, %swap3A_2214], %swap3A_2217 {strides = array<i32>} : memref<8x128xf32, #tpu.memory_space<vmem>>, vector<1x16xf32>,
    %mul3A_2218 = arith.constant 3.125000e-02 : f32
    %mul3A_2219 = vector.broadcast %mul3A_2218 : f32 to vector<16xf32>
    %mul3A_2220 = arith.mulf %add3A_1953, %mul3A_2219 : vector<16xf32>
    %swap3A_2221 = arith.constant 2 : i32
    %swap3A_2222 = arith.index_cast %swap3A_2221 : i32 to index
    %swap3A_2223 = arith.constant 112 : index
    %swap3A_2224 = tpu.vector_load %arg7[%swap3A_2222, %swap3A_2223] {strides = array<i32>} : memref<8x128xf32, #tpu.memory_space<vmem>>, vector<1x16xf32>,
    %swap3A_2225 = vector.shape_cast %swap3A_2224 : vector<1x16xf32> to vector<16xf32>
    %swap3A_2226 = vector.shape_cast %mul3A_2220 : vector<16xf32> to vector<1x16xf32>
    tpu.vector_store %arg7[%swap3A_2222, %swap3A_2223], %swap3A_2226 {strides = array<i32>} : memref<8x128xf32, #tpu.memory_space<vmem>>, vector<1x16xf32>,
    %mul3A_2227 = arith.constant 3.125000e-02 : f32
    %mul3A_2228 = vector.broadcast %mul3A_2227 : f32 to vector<16xf32>
    %mul3A_2229 = arith.mulf %add3A_1960, %mul3A_2228 : vector<16xf32>
    %swap3A_2230 = arith.constant 3 : i32
    %swap3A_2231 = arith.index_cast %swap3A_2230 : i32 to index
    %swap3A_2232 = arith.constant 0 : index
    %swap3A_2233 = tpu.vector_load %arg7[%swap3A_2231, %swap3A_2232] {strides = array<i32>} : memref<8x128xf32, #tpu.memory_space<vmem>>, vector<1x16xf32>,
    %swap3A_2234 = vector.shape_cast %swap3A_2233 : vector<1x16xf32> to vector<16xf32>
    %swap3A_2235 = vector.shape_cast %mul3A_2229 : vector<16xf32> to vector<1x16xf32>
    tpu.vector_store %arg7[%swap3A_2231, %swap3A_2232], %swap3A_2235 {strides = array<i32>} : memref<8x128xf32, #tpu.memory_space<vmem>>, vector<1x16xf32>,
    %mul3A_2236 = arith.constant 3.125000e-02 : f32
    %mul3A_2237 = vector.broadcast %mul3A_2236 : f32 to vector<16xf32>
    %mul3A_2238 = arith.mulf %add3A_1967, %mul3A_2237 : vector<16xf32>
    %swap3A_2239 = arith.constant 3 : i32
    %swap3A_2240 = arith.index_cast %swap3A_2239 : i32 to index
    %swap3A_2241 = arith.constant 16 : index
    %swap3A_2242 = tpu.vector_load %arg7[%swap3A_2240, %swap3A_2241] {strides = array<i32>} : memref<8x128xf32, #tpu.memory_space<vmem>>, vector<1x16xf32>,
    %swap3A_2243 = vector.shape_cast %swap3A_2242 : vector<1x16xf32> to vector<16xf32>
    %swap3A_2244 = vector.shape_cast %mul3A_2238 : vector<16xf32> to vector<1x16xf32>
    tpu.vector_store %arg7[%swap3A_2240, %swap3A_2241], %swap3A_2244 {strides = array<i32>} : memref<8x128xf32, #tpu.memory_space<vmem>>, vector<1x16xf32>,
    %mul3A_2245 = arith.constant 3.125000e-02 : f32
    %mul3A_2246 = vector.broadcast %mul3A_2245 : f32 to vector<16xf32>
    %mul3A_2247 = arith.mulf %add3A_1974, %mul3A_2246 : vector<16xf32>
    %swap3A_2248 = arith.constant 3 : i32
    %swap3A_2249 = arith.index_cast %swap3A_2248 : i32 to index
    %swap3A_2250 = arith.constant 32 : index
    %swap3A_2251 = tpu.vector_load %arg7[%swap3A_2249, %swap3A_2250] {strides = array<i32>} : memref<8x128xf32, #tpu.memory_space<vmem>>, vector<1x16xf32>,
    %swap3A_2252 = vector.shape_cast %swap3A_2251 : vector<1x16xf32> to vector<16xf32>
    %swap3A_2253 = vector.shape_cast %mul3A_2247 : vector<16xf32> to vector<1x16xf32>
    tpu.vector_store %arg7[%swap3A_2249, %swap3A_2250], %swap3A_2253 {strides = array<i32>} : memref<8x128xf32, #tpu.memory_space<vmem>>, vector<1x16xf32>,
    %mul3A_2254 = arith.constant 3.125000e-02 : f32
    %mul3A_2255 = vector.broadcast %mul3A_2254 : f32 to vector<16xf32>
    %mul3A_2256 = arith.mulf %add3A_1981, %mul3A_2255 : vector<16xf32>
    %swap3A_2257 = arith.constant 3 : i32
    %swap3A_2258 = arith.index_cast %swap3A_2257 : i32 to index
    %swap3A_2259 = arith.constant 48 : index
    %swap3A_2260 = tpu.vector_load %arg7[%swap3A_2258, %swap3A_2259] {strides = array<i32>} : memref<8x128xf32, #tpu.memory_space<vmem>>, vector<1x16xf32>,
    %swap3A_2261 = vector.shape_cast %swap3A_2260 : vector<1x16xf32> to vector<16xf32>
    %swap3A_2262 = vector.shape_cast %mul3A_2256 : vector<16xf32> to vector<1x16xf32>
    tpu.vector_store %arg7[%swap3A_2258, %swap3A_2259], %swap3A_2262 {strides = array<i32>} : memref<8x128xf32, #tpu.memory_space<vmem>>, vector<1x16xf32>,
    %mul3A_2263 = arith.constant 3.125000e-02 : f32
    %mul3A_2264 = vector.broadcast %mul3A_2263 : f32 to vector<16xf32>
    %mul3A_2265 = arith.mulf %add3A_1988, %mul3A_2264 : vector<16xf32>
    %swap3A_2266 = arith.constant 3 : i32
    %swap3A_2267 = arith.index_cast %swap3A_2266 : i32 to index
    %swap3A_2268 = arith.constant 64 : index
    %swap3A_2269 = tpu.vector_load %arg7[%swap3A_2267, %swap3A_2268] {strides = array<i32>} : memref<8x128xf32, #tpu.memory_space<vmem>>, vector<1x16xf32>,
    %swap3A_2270 = vector.shape_cast %swap3A_2269 : vector<1x16xf32> to vector<16xf32>
    %swap3A_2271 = vector.shape_cast %mul3A_2265 : vector<16xf32> to vector<1x16xf32>
    tpu.vector_store %arg7[%swap3A_2267, %swap3A_2268], %swap3A_2271 {strides = array<i32>} : memref<8x128xf32, #tpu.memory_space<vmem>>, vector<1x16xf32>,
    %mul3A_2272 = arith.constant 3.125000e-02 : f32
    %mul3A_2273 = vector.broadcast %mul3A_2272 : f32 to vector<16xf32>
    %mul3A_2274 = arith.mulf %add3A_1995, %mul3A_2273 : vector<16xf32>
    %swap3A_2275 = arith.constant 3 : i32
    %swap3A_2276 = arith.index_cast %swap3A_2275 : i32 to index
    %swap3A_2277 = arith.constant 80 : index
    %swap3A_2278 = tpu.vector_load %arg7[%swap3A_2276, %swap3A_2277] {strides = array<i32>} : memref<8x128xf32, #tpu.memory_space<vmem>>, vector<1x16xf32>,
    %swap3A_2279 = vector.shape_cast %swap3A_2278 : vector<1x16xf32> to vector<16xf32>
    %swap3A_2280 = vector.shape_cast %mul3A_2274 : vector<16xf32> to vector<1x16xf32>
    tpu.vector_store %arg7[%swap3A_2276, %swap3A_2277], %swap3A_2280 {strides = array<i32>} : memref<8x128xf32, #tpu.memory_space<vmem>>, vector<1x16xf32>,
    %mul3A_2281 = arith.constant 3.125000e-02 : f32
    %mul3A_2282 = vector.broadcast %mul3A_2281 : f32 to vector<16xf32>
    %mul3A_2283 = arith.mulf %add3A_2002, %mul3A_2282 : vector<16xf32>
    %swap3A_2284 = arith.constant 3 : i32
    %swap3A_2285 = arith.index_cast %swap3A_2284 : i32 to index
    %swap3A_2286 = arith.constant 96 : index
    %swap3A_2287 = tpu.vector_load %arg7[%swap3A_2285, %swap3A_2286] {strides = array<i32>} : memref<8x128xf32, #tpu.memory_space<vmem>>, vector<1x16xf32>,
    %swap3A_2288 = vector.shape_cast %swap3A_2287 : vector<1x16xf32> to vector<16xf32>
    %swap3A_2289 = vector.shape_cast %mul3A_2283 : vector<16xf32> to vector<1x16xf32>
    tpu.vector_store %arg7[%swap3A_2285, %swap3A_2286], %swap3A_2289 {strides = array<i32>} : memref<8x128xf32, #tpu.memory_space<vmem>>, vector<1x16xf32>,
    %mul3A_2290 = arith.constant 3.125000e-02 : f32
    %mul3A_2291 = vector.broadcast %mul3A_2290 : f32 to vector<16xf32>
    %mul3A_2292 = arith.mulf %add3A_2009, %mul3A_2291 : vector<16xf32>
    %swap3A_2293 = arith.constant 3 : i32
    %swap3A_2294 = arith.index_cast %swap3A_2293 : i32 to index
    %swap3A_2295 = arith.constant 112 : index
    %swap3A_2296 = tpu.vector_load %arg7[%swap3A_2294, %swap3A_2295] {strides = array<i32>} : memref<8x128xf32, #tpu.memory_space<vmem>>, vector<1x16xf32>,
    %swap3A_2297 = vector.shape_cast %swap3A_2296 : vector<1x16xf32> to vector<16xf32>
    %swap3A_2298 = vector.shape_cast %mul3A_2292 : vector<16xf32> to vector<1x16xf32>
    tpu.vector_store %arg7[%swap3A_2294, %swap3A_2295], %swap3A_2298 {strides = array<i32>} : memref<8x128xf32, #tpu.memory_space<vmem>>, vector<1x16xf32>,
    %get3A_2299 = arith.constant 4 : i32
    %get3A_2300 = arith.constant 0 : i32
    %get3A_2301 = arith.index_cast %get3A_2299 : i32 to index
    %get3A_2302 = arith.index_cast %get3A_2300 : i32 to index
    %get3A_2303 = arith.constant 0 : index
    %get3A_2304 = tpu.vector_load %arg5[%get3A_2301, %get3A_2302, %get3A_2303] {strides = array<i32>} : memref<8x32x128xf32, #tpu.memory_space<vmem>>, vector<1x1x16xf32>,
    %get3A_2305 = vector.shape_cast %get3A_2304 : vector<1x1x16xf32> to vector<16xf32>
    %get3A_2306 = arith.constant 4 : i32
    %get3A_2307 = arith.constant 0 : i32
    %get3A_2308 = arith.index_cast %get3A_2306 : i32 to index
    %get3A_2309 = arith.index_cast %get3A_2307 : i32 to index
    %get3A_2310 = arith.constant 16 : index
    %get3A_2311 = tpu.vector_load %arg5[%get3A_2308, %get3A_2309, %get3A_2310] {strides = array<i32>} : memref<8x32x128xf32, #tpu.memory_space<vmem>>, vector<1x1x16xf32>,
    %get3A_2312 = vector.shape_cast %get3A_2311 : vector<1x1x16xf32> to vector<16xf32>
    %get3A_2313 = arith.constant 4 : i32
    %get3A_2314 = arith.constant 0 : i32
    %get3A_2315 = arith.index_cast %get3A_2313 : i32 to index
    %get3A_2316 = arith.index_cast %get3A_2314 : i32 to index
    %get3A_2317 = arith.constant 32 : index
    %get3A_2318 = tpu.vector_load %arg5[%get3A_2315, %get3A_2316, %get3A_2317] {strides = array<i32>} : memref<8x32x128xf32, #tpu.memory_space<vmem>>, vector<1x1x16xf32>,
    %get3A_2319 = vector.shape_cast %get3A_2318 : vector<1x1x16xf32> to vector<16xf32>
    %get3A_2320 = arith.constant 4 : i32
    %get3A_2321 = arith.constant 0 : i32
    %get3A_2322 = arith.index_cast %get3A_2320 : i32 to index
    %get3A_2323 = arith.index_cast %get3A_2321 : i32 to index
    %get3A_2324 = arith.constant 48 : index
    %get3A_2325 = tpu.vector_load %arg5[%get3A_2322, %get3A_2323, %get3A_2324] {strides = array<i32>} : memref<8x32x128xf32, #tpu.memory_space<vmem>>, vector<1x1x16xf32>,
    %get3A_2326 = vector.shape_cast %get3A_2325 : vector<1x1x16xf32> to vector<16xf32>
    %get3A_2327 = arith.constant 4 : i32
    %get3A_2328 = arith.constant 0 : i32
    %get3A_2329 = arith.index_cast %get3A_2327 : i32 to index
    %get3A_2330 = arith.index_cast %get3A_2328 : i32 to index
    %get3A_2331 = arith.constant 64 : index
    %get3A_2332 = tpu.vector_load %arg5[%get3A_2329, %get3A_2330, %get3A_2331] {strides = array<i32>} : memref<8x32x128xf32, #tpu.memory_space<vmem>>, vector<1x1x16xf32>,
    %get3A_2333 = vector.shape_cast %get3A_2332 : vector<1x1x16xf32> to vector<16xf32>
    %get3A_2334 = arith.constant 4 : i32
    %get3A_2335 = arith.constant 0 : i32
    %get3A_2336 = arith.index_cast %get3A_2334 : i32 to index
    %get3A_2337 = arith.index_cast %get3A_2335 : i32 to index
    %get3A_2338 = arith.constant 80 : index
    %get3A_2339 = tpu.vector_load %arg5[%get3A_2336, %get3A_2337, %get3A_2338] {strides = array<i32>} : memref<8x32x128xf32, #tpu.memory_space<vmem>>, vector<1x1x16xf32>,
    %get3A_2340 = vector.shape_cast %get3A_2339 : vector<1x1x16xf32> to vector<16xf32>
    %get3A_2341 = arith.constant 4 : i32
    %get3A_2342 = arith.constant 0 : i32
    %get3A_2343 = arith.index_cast %get3A_2341 : i32 to index
    %get3A_2344 = arith.index_cast %get3A_2342 : i32 to index
    %get3A_2345 = arith.constant 96 : index
    %get3A_2346 = tpu.vector_load %arg5[%get3A_2343, %get3A_2344, %get3A_2345] {strides = array<i32>} : memref<8x32x128xf32, #tpu.memory_space<vmem>>, vector<1x1x16xf32>,
    %get3A_2347 = vector.shape_cast %get3A_2346 : vector<1x1x16xf32> to vector<16xf32>
    %get3A_2348 = arith.constant 4 : i32
    %get3A_2349 = arith.constant 0 : i32
    %get3A_2350 = arith.index_cast %get3A_2348 : i32 to index
    %get3A_2351 = arith.index_cast %get3A_2349 : i32 to index
    %get3A_2352 = arith.constant 112 : index
    %get3A_2353 = tpu.vector_load %arg5[%get3A_2350, %get3A_2351, %get3A_2352] {strides = array<i32>} : memref<8x32x128xf32, #tpu.memory_space<vmem>>, vector<1x1x16xf32>,
    %get3A_2354 = vector.shape_cast %get3A_2353 : vector<1x1x16xf32> to vector<16xf32>
    %get3A_2355 = arith.constant 5 : i32
    %get3A_2356 = arith.constant 0 : i32
    %get3A_2357 = arith.index_cast %get3A_2355 : i32 to index
    %get3A_2358 = arith.index_cast %get3A_2356 : i32 to index
    %get3A_2359 = arith.constant 0 : index
    %get3A_2360 = tpu.vector_load %arg5[%get3A_2357, %get3A_2358, %get3A_2359] {strides = array<i32>} : memref<8x32x128xf32, #tpu.memory_space<vmem>>, vector<1x1x16xf32>,
    %get3A_2361 = vector.shape_cast %get3A_2360 : vector<1x1x16xf32> to vector<16xf32>
    %get3A_2362 = arith.constant 5 : i32
    %get3A_2363 = arith.constant 0 : i32
    %get3A_2364 = arith.index_cast %get3A_2362 : i32 to index
    %get3A_2365 = arith.index_cast %get3A_2363 : i32 to index
    %get3A_2366 = arith.constant 16 : index
    %get3A_2367 = tpu.vector_load %arg5[%get3A_2364, %get3A_2365, %get3A_2366] {strides = array<i32>} : memref<8x32x128xf32, #tpu.memory_space<vmem>>, vector<1x1x16xf32>,
    %get3A_2368 = vector.shape_cast %get3A_2367 : vector<1x1x16xf32> to vector<16xf32>
    %get3A_2369 = arith.constant 5 : i32
    %get3A_2370 = arith.constant 0 : i32
    %get3A_2371 = arith.index_cast %get3A_2369 : i32 to index
    %get3A_2372 = arith.index_cast %get3A_2370 : i32 to index
    %get3A_2373 = arith.constant 32 : index
    %get3A_2374 = tpu.vector_load %arg5[%get3A_2371, %get3A_2372, %get3A_2373] {strides = array<i32>} : memref<8x32x128xf32, #tpu.memory_space<vmem>>, vector<1x1x16xf32>,
    %get3A_2375 = vector.shape_cast %get3A_2374 : vector<1x1x16xf32> to vector<16xf32>
    %get3A_2376 = arith.constant 5 : i32
    %get3A_2377 = arith.constant 0 : i32
    %get3A_2378 = arith.index_cast %get3A_2376 : i32 to index
    %get3A_2379 = arith.index_cast %get3A_2377 : i32 to index
    %get3A_2380 = arith.constant 48 : index
    %get3A_2381 = tpu.vector_load %arg5[%get3A_2378, %get3A_2379, %get3A_2380] {strides = array<i32>} : memref<8x32x128xf32, #tpu.memory_space<vmem>>, vector<1x1x16xf32>,
    %get3A_2382 = vector.shape_cast %get3A_2381 : vector<1x1x16xf32> to vector<16xf32>
    %get3A_2383 = arith.constant 5 : i32
    %get3A_2384 = arith.constant 0 : i32
    %get3A_2385 = arith.index_cast %get3A_2383 : i32 to index
    %get3A_2386 = arith.index_cast %get3A_2384 : i32 to index
    %get3A_2387 = arith.constant 64 : index
    %get3A_2388 = tpu.vector_load %arg5[%get3A_2385, %get3A_2386, %get3A_2387] {strides = array<i32>} : memref<8x32x128xf32, #tpu.memory_space<vmem>>, vector<1x1x16xf32>,
    %get3A_2389 = vector.shape_cast %get3A_2388 : vector<1x1x16xf32> to vector<16xf32>
    %get3A_2390 = arith.constant 5 : i32
    %get3A_2391 = arith.constant 0 : i32
    %get3A_2392 = arith.index_cast %get3A_2390 : i32 to index
    %get3A_2393 = arith.index_cast %get3A_2391 : i32 to index
    %get3A_2394 = arith.constant 80 : index
    %get3A_2395 = tpu.vector_load %arg5[%get3A_2392, %get3A_2393, %get3A_2394] {strides = array<i32>} : memref<8x32x128xf32, #tpu.memory_space<vmem>>, vector<1x1x16xf32>,
    %get3A_2396 = vector.shape_cast %get3A_2395 : vector<1x1x16xf32> to vector<16xf32>
    %get3A_2397 = arith.constant 5 : i32
    %get3A_2398 = arith.constant 0 : i32
    %get3A_2399 = arith.index_cast %get3A_2397 : i32 to index
    %get3A_2400 = arith.index_cast %get3A_2398 : i32 to index
    %get3A_2401 = arith.constant 96 : index
    %get3A_2402 = tpu.vector_load %arg5[%get3A_2399, %get3A_2400, %get3A_2401] {strides = array<i32>} : memref<8x32x128xf32, #tpu.memory_space<vmem>>, vector<1x1x16xf32>,
    %get3A_2403 = vector.shape_cast %get3A_2402 : vector<1x1x16xf32> to vector<16xf32>
    %get3A_2404 = arith.constant 5 : i32
    %get3A_2405 = arith.constant 0 : i32
    %get3A_2406 = arith.index_cast %get3A_2404 : i32 to index
    %get3A_2407 = arith.index_cast %get3A_2405 : i32 to index
    %get3A_2408 = arith.constant 112 : index
    %get3A_2409 = tpu.vector_load %arg5[%get3A_2406, %get3A_2407, %get3A_2408] {strides = array<i32>} : memref<8x32x128xf32, #tpu.memory_space<vmem>>, vector<1x1x16xf32>,
    %get3A_2410 = vector.shape_cast %get3A_2409 : vector<1x1x16xf32> to vector<16xf32>
    %get3A_2411 = arith.constant 6 : i32
    %get3A_2412 = arith.constant 0 : i32
    %get3A_2413 = arith.index_cast %get3A_2411 : i32 to index
    %get3A_2414 = arith.index_cast %get3A_2412 : i32 to index
    %get3A_2415 = arith.constant 0 : index
    %get3A_2416 = tpu.vector_load %arg5[%get3A_2413, %get3A_2414, %get3A_2415] {strides = array<i32>} : memref<8x32x128xf32, #tpu.memory_space<vmem>>, vector<1x1x16xf32>,
    %get3A_2417 = vector.shape_cast %get3A_2416 : vector<1x1x16xf32> to vector<16xf32>
    %get3A_2418 = arith.constant 6 : i32
    %get3A_2419 = arith.constant 0 : i32
    %get3A_2420 = arith.index_cast %get3A_2418 : i32 to index
    %get3A_2421 = arith.index_cast %get3A_2419 : i32 to index
    %get3A_2422 = arith.constant 16 : index
    %get3A_2423 = tpu.vector_load %arg5[%get3A_2420, %get3A_2421, %get3A_2422] {strides = array<i32>} : memref<8x32x128xf32, #tpu.memory_space<vmem>>, vector<1x1x16xf32>,
    %get3A_2424 = vector.shape_cast %get3A_2423 : vector<1x1x16xf32> to vector<16xf32>
    %get3A_2425 = arith.constant 6 : i32
    %get3A_2426 = arith.constant 0 : i32
    %get3A_2427 = arith.index_cast %get3A_2425 : i32 to index
    %get3A_2428 = arith.index_cast %get3A_2426 : i32 to index
    %get3A_2429 = arith.constant 32 : index
    %get3A_2430 = tpu.vector_load %arg5[%get3A_2427, %get3A_2428, %get3A_2429] {strides = array<i32>} : memref<8x32x128xf32, #tpu.memory_space<vmem>>, vector<1x1x16xf32>,
    %get3A_2431 = vector.shape_cast %get3A_2430 : vector<1x1x16xf32> to vector<16xf32>
    %get3A_2432 = arith.constant 6 : i32
    %get3A_2433 = arith.constant 0 : i32
    %get3A_2434 = arith.index_cast %get3A_2432 : i32 to index
    %get3A_2435 = arith.index_cast %get3A_2433 : i32 to index
    %get3A_2436 = arith.constant 48 : index
    %get3A_2437 = tpu.vector_load %arg5[%get3A_2434, %get3A_2435, %get3A_2436] {strides = array<i32>} : memref<8x32x128xf32, #tpu.memory_space<vmem>>, vector<1x1x16xf32>,
    %get3A_2438 = vector.shape_cast %get3A_2437 : vector<1x1x16xf32> to vector<16xf32>
    %get3A_2439 = arith.constant 6 : i32
    %get3A_2440 = arith.constant 0 : i32
    %get3A_2441 = arith.index_cast %get3A_2439 : i32 to index
    %get3A_2442 = arith.index_cast %get3A_2440 : i32 to index
    %get3A_2443 = arith.constant 64 : index
    %get3A_2444 = tpu.vector_load %arg5[%get3A_2441, %get3A_2442, %get3A_2443] {strides = array<i32>} : memref<8x32x128xf32, #tpu.memory_space<vmem>>, vector<1x1x16xf32>,
    %get3A_2445 = vector.shape_cast %get3A_2444 : vector<1x1x16xf32> to vector<16xf32>
    %get3A_2446 = arith.constant 6 : i32
    %get3A_2447 = arith.constant 0 : i32
    %get3A_2448 = arith.index_cast %get3A_2446 : i32 to index
    %get3A_2449 = arith.index_cast %get3A_2447 : i32 to index
    %get3A_2450 = arith.constant 80 : index
    %get3A_2451 = tpu.vector_load %arg5[%get3A_2448, %get3A_2449, %get3A_2450] {strides = array<i32>} : memref<8x32x128xf32, #tpu.memory_space<vmem>>, vector<1x1x16xf32>,
    %get3A_2452 = vector.shape_cast %get3A_2451 : vector<1x1x16xf32> to vector<16xf32>
    %get3A_2453 = arith.constant 6 : i32
    %get3A_2454 = arith.constant 0 : i32
    %get3A_2455 = arith.index_cast %get3A_2453 : i32 to index
    %get3A_2456 = arith.index_cast %get3A_2454 : i32 to index
    %get3A_2457 = arith.constant 96 : index
    %get3A_2458 = tpu.vector_load %arg5[%get3A_2455, %get3A_2456, %get3A_2457] {strides = array<i32>} : memref<8x32x128xf32, #tpu.memory_space<vmem>>, vector<1x1x16xf32>,
    %get3A_2459 = vector.shape_cast %get3A_2458 : vector<1x1x16xf32> to vector<16xf32>
    %get3A_2460 = arith.constant 6 : i32
    %get3A_2461 = arith.constant 0 : i32
    %get3A_2462 = arith.index_cast %get3A_2460 : i32 to index
    %get3A_2463 = arith.index_cast %get3A_2461 : i32 to index
    %get3A_2464 = arith.constant 112 : index
    %get3A_2465 = tpu.vector_load %arg5[%get3A_2462, %get3A_2463, %get3A_2464] {strides = array<i32>} : memref<8x32x128xf32, #tpu.memory_space<vmem>>, vector<1x1x16xf32>,
    %get3A_2466 = vector.shape_cast %get3A_2465 : vector<1x1x16xf32> to vector<16xf32>
    %get3A_2467 = arith.constant 7 : i32
    %get3A_2468 = arith.constant 0 : i32
    %get3A_2469 = arith.index_cast %get3A_2467 : i32 to index
    %get3A_2470 = arith.index_cast %get3A_2468 : i32 to index
    %get3A_2471 = arith.constant 0 : index
    %get3A_2472 = tpu.vector_load %arg5[%get3A_2469, %get3A_2470, %get3A_2471] {strides = array<i32>} : memref<8x32x128xf32, #tpu.memory_space<vmem>>, vector<1x1x16xf32>,
    %get3A_2473 = vector.shape_cast %get3A_2472 : vector<1x1x16xf32> to vector<16xf32>
    %get3A_2474 = arith.constant 7 : i32
    %get3A_2475 = arith.constant 0 : i32
    %get3A_2476 = arith.index_cast %get3A_2474 : i32 to index
    %get3A_2477 = arith.index_cast %get3A_2475 : i32 to index
    %get3A_2478 = arith.constant 16 : index
    %get3A_2479 = tpu.vector_load %arg5[%get3A_2476, %get3A_2477, %get3A_2478] {strides = array<i32>} : memref<8x32x128xf32, #tpu.memory_space<vmem>>, vector<1x1x16xf32>,
    %get3A_2480 = vector.shape_cast %get3A_2479 : vector<1x1x16xf32> to vector<16xf32>
    %get3A_2481 = arith.constant 7 : i32
    %get3A_2482 = arith.constant 0 : i32
    %get3A_2483 = arith.index_cast %get3A_2481 : i32 to index
    %get3A_2484 = arith.index_cast %get3A_2482 : i32 to index
    %get3A_2485 = arith.constant 32 : index
    %get3A_2486 = tpu.vector_load %arg5[%get3A_2483, %get3A_2484, %get3A_2485] {strides = array<i32>} : memref<8x32x128xf32, #tpu.memory_space<vmem>>, vector<1x1x16xf32>,
    %get3A_2487 = vector.shape_cast %get3A_2486 : vector<1x1x16xf32> to vector<16xf32>
    %get3A_2488 = arith.constant 7 : i32
    %get3A_2489 = arith.constant 0 : i32
    %get3A_2490 = arith.index_cast %get3A_2488 : i32 to index
    %get3A_2491 = arith.index_cast %get3A_2489 : i32 to index
    %get3A_2492 = arith.constant 48 : index
    %get3A_2493 = tpu.vector_load %arg5[%get3A_2490, %get3A_2491, %get3A_2492] {strides = array<i32>} : memref<8x32x128xf32, #tpu.memory_space<vmem>>, vector<1x1x16xf32>,
    %get3A_2494 = vector.shape_cast %get3A_2493 : vector<1x1x16xf32> to vector<16xf32>
    %get3A_2495 = arith.constant 7 : i32
    %get3A_2496 = arith.constant 0 : i32
    %get3A_2497 = arith.index_cast %get3A_2495 : i32 to index
    %get3A_2498 = arith.index_cast %get3A_2496 : i32 to index
    %get3A_2499 = arith.constant 64 : index
    %get3A_2500 = tpu.vector_load %arg5[%get3A_2497, %get3A_2498, %get3A_2499] {strides = array<i32>} : memref<8x32x128xf32, #tpu.memory_space<vmem>>, vector<1x1x16xf32>,
    %get3A_2501 = vector.shape_cast %get3A_2500 : vector<1x1x16xf32> to vector<16xf32>
    %get3A_2502 = arith.constant 7 : i32
    %get3A_2503 = arith.constant 0 : i32
    %get3A_2504 = arith.index_cast %get3A_2502 : i32 to index
    %get3A_2505 = arith.index_cast %get3A_2503 : i32 to index
    %get3A_2506 = arith.constant 80 : index
    %get3A_2507 = tpu.vector_load %arg5[%get3A_2504, %get3A_2505, %get3A_2506] {strides = array<i32>} : memref<8x32x128xf32, #tpu.memory_space<vmem>>, vector<1x1x16xf32>,
    %get3A_2508 = vector.shape_cast %get3A_2507 : vector<1x1x16xf32> to vector<16xf32>
    %get3A_2509 = arith.constant 7 : i32
    %get3A_2510 = arith.constant 0 : i32
    %get3A_2511 = arith.index_cast %get3A_2509 : i32 to index
    %get3A_2512 = arith.index_cast %get3A_2510 : i32 to index
    %get3A_2513 = arith.constant 96 : index
    %get3A_2514 = tpu.vector_load %arg5[%get3A_2511, %get3A_2512, %get3A_2513] {strides = array<i32>} : memref<8x32x128xf32, #tpu.memory_space<vmem>>, vector<1x1x16xf32>,
    %get3A_2515 = vector.shape_cast %get3A_2514 : vector<1x1x16xf32> to vector<16xf32>
    %get3A_2516 = arith.constant 7 : i32
    %get3A_2517 = arith.constant 0 : i32
    %get3A_2518 = arith.index_cast %get3A_2516 : i32 to index
    %get3A_2519 = arith.index_cast %get3A_2517 : i32 to index
    %get3A_2520 = arith.constant 112 : index
    %get3A_2521 = tpu.vector_load %arg5[%get3A_2518, %get3A_2519, %get3A_2520] {strides = array<i32>} : memref<8x32x128xf32, #tpu.memory_space<vmem>>, vector<1x1x16xf32>,
    %get3A_2522 = vector.shape_cast %get3A_2521 : vector<1x1x16xf32> to vector<16xf32>
    %scan3A_2523 = arith.constant 1 : i32
    %scan3A_2524 = arith.constant 30 : i32
    %scan3A_2525 = arith.addi %scan3A_2523, %scan3A_2524 : i32
    %scan3A_2526 = arith.constant 2 : i32
    %scan3A_2527:32 = scf.for %scan3A_3072 = %scan3A_2523 to %scan3A_2525 step %scan3A_2526 iter_args(%scan3A_3073 = %get3A_2305, %scan3A_3074 = %get3A_2312, %scan3A_3075 = %get3A_2319, %scan3A_3076 = %get3A_2326, %scan3A_3077 = %get3A_2333, %scan3A_3078 = %get3A_2340, %scan3A_3079 = %get3A_2347, %scan3A_3080 = %get3A_2354, %scan3A_3081 = %get3A_2361, %scan3A_3082 = %get3A_2368, %scan3A_3083 = %get3A_2375, %scan3A_3084 = %get3A_2382, %scan3A_3085 = %get3A_2389, %scan3A_3086 = %get3A_2396, %scan3A_3087 = %get3A_2403, %scan3A_3088 = %get3A_2410, %scan3A_3089 = %get3A_2417, %scan3A_3090 = %get3A_2424, %scan3A_3091 = %get3A_2431, %scan3A_3092 = %get3A_2438, %scan3A_3093 = %get3A_2445, %scan3A_3094 = %get3A_2452, %scan3A_3095 = %get3A_2459, %scan3A_3096 = %get3A_2466, %scan3A_3097 = %get3A_2473, %scan3A_3098 = %get3A_2480, %scan3A_3099 = %get3A_2487, %scan3A_3100 = %get3A_2494, %scan3A_3101 = %get3A_2501, %scan3A_3102 = %get3A_2508, %scan3A_3103 = %get3A_2515, %scan3A_3104 = %get3A_2522) -> (vector<16xf32>, vector<16xf32>, vector<16xf32>, vector<16xf32>, vector<16xf32>, vector<16xf32>, vector<16xf32>, vector<16xf32>, vector<16xf32>, vector<16xf32>, vector<16xf32>, vector<16xf32>, vector<16xf32>, vector<16xf32>, vector<16xf32>, vector<16xf32>, vector<16xf32>, vector<16xf32>, vector<16xf32>, vector<16xf32>, vector<16xf32>, vector<16xf32>, vector<16xf32>, vector<16xf32>, vector<16xf32>, vector<16xf32>, vector<16xf32>, vector<16xf32>, vector<16xf32>, vector<16xf32>, vector<16xf32>, vector<16xf32>)  : i32 {
      %get3A_3105 = arith.constant 4 : i32
      %get3A_3106 = arith.index_cast %get3A_3105 : i32 to index
      %get3A_3107 = arith.index_cast %scan3A_3072 : i32 to index
      %get3A_3108 = arith.constant 0 : index
      %get3A_3109 = tpu.vector_load %arg5[%get3A_3106, %get3A_3107, %get3A_3108] {strides = array<i32>} : memref<8x32x128xf32, #tpu.memory_space<vmem>>, vector<1x1x16xf32>,
      %get3A_3110 = vector.shape_cast %get3A_3109 : vector<1x1x16xf32> to vector<16xf32>
      %add3A_3111 = arith.addf %scan3A_3073, %get3A_3110 : vector<16xf32>
      %get3A_3112 = arith.constant 4 : i32
      %get3A_3113 = arith.index_cast %get3A_3112 : i32 to index
      %get3A_3114 = arith.index_cast %scan3A_3072 : i32 to index
      %get3A_3115 = arith.constant 16 : index
      %get3A_3116 = tpu.vector_load %arg5[%get3A_3113, %get3A_3114, %get3A_3115] {strides = array<i32>} : memref<8x32x128xf32, #tpu.memory_space<vmem>>, vector<1x1x16xf32>,
      %get3A_3117 = vector.shape_cast %get3A_3116 : vector<1x1x16xf32> to vector<16xf32>
      %add3A_3118 = arith.addf %scan3A_3074, %get3A_3117 : vector<16xf32>
      %get3A_3119 = arith.constant 4 : i32
      %get3A_3120 = arith.index_cast %get3A_3119 : i32 to index
      %get3A_3121 = arith.index_cast %scan3A_3072 : i32 to index
      %get3A_3122 = arith.constant 32 : index
      %get3A_3123 = tpu.vector_load %arg5[%get3A_3120, %get3A_3121, %get3A_3122] {strides = array<i32>} : memref<8x32x128xf32, #tpu.memory_space<vmem>>, vector<1x1x16xf32>,
      %get3A_3124 = vector.shape_cast %get3A_3123 : vector<1x1x16xf32> to vector<16xf32>
      %add3A_3125 = arith.addf %scan3A_3075, %get3A_3124 : vector<16xf32>
      %get3A_3126 = arith.constant 4 : i32
      %get3A_3127 = arith.index_cast %get3A_3126 : i32 to index
      %get3A_3128 = arith.index_cast %scan3A_3072 : i32 to index
      %get3A_3129 = arith.constant 48 : index
      %get3A_3130 = tpu.vector_load %arg5[%get3A_3127, %get3A_3128, %get3A_3129] {strides = array<i32>} : memref<8x32x128xf32, #tpu.memory_space<vmem>>, vector<1x1x16xf32>,
      %get3A_3131 = vector.shape_cast %get3A_3130 : vector<1x1x16xf32> to vector<16xf32>
      %add3A_3132 = arith.addf %scan3A_3076, %get3A_3131 : vector<16xf32>
      %get3A_3133 = arith.constant 4 : i32
      %get3A_3134 = arith.index_cast %get3A_3133 : i32 to index
      %get3A_3135 = arith.index_cast %scan3A_3072 : i32 to index
      %get3A_3136 = arith.constant 64 : index
      %get3A_3137 = tpu.vector_load %arg5[%get3A_3134, %get3A_3135, %get3A_3136] {strides = array<i32>} : memref<8x32x128xf32, #tpu.memory_space<vmem>>, vector<1x1x16xf32>,
      %get3A_3138 = vector.shape_cast %get3A_3137 : vector<1x1x16xf32> to vector<16xf32>
      %add3A_3139 = arith.addf %scan3A_3077, %get3A_3138 : vector<16xf32>
      %get3A_3140 = arith.constant 4 : i32
      %get3A_3141 = arith.index_cast %get3A_3140 : i32 to index
      %get3A_3142 = arith.index_cast %scan3A_3072 : i32 to index
      %get3A_3143 = arith.constant 80 : index
      %get3A_3144 = tpu.vector_load %arg5[%get3A_3141, %get3A_3142, %get3A_3143] {strides = array<i32>} : memref<8x32x128xf32, #tpu.memory_space<vmem>>, vector<1x1x16xf32>,
      %get3A_3145 = vector.shape_cast %get3A_3144 : vector<1x1x16xf32> to vector<16xf32>
      %add3A_3146 = arith.addf %scan3A_3078, %get3A_3145 : vector<16xf32>
      %get3A_3147 = arith.constant 4 : i32
      %get3A_3148 = arith.index_cast %get3A_3147 : i32 to index
      %get3A_3149 = arith.index_cast %scan3A_3072 : i32 to index
      %get3A_3150 = arith.constant 96 : index
      %get3A_3151 = tpu.vector_load %arg5[%get3A_3148, %get3A_3149, %get3A_3150] {strides = array<i32>} : memref<8x32x128xf32, #tpu.memory_space<vmem>>, vector<1x1x16xf32>,
      %get3A_3152 = vector.shape_cast %get3A_3151 : vector<1x1x16xf32> to vector<16xf32>
      %add3A_3153 = arith.addf %scan3A_3079, %get3A_3152 : vector<16xf32>
      %get3A_3154 = arith.constant 4 : i32
      %get3A_3155 = arith.index_cast %get3A_3154 : i32 to index
      %get3A_3156 = arith.index_cast %scan3A_3072 : i32 to index
      %get3A_3157 = arith.constant 112 : index
      %get3A_3158 = tpu.vector_load %arg5[%get3A_3155, %get3A_3156, %get3A_3157] {strides = array<i32>} : memref<8x32x128xf32, #tpu.memory_space<vmem>>, vector<1x1x16xf32>,
      %get3A_3159 = vector.shape_cast %get3A_3158 : vector<1x1x16xf32> to vector<16xf32>
      %add3A_3160 = arith.addf %scan3A_3080, %get3A_3159 : vector<16xf32>
      %get3A_3161 = arith.constant 5 : i32
      %get3A_3162 = arith.index_cast %get3A_3161 : i32 to index
      %get3A_3163 = arith.index_cast %scan3A_3072 : i32 to index
      %get3A_3164 = arith.constant 0 : index
      %get3A_3165 = tpu.vector_load %arg5[%get3A_3162, %get3A_3163, %get3A_3164] {strides = array<i32>} : memref<8x32x128xf32, #tpu.memory_space<vmem>>, vector<1x1x16xf32>,
      %get3A_3166 = vector.shape_cast %get3A_3165 : vector<1x1x16xf32> to vector<16xf32>
      %add3A_3167 = arith.addf %scan3A_3081, %get3A_3166 : vector<16xf32>
      %get3A_3168 = arith.constant 5 : i32
      %get3A_3169 = arith.index_cast %get3A_3168 : i32 to index
      %get3A_3170 = arith.index_cast %scan3A_3072 : i32 to index
      %get3A_3171 = arith.constant 16 : index
      %get3A_3172 = tpu.vector_load %arg5[%get3A_3169, %get3A_3170, %get3A_3171] {strides = array<i32>} : memref<8x32x128xf32, #tpu.memory_space<vmem>>, vector<1x1x16xf32>,
      %get3A_3173 = vector.shape_cast %get3A_3172 : vector<1x1x16xf32> to vector<16xf32>
      %add3A_3174 = arith.addf %scan3A_3082, %get3A_3173 : vector<16xf32>
      %get3A_3175 = arith.constant 5 : i32
      %get3A_3176 = arith.index_cast %get3A_3175 : i32 to index
      %get3A_3177 = arith.index_cast %scan3A_3072 : i32 to index
      %get3A_3178 = arith.constant 32 : index
      %get3A_3179 = tpu.vector_load %arg5[%get3A_3176, %get3A_3177, %get3A_3178] {strides = array<i32>} : memref<8x32x128xf32, #tpu.memory_space<vmem>>, vector<1x1x16xf32>,
      %get3A_3180 = vector.shape_cast %get3A_3179 : vector<1x1x16xf32> to vector<16xf32>
      %add3A_3181 = arith.addf %scan3A_3083, %get3A_3180 : vector<16xf32>
      %get3A_3182 = arith.constant 5 : i32
      %get3A_3183 = arith.index_cast %get3A_3182 : i32 to index
      %get3A_3184 = arith.index_cast %scan3A_3072 : i32 to index
      %get3A_3185 = arith.constant 48 : index
      %get3A_3186 = tpu.vector_load %arg5[%get3A_3183, %get3A_3184, %get3A_3185] {strides = array<i32>} : memref<8x32x128xf32, #tpu.memory_space<vmem>>, vector<1x1x16xf32>,
      %get3A_3187 = vector.shape_cast %get3A_3186 : vector<1x1x16xf32> to vector<16xf32>
      %add3A_3188 = arith.addf %scan3A_3084, %get3A_3187 : vector<16xf32>
      %get3A_3189 = arith.constant 5 : i32
      %get3A_3190 = arith.index_cast %get3A_3189 : i32 to index
      %get3A_3191 = arith.index_cast %scan3A_3072 : i32 to index
      %get3A_3192 = arith.constant 64 : index
      %get3A_3193 = tpu.vector_load %arg5[%get3A_3190, %get3A_3191, %get3A_3192] {strides = array<i32>} : memref<8x32x128xf32, #tpu.memory_space<vmem>>, vector<1x1x16xf32>,
      %get3A_3194 = vector.shape_cast %get3A_3193 : vector<1x1x16xf32> to vector<16xf32>
      %add3A_3195 = arith.addf %scan3A_3085, %get3A_3194 : vector<16xf32>
      %get3A_3196 = arith.constant 5 : i32
      %get3A_3197 = arith.index_cast %get3A_3196 : i32 to index
      %get3A_3198 = arith.index_cast %scan3A_3072 : i32 to index
      %get3A_3199 = arith.constant 80 : index
      %get3A_3200 = tpu.vector_load %arg5[%get3A_3197, %get3A_3198, %get3A_3199] {strides = array<i32>} : memref<8x32x128xf32, #tpu.memory_space<vmem>>, vector<1x1x16xf32>,
      %get3A_3201 = vector.shape_cast %get3A_3200 : vector<1x1x16xf32> to vector<16xf32>
      %add3A_3202 = arith.addf %scan3A_3086, %get3A_3201 : vector<16xf32>
      %get3A_3203 = arith.constant 5 : i32
      %get3A_3204 = arith.index_cast %get3A_3203 : i32 to index
      %get3A_3205 = arith.index_cast %scan3A_3072 : i32 to index
      %get3A_3206 = arith.constant 96 : index
      %get3A_3207 = tpu.vector_load %arg5[%get3A_3204, %get3A_3205, %get3A_3206] {strides = array<i32>} : memref<8x32x128xf32, #tpu.memory_space<vmem>>, vector<1x1x16xf32>,
      %get3A_3208 = vector.shape_cast %get3A_3207 : vector<1x1x16xf32> to vector<16xf32>
      %add3A_3209 = arith.addf %scan3A_3087, %get3A_3208 : vector<16xf32>
      %get3A_3210 = arith.constant 5 : i32
      %get3A_3211 = arith.index_cast %get3A_3210 : i32 to index
      %get3A_3212 = arith.index_cast %scan3A_3072 : i32 to index
      %get3A_3213 = arith.constant 112 : index
      %get3A_3214 = tpu.vector_load %arg5[%get3A_3211, %get3A_3212, %get3A_3213] {strides = array<i32>} : memref<8x32x128xf32, #tpu.memory_space<vmem>>, vector<1x1x16xf32>,
      %get3A_3215 = vector.shape_cast %get3A_3214 : vector<1x1x16xf32> to vector<16xf32>
      %add3A_3216 = arith.addf %scan3A_3088, %get3A_3215 : vector<16xf32>
      %get3A_3217 = arith.constant 6 : i32
      %get3A_3218 = arith.index_cast %get3A_3217 : i32 to index
      %get3A_3219 = arith.index_cast %scan3A_3072 : i32 to index
      %get3A_3220 = arith.constant 0 : index
      %get3A_3221 = tpu.vector_load %arg5[%get3A_3218, %get3A_3219, %get3A_3220] {strides = array<i32>} : memref<8x32x128xf32, #tpu.memory_space<vmem>>, vector<1x1x16xf32>,
      %get3A_3222 = vector.shape_cast %get3A_3221 : vector<1x1x16xf32> to vector<16xf32>
      %add3A_3223 = arith.addf %scan3A_3089, %get3A_3222 : vector<16xf32>
      %get3A_3224 = arith.constant 6 : i32
      %get3A_3225 = arith.index_cast %get3A_3224 : i32 to index
      %get3A_3226 = arith.index_cast %scan3A_3072 : i32 to index
      %get3A_3227 = arith.constant 16 : index
      %get3A_3228 = tpu.vector_load %arg5[%get3A_3225, %get3A_3226, %get3A_3227] {strides = array<i32>} : memref<8x32x128xf32, #tpu.memory_space<vmem>>, vector<1x1x16xf32>,
      %get3A_3229 = vector.shape_cast %get3A_3228 : vector<1x1x16xf32> to vector<16xf32>
      %add3A_3230 = arith.addf %scan3A_3090, %get3A_3229 : vector<16xf32>
      %get3A_3231 = arith.constant 6 : i32
      %get3A_3232 = arith.index_cast %get3A_3231 : i32 to index
      %get3A_3233 = arith.index_cast %scan3A_3072 : i32 to index
      %get3A_3234 = arith.constant 32 : index
      %get3A_3235 = tpu.vector_load %arg5[%get3A_3232, %get3A_3233, %get3A_3234] {strides = array<i32>} : memref<8x32x128xf32, #tpu.memory_space<vmem>>, vector<1x1x16xf32>,
      %get3A_3236 = vector.shape_cast %get3A_3235 : vector<1x1x16xf32> to vector<16xf32>
      %add3A_3237 = arith.addf %scan3A_3091, %get3A_3236 : vector<16xf32>
      %get3A_3238 = arith.constant 6 : i32
      %get3A_3239 = arith.index_cast %get3A_3238 : i32 to index
      %get3A_3240 = arith.index_cast %scan3A_3072 : i32 to index
      %get3A_3241 = arith.constant 48 : index
      %get3A_3242 = tpu.vector_load %arg5[%get3A_3239, %get3A_3240, %get3A_3241] {strides = array<i32>} : memref<8x32x128xf32, #tpu.memory_space<vmem>>, vector<1x1x16xf32>,
      %get3A_3243 = vector.shape_cast %get3A_3242 : vector<1x1x16xf32> to vector<16xf32>
      %add3A_3244 = arith.addf %scan3A_3092, %get3A_3243 : vector<16xf32>
      %get3A_3245 = arith.constant 6 : i32
      %get3A_3246 = arith.index_cast %get3A_3245 : i32 to index
      %get3A_3247 = arith.index_cast %scan3A_3072 : i32 to index
      %get3A_3248 = arith.constant 64 : index
      %get3A_3249 = tpu.vector_load %arg5[%get3A_3246, %get3A_3247, %get3A_3248] {strides = array<i32>} : memref<8x32x128xf32, #tpu.memory_space<vmem>>, vector<1x1x16xf32>,
      %get3A_3250 = vector.shape_cast %get3A_3249 : vector<1x1x16xf32> to vector<16xf32>
      %add3A_3251 = arith.addf %scan3A_3093, %get3A_3250 : vector<16xf32>
      %get3A_3252 = arith.constant 6 : i32
      %get3A_3253 = arith.index_cast %get3A_3252 : i32 to index
      %get3A_3254 = arith.index_cast %scan3A_3072 : i32 to index
      %get3A_3255 = arith.constant 80 : index
      %get3A_3256 = tpu.vector_load %arg5[%get3A_3253, %get3A_3254, %get3A_3255] {strides = array<i32>} : memref<8x32x128xf32, #tpu.memory_space<vmem>>, vector<1x1x16xf32>,
      %get3A_3257 = vector.shape_cast %get3A_3256 : vector<1x1x16xf32> to vector<16xf32>
      %add3A_3258 = arith.addf %scan3A_3094, %get3A_3257 : vector<16xf32>
      %get3A_3259 = arith.constant 6 : i32
      %get3A_3260 = arith.index_cast %get3A_3259 : i32 to index
      %get3A_3261 = arith.index_cast %scan3A_3072 : i32 to index
      %get3A_3262 = arith.constant 96 : index
      %get3A_3263 = tpu.vector_load %arg5[%get3A_3260, %get3A_3261, %get3A_3262] {strides = array<i32>} : memref<8x32x128xf32, #tpu.memory_space<vmem>>, vector<1x1x16xf32>,
      %get3A_3264 = vector.shape_cast %get3A_3263 : vector<1x1x16xf32> to vector<16xf32>
      %add3A_3265 = arith.addf %scan3A_3095, %get3A_3264 : vector<16xf32>
      %get3A_3266 = arith.constant 6 : i32
      %get3A_3267 = arith.index_cast %get3A_3266 : i32 to index
      %get3A_3268 = arith.index_cast %scan3A_3072 : i32 to index
      %get3A_3269 = arith.constant 112 : index
      %get3A_3270 = tpu.vector_load %arg5[%get3A_3267, %get3A_3268, %get3A_3269] {strides = array<i32>} : memref<8x32x128xf32, #tpu.memory_space<vmem>>, vector<1x1x16xf32>,
      %get3A_3271 = vector.shape_cast %get3A_3270 : vector<1x1x16xf32> to vector<16xf32>
      %add3A_3272 = arith.addf %scan3A_3096, %get3A_3271 : vector<16xf32>
      %get3A_3273 = arith.constant 7 : i32
      %get3A_3274 = arith.index_cast %get3A_3273 : i32 to index
      %get3A_3275 = arith.index_cast %scan3A_3072 : i32 to index
      %get3A_3276 = arith.constant 0 : index
      %get3A_3277 = tpu.vector_load %arg5[%get3A_3274, %get3A_3275, %get3A_3276] {strides = array<i32>} : memref<8x32x128xf32, #tpu.memory_space<vmem>>, vector<1x1x16xf32>,
      %get3A_3278 = vector.shape_cast %get3A_3277 : vector<1x1x16xf32> to vector<16xf32>
      %add3A_3279 = arith.addf %scan3A_3097, %get3A_3278 : vector<16xf32>
      %get3A_3280 = arith.constant 7 : i32
      %get3A_3281 = arith.index_cast %get3A_3280 : i32 to index
      %get3A_3282 = arith.index_cast %scan3A_3072 : i32 to index
      %get3A_3283 = arith.constant 16 : index
      %get3A_3284 = tpu.vector_load %arg5[%get3A_3281, %get3A_3282, %get3A_3283] {strides = array<i32>} : memref<8x32x128xf32, #tpu.memory_space<vmem>>, vector<1x1x16xf32>,
      %get3A_3285 = vector.shape_cast %get3A_3284 : vector<1x1x16xf32> to vector<16xf32>
      %add3A_3286 = arith.addf %scan3A_3098, %get3A_3285 : vector<16xf32>
      %get3A_3287 = arith.constant 7 : i32
      %get3A_3288 = arith.index_cast %get3A_3287 : i32 to index
      %get3A_3289 = arith.index_cast %scan3A_3072 : i32 to index
      %get3A_3290 = arith.constant 32 : index
      %get3A_3291 = tpu.vector_load %arg5[%get3A_3288, %get3A_3289, %get3A_3290] {strides = array<i32>} : memref<8x32x128xf32, #tpu.memory_space<vmem>>, vector<1x1x16xf32>,
      %get3A_3292 = vector.shape_cast %get3A_3291 : vector<1x1x16xf32> to vector<16xf32>
      %add3A_3293 = arith.addf %scan3A_3099, %get3A_3292 : vector<16xf32>
      %get3A_3294 = arith.constant 7 : i32
      %get3A_3295 = arith.index_cast %get3A_3294 : i32 to index
      %get3A_3296 = arith.index_cast %scan3A_3072 : i32 to index
      %get3A_3297 = arith.constant 48 : index
      %get3A_3298 = tpu.vector_load %arg5[%get3A_3295, %get3A_3296, %get3A_3297] {strides = array<i32>} : memref<8x32x128xf32, #tpu.memory_space<vmem>>, vector<1x1x16xf32>,
      %get3A_3299 = vector.shape_cast %get3A_3298 : vector<1x1x16xf32> to vector<16xf32>
      %add3A_3300 = arith.addf %scan3A_3100, %get3A_3299 : vector<16xf32>
      %get3A_3301 = arith.constant 7 : i32
      %get3A_3302 = arith.index_cast %get3A_3301 : i32 to index
      %get3A_3303 = arith.index_cast %scan3A_3072 : i32 to index
      %get3A_3304 = arith.constant 64 : index
      %get3A_3305 = tpu.vector_load %arg5[%get3A_3302, %get3A_3303, %get3A_3304] {strides = array<i32>} : memref<8x32x128xf32, #tpu.memory_space<vmem>>, vector<1x1x16xf32>,
      %get3A_3306 = vector.shape_cast %get3A_3305 : vector<1x1x16xf32> to vector<16xf32>
      %add3A_3307 = arith.addf %scan3A_3101, %get3A_3306 : vector<16xf32>
      %get3A_3308 = arith.constant 7 : i32
      %get3A_3309 = arith.index_cast %get3A_3308 : i32 to index
      %get3A_3310 = arith.index_cast %scan3A_3072 : i32 to index
      %get3A_3311 = arith.constant 80 : index
      %get3A_3312 = tpu.vector_load %arg5[%get3A_3309, %get3A_3310, %get3A_3311] {strides = array<i32>} : memref<8x32x128xf32, #tpu.memory_space<vmem>>, vector<1x1x16xf32>,
      %get3A_3313 = vector.shape_cast %get3A_3312 : vector<1x1x16xf32> to vector<16xf32>
      %add3A_3314 = arith.addf %scan3A_3102, %get3A_3313 : vector<16xf32>
      %get3A_3315 = arith.constant 7 : i32
      %get3A_3316 = arith.index_cast %get3A_3315 : i32 to index
      %get3A_3317 = arith.index_cast %scan3A_3072 : i32 to index
      %get3A_3318 = arith.constant 96 : index
      %get3A_3319 = tpu.vector_load %arg5[%get3A_3316, %get3A_3317, %get3A_3318] {strides = array<i32>} : memref<8x32x128xf32, #tpu.memory_space<vmem>>, vector<1x1x16xf32>,
      %get3A_3320 = vector.shape_cast %get3A_3319 : vector<1x1x16xf32> to vector<16xf32>
      %add3A_3321 = arith.addf %scan3A_3103, %get3A_3320 : vector<16xf32>
      %get3A_3322 = arith.constant 7 : i32
      %get3A_3323 = arith.index_cast %get3A_3322 : i32 to index
      %get3A_3324 = arith.index_cast %scan3A_3072 : i32 to index
      %get3A_3325 = arith.constant 112 : index
      %get3A_3326 = tpu.vector_load %arg5[%get3A_3323, %get3A_3324, %get3A_3325] {strides = array<i32>} : memref<8x32x128xf32, #tpu.memory_space<vmem>>, vector<1x1x16xf32>,
      %get3A_3327 = vector.shape_cast %get3A_3326 : vector<1x1x16xf32> to vector<16xf32>
      %add3A_3328 = arith.addf %scan3A_3104, %get3A_3327 : vector<16xf32>
      %scan3A_3329 = arith.constant 1 : i32
      %scan3A_3330 = arith.addi %scan3A_3072, %scan3A_3329 : i32
      %get3A_3331 = arith.constant 4 : i32
      %get3A_3332 = arith.index_cast %get3A_3331 : i32 to index
      %get3A_3333 = arith.index_cast %scan3A_3330 : i32 to index
      %get3A_3334 = arith.constant 0 : index
      %get3A_3335 = tpu.vector_load %arg5[%get3A_3332, %get3A_3333, %get3A_3334] {strides = array<i32>} : memref<8x32x128xf32, #tpu.memory_space<vmem>>, vector<1x1x16xf32>,
      %get3A_3336 = vector.shape_cast %get3A_3335 : vector<1x1x16xf32> to vector<16xf32>
      %add3A_3337 = arith.addf %add3A_3111, %get3A_3336 : vector<16xf32>
      %get3A_3338 = arith.constant 4 : i32
      %get3A_3339 = arith.index_cast %get3A_3338 : i32 to index
      %get3A_3340 = arith.index_cast %scan3A_3330 : i32 to index
      %get3A_3341 = arith.constant 16 : index
      %get3A_3342 = tpu.vector_load %arg5[%get3A_3339, %get3A_3340, %get3A_3341] {strides = array<i32>} : memref<8x32x128xf32, #tpu.memory_space<vmem>>, vector<1x1x16xf32>,
      %get3A_3343 = vector.shape_cast %get3A_3342 : vector<1x1x16xf32> to vector<16xf32>
      %add3A_3344 = arith.addf %add3A_3118, %get3A_3343 : vector<16xf32>
      %get3A_3345 = arith.constant 4 : i32
      %get3A_3346 = arith.index_cast %get3A_3345 : i32 to index
      %get3A_3347 = arith.index_cast %scan3A_3330 : i32 to index
      %get3A_3348 = arith.constant 32 : index
      %get3A_3349 = tpu.vector_load %arg5[%get3A_3346, %get3A_3347, %get3A_3348] {strides = array<i32>} : memref<8x32x128xf32, #tpu.memory_space<vmem>>, vector<1x1x16xf32>,
      %get3A_3350 = vector.shape_cast %get3A_3349 : vector<1x1x16xf32> to vector<16xf32>
      %add3A_3351 = arith.addf %add3A_3125, %get3A_3350 : vector<16xf32>
      %get3A_3352 = arith.constant 4 : i32
      %get3A_3353 = arith.index_cast %get3A_3352 : i32 to index
      %get3A_3354 = arith.index_cast %scan3A_3330 : i32 to index
      %get3A_3355 = arith.constant 48 : index
      %get3A_3356 = tpu.vector_load %arg5[%get3A_3353, %get3A_3354, %get3A_3355] {strides = array<i32>} : memref<8x32x128xf32, #tpu.memory_space<vmem>>, vector<1x1x16xf32>,
      %get3A_3357 = vector.shape_cast %get3A_3356 : vector<1x1x16xf32> to vector<16xf32>
      %add3A_3358 = arith.addf %add3A_3132, %get3A_3357 : vector<16xf32>
      %get3A_3359 = arith.constant 4 : i32
      %get3A_3360 = arith.index_cast %get3A_3359 : i32 to index
      %get3A_3361 = arith.index_cast %scan3A_3330 : i32 to index
      %get3A_3362 = arith.constant 64 : index
      %get3A_3363 = tpu.vector_load %arg5[%get3A_3360, %get3A_3361, %get3A_3362] {strides = array<i32>} : memref<8x32x128xf32, #tpu.memory_space<vmem>>, vector<1x1x16xf32>,
      %get3A_3364 = vector.shape_cast %get3A_3363 : vector<1x1x16xf32> to vector<16xf32>
      %add3A_3365 = arith.addf %add3A_3139, %get3A_3364 : vector<16xf32>
      %get3A_3366 = arith.constant 4 : i32
      %get3A_3367 = arith.index_cast %get3A_3366 : i32 to index
      %get3A_3368 = arith.index_cast %scan3A_3330 : i32 to index
      %get3A_3369 = arith.constant 80 : index
      %get3A_3370 = tpu.vector_load %arg5[%get3A_3367, %get3A_3368, %get3A_3369] {strides = array<i32>} : memref<8x32x128xf32, #tpu.memory_space<vmem>>, vector<1x1x16xf32>,
      %get3A_3371 = vector.shape_cast %get3A_3370 : vector<1x1x16xf32> to vector<16xf32>
      %add3A_3372 = arith.addf %add3A_3146, %get3A_3371 : vector<16xf32>
      %get3A_3373 = arith.constant 4 : i32
      %get3A_3374 = arith.index_cast %get3A_3373 : i32 to index
      %get3A_3375 = arith.index_cast %scan3A_3330 : i32 to index
      %get3A_3376 = arith.constant 96 : index
      %get3A_3377 = tpu.vector_load %arg5[%get3A_3374, %get3A_3375, %get3A_3376] {strides = array<i32>} : memref<8x32x128xf32, #tpu.memory_space<vmem>>, vector<1x1x16xf32>,
      %get3A_3378 = vector.shape_cast %get3A_3377 : vector<1x1x16xf32> to vector<16xf32>
      %add3A_3379 = arith.addf %add3A_3153, %get3A_3378 : vector<16xf32>
      %get3A_3380 = arith.constant 4 : i32
      %get3A_3381 = arith.index_cast %get3A_3380 : i32 to index
      %get3A_3382 = arith.index_cast %scan3A_3330 : i32 to index
      %get3A_3383 = arith.constant 112 : index
      %get3A_3384 = tpu.vector_load %arg5[%get3A_3381, %get3A_3382, %get3A_3383] {strides = array<i32>} : memref<8x32x128xf32, #tpu.memory_space<vmem>>, vector<1x1x16xf32>,
      %get3A_3385 = vector.shape_cast %get3A_3384 : vector<1x1x16xf32> to vector<16xf32>
      %add3A_3386 = arith.addf %add3A_3160, %get3A_3385 : vector<16xf32>
      %get3A_3387 = arith.constant 5 : i32
      %get3A_3388 = arith.index_cast %get3A_3387 : i32 to index
      %get3A_3389 = arith.index_cast %scan3A_3330 : i32 to index
      %get3A_3390 = arith.constant 0 : index
      %get3A_3391 = tpu.vector_load %arg5[%get3A_3388, %get3A_3389, %get3A_3390] {strides = array<i32>} : memref<8x32x128xf32, #tpu.memory_space<vmem>>, vector<1x1x16xf32>,
      %get3A_3392 = vector.shape_cast %get3A_3391 : vector<1x1x16xf32> to vector<16xf32>
      %add3A_3393 = arith.addf %add3A_3167, %get3A_3392 : vector<16xf32>
      %get3A_3394 = arith.constant 5 : i32
      %get3A_3395 = arith.index_cast %get3A_3394 : i32 to index
      %get3A_3396 = arith.index_cast %scan3A_3330 : i32 to index
      %get3A_3397 = arith.constant 16 : index
      %get3A_3398 = tpu.vector_load %arg5[%get3A_3395, %get3A_3396, %get3A_3397] {strides = array<i32>} : memref<8x32x128xf32, #tpu.memory_space<vmem>>, vector<1x1x16xf32>,
      %get3A_3399 = vector.shape_cast %get3A_3398 : vector<1x1x16xf32> to vector<16xf32>
      %add3A_3400 = arith.addf %add3A_3174, %get3A_3399 : vector<16xf32>
      %get3A_3401 = arith.constant 5 : i32
      %get3A_3402 = arith.index_cast %get3A_3401 : i32 to index
      %get3A_3403 = arith.index_cast %scan3A_3330 : i32 to index
      %get3A_3404 = arith.constant 32 : index
      %get3A_3405 = tpu.vector_load %arg5[%get3A_3402, %get3A_3403, %get3A_3404] {strides = array<i32>} : memref<8x32x128xf32, #tpu.memory_space<vmem>>, vector<1x1x16xf32>,
      %get3A_3406 = vector.shape_cast %get3A_3405 : vector<1x1x16xf32> to vector<16xf32>
      %add3A_3407 = arith.addf %add3A_3181, %get3A_3406 : vector<16xf32>
      %get3A_3408 = arith.constant 5 : i32
      %get3A_3409 = arith.index_cast %get3A_3408 : i32 to index
      %get3A_3410 = arith.index_cast %scan3A_3330 : i32 to index
      %get3A_3411 = arith.constant 48 : index
      %get3A_3412 = tpu.vector_load %arg5[%get3A_3409, %get3A_3410, %get3A_3411] {strides = array<i32>} : memref<8x32x128xf32, #tpu.memory_space<vmem>>, vector<1x1x16xf32>,
      %get3A_3413 = vector.shape_cast %get3A_3412 : vector<1x1x16xf32> to vector<16xf32>
      %add3A_3414 = arith.addf %add3A_3188, %get3A_3413 : vector<16xf32>
      %get3A_3415 = arith.constant 5 : i32
      %get3A_3416 = arith.index_cast %get3A_3415 : i32 to index
      %get3A_3417 = arith.index_cast %scan3A_3330 : i32 to index
      %get3A_3418 = arith.constant 64 : index
      %get3A_3419 = tpu.vector_load %arg5[%get3A_3416, %get3A_3417, %get3A_3418] {strides = array<i32>} : memref<8x32x128xf32, #tpu.memory_space<vmem>>, vector<1x1x16xf32>,
      %get3A_3420 = vector.shape_cast %get3A_3419 : vector<1x1x16xf32> to vector<16xf32>
      %add3A_3421 = arith.addf %add3A_3195, %get3A_3420 : vector<16xf32>
      %get3A_3422 = arith.constant 5 : i32
      %get3A_3423 = arith.index_cast %get3A_3422 : i32 to index
      %get3A_3424 = arith.index_cast %scan3A_3330 : i32 to index
      %get3A_3425 = arith.constant 80 : index
      %get3A_3426 = tpu.vector_load %arg5[%get3A_3423, %get3A_3424, %get3A_3425] {strides = array<i32>} : memref<8x32x128xf32, #tpu.memory_space<vmem>>, vector<1x1x16xf32>,
      %get3A_3427 = vector.shape_cast %get3A_3426 : vector<1x1x16xf32> to vector<16xf32>
      %add3A_3428 = arith.addf %add3A_3202, %get3A_3427 : vector<16xf32>
      %get3A_3429 = arith.constant 5 : i32
      %get3A_3430 = arith.index_cast %get3A_3429 : i32 to index
      %get3A_3431 = arith.index_cast %scan3A_3330 : i32 to index
      %get3A_3432 = arith.constant 96 : index
      %get3A_3433 = tpu.vector_load %arg5[%get3A_3430, %get3A_3431, %get3A_3432] {strides = array<i32>} : memref<8x32x128xf32, #tpu.memory_space<vmem>>, vector<1x1x16xf32>,
      %get3A_3434 = vector.shape_cast %get3A_3433 : vector<1x1x16xf32> to vector<16xf32>
      %add3A_3435 = arith.addf %add3A_3209, %get3A_3434 : vector<16xf32>
      %get3A_3436 = arith.constant 5 : i32
      %get3A_3437 = arith.index_cast %get3A_3436 : i32 to index
      %get3A_3438 = arith.index_cast %scan3A_3330 : i32 to index
      %get3A_3439 = arith.constant 112 : index
      %get3A_3440 = tpu.vector_load %arg5[%get3A_3437, %get3A_3438, %get3A_3439] {strides = array<i32>} : memref<8x32x128xf32, #tpu.memory_space<vmem>>, vector<1x1x16xf32>,
      %get3A_3441 = vector.shape_cast %get3A_3440 : vector<1x1x16xf32> to vector<16xf32>
      %add3A_3442 = arith.addf %add3A_3216, %get3A_3441 : vector<16xf32>
      %get3A_3443 = arith.constant 6 : i32
      %get3A_3444 = arith.index_cast %get3A_3443 : i32 to index
      %get3A_3445 = arith.index_cast %scan3A_3330 : i32 to index
      %get3A_3446 = arith.constant 0 : index
      %get3A_3447 = tpu.vector_load %arg5[%get3A_3444, %get3A_3445, %get3A_3446] {strides = array<i32>} : memref<8x32x128xf32, #tpu.memory_space<vmem>>, vector<1x1x16xf32>,
      %get3A_3448 = vector.shape_cast %get3A_3447 : vector<1x1x16xf32> to vector<16xf32>
      %add3A_3449 = arith.addf %add3A_3223, %get3A_3448 : vector<16xf32>
      %get3A_3450 = arith.constant 6 : i32
      %get3A_3451 = arith.index_cast %get3A_3450 : i32 to index
      %get3A_3452 = arith.index_cast %scan3A_3330 : i32 to index
      %get3A_3453 = arith.constant 16 : index
      %get3A_3454 = tpu.vector_load %arg5[%get3A_3451, %get3A_3452, %get3A_3453] {strides = array<i32>} : memref<8x32x128xf32, #tpu.memory_space<vmem>>, vector<1x1x16xf32>,
      %get3A_3455 = vector.shape_cast %get3A_3454 : vector<1x1x16xf32> to vector<16xf32>
      %add3A_3456 = arith.addf %add3A_3230, %get3A_3455 : vector<16xf32>
      %get3A_3457 = arith.constant 6 : i32
      %get3A_3458 = arith.index_cast %get3A_3457 : i32 to index
      %get3A_3459 = arith.index_cast %scan3A_3330 : i32 to index
      %get3A_3460 = arith.constant 32 : index
      %get3A_3461 = tpu.vector_load %arg5[%get3A_3458, %get3A_3459, %get3A_3460] {strides = array<i32>} : memref<8x32x128xf32, #tpu.memory_space<vmem>>, vector<1x1x16xf32>,
      %get3A_3462 = vector.shape_cast %get3A_3461 : vector<1x1x16xf32> to vector<16xf32>
      %add3A_3463 = arith.addf %add3A_3237, %get3A_3462 : vector<16xf32>
      %get3A_3464 = arith.constant 6 : i32
      %get3A_3465 = arith.index_cast %get3A_3464 : i32 to index
      %get3A_3466 = arith.index_cast %scan3A_3330 : i32 to index
      %get3A_3467 = arith.constant 48 : index
      %get3A_3468 = tpu.vector_load %arg5[%get3A_3465, %get3A_3466, %get3A_3467] {strides = array<i32>} : memref<8x32x128xf32, #tpu.memory_space<vmem>>, vector<1x1x16xf32>,
      %get3A_3469 = vector.shape_cast %get3A_3468 : vector<1x1x16xf32> to vector<16xf32>
      %add3A_3470 = arith.addf %add3A_3244, %get3A_3469 : vector<16xf32>
      %get3A_3471 = arith.constant 6 : i32
      %get3A_3472 = arith.index_cast %get3A_3471 : i32 to index
      %get3A_3473 = arith.index_cast %scan3A_3330 : i32 to index
      %get3A_3474 = arith.constant 64 : index
      %get3A_3475 = tpu.vector_load %arg5[%get3A_3472, %get3A_3473, %get3A_3474] {strides = array<i32>} : memref<8x32x128xf32, #tpu.memory_space<vmem>>, vector<1x1x16xf32>,
      %get3A_3476 = vector.shape_cast %get3A_3475 : vector<1x1x16xf32> to vector<16xf32>
      %add3A_3477 = arith.addf %add3A_3251, %get3A_3476 : vector<16xf32>
      %get3A_3478 = arith.constant 6 : i32
      %get3A_3479 = arith.index_cast %get3A_3478 : i32 to index
      %get3A_3480 = arith.index_cast %scan3A_3330 : i32 to index
      %get3A_3481 = arith.constant 80 : index
      %get3A_3482 = tpu.vector_load %arg5[%get3A_3479, %get3A_3480, %get3A_3481] {strides = array<i32>} : memref<8x32x128xf32, #tpu.memory_space<vmem>>, vector<1x1x16xf32>,
      %get3A_3483 = vector.shape_cast %get3A_3482 : vector<1x1x16xf32> to vector<16xf32>
      %add3A_3484 = arith.addf %add3A_3258, %get3A_3483 : vector<16xf32>
      %get3A_3485 = arith.constant 6 : i32
      %get3A_3486 = arith.index_cast %get3A_3485 : i32 to index
      %get3A_3487 = arith.index_cast %scan3A_3330 : i32 to index
      %get3A_3488 = arith.constant 96 : index
      %get3A_3489 = tpu.vector_load %arg5[%get3A_3486, %get3A_3487, %get3A_3488] {strides = array<i32>} : memref<8x32x128xf32, #tpu.memory_space<vmem>>, vector<1x1x16xf32>,
      %get3A_3490 = vector.shape_cast %get3A_3489 : vector<1x1x16xf32> to vector<16xf32>
      %add3A_3491 = arith.addf %add3A_3265, %get3A_3490 : vector<16xf32>
      %get3A_3492 = arith.constant 6 : i32
      %get3A_3493 = arith.index_cast %get3A_3492 : i32 to index
      %get3A_3494 = arith.index_cast %scan3A_3330 : i32 to index
      %get3A_3495 = arith.constant 112 : index
      %get3A_3496 = tpu.vector_load %arg5[%get3A_3493, %get3A_3494, %get3A_3495] {strides = array<i32>} : memref<8x32x128xf32, #tpu.memory_space<vmem>>, vector<1x1x16xf32>,
      %get3A_3497 = vector.shape_cast %get3A_3496 : vector<1x1x16xf32> to vector<16xf32>
      %add3A_3498 = arith.addf %add3A_3272, %get3A_3497 : vector<16xf32>
      %get3A_3499 = arith.constant 7 : i32
      %get3A_3500 = arith.index_cast %get3A_3499 : i32 to index
      %get3A_3501 = arith.index_cast %scan3A_3330 : i32 to index
      %get3A_3502 = arith.constant 0 : index
      %get3A_3503 = tpu.vector_load %arg5[%get3A_3500, %get3A_3501, %get3A_3502] {strides = array<i32>} : memref<8x32x128xf32, #tpu.memory_space<vmem>>, vector<1x1x16xf32>,
      %get3A_3504 = vector.shape_cast %get3A_3503 : vector<1x1x16xf32> to vector<16xf32>
      %add3A_3505 = arith.addf %add3A_3279, %get3A_3504 : vector<16xf32>
      %get3A_3506 = arith.constant 7 : i32
      %get3A_3507 = arith.index_cast %get3A_3506 : i32 to index
      %get3A_3508 = arith.index_cast %scan3A_3330 : i32 to index
      %get3A_3509 = arith.constant 16 : index
      %get3A_3510 = tpu.vector_load %arg5[%get3A_3507, %get3A_3508, %get3A_3509] {strides = array<i32>} : memref<8x32x128xf32, #tpu.memory_space<vmem>>, vector<1x1x16xf32>,
      %get3A_3511 = vector.shape_cast %get3A_3510 : vector<1x1x16xf32> to vector<16xf32>
      %add3A_3512 = arith.addf %add3A_3286, %get3A_3511 : vector<16xf32>
      %get3A_3513 = arith.constant 7 : i32
      %get3A_3514 = arith.index_cast %get3A_3513 : i32 to index
      %get3A_3515 = arith.index_cast %scan3A_3330 : i32 to index
      %get3A_3516 = arith.constant 32 : index
      %get3A_3517 = tpu.vector_load %arg5[%get3A_3514, %get3A_3515, %get3A_3516] {strides = array<i32>} : memref<8x32x128xf32, #tpu.memory_space<vmem>>, vector<1x1x16xf32>,
      %get3A_3518 = vector.shape_cast %get3A_3517 : vector<1x1x16xf32> to vector<16xf32>
      %add3A_3519 = arith.addf %add3A_3293, %get3A_3518 : vector<16xf32>
      %get3A_3520 = arith.constant 7 : i32
      %get3A_3521 = arith.index_cast %get3A_3520 : i32 to index
      %get3A_3522 = arith.index_cast %scan3A_3330 : i32 to index
      %get3A_3523 = arith.constant 48 : index
      %get3A_3524 = tpu.vector_load %arg5[%get3A_3521, %get3A_3522, %get3A_3523] {strides = array<i32>} : memref<8x32x128xf32, #tpu.memory_space<vmem>>, vector<1x1x16xf32>,
      %get3A_3525 = vector.shape_cast %get3A_3524 : vector<1x1x16xf32> to vector<16xf32>
      %add3A_3526 = arith.addf %add3A_3300, %get3A_3525 : vector<16xf32>
      %get3A_3527 = arith.constant 7 : i32
      %get3A_3528 = arith.index_cast %get3A_3527 : i32 to index
      %get3A_3529 = arith.index_cast %scan3A_3330 : i32 to index
      %get3A_3530 = arith.constant 64 : index
      %get3A_3531 = tpu.vector_load %arg5[%get3A_3528, %get3A_3529, %get3A_3530] {strides = array<i32>} : memref<8x32x128xf32, #tpu.memory_space<vmem>>, vector<1x1x16xf32>,
      %get3A_3532 = vector.shape_cast %get3A_3531 : vector<1x1x16xf32> to vector<16xf32>
      %add3A_3533 = arith.addf %add3A_3307, %get3A_3532 : vector<16xf32>
      %get3A_3534 = arith.constant 7 : i32
      %get3A_3535 = arith.index_cast %get3A_3534 : i32 to index
      %get3A_3536 = arith.index_cast %scan3A_3330 : i32 to index
      %get3A_3537 = arith.constant 80 : index
      %get3A_3538 = tpu.vector_load %arg5[%get3A_3535, %get3A_3536, %get3A_3537] {strides = array<i32>} : memref<8x32x128xf32, #tpu.memory_space<vmem>>, vector<1x1x16xf32>,
      %get3A_3539 = vector.shape_cast %get3A_3538 : vector<1x1x16xf32> to vector<16xf32>
      %add3A_3540 = arith.addf %add3A_3314, %get3A_3539 : vector<16xf32>
      %get3A_3541 = arith.constant 7 : i32
      %get3A_3542 = arith.index_cast %get3A_3541 : i32 to index
      %get3A_3543 = arith.index_cast %scan3A_3330 : i32 to index
      %get3A_3544 = arith.constant 96 : index
      %get3A_3545 = tpu.vector_load %arg5[%get3A_3542, %get3A_3543, %get3A_3544] {strides = array<i32>} : memref<8x32x128xf32, #tpu.memory_space<vmem>>, vector<1x1x16xf32>,
      %get3A_3546 = vector.shape_cast %get3A_3545 : vector<1x1x16xf32> to vector<16xf32>
      %add3A_3547 = arith.addf %add3A_3321, %get3A_3546 : vector<16xf32>
      %get3A_3548 = arith.constant 7 : i32
      %get3A_3549 = arith.index_cast %get3A_3548 : i32 to index
      %get3A_3550 = arith.index_cast %scan3A_3330 : i32 to index
      %get3A_3551 = arith.constant 112 : index
      %get3A_3552 = tpu.vector_load %arg5[%get3A_3549, %get3A_3550, %get3A_3551] {strides = array<i32>} : memref<8x32x128xf32, #tpu.memory_space<vmem>>, vector<1x1x16xf32>,
      %get3A_3553 = vector.shape_cast %get3A_3552 : vector<1x1x16xf32> to vector<16xf32>
      %add3A_3554 = arith.addf %add3A_3328, %get3A_3553 : vector<16xf32>
      scf.yield %add3A_3337, %add3A_3344, %add3A_3351, %add3A_3358, %add3A_3365, %add3A_3372, %add3A_3379, %add3A_3386, %add3A_3393, %add3A_3400, %add3A_3407, %add3A_3414, %add3A_3421, %add3A_3428, %add3A_3435, %add3A_3442, %add3A_3449, %add3A_3456, %add3A_3463, %add3A_3470, %add3A_3477, %add3A_3484, %add3A_3491, %add3A_3498, %add3A_3505, %add3A_3512, %add3A_3519, %add3A_3526, %add3A_3533, %add3A_3540, %add3A_3547, %add3A_3554 : vector<16xf32>, vector<16xf32>, vector<16xf32>, vector<16xf32>, vector<16xf32>, vector<16xf32>, vector<16xf32>, vector<16xf32>, vector<16xf32>, vector<16xf32>, vector<16xf32>, vector<16xf32>, vector<16xf32>, vector<16xf32>, vector<16xf32>, vector<16xf32>, vector<16xf32>, vector<16xf32>, vector<16xf32>, vector<16xf32>, vector<16xf32>, vector<16xf32>, vector<16xf32>, vector<16xf32>, vector<16xf32>, vector<16xf32>, vector<16xf32>, vector<16xf32>, vector<16xf32>, vector<16xf32>, vector<16xf32>, vector<16xf32>
    }
    %scan3A_2528 = arith.constant 30 : i32
    %scan3A_2529 = arith.addi %scan3A_2523, %scan3A_2528 : i32
    %get3A_2530 = arith.constant 4 : i32
    %get3A_2531 = arith.index_cast %get3A_2530 : i32 to index
    %get3A_2532 = arith.index_cast %scan3A_2529 : i32 to index
    %get3A_2533 = arith.constant 0 : index
    %get3A_2534 = tpu.vector_load %arg5[%get3A_2531, %get3A_2532, %get3A_2533] {strides = array<i32>} : memref<8x32x128xf32, #tpu.memory_space<vmem>>, vector<1x1x16xf32>,
    %get3A_2535 = vector.shape_cast %get3A_2534 : vector<1x1x16xf32> to vector<16xf32>
    %add3A_2536 = arith.addf %scan3A_2527#0, %get3A_2535 : vector<16xf32>
    %get3A_2537 = arith.constant 4 : i32
    %get3A_2538 = arith.index_cast %get3A_2537 : i32 to index
    %get3A_2539 = arith.index_cast %scan3A_2529 : i32 to index
    %get3A_2540 = arith.constant 16 : index
    %get3A_2541 = tpu.vector_load %arg5[%get3A_2538, %get3A_2539, %get3A_2540] {strides = array<i32>} : memref<8x32x128xf32, #tpu.memory_space<vmem>>, vector<1x1x16xf32>,
    %get3A_2542 = vector.shape_cast %get3A_2541 : vector<1x1x16xf32> to vector<16xf32>
    %add3A_2543 = arith.addf %scan3A_2527#1, %get3A_2542 : vector<16xf32>
    %get3A_2544 = arith.constant 4 : i32
    %get3A_2545 = arith.index_cast %get3A_2544 : i32 to index
    %get3A_2546 = arith.index_cast %scan3A_2529 : i32 to index
    %get3A_2547 = arith.constant 32 : index
    %get3A_2548 = tpu.vector_load %arg5[%get3A_2545, %get3A_2546, %get3A_2547] {strides = array<i32>} : memref<8x32x128xf32, #tpu.memory_space<vmem>>, vector<1x1x16xf32>,
    %get3A_2549 = vector.shape_cast %get3A_2548 : vector<1x1x16xf32> to vector<16xf32>
    %add3A_2550 = arith.addf %scan3A_2527#2, %get3A_2549 : vector<16xf32>
    %get3A_2551 = arith.constant 4 : i32
    %get3A_2552 = arith.index_cast %get3A_2551 : i32 to index
    %get3A_2553 = arith.index_cast %scan3A_2529 : i32 to index
    %get3A_2554 = arith.constant 48 : index
    %get3A_2555 = tpu.vector_load %arg5[%get3A_2552, %get3A_2553, %get3A_2554] {strides = array<i32>} : memref<8x32x128xf32, #tpu.memory_space<vmem>>, vector<1x1x16xf32>,
    %get3A_2556 = vector.shape_cast %get3A_2555 : vector<1x1x16xf32> to vector<16xf32>
    %add3A_2557 = arith.addf %scan3A_2527#3, %get3A_2556 : vector<16xf32>
    %get3A_2558 = arith.constant 4 : i32
    %get3A_2559 = arith.index_cast %get3A_2558 : i32 to index
    %get3A_2560 = arith.index_cast %scan3A_2529 : i32 to index
    %get3A_2561 = arith.constant 64 : index
    %get3A_2562 = tpu.vector_load %arg5[%get3A_2559, %get3A_2560, %get3A_2561] {strides = array<i32>} : memref<8x32x128xf32, #tpu.memory_space<vmem>>, vector<1x1x16xf32>,
    %get3A_2563 = vector.shape_cast %get3A_2562 : vector<1x1x16xf32> to vector<16xf32>
    %add3A_2564 = arith.addf %scan3A_2527#4, %get3A_2563 : vector<16xf32>
    %get3A_2565 = arith.constant 4 : i32
    %get3A_2566 = arith.index_cast %get3A_2565 : i32 to index
    %get3A_2567 = arith.index_cast %scan3A_2529 : i32 to index
    %get3A_2568 = arith.constant 80 : index
    %get3A_2569 = tpu.vector_load %arg5[%get3A_2566, %get3A_2567, %get3A_2568] {strides = array<i32>} : memref<8x32x128xf32, #tpu.memory_space<vmem>>, vector<1x1x16xf32>,
    %get3A_2570 = vector.shape_cast %get3A_2569 : vector<1x1x16xf32> to vector<16xf32>
    %add3A_2571 = arith.addf %scan3A_2527#5, %get3A_2570 : vector<16xf32>
    %get3A_2572 = arith.constant 4 : i32
    %get3A_2573 = arith.index_cast %get3A_2572 : i32 to index
    %get3A_2574 = arith.index_cast %scan3A_2529 : i32 to index
    %get3A_2575 = arith.constant 96 : index
    %get3A_2576 = tpu.vector_load %arg5[%get3A_2573, %get3A_2574, %get3A_2575] {strides = array<i32>} : memref<8x32x128xf32, #tpu.memory_space<vmem>>, vector<1x1x16xf32>,
    %get3A_2577 = vector.shape_cast %get3A_2576 : vector<1x1x16xf32> to vector<16xf32>
    %add3A_2578 = arith.addf %scan3A_2527#6, %get3A_2577 : vector<16xf32>
    %get3A_2579 = arith.constant 4 : i32
    %get3A_2580 = arith.index_cast %get3A_2579 : i32 to index
    %get3A_2581 = arith.index_cast %scan3A_2529 : i32 to index
    %get3A_2582 = arith.constant 112 : index
    %get3A_2583 = tpu.vector_load %arg5[%get3A_2580, %get3A_2581, %get3A_2582] {strides = array<i32>} : memref<8x32x128xf32, #tpu.memory_space<vmem>>, vector<1x1x16xf32>,
    %get3A_2584 = vector.shape_cast %get3A_2583 : vector<1x1x16xf32> to vector<16xf32>
    %add3A_2585 = arith.addf %scan3A_2527#7, %get3A_2584 : vector<16xf32>
    %get3A_2586 = arith.constant 5 : i32
    %get3A_2587 = arith.index_cast %get3A_2586 : i32 to index
    %get3A_2588 = arith.index_cast %scan3A_2529 : i32 to index
    %get3A_2589 = arith.constant 0 : index
    %get3A_2590 = tpu.vector_load %arg5[%get3A_2587, %get3A_2588, %get3A_2589] {strides = array<i32>} : memref<8x32x128xf32, #tpu.memory_space<vmem>>, vector<1x1x16xf32>,
    %get3A_2591 = vector.shape_cast %get3A_2590 : vector<1x1x16xf32> to vector<16xf32>
    %add3A_2592 = arith.addf %scan3A_2527#8, %get3A_2591 : vector<16xf32>
    %get3A_2593 = arith.constant 5 : i32
    %get3A_2594 = arith.index_cast %get3A_2593 : i32 to index
    %get3A_2595 = arith.index_cast %scan3A_2529 : i32 to index
    %get3A_2596 = arith.constant 16 : index
    %get3A_2597 = tpu.vector_load %arg5[%get3A_2594, %get3A_2595, %get3A_2596] {strides = array<i32>} : memref<8x32x128xf32, #tpu.memory_space<vmem>>, vector<1x1x16xf32>,
    %get3A_2598 = vector.shape_cast %get3A_2597 : vector<1x1x16xf32> to vector<16xf32>
    %add3A_2599 = arith.addf %scan3A_2527#9, %get3A_2598 : vector<16xf32>
    %get3A_2600 = arith.constant 5 : i32
    %get3A_2601 = arith.index_cast %get3A_2600 : i32 to index
    %get3A_2602 = arith.index_cast %scan3A_2529 : i32 to index
    %get3A_2603 = arith.constant 32 : index
    %get3A_2604 = tpu.vector_load %arg5[%get3A_2601, %get3A_2602, %get3A_2603] {strides = array<i32>} : memref<8x32x128xf32, #tpu.memory_space<vmem>>, vector<1x1x16xf32>,
    %get3A_2605 = vector.shape_cast %get3A_2604 : vector<1x1x16xf32> to vector<16xf32>
    %add3A_2606 = arith.addf %scan3A_2527#10, %get3A_2605 : vector<16xf32>
    %get3A_2607 = arith.constant 5 : i32
    %get3A_2608 = arith.index_cast %get3A_2607 : i32 to index
    %get3A_2609 = arith.index_cast %scan3A_2529 : i32 to index
    %get3A_2610 = arith.constant 48 : index
    %get3A_2611 = tpu.vector_load %arg5[%get3A_2608, %get3A_2609, %get3A_2610] {strides = array<i32>} : memref<8x32x128xf32, #tpu.memory_space<vmem>>, vector<1x1x16xf32>,
    %get3A_2612 = vector.shape_cast %get3A_2611 : vector<1x1x16xf32> to vector<16xf32>
    %add3A_2613 = arith.addf %scan3A_2527#11, %get3A_2612 : vector<16xf32>
    %get3A_2614 = arith.constant 5 : i32
    %get3A_2615 = arith.index_cast %get3A_2614 : i32 to index
    %get3A_2616 = arith.index_cast %scan3A_2529 : i32 to index
    %get3A_2617 = arith.constant 64 : index
    %get3A_2618 = tpu.vector_load %arg5[%get3A_2615, %get3A_2616, %get3A_2617] {strides = array<i32>} : memref<8x32x128xf32, #tpu.memory_space<vmem>>, vector<1x1x16xf32>,
    %get3A_2619 = vector.shape_cast %get3A_2618 : vector<1x1x16xf32> to vector<16xf32>
    %add3A_2620 = arith.addf %scan3A_2527#12, %get3A_2619 : vector<16xf32>
    %get3A_2621 = arith.constant 5 : i32
    %get3A_2622 = arith.index_cast %get3A_2621 : i32 to index
    %get3A_2623 = arith.index_cast %scan3A_2529 : i32 to index
    %get3A_2624 = arith.constant 80 : index
    %get3A_2625 = tpu.vector_load %arg5[%get3A_2622, %get3A_2623, %get3A_2624] {strides = array<i32>} : memref<8x32x128xf32, #tpu.memory_space<vmem>>, vector<1x1x16xf32>,
    %get3A_2626 = vector.shape_cast %get3A_2625 : vector<1x1x16xf32> to vector<16xf32>
    %add3A_2627 = arith.addf %scan3A_2527#13, %get3A_2626 : vector<16xf32>
    %get3A_2628 = arith.constant 5 : i32
    %get3A_2629 = arith.index_cast %get3A_2628 : i32 to index
    %get3A_2630 = arith.index_cast %scan3A_2529 : i32 to index
    %get3A_2631 = arith.constant 96 : index
    %get3A_2632 = tpu.vector_load %arg5[%get3A_2629, %get3A_2630, %get3A_2631] {strides = array<i32>} : memref<8x32x128xf32, #tpu.memory_space<vmem>>, vector<1x1x16xf32>,
    %get3A_2633 = vector.shape_cast %get3A_2632 : vector<1x1x16xf32> to vector<16xf32>
    %add3A_2634 = arith.addf %scan3A_2527#14, %get3A_2633 : vector<16xf32>
    %get3A_2635 = arith.constant 5 : i32
    %get3A_2636 = arith.index_cast %get3A_2635 : i32 to index
    %get3A_2637 = arith.index_cast %scan3A_2529 : i32 to index
    %get3A_2638 = arith.constant 112 : index
    %get3A_2639 = tpu.vector_load %arg5[%get3A_2636, %get3A_2637, %get3A_2638] {strides = array<i32>} : memref<8x32x128xf32, #tpu.memory_space<vmem>>, vector<1x1x16xf32>,
    %get3A_2640 = vector.shape_cast %get3A_2639 : vector<1x1x16xf32> to vector<16xf32>
    %add3A_2641 = arith.addf %scan3A_2527#15, %get3A_2640 : vector<16xf32>
    %get3A_2642 = arith.constant 6 : i32
    %get3A_2643 = arith.index_cast %get3A_2642 : i32 to index
    %get3A_2644 = arith.index_cast %scan3A_2529 : i32 to index
    %get3A_2645 = arith.constant 0 : index
    %get3A_2646 = tpu.vector_load %arg5[%get3A_2643, %get3A_2644, %get3A_2645] {strides = array<i32>} : memref<8x32x128xf32, #tpu.memory_space<vmem>>, vector<1x1x16xf32>,
    %get3A_2647 = vector.shape_cast %get3A_2646 : vector<1x1x16xf32> to vector<16xf32>
    %add3A_2648 = arith.addf %scan3A_2527#16, %get3A_2647 : vector<16xf32>
    %get3A_2649 = arith.constant 6 : i32
    %get3A_2650 = arith.index_cast %get3A_2649 : i32 to index
    %get3A_2651 = arith.index_cast %scan3A_2529 : i32 to index
    %get3A_2652 = arith.constant 16 : index
    %get3A_2653 = tpu.vector_load %arg5[%get3A_2650, %get3A_2651, %get3A_2652] {strides = array<i32>} : memref<8x32x128xf32, #tpu.memory_space<vmem>>, vector<1x1x16xf32>,
    %get3A_2654 = vector.shape_cast %get3A_2653 : vector<1x1x16xf32> to vector<16xf32>
    %add3A_2655 = arith.addf %scan3A_2527#17, %get3A_2654 : vector<16xf32>
    %get3A_2656 = arith.constant 6 : i32
    %get3A_2657 = arith.index_cast %get3A_2656 : i32 to index
    %get3A_2658 = arith.index_cast %scan3A_2529 : i32 to index
    %get3A_2659 = arith.constant 32 : index
    %get3A_2660 = tpu.vector_load %arg5[%get3A_2657, %get3A_2658, %get3A_2659] {strides = array<i32>} : memref<8x32x128xf32, #tpu.memory_space<vmem>>, vector<1x1x16xf32>,
    %get3A_2661 = vector.shape_cast %get3A_2660 : vector<1x1x16xf32> to vector<16xf32>
    %add3A_2662 = arith.addf %scan3A_2527#18, %get3A_2661 : vector<16xf32>
    %get3A_2663 = arith.constant 6 : i32
    %get3A_2664 = arith.index_cast %get3A_2663 : i32 to index
    %get3A_2665 = arith.index_cast %scan3A_2529 : i32 to index
    %get3A_2666 = arith.constant 48 : index
    %get3A_2667 = tpu.vector_load %arg5[%get3A_2664, %get3A_2665, %get3A_2666] {strides = array<i32>} : memref<8x32x128xf32, #tpu.memory_space<vmem>>, vector<1x1x16xf32>,
    %get3A_2668 = vector.shape_cast %get3A_2667 : vector<1x1x16xf32> to vector<16xf32>
    %add3A_2669 = arith.addf %scan3A_2527#19, %get3A_2668 : vector<16xf32>
    %get3A_2670 = arith.constant 6 : i32
    %get3A_2671 = arith.index_cast %get3A_2670 : i32 to index
    %get3A_2672 = arith.index_cast %scan3A_2529 : i32 to index
    %get3A_2673 = arith.constant 64 : index
    %get3A_2674 = tpu.vector_load %arg5[%get3A_2671, %get3A_2672, %get3A_2673] {strides = array<i32>} : memref<8x32x128xf32, #tpu.memory_space<vmem>>, vector<1x1x16xf32>,
    %get3A_2675 = vector.shape_cast %get3A_2674 : vector<1x1x16xf32> to vector<16xf32>
    %add3A_2676 = arith.addf %scan3A_2527#20, %get3A_2675 : vector<16xf32>
    %get3A_2677 = arith.constant 6 : i32
    %get3A_2678 = arith.index_cast %get3A_2677 : i32 to index
    %get3A_2679 = arith.index_cast %scan3A_2529 : i32 to index
    %get3A_2680 = arith.constant 80 : index
    %get3A_2681 = tpu.vector_load %arg5[%get3A_2678, %get3A_2679, %get3A_2680] {strides = array<i32>} : memref<8x32x128xf32, #tpu.memory_space<vmem>>, vector<1x1x16xf32>,
    %get3A_2682 = vector.shape_cast %get3A_2681 : vector<1x1x16xf32> to vector<16xf32>
    %add3A_2683 = arith.addf %scan3A_2527#21, %get3A_2682 : vector<16xf32>
    %get3A_2684 = arith.constant 6 : i32
    %get3A_2685 = arith.index_cast %get3A_2684 : i32 to index
    %get3A_2686 = arith.index_cast %scan3A_2529 : i32 to index
    %get3A_2687 = arith.constant 96 : index
    %get3A_2688 = tpu.vector_load %arg5[%get3A_2685, %get3A_2686, %get3A_2687] {strides = array<i32>} : memref<8x32x128xf32, #tpu.memory_space<vmem>>, vector<1x1x16xf32>,
    %get3A_2689 = vector.shape_cast %get3A_2688 : vector<1x1x16xf32> to vector<16xf32>
    %add3A_2690 = arith.addf %scan3A_2527#22, %get3A_2689 : vector<16xf32>
    %get3A_2691 = arith.constant 6 : i32
    %get3A_2692 = arith.index_cast %get3A_2691 : i32 to index
    %get3A_2693 = arith.index_cast %scan3A_2529 : i32 to index
    %get3A_2694 = arith.constant 112 : index
    %get3A_2695 = tpu.vector_load %arg5[%get3A_2692, %get3A_2693, %get3A_2694] {strides = array<i32>} : memref<8x32x128xf32, #tpu.memory_space<vmem>>, vector<1x1x16xf32>,
    %get3A_2696 = vector.shape_cast %get3A_2695 : vector<1x1x16xf32> to vector<16xf32>
    %add3A_2697 = arith.addf %scan3A_2527#23, %get3A_2696 : vector<16xf32>
    %get3A_2698 = arith.constant 7 : i32
    %get3A_2699 = arith.index_cast %get3A_2698 : i32 to index
    %get3A_2700 = arith.index_cast %scan3A_2529 : i32 to index
    %get3A_2701 = arith.constant 0 : index
    %get3A_2702 = tpu.vector_load %arg5[%get3A_2699, %get3A_2700, %get3A_2701] {strides = array<i32>} : memref<8x32x128xf32, #tpu.memory_space<vmem>>, vector<1x1x16xf32>,
    %get3A_2703 = vector.shape_cast %get3A_2702 : vector<1x1x16xf32> to vector<16xf32>
    %add3A_2704 = arith.addf %scan3A_2527#24, %get3A_2703 : vector<16xf32>
    %get3A_2705 = arith.constant 7 : i32
    %get3A_2706 = arith.index_cast %get3A_2705 : i32 to index
    %get3A_2707 = arith.index_cast %scan3A_2529 : i32 to index
    %get3A_2708 = arith.constant 16 : index
    %get3A_2709 = tpu.vector_load %arg5[%get3A_2706, %get3A_2707, %get3A_2708] {strides = array<i32>} : memref<8x32x128xf32, #tpu.memory_space<vmem>>, vector<1x1x16xf32>,
    %get3A_2710 = vector.shape_cast %get3A_2709 : vector<1x1x16xf32> to vector<16xf32>
    %add3A_2711 = arith.addf %scan3A_2527#25, %get3A_2710 : vector<16xf32>
    %get3A_2712 = arith.constant 7 : i32
    %get3A_2713 = arith.index_cast %get3A_2712 : i32 to index
    %get3A_2714 = arith.index_cast %scan3A_2529 : i32 to index
    %get3A_2715 = arith.constant 32 : index
    %get3A_2716 = tpu.vector_load %arg5[%get3A_2713, %get3A_2714, %get3A_2715] {strides = array<i32>} : memref<8x32x128xf32, #tpu.memory_space<vmem>>, vector<1x1x16xf32>,
    %get3A_2717 = vector.shape_cast %get3A_2716 : vector<1x1x16xf32> to vector<16xf32>
    %add3A_2718 = arith.addf %scan3A_2527#26, %get3A_2717 : vector<16xf32>
    %get3A_2719 = arith.constant 7 : i32
    %get3A_2720 = arith.index_cast %get3A_2719 : i32 to index
    %get3A_2721 = arith.index_cast %scan3A_2529 : i32 to index
    %get3A_2722 = arith.constant 48 : index
    %get3A_2723 = tpu.vector_load %arg5[%get3A_2720, %get3A_2721, %get3A_2722] {strides = array<i32>} : memref<8x32x128xf32, #tpu.memory_space<vmem>>, vector<1x1x16xf32>,
    %get3A_2724 = vector.shape_cast %get3A_2723 : vector<1x1x16xf32> to vector<16xf32>
    %add3A_2725 = arith.addf %scan3A_2527#27, %get3A_2724 : vector<16xf32>
    %get3A_2726 = arith.constant 7 : i32
    %get3A_2727 = arith.index_cast %get3A_2726 : i32 to index
    %get3A_2728 = arith.index_cast %scan3A_2529 : i32 to index
    %get3A_2729 = arith.constant 64 : index
    %get3A_2730 = tpu.vector_load %arg5[%get3A_2727, %get3A_2728, %get3A_2729] {strides = array<i32>} : memref<8x32x128xf32, #tpu.memory_space<vmem>>, vector<1x1x16xf32>,
    %get3A_2731 = vector.shape_cast %get3A_2730 : vector<1x1x16xf32> to vector<16xf32>
    %add3A_2732 = arith.addf %scan3A_2527#28, %get3A_2731 : vector<16xf32>
    %get3A_2733 = arith.constant 7 : i32
    %get3A_2734 = arith.index_cast %get3A_2733 : i32 to index
    %get3A_2735 = arith.index_cast %scan3A_2529 : i32 to index
    %get3A_2736 = arith.constant 80 : index
    %get3A_2737 = tpu.vector_load %arg5[%get3A_2734, %get3A_2735, %get3A_2736] {strides = array<i32>} : memref<8x32x128xf32, #tpu.memory_space<vmem>>, vector<1x1x16xf32>,
    %get3A_2738 = vector.shape_cast %get3A_2737 : vector<1x1x16xf32> to vector<16xf32>
    %add3A_2739 = arith.addf %scan3A_2527#29, %get3A_2738 : vector<16xf32>
    %get3A_2740 = arith.constant 7 : i32
    %get3A_2741 = arith.index_cast %get3A_2740 : i32 to index
    %get3A_2742 = arith.index_cast %scan3A_2529 : i32 to index
    %get3A_2743 = arith.constant 96 : index
    %get3A_2744 = tpu.vector_load %arg5[%get3A_2741, %get3A_2742, %get3A_2743] {strides = array<i32>} : memref<8x32x128xf32, #tpu.memory_space<vmem>>, vector<1x1x16xf32>,
    %get3A_2745 = vector.shape_cast %get3A_2744 : vector<1x1x16xf32> to vector<16xf32>
    %add3A_2746 = arith.addf %scan3A_2527#30, %get3A_2745 : vector<16xf32>
    %get3A_2747 = arith.constant 7 : i32
    %get3A_2748 = arith.index_cast %get3A_2747 : i32 to index
    %get3A_2749 = arith.index_cast %scan3A_2529 : i32 to index
    %get3A_2750 = arith.constant 112 : index
    %get3A_2751 = tpu.vector_load %arg5[%get3A_2748, %get3A_2749, %get3A_2750] {strides = array<i32>} : memref<8x32x128xf32, #tpu.memory_space<vmem>>, vector<1x1x16xf32>,
    %get3A_2752 = vector.shape_cast %get3A_2751 : vector<1x1x16xf32> to vector<16xf32>
    %add3A_2753 = arith.addf %scan3A_2527#31, %get3A_2752 : vector<16xf32>
    %scan3A_2754 = arith.constant 31 : i32
    %mul3A_2755 = arith.constant 3.125000e-02 : f32
    %mul3A_2756 = vector.broadcast %mul3A_2755 : f32 to vector<16xf32>
    %mul3A_2757 = arith.mulf %add3A_2536, %mul3A_2756 : vector<16xf32>
    %swap3A_2758 = arith.constant 4 : i32
    %swap3A_2759 = arith.index_cast %swap3A_2758 : i32 to index
    %swap3A_2760 = arith.constant 0 : index
    %swap3A_2761 = tpu.vector_load %arg7[%swap3A_2759, %swap3A_2760] {strides = array<i32>} : memref<8x128xf32, #tpu.memory_space<vmem>>, vector<1x16xf32>,
    %swap3A_2762 = vector.shape_cast %swap3A_2761 : vector<1x16xf32> to vector<16xf32>
    %swap3A_2763 = vector.shape_cast %mul3A_2757 : vector<16xf32> to vector<1x16xf32>
    tpu.vector_store %arg7[%swap3A_2759, %swap3A_2760], %swap3A_2763 {strides = array<i32>} : memref<8x128xf32, #tpu.memory_space<vmem>>, vector<1x16xf32>,
    %mul3A_2764 = arith.constant 3.125000e-02 : f32
    %mul3A_2765 = vector.broadcast %mul3A_2764 : f32 to vector<16xf32>
    %mul3A_2766 = arith.mulf %add3A_2543, %mul3A_2765 : vector<16xf32>
    %swap3A_2767 = arith.constant 4 : i32
    %swap3A_2768 = arith.index_cast %swap3A_2767 : i32 to index
    %swap3A_2769 = arith.constant 16 : index
    %swap3A_2770 = tpu.vector_load %arg7[%swap3A_2768, %swap3A_2769] {strides = array<i32>} : memref<8x128xf32, #tpu.memory_space<vmem>>, vector<1x16xf32>,
    %swap3A_2771 = vector.shape_cast %swap3A_2770 : vector<1x16xf32> to vector<16xf32>
    %swap3A_2772 = vector.shape_cast %mul3A_2766 : vector<16xf32> to vector<1x16xf32>
    tpu.vector_store %arg7[%swap3A_2768, %swap3A_2769], %swap3A_2772 {strides = array<i32>} : memref<8x128xf32, #tpu.memory_space<vmem>>, vector<1x16xf32>,
    %mul3A_2773 = arith.constant 3.125000e-02 : f32
    %mul3A_2774 = vector.broadcast %mul3A_2773 : f32 to vector<16xf32>
    %mul3A_2775 = arith.mulf %add3A_2550, %mul3A_2774 : vector<16xf32>
    %swap3A_2776 = arith.constant 4 : i32
    %swap3A_2777 = arith.index_cast %swap3A_2776 : i32 to index
    %swap3A_2778 = arith.constant 32 : index
    %swap3A_2779 = tpu.vector_load %arg7[%swap3A_2777, %swap3A_2778] {strides = array<i32>} : memref<8x128xf32, #tpu.memory_space<vmem>>, vector<1x16xf32>,
    %swap3A_2780 = vector.shape_cast %swap3A_2779 : vector<1x16xf32> to vector<16xf32>
    %swap3A_2781 = vector.shape_cast %mul3A_2775 : vector<16xf32> to vector<1x16xf32>
    tpu.vector_store %arg7[%swap3A_2777, %swap3A_2778], %swap3A_2781 {strides = array<i32>} : memref<8x128xf32, #tpu.memory_space<vmem>>, vector<1x16xf32>,
    %mul3A_2782 = arith.constant 3.125000e-02 : f32
    %mul3A_2783 = vector.broadcast %mul3A_2782 : f32 to vector<16xf32>
    %mul3A_2784 = arith.mulf %add3A_2557, %mul3A_2783 : vector<16xf32>
    %swap3A_2785 = arith.constant 4 : i32
    %swap3A_2786 = arith.index_cast %swap3A_2785 : i32 to index
    %swap3A_2787 = arith.constant 48 : index
    %swap3A_2788 = tpu.vector_load %arg7[%swap3A_2786, %swap3A_2787] {strides = array<i32>} : memref<8x128xf32, #tpu.memory_space<vmem>>, vector<1x16xf32>,
    %swap3A_2789 = vector.shape_cast %swap3A_2788 : vector<1x16xf32> to vector<16xf32>
    %swap3A_2790 = vector.shape_cast %mul3A_2784 : vector<16xf32> to vector<1x16xf32>
    tpu.vector_store %arg7[%swap3A_2786, %swap3A_2787], %swap3A_2790 {strides = array<i32>} : memref<8x128xf32, #tpu.memory_space<vmem>>, vector<1x16xf32>,
    %mul3A_2791 = arith.constant 3.125000e-02 : f32
    %mul3A_2792 = vector.broadcast %mul3A_2791 : f32 to vector<16xf32>
    %mul3A_2793 = arith.mulf %add3A_2564, %mul3A_2792 : vector<16xf32>
    %swap3A_2794 = arith.constant 4 : i32
    %swap3A_2795 = arith.index_cast %swap3A_2794 : i32 to index
    %swap3A_2796 = arith.constant 64 : index
    %swap3A_2797 = tpu.vector_load %arg7[%swap3A_2795, %swap3A_2796] {strides = array<i32>} : memref<8x128xf32, #tpu.memory_space<vmem>>, vector<1x16xf32>,
    %swap3A_2798 = vector.shape_cast %swap3A_2797 : vector<1x16xf32> to vector<16xf32>
    %swap3A_2799 = vector.shape_cast %mul3A_2793 : vector<16xf32> to vector<1x16xf32>
    tpu.vector_store %arg7[%swap3A_2795, %swap3A_2796], %swap3A_2799 {strides = array<i32>} : memref<8x128xf32, #tpu.memory_space<vmem>>, vector<1x16xf32>,
    %mul3A_2800 = arith.constant 3.125000e-02 : f32
    %mul3A_2801 = vector.broadcast %mul3A_2800 : f32 to vector<16xf32>
    %mul3A_2802 = arith.mulf %add3A_2571, %mul3A_2801 : vector<16xf32>
    %swap3A_2803 = arith.constant 4 : i32
    %swap3A_2804 = arith.index_cast %swap3A_2803 : i32 to index
    %swap3A_2805 = arith.constant 80 : index
    %swap3A_2806 = tpu.vector_load %arg7[%swap3A_2804, %swap3A_2805] {strides = array<i32>} : memref<8x128xf32, #tpu.memory_space<vmem>>, vector<1x16xf32>,
    %swap3A_2807 = vector.shape_cast %swap3A_2806 : vector<1x16xf32> to vector<16xf32>
    %swap3A_2808 = vector.shape_cast %mul3A_2802 : vector<16xf32> to vector<1x16xf32>
    tpu.vector_store %arg7[%swap3A_2804, %swap3A_2805], %swap3A_2808 {strides = array<i32>} : memref<8x128xf32, #tpu.memory_space<vmem>>, vector<1x16xf32>,
    %mul3A_2809 = arith.constant 3.125000e-02 : f32
    %mul3A_2810 = vector.broadcast %mul3A_2809 : f32 to vector<16xf32>
    %mul3A_2811 = arith.mulf %add3A_2578, %mul3A_2810 : vector<16xf32>
    %swap3A_2812 = arith.constant 4 : i32
    %swap3A_2813 = arith.index_cast %swap3A_2812 : i32 to index
    %swap3A_2814 = arith.constant 96 : index
    %swap3A_2815 = tpu.vector_load %arg7[%swap3A_2813, %swap3A_2814] {strides = array<i32>} : memref<8x128xf32, #tpu.memory_space<vmem>>, vector<1x16xf32>,
    %swap3A_2816 = vector.shape_cast %swap3A_2815 : vector<1x16xf32> to vector<16xf32>
    %swap3A_2817 = vector.shape_cast %mul3A_2811 : vector<16xf32> to vector<1x16xf32>
    tpu.vector_store %arg7[%swap3A_2813, %swap3A_2814], %swap3A_2817 {strides = array<i32>} : memref<8x128xf32, #tpu.memory_space<vmem>>, vector<1x16xf32>,
    %mul3A_2818 = arith.constant 3.125000e-02 : f32
    %mul3A_2819 = vector.broadcast %mul3A_2818 : f32 to vector<16xf32>
    %mul3A_2820 = arith.mulf %add3A_2585, %mul3A_2819 : vector<16xf32>
    %swap3A_2821 = arith.constant 4 : i32
    %swap3A_2822 = arith.index_cast %swap3A_2821 : i32 to index
    %swap3A_2823 = arith.constant 112 : index
    %swap3A_2824 = tpu.vector_load %arg7[%swap3A_2822, %swap3A_2823] {strides = array<i32>} : memref<8x128xf32, #tpu.memory_space<vmem>>, vector<1x16xf32>,
    %swap3A_2825 = vector.shape_cast %swap3A_2824 : vector<1x16xf32> to vector<16xf32>
    %swap3A_2826 = vector.shape_cast %mul3A_2820 : vector<16xf32> to vector<1x16xf32>
    tpu.vector_store %arg7[%swap3A_2822, %swap3A_2823], %swap3A_2826 {strides = array<i32>} : memref<8x128xf32, #tpu.memory_space<vmem>>, vector<1x16xf32>,
    %mul3A_2827 = arith.constant 3.125000e-02 : f32
    %mul3A_2828 = vector.broadcast %mul3A_2827 : f32 to vector<16xf32>
    %mul3A_2829 = arith.mulf %add3A_2592, %mul3A_2828 : vector<16xf32>
    %swap3A_2830 = arith.constant 5 : i32
    %swap3A_2831 = arith.index_cast %swap3A_2830 : i32 to index
    %swap3A_2832 = arith.constant 0 : index
    %swap3A_2833 = tpu.vector_load %arg7[%swap3A_2831, %swap3A_2832] {strides = array<i32>} : memref<8x128xf32, #tpu.memory_space<vmem>>, vector<1x16xf32>,
    %swap3A_2834 = vector.shape_cast %swap3A_2833 : vector<1x16xf32> to vector<16xf32>
    %swap3A_2835 = vector.shape_cast %mul3A_2829 : vector<16xf32> to vector<1x16xf32>
    tpu.vector_store %arg7[%swap3A_2831, %swap3A_2832], %swap3A_2835 {strides = array<i32>} : memref<8x128xf32, #tpu.memory_space<vmem>>, vector<1x16xf32>,
    %mul3A_2836 = arith.constant 3.125000e-02 : f32
    %mul3A_2837 = vector.broadcast %mul3A_2836 : f32 to vector<16xf32>
    %mul3A_2838 = arith.mulf %add3A_2599, %mul3A_2837 : vector<16xf32>
    %swap3A_2839 = arith.constant 5 : i32
    %swap3A_2840 = arith.index_cast %swap3A_2839 : i32 to index
    %swap3A_2841 = arith.constant 16 : index
    %swap3A_2842 = tpu.vector_load %arg7[%swap3A_2840, %swap3A_2841] {strides = array<i32>} : memref<8x128xf32, #tpu.memory_space<vmem>>, vector<1x16xf32>,
    %swap3A_2843 = vector.shape_cast %swap3A_2842 : vector<1x16xf32> to vector<16xf32>
    %swap3A_2844 = vector.shape_cast %mul3A_2838 : vector<16xf32> to vector<1x16xf32>
    tpu.vector_store %arg7[%swap3A_2840, %swap3A_2841], %swap3A_2844 {strides = array<i32>} : memref<8x128xf32, #tpu.memory_space<vmem>>, vector<1x16xf32>,
    %mul3A_2845 = arith.constant 3.125000e-02 : f32
    %mul3A_2846 = vector.broadcast %mul3A_2845 : f32 to vector<16xf32>
    %mul3A_2847 = arith.mulf %add3A_2606, %mul3A_2846 : vector<16xf32>
    %swap3A_2848 = arith.constant 5 : i32
    %swap3A_2849 = arith.index_cast %swap3A_2848 : i32 to index
    %swap3A_2850 = arith.constant 32 : index
    %swap3A_2851 = tpu.vector_load %arg7[%swap3A_2849, %swap3A_2850] {strides = array<i32>} : memref<8x128xf32, #tpu.memory_space<vmem>>, vector<1x16xf32>,
    %swap3A_2852 = vector.shape_cast %swap3A_2851 : vector<1x16xf32> to vector<16xf32>
    %swap3A_2853 = vector.shape_cast %mul3A_2847 : vector<16xf32> to vector<1x16xf32>
    tpu.vector_store %arg7[%swap3A_2849, %swap3A_2850], %swap3A_2853 {strides = array<i32>} : memref<8x128xf32, #tpu.memory_space<vmem>>, vector<1x16xf32>,
    %mul3A_2854 = arith.constant 3.125000e-02 : f32
    %mul3A_2855 = vector.broadcast %mul3A_2854 : f32 to vector<16xf32>
    %mul3A_2856 = arith.mulf %add3A_2613, %mul3A_2855 : vector<16xf32>
    %swap3A_2857 = arith.constant 5 : i32
    %swap3A_2858 = arith.index_cast %swap3A_2857 : i32 to index
    %swap3A_2859 = arith.constant 48 : index
    %swap3A_2860 = tpu.vector_load %arg7[%swap3A_2858, %swap3A_2859] {strides = array<i32>} : memref<8x128xf32, #tpu.memory_space<vmem>>, vector<1x16xf32>,
    %swap3A_2861 = vector.shape_cast %swap3A_2860 : vector<1x16xf32> to vector<16xf32>
    %swap3A_2862 = vector.shape_cast %mul3A_2856 : vector<16xf32> to vector<1x16xf32>
    tpu.vector_store %arg7[%swap3A_2858, %swap3A_2859], %swap3A_2862 {strides = array<i32>} : memref<8x128xf32, #tpu.memory_space<vmem>>, vector<1x16xf32>,
    %mul3A_2863 = arith.constant 3.125000e-02 : f32
    %mul3A_2864 = vector.broadcast %mul3A_2863 : f32 to vector<16xf32>
    %mul3A_2865 = arith.mulf %add3A_2620, %mul3A_2864 : vector<16xf32>
    %swap3A_2866 = arith.constant 5 : i32
    %swap3A_2867 = arith.index_cast %swap3A_2866 : i32 to index
    %swap3A_2868 = arith.constant 64 : index
    %swap3A_2869 = tpu.vector_load %arg7[%swap3A_2867, %swap3A_2868] {strides = array<i32>} : memref<8x128xf32, #tpu.memory_space<vmem>>, vector<1x16xf32>,
    %swap3A_2870 = vector.shape_cast %swap3A_2869 : vector<1x16xf32> to vector<16xf32>
    %swap3A_2871 = vector.shape_cast %mul3A_2865 : vector<16xf32> to vector<1x16xf32>
    tpu.vector_store %arg7[%swap3A_2867, %swap3A_2868], %swap3A_2871 {strides = array<i32>} : memref<8x128xf32, #tpu.memory_space<vmem>>, vector<1x16xf32>,
    %mul3A_2872 = arith.constant 3.125000e-02 : f32
    %mul3A_2873 = vector.broadcast %mul3A_2872 : f32 to vector<16xf32>
    %mul3A_2874 = arith.mulf %add3A_2627, %mul3A_2873 : vector<16xf32>
    %swap3A_2875 = arith.constant 5 : i32
    %swap3A_2876 = arith.index_cast %swap3A_2875 : i32 to index
    %swap3A_2877 = arith.constant 80 : index
    %swap3A_2878 = tpu.vector_load %arg7[%swap3A_2876, %swap3A_2877] {strides = array<i32>} : memref<8x128xf32, #tpu.memory_space<vmem>>, vector<1x16xf32>,
    %swap3A_2879 = vector.shape_cast %swap3A_2878 : vector<1x16xf32> to vector<16xf32>
    %swap3A_2880 = vector.shape_cast %mul3A_2874 : vector<16xf32> to vector<1x16xf32>
    tpu.vector_store %arg7[%swap3A_2876, %swap3A_2877], %swap3A_2880 {strides = array<i32>} : memref<8x128xf32, #tpu.memory_space<vmem>>, vector<1x16xf32>,
    %mul3A_2881 = arith.constant 3.125000e-02 : f32
    %mul3A_2882 = vector.broadcast %mul3A_2881 : f32 to vector<16xf32>
    %mul3A_2883 = arith.mulf %add3A_2634, %mul3A_2882 : vector<16xf32>
    %swap3A_2884 = arith.constant 5 : i32
    %swap3A_2885 = arith.index_cast %swap3A_2884 : i32 to index
    %swap3A_2886 = arith.constant 96 : index
    %swap3A_2887 = tpu.vector_load %arg7[%swap3A_2885, %swap3A_2886] {strides = array<i32>} : memref<8x128xf32, #tpu.memory_space<vmem>>, vector<1x16xf32>,
    %swap3A_2888 = vector.shape_cast %swap3A_2887 : vector<1x16xf32> to vector<16xf32>
    %swap3A_2889 = vector.shape_cast %mul3A_2883 : vector<16xf32> to vector<1x16xf32>
    tpu.vector_store %arg7[%swap3A_2885, %swap3A_2886], %swap3A_2889 {strides = array<i32>} : memref<8x128xf32, #tpu.memory_space<vmem>>, vector<1x16xf32>,
    %mul3A_2890 = arith.constant 3.125000e-02 : f32
    %mul3A_2891 = vector.broadcast %mul3A_2890 : f32 to vector<16xf32>
    %mul3A_2892 = arith.mulf %add3A_2641, %mul3A_2891 : vector<16xf32>
    %swap3A_2893 = arith.constant 5 : i32
    %swap3A_2894 = arith.index_cast %swap3A_2893 : i32 to index
    %swap3A_2895 = arith.constant 112 : index
    %swap3A_2896 = tpu.vector_load %arg7[%swap3A_2894, %swap3A_2895] {strides = array<i32>} : memref<8x128xf32, #tpu.memory_space<vmem>>, vector<1x16xf32>,
    %swap3A_2897 = vector.shape_cast %swap3A_2896 : vector<1x16xf32> to vector<16xf32>
    %swap3A_2898 = vector.shape_cast %mul3A_2892 : vector<16xf32> to vector<1x16xf32>
    tpu.vector_store %arg7[%swap3A_2894, %swap3A_2895], %swap3A_2898 {strides = array<i32>} : memref<8x128xf32, #tpu.memory_space<vmem>>, vector<1x16xf32>,
    %mul3A_2899 = arith.constant 3.125000e-02 : f32
    %mul3A_2900 = vector.broadcast %mul3A_2899 : f32 to vector<16xf32>
    %mul3A_2901 = arith.mulf %add3A_2648, %mul3A_2900 : vector<16xf32>
    %swap3A_2902 = arith.constant 6 : i32
    %swap3A_2903 = arith.index_cast %swap3A_2902 : i32 to index
    %swap3A_2904 = arith.constant 0 : index
    %swap3A_2905 = tpu.vector_load %arg7[%swap3A_2903, %swap3A_2904] {strides = array<i32>} : memref<8x128xf32, #tpu.memory_space<vmem>>, vector<1x16xf32>,
    %swap3A_2906 = vector.shape_cast %swap3A_2905 : vector<1x16xf32> to vector<16xf32>
    %swap3A_2907 = vector.shape_cast %mul3A_2901 : vector<16xf32> to vector<1x16xf32>
    tpu.vector_store %arg7[%swap3A_2903, %swap3A_2904], %swap3A_2907 {strides = array<i32>} : memref<8x128xf32, #tpu.memory_space<vmem>>, vector<1x16xf32>,
    %mul3A_2908 = arith.constant 3.125000e-02 : f32
    %mul3A_2909 = vector.broadcast %mul3A_2908 : f32 to vector<16xf32>
    %mul3A_2910 = arith.mulf %add3A_2655, %mul3A_2909 : vector<16xf32>
    %swap3A_2911 = arith.constant 6 : i32
    %swap3A_2912 = arith.index_cast %swap3A_2911 : i32 to index
    %swap3A_2913 = arith.constant 16 : index
    %swap3A_2914 = tpu.vector_load %arg7[%swap3A_2912, %swap3A_2913] {strides = array<i32>} : memref<8x128xf32, #tpu.memory_space<vmem>>, vector<1x16xf32>,
    %swap3A_2915 = vector.shape_cast %swap3A_2914 : vector<1x16xf32> to vector<16xf32>
    %swap3A_2916 = vector.shape_cast %mul3A_2910 : vector<16xf32> to vector<1x16xf32>
    tpu.vector_store %arg7[%swap3A_2912, %swap3A_2913], %swap3A_2916 {strides = array<i32>} : memref<8x128xf32, #tpu.memory_space<vmem>>, vector<1x16xf32>,
    %mul3A_2917 = arith.constant 3.125000e-02 : f32
    %mul3A_2918 = vector.broadcast %mul3A_2917 : f32 to vector<16xf32>
    %mul3A_2919 = arith.mulf %add3A_2662, %mul3A_2918 : vector<16xf32>
    %swap3A_2920 = arith.constant 6 : i32
    %swap3A_2921 = arith.index_cast %swap3A_2920 : i32 to index
    %swap3A_2922 = arith.constant 32 : index
    %swap3A_2923 = tpu.vector_load %arg7[%swap3A_2921, %swap3A_2922] {strides = array<i32>} : memref<8x128xf32, #tpu.memory_space<vmem>>, vector<1x16xf32>,
    %swap3A_2924 = vector.shape_cast %swap3A_2923 : vector<1x16xf32> to vector<16xf32>
    %swap3A_2925 = vector.shape_cast %mul3A_2919 : vector<16xf32> to vector<1x16xf32>
    tpu.vector_store %arg7[%swap3A_2921, %swap3A_2922], %swap3A_2925 {strides = array<i32>} : memref<8x128xf32, #tpu.memory_space<vmem>>, vector<1x16xf32>,
    %mul3A_2926 = arith.constant 3.125000e-02 : f32
    %mul3A_2927 = vector.broadcast %mul3A_2926 : f32 to vector<16xf32>
    %mul3A_2928 = arith.mulf %add3A_2669, %mul3A_2927 : vector<16xf32>
    %swap3A_2929 = arith.constant 6 : i32
    %swap3A_2930 = arith.index_cast %swap3A_2929 : i32 to index
    %swap3A_2931 = arith.constant 48 : index
    %swap3A_2932 = tpu.vector_load %arg7[%swap3A_2930, %swap3A_2931] {strides = array<i32>} : memref<8x128xf32, #tpu.memory_space<vmem>>, vector<1x16xf32>,
    %swap3A_2933 = vector.shape_cast %swap3A_2932 : vector<1x16xf32> to vector<16xf32>
    %swap3A_2934 = vector.shape_cast %mul3A_2928 : vector<16xf32> to vector<1x16xf32>
    tpu.vector_store %arg7[%swap3A_2930, %swap3A_2931], %swap3A_2934 {strides = array<i32>} : memref<8x128xf32, #tpu.memory_space<vmem>>, vector<1x16xf32>,
    %mul3A_2935 = arith.constant 3.125000e-02 : f32
    %mul3A_2936 = vector.broadcast %mul3A_2935 : f32 to vector<16xf32>
    %mul3A_2937 = arith.mulf %add3A_2676, %mul3A_2936 : vector<16xf32>
    %swap3A_2938 = arith.constant 6 : i32
    %swap3A_2939 = arith.index_cast %swap3A_2938 : i32 to index
    %swap3A_2940 = arith.constant 64 : index
    %swap3A_2941 = tpu.vector_load %arg7[%swap3A_2939, %swap3A_2940] {strides = array<i32>} : memref<8x128xf32, #tpu.memory_space<vmem>>, vector<1x16xf32>,
    %swap3A_2942 = vector.shape_cast %swap3A_2941 : vector<1x16xf32> to vector<16xf32>
    %swap3A_2943 = vector.shape_cast %mul3A_2937 : vector<16xf32> to vector<1x16xf32>
    tpu.vector_store %arg7[%swap3A_2939, %swap3A_2940], %swap3A_2943 {strides = array<i32>} : memref<8x128xf32, #tpu.memory_space<vmem>>, vector<1x16xf32>,
    %mul3A_2944 = arith.constant 3.125000e-02 : f32
    %mul3A_2945 = vector.broadcast %mul3A_2944 : f32 to vector<16xf32>
    %mul3A_2946 = arith.mulf %add3A_2683, %mul3A_2945 : vector<16xf32>
    %swap3A_2947 = arith.constant 6 : i32
    %swap3A_2948 = arith.index_cast %swap3A_2947 : i32 to index
    %swap3A_2949 = arith.constant 80 : index
    %swap3A_2950 = tpu.vector_load %arg7[%swap3A_2948, %swap3A_2949] {strides = array<i32>} : memref<8x128xf32, #tpu.memory_space<vmem>>, vector<1x16xf32>,
    %swap3A_2951 = vector.shape_cast %swap3A_2950 : vector<1x16xf32> to vector<16xf32>
    %swap3A_2952 = vector.shape_cast %mul3A_2946 : vector<16xf32> to vector<1x16xf32>
    tpu.vector_store %arg7[%swap3A_2948, %swap3A_2949], %swap3A_2952 {strides = array<i32>} : memref<8x128xf32, #tpu.memory_space<vmem>>, vector<1x16xf32>,
    %mul3A_2953 = arith.constant 3.125000e-02 : f32
    %mul3A_2954 = vector.broadcast %mul3A_2953 : f32 to vector<16xf32>
    %mul3A_2955 = arith.mulf %add3A_2690, %mul3A_2954 : vector<16xf32>
    %swap3A_2956 = arith.constant 6 : i32
    %swap3A_2957 = arith.index_cast %swap3A_2956 : i32 to index
    %swap3A_2958 = arith.constant 96 : index
    %swap3A_2959 = tpu.vector_load %arg7[%swap3A_2957, %swap3A_2958] {strides = array<i32>} : memref<8x128xf32, #tpu.memory_space<vmem>>, vector<1x16xf32>,
    %swap3A_2960 = vector.shape_cast %swap3A_2959 : vector<1x16xf32> to vector<16xf32>
    %swap3A_2961 = vector.shape_cast %mul3A_2955 : vector<16xf32> to vector<1x16xf32>
    tpu.vector_store %arg7[%swap3A_2957, %swap3A_2958], %swap3A_2961 {strides = array<i32>} : memref<8x128xf32, #tpu.memory_space<vmem>>, vector<1x16xf32>,
    %mul3A_2962 = arith.constant 3.125000e-02 : f32
    %mul3A_2963 = vector.broadcast %mul3A_2962 : f32 to vector<16xf32>
    %mul3A_2964 = arith.mulf %add3A_2697, %mul3A_2963 : vector<16xf32>
    %swap3A_2965 = arith.constant 6 : i32
    %swap3A_2966 = arith.index_cast %swap3A_2965 : i32 to index
    %swap3A_2967 = arith.constant 112 : index
    %swap3A_2968 = tpu.vector_load %arg7[%swap3A_2966, %swap3A_2967] {strides = array<i32>} : memref<8x128xf32, #tpu.memory_space<vmem>>, vector<1x16xf32>,
    %swap3A_2969 = vector.shape_cast %swap3A_2968 : vector<1x16xf32> to vector<16xf32>
    %swap3A_2970 = vector.shape_cast %mul3A_2964 : vector<16xf32> to vector<1x16xf32>
    tpu.vector_store %arg7[%swap3A_2966, %swap3A_2967], %swap3A_2970 {strides = array<i32>} : memref<8x128xf32, #tpu.memory_space<vmem>>, vector<1x16xf32>,
    %mul3A_2971 = arith.constant 3.125000e-02 : f32
    %mul3A_2972 = vector.broadcast %mul3A_2971 : f32 to vector<16xf32>
    %mul3A_2973 = arith.mulf %add3A_2704, %mul3A_2972 : vector<16xf32>
    %swap3A_2974 = arith.constant 7 : i32
    %swap3A_2975 = arith.index_cast %swap3A_2974 : i32 to index
    %swap3A_2976 = arith.constant 0 : index
    %swap3A_2977 = tpu.vector_load %arg7[%swap3A_2975, %swap3A_2976] {strides = array<i32>} : memref<8x128xf32, #tpu.memory_space<vmem>>, vector<1x16xf32>,
    %swap3A_2978 = vector.shape_cast %swap3A_2977 : vector<1x16xf32> to vector<16xf32>
    %swap3A_2979 = vector.shape_cast %mul3A_2973 : vector<16xf32> to vector<1x16xf32>
    tpu.vector_store %arg7[%swap3A_2975, %swap3A_2976], %swap3A_2979 {strides = array<i32>} : memref<8x128xf32, #tpu.memory_space<vmem>>, vector<1x16xf32>,
    %mul3A_2980 = arith.constant 3.125000e-02 : f32
    %mul3A_2981 = vector.broadcast %mul3A_2980 : f32 to vector<16xf32>
    %mul3A_2982 = arith.mulf %add3A_2711, %mul3A_2981 : vector<16xf32>
    %swap3A_2983 = arith.constant 7 : i32
    %swap3A_2984 = arith.index_cast %swap3A_2983 : i32 to index
    %swap3A_2985 = arith.constant 16 : index
    %swap3A_2986 = tpu.vector_load %arg7[%swap3A_2984, %swap3A_2985] {strides = array<i32>} : memref<8x128xf32, #tpu.memory_space<vmem>>, vector<1x16xf32>,
    %swap3A_2987 = vector.shape_cast %swap3A_2986 : vector<1x16xf32> to vector<16xf32>
    %swap3A_2988 = vector.shape_cast %mul3A_2982 : vector<16xf32> to vector<1x16xf32>
    tpu.vector_store %arg7[%swap3A_2984, %swap3A_2985], %swap3A_2988 {strides = array<i32>} : memref<8x128xf32, #tpu.memory_space<vmem>>, vector<1x16xf32>,
    %mul3A_2989 = arith.constant 3.125000e-02 : f32
    %mul3A_2990 = vector.broadcast %mul3A_2989 : f32 to vector<16xf32>
    %mul3A_2991 = arith.mulf %add3A_2718, %mul3A_2990 : vector<16xf32>
    %swap3A_2992 = arith.constant 7 : i32
    %swap3A_2993 = arith.index_cast %swap3A_2992 : i32 to index
    %swap3A_2994 = arith.constant 32 : index
    %swap3A_2995 = tpu.vector_load %arg7[%swap3A_2993, %swap3A_2994] {strides = array<i32>} : memref<8x128xf32, #tpu.memory_space<vmem>>, vector<1x16xf32>,
    %swap3A_2996 = vector.shape_cast %swap3A_2995 : vector<1x16xf32> to vector<16xf32>
    %swap3A_2997 = vector.shape_cast %mul3A_2991 : vector<16xf32> to vector<1x16xf32>
    tpu.vector_store %arg7[%swap3A_2993, %swap3A_2994], %swap3A_2997 {strides = array<i32>} : memref<8x128xf32, #tpu.memory_space<vmem>>, vector<1x16xf32>,
    %mul3A_2998 = arith.constant 3.125000e-02 : f32
    %mul3A_2999 = vector.broadcast %mul3A_2998 : f32 to vector<16xf32>
    %mul3A_3000 = arith.mulf %add3A_2725, %mul3A_2999 : vector<16xf32>
    %swap3A_3001 = arith.constant 7 : i32
    %swap3A_3002 = arith.index_cast %swap3A_3001 : i32 to index
    %swap3A_3003 = arith.constant 48 : index
    %swap3A_3004 = tpu.vector_load %arg7[%swap3A_3002, %swap3A_3003] {strides = array<i32>} : memref<8x128xf32, #tpu.memory_space<vmem>>, vector<1x16xf32>,
    %swap3A_3005 = vector.shape_cast %swap3A_3004 : vector<1x16xf32> to vector<16xf32>
    %swap3A_3006 = vector.shape_cast %mul3A_3000 : vector<16xf32> to vector<1x16xf32>
    tpu.vector_store %arg7[%swap3A_3002, %swap3A_3003], %swap3A_3006 {strides = array<i32>} : memref<8x128xf32, #tpu.memory_space<vmem>>, vector<1x16xf32>,
    %mul3A_3007 = arith.constant 3.125000e-02 : f32
    %mul3A_3008 = vector.broadcast %mul3A_3007 : f32 to vector<16xf32>
    %mul3A_3009 = arith.mulf %add3A_2732, %mul3A_3008 : vector<16xf32>
    %swap3A_3010 = arith.constant 7 : i32
    %swap3A_3011 = arith.index_cast %swap3A_3010 : i32 to index
    %swap3A_3012 = arith.constant 64 : index
    %swap3A_3013 = tpu.vector_load %arg7[%swap3A_3011, %swap3A_3012] {strides = array<i32>} : memref<8x128xf32, #tpu.memory_space<vmem>>, vector<1x16xf32>,
    %swap3A_3014 = vector.shape_cast %swap3A_3013 : vector<1x16xf32> to vector<16xf32>
    %swap3A_3015 = vector.shape_cast %mul3A_3009 : vector<16xf32> to vector<1x16xf32>
    tpu.vector_store %arg7[%swap3A_3011, %swap3A_3012], %swap3A_3015 {strides = array<i32>} : memref<8x128xf32, #tpu.memory_space<vmem>>, vector<1x16xf32>,
    %mul3A_3016 = arith.constant 3.125000e-02 : f32
    %mul3A_3017 = vector.broadcast %mul3A_3016 : f32 to vector<16xf32>
    %mul3A_3018 = arith.mulf %add3A_2739, %mul3A_3017 : vector<16xf32>
    %swap3A_3019 = arith.constant 7 : i32
    %swap3A_3020 = arith.index_cast %swap3A_3019 : i32 to index
    %swap3A_3021 = arith.constant 80 : index
    %swap3A_3022 = tpu.vector_load %arg7[%swap3A_3020, %swap3A_3021] {strides = array<i32>} : memref<8x128xf32, #tpu.memory_space<vmem>>, vector<1x16xf32>,
    %swap3A_3023 = vector.shape_cast %swap3A_3022 : vector<1x16xf32> to vector<16xf32>
    %swap3A_3024 = vector.shape_cast %mul3A_3018 : vector<16xf32> to vector<1x16xf32>
    tpu.vector_store %arg7[%swap3A_3020, %swap3A_3021], %swap3A_3024 {strides = array<i32>} : memref<8x128xf32, #tpu.memory_space<vmem>>, vector<1x16xf32>,
    %mul3A_3025 = arith.constant 3.125000e-02 : f32
    %mul3A_3026 = vector.broadcast %mul3A_3025 : f32 to vector<16xf32>
    %mul3A_3027 = arith.mulf %add3A_2746, %mul3A_3026 : vector<16xf32>
    %swap3A_3028 = arith.constant 7 : i32
    %swap3A_3029 = arith.index_cast %swap3A_3028 : i32 to index
    %swap3A_3030 = arith.constant 96 : index
    %swap3A_3031 = tpu.vector_load %arg7[%swap3A_3029, %swap3A_3030] {strides = array<i32>} : memref<8x128xf32, #tpu.memory_space<vmem>>, vector<1x16xf32>,
    %swap3A_3032 = vector.shape_cast %swap3A_3031 : vector<1x16xf32> to vector<16xf32>
    %swap3A_3033 = vector.shape_cast %mul3A_3027 : vector<16xf32> to vector<1x16xf32>
    tpu.vector_store %arg7[%swap3A_3029, %swap3A_3030], %swap3A_3033 {strides = array<i32>} : memref<8x128xf32, #tpu.memory_space<vmem>>, vector<1x16xf32>,
    %mul3A_3034 = arith.constant 3.125000e-02 : f32
    %mul3A_3035 = vector.broadcast %mul3A_3034 : f32 to vector<16xf32>
    %mul3A_3036 = arith.mulf %add3A_2753, %mul3A_3035 : vector<16xf32>
    %swap3A_3037 = arith.constant 7 : i32
    %swap3A_3038 = arith.index_cast %swap3A_3037 : i32 to index
    %swap3A_3039 = arith.constant 112 : index
    %swap3A_3040 = tpu.vector_load %arg7[%swap3A_3038, %swap3A_3039] {strides = array<i32>} : memref<8x128xf32, #tpu.memory_space<vmem>>, vector<1x16xf32>,
    %swap3A_3041 = vector.shape_cast %swap3A_3040 : vector<1x16xf32> to vector<16xf32>
    %swap3A_3042 = vector.shape_cast %mul3A_3036 : vector<16xf32> to vector<1x16xf32>
    tpu.vector_store %arg7[%swap3A_3038, %swap3A_3039], %swap3A_3042 {strides = array<i32>} : memref<8x128xf32, #tpu.memory_space<vmem>>, vector<1x16xf32>,
    %lt3A_3043 = arith.constant 0 : i32
    %lt3A_3044 = arith.cmpi slt, %scan3A_23, %lt3A_3043 : i32
    %convert_element_type3A_3045 = arith.extui %lt3A_3044 : i1 to i32
    %cond3A_3046 = arith.constant 0 : i32
    %cond3A_3047 = arith.cmpi ne, %convert_element_type3A_3045, %cond3A_3046 : i32
    scf.if %cond3A_3047 {
      %add3A_3072 = arith.constant 2 : i32
      %add3A_3073 = arith.addi %add3A_1541, %add3A_3072 : i32
      %mul3A_3074 = arith.constant 32 : i32
      %mul3A_3075 = arith.muli %add3A_3073, %mul3A_3074 : i32
      %add3A_3076 = arith.addi %add3A, %mul3A_3075 : i32
      %min3A_3077 = arith.constant 49 : i32
      %min3A_3078 = arith.minsi %add3A_3076, %min3A_3077 : i32
      %mul3A_3079 = arith.constant 8 : i32
      %mul3A_3080 = arith.muli %min3A_3078, %mul3A_3079 : i32
      %dma_start3A_3081 = arith.constant 0 : i32
      %dma_start3A_3082 = arith.constant 0 : i32
      %dma_start3A_3083 = tpu.memref_slice %arg2[%mul3A_3080, %dma_start3A_3081, %dma_start3A_3082] : memref<400x32x128xf32, #tpu.memory_space<hbm>> -> memref<8x32x128xf32, #tpu.memory_space<hbm>>
      %dma_start3A_3084 = arith.constant 0 : i32
      %dma_start3A_3085 = arith.constant 0 : i32
      %dma_start3A_3086 = tpu.memref_slice %arg2[%mul3A_3080, %dma_start3A_3084, %dma_start3A_3085] : memref<400x32x128xf32, #tpu.memory_space<hbm>> -> memref<8x32x128xf32, #tpu.memory_space<hbm>>
      tpu.enqueue_dma source(%dma_start3A_3086 : memref<8x32x128xf32, #tpu.memory_space<hbm>>) target(%arg5 : memref<8x32x128xf32, #tpu.memory_space<vmem>>) target_semaphore(%arg9 : memref<!tpu.dma_semaphore, #tpu.memory_space<semaphore_mem>>)
    } else {
    }
    %mul3A_3048 = arith.constant 32 : i32
    %mul3A_3049 = arith.muli %add3A_1541, %mul3A_3048 : i32
    %add3A_3050 = arith.addi %add3A, %mul3A_3049 : i32
    %min3A_3051 = arith.constant 49 : i32
    %min3A_3052 = arith.minsi %add3A_3050, %min3A_3051 : i32
    %mul3A_3053 = arith.constant 8 : i32
    %mul3A_3054 = arith.muli %min3A_3052, %mul3A_3053 : i32
    %dma_start3A_3055 = arith.constant 0 : i32
    %dma_start3A_3056 = tpu.memref_slice %arg3[%mul3A_3054, %dma_start3A_3055] : memref<400x128xf32, #tpu.memory_space<hbm>> -> memref<8x128xf32, #tpu.memory_space<hbm>>
    %dma_start3A_3057 = arith.constant 0 : i32
    %dma_start3A_3058 = tpu.memref_slice %arg3[%mul3A_3054, %dma_start3A_3057] : memref<400x128xf32, #tpu.memory_space<hbm>> -> memref<8x128xf32, #tpu.memory_space<hbm>>
    tpu.enqueue_dma source(%arg7 : memref<8x128xf32, #tpu.memory_space<vmem>>) target(%dma_start3A_3058 : memref<8x128xf32, #tpu.memory_space<hbm>>) target_semaphore(%arg11 : memref<!tpu.dma_semaphore, #tpu.memory_space<semaphore_mem>>)
    %scan3A_3059 = arith.constant 1 : i32
    %dma_wait3A_3060 = arith.constant 0 : i32
    %dma_wait3A_3061 = arith.constant 0 : i32
    %dma_wait3A_3062 = tpu.memref_slice %arg3[%dma_wait3A_3060, %dma_wait3A_3061] : memref<400x128xf32, #tpu.memory_space<hbm>> -> memref<8x128xf32, #tpu.memory_space<hbm>>
    %dma_wait3A_3063 = arith.constant 0 : i32
    %dma_wait3A_3064 = arith.constant 0 : i32
    %dma_wait3A_3065 = tpu.memref_slice %arg3[%dma_wait3A_3063, %dma_wait3A_3064] : memref<400x128xf32, #tpu.memory_space<hbm>> -> memref<8x128xf32, #tpu.memory_space<hbm>>
    tpu.wait_dma2 semaphore(%arg10 : memref<!tpu.dma_semaphore, #tpu.memory_space<semaphore_mem>>) src(%arg6 : memref<8x128xf32, #tpu.memory_space<vmem>>) dst(%dma_wait3A_3065 : memref<8x128xf32, #tpu.memory_space<hbm>>)
    %dma_wait3A_3066 = arith.constant 0 : i32
    %dma_wait3A_3067 = arith.constant 0 : i32
    %dma_wait3A_3068 = tpu.memref_slice %arg3[%dma_wait3A_3066, %dma_wait3A_3067] : memref<400x128xf32, #tpu.memory_space<hbm>> -> memref<8x128xf32, #tpu.memory_space<hbm>>
    %dma_wait3A_3069 = arith.constant 0 : i32
    %dma_wait3A_3070 = arith.constant 0 : i32
    %dma_wait3A_3071 = tpu.memref_slice %arg3[%dma_wait3A_3069, %dma_wait3A_3070] : memref<400x128xf32, #tpu.memory_space<hbm>> -> memref<8x128xf32, #tpu.memory_space<hbm>>
    tpu.wait_dma2 semaphore(%arg11 : memref<!tpu.dma_semaphore, #tpu.memory_space<semaphore_mem>>) src(%arg7 : memref<8x128xf32, #tpu.memory_space<vmem>>) dst(%dma_wait3A_3071 : memref<8x128xf32, #tpu.memory_space<hbm>>)
    return
  }
}

module attributes {stable_mosaic.version = 14 : i64} {
  func.func @_tc_mean(%arg0: i32, %arg1: memref<400x32x128xf32, #tpu.memory_space<vmem>>, %arg2: memref<400x128xf32, #tpu.memory_space<vmem>>) attributes {dimension_semantics = [#tpu.dimension_semantics<arbitrary>], iteration_bounds = array<i64: 24>, scalar_prefetch = 0 : i64, scratch_operands = 0 : i64, tpu.core_type = #tpu.core_type<tc>, window_params = [{transform_indices = @transform_0, window_bounds = array<i64: 400, 32, 128>}, {transform_indices = @transform_1, window_bounds = array<i64: 400, 128>}]} {
    %get3A = arith.constant 0 : index
    %get3A_0 = arith.constant 0 : index
    %get3A_1 = arith.constant 0 : index
    %get3A_2 = vector.load %arg1[%get3A, %get3A_0, %get3A_1] : memref<400x32x128xf32, #tpu.memory_space<vmem>>, vector<400x32x128xf32>
    %reduce_sum3A = arith.constant dense<0.000000e+00> : vector<400x128xf32>
    %reduce_sum3A_3 = vector.multi_reduction <add>, %get3A_2, %reduce_sum3A [1] : vector<400x32x128xf32> to vector<400x128xf32>
    %mul3A = arith.constant 3.125000e-02 : f32
    %mul3A_4 = vector.broadcast %mul3A : f32 to vector<400x128xf32>
    %mul3A_5 = arith.mulf %reduce_sum3A_3, %mul3A_4 : vector<400x128xf32>
    %swap3A = arith.constant 0 : index
    %swap3A_6 = arith.constant 0 : index
    %swap3A_7 = vector.load %arg2[%swap3A, %swap3A_6] : memref<400x128xf32, #tpu.memory_space<vmem>>, vector<400x128xf32>
    tpu.vector_store %arg2[%swap3A, %swap3A_6], %mul3A_5 {strides = array<i32>} : memref<400x128xf32, #tpu.memory_space<vmem>>, vector<400x128xf32>,
    return
  }
  func.func @transform_0(%arg0: i32) -> (i32, i32, i32) {
    %c0_i32 = arith.constant 0 : i32
    %c0_i32_0 = arith.constant 0 : i32
    %c0_i32_1 = arith.constant 0 : i32
    return %arg0, %c0_i32, %c0_i32_0 : i32, i32, i32
  }
  func.func @transform_1(%arg0: i32) -> (i32, i32) {
    %c0_i32 = arith.constant 0 : i32
    %c0_i32_0 = arith.constant 0 : i32
    return %arg0, %c0_i32 : i32, i32
  }
}

</mosaic_0001>

<sc_bundles>
// kernel: kernel.4.cloned.1.call-start
scs
__scs_entry_jumppad:
0x0: {  	(pc) =	sbr.rel $0x88, $3  }
0x1: {  	(tag) =	ssettag $0x0;
	lr =	simm.s32 $0x1  }
0x2: {  	[smem:$0x3FA0] =	sst lr;
	_ =	strace $0xD0000000  }
0x3: {  	_ = 	snop  }
0x4: {  	_ = 	snop  }
0x5: {  	_ = 	snop  }
0x6: {  	_ = 	snop  }
0x7: {  	_ = 	snop  }
__scs_overlays_trampoline_lowered:
0x8: {  	[smem:$0x3FAF] =	sst s0  }
0x9: {  	[smem:$0x3FB0] =	sst s1  }
0xa: {  	[smem:$0x3FB1] =	sst s2  }
0xb: {  	[smem:$0x3FB2] =	sst s3  }
0xc: {  	[smem:$0x3FB3] =	sst s4  }
0xd: {  	[smem:$0x3FB4] =	sst s5  }
0xe: {  	[smem:$0x3FB5] =	sst s6  }
0xf: {  	[smem:$0x3FB6] =	sst s7  }
0x10: {  	[smem:$0x3FB7] =	sst s8  }
0x11: {  	[smem:$0x3FB8] =	sst s9;
	s0 =	simm.s32 @!p0 $0x0  }
0x12: {  	s1 =	sld [smem:$0x3F9E];
	s0 =	simm.s32 @p0 $0x1  }
0x13: {  	[smem:$0x3FB9] =	sst s0;
	s0 =	simm.s32 @!p1 $0x0  }
0x14: {  	s2 =	sld [smem:$0x3F9D];
	s0 =	simm.s32 @p1 $0x1  }
0x15: {  	[smem:$0x3FBA] =	sst s0;
	s0 =	simm.s32 @!p2 $0x0  }
0x16: {  	s3 =	sld [smem:$0x3FDB];
	s0 =	simm.s32 @p2 $0x1  }
0x17: {  	s4 =	simm.s32 $0x1BF5;
	[smem:$0x3FBC] =	sst s0  }
0x18: {  	s0 =	sld [smem:$0x3F9F];
	_ =	swait.ge [sflag:s4], $0x0  }
0x19: {  	s7 =	sld [smem:$0x3FA0]  }
0x1a: {  	s8 =	sadd.s32 $0xFFFFE003, lr  }
0x1b: {  	s9 =	sadd.s32 $0xFFFFFEF7, lr;
	s5 =	simm.s32 $0xFFFFFFFF;
	p2 =	slt.u32 s8, $0xFFFFF086  }
0x1c: {  	p1 =	slt.u32 s9, $0xF7A;
	s5 =	simm.s32 @!p2 $0x0  }
0x1d: {  	s5 =	simm.s32 @p1 $0x1;
	p0 =	seq.s32 s7, s2  }
0x1e: {  	s7 =	smul.u32 @!p0 $0xF7A, s2;
	p2 =	seq.s32 @!p0 s5, $0x0  }
0x1f: {  	s9 =	smul.u32 $0xF7A, s1;
	s8 =	simm.s32 @!p0 $0x1BF5;
	p2 =	por !p2, p0  }
0x20: {  	[sflag:s8] =	ssyncset.s32 @!p0 $0xFFFFF086;
	s6 =	sadd.s32 @!p0 s3, s7;
	s7 =	simm.s32 @!p0 $0x108  }
0x21: {  	s3 =	sadd.s32 s3, s9;
	s6 =	sadd.s32 @!p0 $0x88, s6;
	s7 =	simm.s32 @p2 $0x1082  }
0x22: {  	[simem:s7], [sflag:s8] =	dma.local @!p0 [hbm:s6], $0xF7A  }
0x23: {  	s9 =	sor.u32 $0xD0000000, s2;
	s6 =	simm.s32 $0x108;
	_ =	swait.ge @!p0 [sflag:s8], $0x0  }
0x24: {  	s3 =	sadd.s32 $0x88, s3;
	s6 =	simm.s32 @!p1 $0x1082;
	[sflag:s4] =	ssyncset.s32 $0xFFFFF086  }
0x25: {  	[simem:s6], [sflag:s4] =	dma.local [hbm:s3], $0xF7A  }
0x26: {  	[smem:$0x3FA0] =	sst s1;
	(tag) =	ssettag s2;
	_ =	strace s9  }
0x27: {  	s1 =	sld [smem:$0x3FB0]  }
0x28: {  	s2 =	sld [smem:$0x3FB1]  }
0x29: {  	s4 =	sld [smem:$0x3FB3]  }
0x2a: {  	p0 =	seq.s32 s5, $0x0;
	s5 =	sld [smem:$0x3FB4]  }
0x2b: {  	s6 =	sld [smem:$0x3FB5]  }
0x2c: {  	s7 =	sld [smem:$0x3FB6]  }
0x2d: {  	s3 =	simm.s32 $0x108;
	s8 =	sld [smem:$0x3FB7]  }
0x2e: {  	s3 =	simm.s32 @!p0 $0x1082;
	s9 =	sld [smem:$0x3FB8]  }
0x2f: {  	lr =	sadd.s32 s0, s3;
	s0 =	sld [smem:$0x3FAF]  }
0x30: {  	s3 =	sld [smem:$0x3FB2]  }
0x31: {  	[smem:$0x3FBB] =	sst s10  }
0x32: {  	s10 =	sld [smem:$0x3FB9];
	_ =	sdelay $0x3  }
0x33: {  	p0 =	seq.s32 s10, $0x1;
	s10 =	sld [smem:$0x3FBB];
	_ =	sdelay $0x3  }
0x34: {  	[smem:$0x3FBB] =	sst s10  }
0x35: {  	s10 =	sld [smem:$0x3FBA];
	_ =	sdelay $0x3  }
0x36: {  	p1 =	seq.s32 s10, $0x1;
	s10 =	sld [smem:$0x3FBB];
	_ =	sdelay $0x3  }
0x37: {  	[smem:$0x3FBB] =	sst s10  }
0x38: {  	s10 =	sld [smem:$0x3FBC]  }
0x39: {  	_ = 	snop;
	(pc) =	sbr.ind lr, $3  }
0x3a: {  	_ = 	snop  }
0x3b: {  	_ = 	snop  }
0x3c: {  	p2 =	seq.s32 s10, $0x1;
	s10 =	sld [smem:$0x3FBB]  }
0x3d: {  	_ =	shalt  }
0x3e: {  	_ =	shalt  }
0x3f: {  	_ =	shalt  }
0x40: {  	_ =	shalt  }
0x41: {  	_ =	shalt  }
0x42: {  	_ =	shalt  }
0x43: {  	_ =	shalt  }
0x44: {  	_ =	shalt  }
0x45: {  	_ =	shalt  }
0x46: {  	_ =	shalt  }
0x47: {  	_ =	shalt  }
0x48: {  	_ =	shalt  }
0x49: {  	_ =	shalt  }
0x4a: {  	_ =	shalt  }
0x4b: {  	_ =	shalt  }
0x4c: {  	_ =	shalt  }
0x4d: {  	_ =	shalt  }
0x4e: {  	_ =	shalt  }
0x4f: {  	_ =	shalt  }
0x50: {  	_ =	shalt  }
0x51: {  	_ =	shalt  }
0x52: {  	_ =	shalt  }
0x53: {  	_ =	shalt  }
0x54: {  	_ =	shalt  }
0x55: {  	_ =	shalt  }
0x56: {  	_ =	shalt  }
0x57: {  	_ =	shalt  }
0x58: {  	_ =	shalt  }
0x59: {  	_ =	shalt  }
0x5a: {  	_ =	shalt  }
0x5b: {  	_ =	shalt  }
0x5c: {  	_ =	shalt  }
0x5d: {  	_ =	shalt  }
0x5e: {  	_ =	shalt  }
0x5f: {  	_ =	shalt  }
0x60: {  	_ =	shalt  }
0x61: {  	_ =	shalt  }
0x62: {  	_ =	shalt  }
0x63: {  	_ =	shalt  }
0x64: {  	_ =	shalt  }
0x65: {  	_ =	shalt  }
0x66: {  	_ =	shalt  }
0x67: {  	_ =	shalt  }
0x68: {  	_ =	shalt  }
0x69: {  	_ =	shalt  }
0x6a: {  	_ =	shalt  }
0x6b: {  	_ =	shalt  }
0x6c: {  	_ =	shalt  }
0x6d: {  	_ =	shalt  }
0x6e: {  	_ =	shalt  }
0x6f: {  	_ =	shalt  }
0x70: {  	_ =	shalt  }
0x71: {  	_ =	shalt  }
0x72: {  	_ =	shalt  }
0x73: {  	_ =	shalt  }
0x74: {  	_ =	shalt  }
0x75: {  	_ =	shalt  }
0x76: {  	_ =	shalt  }
0x77: {  	_ =	shalt  }
0x78: {  	_ =	shalt  }
0x79: {  	_ =	shalt  }
0x7a: {  	_ =	shalt  }
0x7b: {  	_ =	shalt  }
0x7c: {  	_ =	shalt  }
0x7d: {  	_ =	shalt  }
0x7e: {  	_ =	shalt  }
0x7f: {  	_ =	shalt  }
0x80: {  	_ =	shalt  }
0x81: {  	_ =	shalt  }
0x82: {  	_ =	shalt  }
0x83: {  	_ =	shalt  }
0x84: {  	_ =	shalt  }
0x85: {  	_ =	shalt  }
0x86: {  	_ =	shalt  }
0x87: {  	_ =	shalt  }
.Lfunc_end0:
.L_simem_size_0:
called_computation_lowered:
.L_overlay_start_0:
0x88: {  	s2 =	sld [smem:$0x3FD9]  }
0x89: {  	s3 =	sld [smem:$0x3FFE];
	_ =	sdelay $0x1  }
0x8a: {  	s1 =	srdreg.scid  }
0x8b: {  	s0 =	sand.u32 $0x1, s1  }
0x8c: {  	s16 =	sshll.u32 s0, $0xA;
	s2 =	sadd.s32 s3, s2  }
0x8d: {  	s2 =	sadd.s32 s2, s16  }
0x8e: {  	[smem:$0x3FC7] =	sst s2  }
0x8f: {  	_ = 	snop  }
0x90: {  	(tm) =	ssettm $0x1  }
0x91: {  	s17 =	sld [smem:$0x3FFB];
	_ =	sdelay $0x3  }
0x92: {  	_ =	strace s17  }
0x93: {  	s2 =	sld [smem:$0x3FFC];
	_ =	sdelay $0x3  }
0x94: {  	_ =	strace s2  }
0x95: {  	s2 =	sld [smem:$0x3FFD];
	_ =	sdelay $0x3  }
0x96: {  	_ =	strace s2  }
0x97: {  	_ =	strace $0x8FFFFFFF  }
0x98: {  	s18 =	sld [smem:$0x3FDB];
	_ =	sdelay $0x1  }
0x99: {  	s19 =	simm.s32 $_scs_section_size  }
0x9a: {  	s4 =	simm.s32 $_size__tile_overlayer_lowered;
	s5 =	simm.s32 $_tile_overlayer_lowered  }
0x9b: {  	s22 =	simm.s32 $0x1BFF;
	s21 =	sshll.u32 s5, $0x1;
	s2 =	sadd.s32 s19, s18  }
0x9c: {  	s6 =	simm.s32 $0x0;
	s20 =	sshll.u32 s4, $0x1;
	s4 =	sadd.s32 s21, s2  }
0x9d: {  	[timem:s6], [sflag:s22] =	dma.local [hbm:s4], s20  }
0x9e: {  	_ =	swait.ge [sflag:s22], s20  }
0x9f: {  	s3 =	ssub.s32 $0x0, s20;
	[sflag:s22] =	ssyncset.done $0x0  }
0xa0: {  	[sflag:s22] =	ssyncadd.s32 s3;
	_ =	sdelay $0x1  }
0xa1: {  	s23 =	simm.s32 $0x1B8B  }
0xa2: {  	_ =	swait.ge [sflag:s23], $0x1  }
0xa3: {  	[sflag:s23] =	ssyncset.done $0x0  }
0xa4: {  	s25 =	simm.s32 $0x1B8E;
	s24 =	sld [smem:$0x3FFE];
	[sflag:s23] =	ssyncadd.s32 $0xFFFFFFFF  }
0xa5: {  	s26 =	simm.s32 $execute0_lowered;
	[smem:$0x3FD2] =	sst s25  }
0xa6: {  	s4 =	sshll.u32 s26, $0x1;
	_ =	strace $0x80000046;
	[dreg:$0x1] =	wrdreg $0xFFFFFFFF  }
0xa7: {  	s28 =	simm.s32 $_size_execute0_lowered;
	s2 =	sadd.s32 s2, s4;
	[dreg:$0x0] =	wrdreg $0x0  }
0xa8: {  	s4 =	sshll.u32 s28, $0x1;
	[dreg:$0x2] =	wrdreg s2  }
0xa9: {  	[dreg:$0x3] =	wrdreg s4  }
0xaa: {  	[dreg:$0x4] =	wrdreg $0xC0  }
0xab: {  	_ =	task [dreg:s6], $0x5FFFF  }
0xac: {  	[dreg:$0x1] =	wrdreg $0xFFFFFFFF  }
0xad: {  	[dreg:$0x0] =	wrdreg $0x60  }
0xae: {  	[dreg:$0x2] =	wrdreg s24  }
0xaf: {  	[dreg:$0x3] =	wrdreg $0x9  }
0xb0: {  	_ =	task.clear_ibuf [dreg:s6], $0x4FFFF;
	_ =	strace $0x90000046  }
0xb1: {  	s29 =	simm.s32 $0x9;
	_ =	strace $0x80000048  }
0xb2: {  	_ =	swait.ge [sflag:s29], $0x1  }
0xb3: {  	[sflag:s29] =	ssyncadd.s32 $0xFFFFFFFF  }
0xb4: {  	_ =	strace $0x90000048  }
0xb5: {  	_ =	sfence  }
0xb6: {  	s30 =	sld [smem:$0x0];
	_ =	sdelay $0x2  }
0xb7: {  	s31 =	sshll.u32 s1, $0xD;
	s1 =	sshrl.u32 s1, $0x2  }
0xb8: {  	s3 =	sand.u32 $0x4000, s31;
	s1 =	sadd.s32 s1, s30  }
0xb9: {  	s0 =	sor.u32 s3, s0;
	s1 =	sshll.u32 s1, $0x11  }
0xba: {  	s0 =	sor.u32 s1, s0  }
0xbb: {  	s0 =	sadd.s32 $0x8F2B, s0  }
0xbc: {  	[sflag:s0] =	ssyncadd.remote.s32 $0x1  }
0xbd: {  	_ =	sfence.sel $0xFFFF  }
0xbe: {  	[dreg:$0x0] =	wrdreg $0xFFFFFFFF;
	(pc) =	sbr.abs _section_cstart, $3  }
0xbf: {  	[dreg:$0x1] =	wrdreg $0xFFFFFFFF  }
0xc0: {  	_ =	task.clear_ibuf [dreg:s6], $0x2FFFF;
	_ =	strace $0x9FFFFFFF  }
0xc1: {  	(tm) =	ssettm $0x7FFFFFFF  }
tec
execute0_lowered:
.L_overlay_start_1:
0x0: {  	(tag) =	ssettag $0x1  }
0x1: {  	s3 =	rddreg [dreg:$0x0]  }
0x2: {  	s0 =	rddreg [dreg:$0x1];
	s1 =	simm.s32 $0x0;
	s2 =	srdreg.scid  }
0x3: {  	s11 =	simm.s32 $0x2;
	s12 =	simm.s32 $0x10400;
	s13 =	simm.s32 $0x3  }
0x4: {  	s14 =	simm.s32 $0x4;
	s15 =	simm.s32 $0x0;
	[smem:$0x7FF] =	sst s1  }
0x5: {  	s4 =	sand.u32 $0x1, s2;
	s5 =	sadd.s32 $0x400, s3;
	s2 =	stileid.u32  }
0x6: {  	s7 =	sadd.s32 $0x32400, s3;
	s6 =	sshll.u32 s4, $0x4;
	s25 =	ssub.s32 $0x2, s4  }
0x7: {  	_ =	strace $0x80000047;
	s26 =	sor.u32 s2, s6;
	s28 =	sshrl.u32 s25, $0x1  }
0x8: {  	s8 =	sshll.u32 s26, $0xC;
	s9 =	smin.u32 s26, $0x11;
	s10 =	ssub.s32 s25, s28  }
0x9: {  	s31 =	sshll.u32 s26, $0x7;
	s3 =	sadd.s32 s5, s8;
	s29 =	sor.u32 $0x20, s9  }
0xa: {  	s8 =	simm.s32 $0x8000;
	s9 =	simm.s32 $0x1;
	s30 =	sshll.u32 s29, $0xC  }
0xb: {  	s6 =	sshll.u32 s29, $0x7;
	s4 =	sadd.s32 s5, s30;
	s5 =	sadd.s32 s7, s31  }
0xc: {  	s6 =	sadd.s32 s7, s6;
	s7 =	smax.u32 s10, $0x1;
	s10 =	simm.s32 $0x10000  }
.LBB2_1:
0xd: {  	[tilespmem:s1], [sflag:$0x1] =	stream.linear.gather [hbm4b:s3+s1], $0x8000, $0x38;
	[tilespmem:$0x10800] =	vst v63  }
0xe: {  	_ = 	snop  }
0xf: {  	[tilespmem:s8], [sflag:$0x2] =	stream.linear.gather [hbm4b:s4+s1], $0x8000, $0x38;
	[tilespmem:$0x10800] =	vst v63  }
0x10: {  	_ =	swait.ge [sflag:s9], $0x8000  }
0x11: {  	[sflag:s9] =	ssyncset.done $0x0  }
0x12: {  	[sflag:s9] =	ssyncadd.s32 $0xFFFF8000  }
0x13: {  	v10 =	vld [tilespmem:$0x0]  }
0x14: {  	v11 =	vld [tilespmem:$0x10]  }
0x15: {  	v14 =	vld [tilespmem:$0x20]  }
0x16: {  	v13 =	vld [tilespmem:$0x30]  }
0x17: {  	v16 =	vld [tilespmem:$0x40]  }
0x18: {  	v17 =	vld [tilespmem:$0x50]  }
0x19: {  	v18 =	vld [tilespmem:$0x60]  }
0x1a: {  	v19 =	vld [tilespmem:$0x70]  }
0x1b: {  	v20 =	vld [tilespmem:$0x1000]  }
0x1c: {  	v21 =	vld [tilespmem:$0x1010]  }
0x1d: {  	v24 =	vld [tilespmem:$0x1020]  }
0x1e: {  	v35 =	vld [tilespmem:$0x1030]  }
0x1f: {  	v36 =	vld [tilespmem:$0x1040]  }
0x20: {  	v38 =	vld [tilespmem:$0x1050]  }
0x21: {  	v39 =	vld [tilespmem:$0x1060]  }
0x22: {  	v40 =	vld [tilespmem:$0x1070]  }
0x23: {  	v43 =	vld [tilespmem:$0x2000]  }
0x24: {  	v41 =	vld [tilespmem:$0x2010]  }
0x25: {  	v44 =	vld [tilespmem:$0x2020]  }
0x26: {  	v45 =	vld [tilespmem:$0x2030]  }
0x27: {  	v46 =	vld [tilespmem:$0x2040]  }
0x28: {  	v0 =	vld [tilespmem:$0x2050]  }
0x29: {  	v5 =	vld [tilespmem:$0x2060]  }
0x2a: {  	v59 =	vld [tilespmem:$0x2070]  }
0x2b: {  	v3 =	vld [tilespmem:$0x3000]  }
0x2c: {  	v4 =	vld [tilespmem:$0x3010]  }
0x2d: {  	v1 =	vld [tilespmem:$0x3020]  }
0x2e: {  	v2 =	vld [tilespmem:$0x3030]  }
0x2f: {  	v60 =	vld [tilespmem:$0x3040]  }
0x30: {  	v61 =	vld [tilespmem:$0x3050]  }
0x31: {  	v62 =	vld [tilespmem:$0x3060]  }
0x32: {  	s17 =	simm.s32 $0x2080;
	v63 =	vld [tilespmem:$0x3070]  }
0x33: {  	v22 =	vld [tilespmem:s17+$0xFFFFE080]  }
0x34: {  	v23 =	vld [tilespmem:s17+$0xFFFFE090]  }
0x35: {  	v25 =	vld [tilespmem:s17+$0xFFFFE0A0]  }
0x36: {  	v26 =	vld [tilespmem:s17+$0xFFFFE0B0]  }
0x37: {  	v27 =	vld [tilespmem:s17+$0xFFFFE0C0]  }
0x38: {  	v28 =	vld [tilespmem:s17+$0xFFFFE0D0]  }
0x39: {  	v47 =	vld [tilespmem:s17+$0xFFFFE0E0]  }
0x3a: {  	v48 =	vld [tilespmem:s17+$0xFFFFE0F0]  }
0x3b: {  	v49 =	vld [tilespmem:s17+$0xFFFFF080]  }
0x3c: {  	v50 =	vld [tilespmem:s17+$0xFFFFF090]  }
0x3d: {  	v51 =	vld [tilespmem:s17+$0xFFFFF0A0]  }
0x3e: {  	v52 =	vld [tilespmem:s17+$0xFFFFF0B0]  }
0x3f: {  	v53 =	vld [tilespmem:s17+$0xFFFFF0C0]  }
0x40: {  	v54 =	vld [tilespmem:s17+$0xFFFFF0D0]  }
0x41: {  	v55 =	vld [tilespmem:s17+$0xFFFFF0E0]  }
0x42: {  	v56 =	vld [tilespmem:s17+$0xFFFFF0F0]  }
0x43: {  	v57 =	vld [tilespmem:s17+$0x80]  }
0x44: {  	v58 =	vld [tilespmem:s17+$0x90]  }
0x45: {  	v34 =	vld [tilespmem:s17+$0xF0]  }
0x46: {  	v37 =	vld [tilespmem:s17+$0x1080]  }
0x47: {  	v42 =	vld [tilespmem:s17+$0x1090]  }
0x48: {  	v7 =	vld [tilespmem:s17+$0x10A0]  }
0x49: {  	v6 =	vld [tilespmem:s17+$0x10B0]  }
0x4a: {  	v32 =	vld [tilespmem:s17+$0x10C0]  }
0x4b: {  	v33 =	vld [tilespmem:s17+$0x10D0]  }
0x4c: {  	v29 =	vld [tilespmem:s17+$0xFFFFE000]  }
0x4d: {  	v30 =	vld [tilespmem:s17+$0xFFFFE010]  }
0x4e: {  	v31 =	vld [tilespmem:s17+$0xFFFFE020]  }
0x4f: {  	v9 =	vld [tilespmem:s17+$0xFFFFE050]  }
0x50: {  	v12 =	vld [tilespmem:s17+$0xFFFFE060]  }
0x51: {  	v8 =	vld [tilespmem:s17+$0xFFFFE070]  }
0x52: {  	v15 =	vld [tilespmem:s17+$0xFFFFF000]  }
0x53: {  	[tilespmem:$0x1FFF0] =	vst v59;
	v59 =	vld [tilespmem:s17+$0xA0]  }
0x54: {  	[tilespmem:$0x1FF80] =	vst v60;
	v60 =	vld [tilespmem:s17+$0xB0]  }
0x55: {  	[tilespmem:$0x1FF90] =	vst v61;
	v61 =	vld [tilespmem:s17+$0xC0]  }
0x56: {  	[tilespmem:$0x1FFA0] =	vst v62;
	v62 =	vld [tilespmem:s17+$0xD0]  }
0x57: {  	[tilespmem:$0x1FFC0] =	vst v32;
	v32 =	vld [tilespmem:s17+$0xFFFFE030];
	v11 =	vadd.f32 v30, v11  }
0x58: {  	[tilespmem:$0x1FFD0] =	vst v33;
	v33 =	vld [tilespmem:s17+$0xFFFFE040];
	v10 =	vadd.f32 v29, v10;
	v14 =	vadd.f32 v31, v14  }
0x59: {  	v8 =	vadd.f32 v8, v19;
	v29 =	vadd.f32 v23, v11;
	v11 =	vld [tilespmem:s17+$0xFFFFF020]  }
0x5a: {  	v30 =	vadd.f32 v25, v14;
	v14 =	vld [tilespmem:s17+$0xFFFFF030]  }
0x5b: {  	v9 =	vadd.f32 v9, v17;
	v23 =	vadd.f32 v48, v8;
	v8 =	vld [tilespmem:s17+$0xFFFFF060]  }
0x5c: {  	[tilespmem:$0x1FFB0] =	vst v63;
	v63 =	vld [tilespmem:s17+$0xE0];
	v12 =	vadd.f32 v12, v18;
	v13 =	vadd.f32 v32, v13  }
0x5d: {  	v31 =	vadd.f32 v28, v9;
	v9 =	vld [tilespmem:s17+$0xFFFFF050];
	v32 =	vadd.f32 v22, v10  }
0x5e: {  	v10 =	vld [tilespmem:s17+$0xFFFFF010];
	v26 =	vadd.f32 v26, v13;
	v13 =	vadd.f32 v33, v16  }
0x5f: {  	v16 =	vld [tilespmem:s17+$0xFFFFF040];
	v11 =	vadd.f32 v11, v24;
	v14 =	vadd.f32 v14, v35  }
0x60: {  	v8 =	vadd.f32 v8, v39;
	v33 =	vadd.f32 v27, v13;
	v13 =	vld [tilespmem:s17+$0xFFFFF070]  }
0x61: {  	v27 =	vadd.f32 v47, v12;
	v12 =	vadd.f32 v15, v20;
	v15 =	vld [tilespmem:s17+$0x0]  }
0x62: {  	v9 =	vadd.f32 v9, v38;
	v22 =	vadd.f32 v51, v11;
	v11 =	vld [tilespmem:s17+$0x20]  }
0x63: {  	v19 =	vadd.f32 v52, v14;
	v14 =	vld [tilespmem:s17+$0x30];
	v18 =	vadd.f32 v55, v8  }
0x64: {  	v52 =	vld [tilespmem:s17+$0x40];
	v10 =	vadd.f32 v10, v21;
	v21 =	vadd.f32 v54, v9  }
0x65: {  	v8 =	vld [tilespmem:s17+$0x60];
	v28 =	vadd.f32 v49, v12;
	v12 =	vadd.f32 v16, v36  }
0x66: {  	v9 =	vld [tilespmem:s17+$0x50];
	v25 =	vadd.f32 v50, v10;
	v13 =	vadd.f32 v13, v40  }
0x67: {  	v10 =	vld [tilespmem:s17+$0x10];
	v24 =	vadd.f32 v53, v12;
	v12 =	vadd.f32 v15, v43  }
0x68: {  	[tilespmem:$0x1FFE0] =	vst v0;
	v15 =	vld [tilespmem:s17+$0x70];
	v11 =	vadd.f32 v11, v44  }
0x69: {  	v16 =	vadd.f32 v56, v13;
	v20 =	vadd.f32 v57, v12;
	v57 =	vld [tilespmem:$0x1FFE0]  }
0x6a: {  	v13 =	vadd.f32 v14, v45;
	v14 =	vadd.f32 v59, v11;
	v59 =	vld [tilespmem:$0x1FFF0]  }
0x6b: {  	v55 =	vld [tilespmem:s17+$0x1000]  }
0x6c: {  	v56 =	vld [tilespmem:s17+$0x1010];
	v10 =	vadd.f32 v10, v41  }
0x6d: {  	v8 =	vadd.f32 v8, v5;
	v11 =	vld [tilespmem:s17+$0x1020];
	v13 =	vadd.f32 v60, v13  }
0x6e: {  	v17 =	vadd.f32 v58, v10;
	v10 =	vadd.f32 v52, v46;
	v58 =	vld [tilespmem:s17+$0x1030]  }
0x6f: {  	v39 =	vld [tilespmem:s17+$0x1050];
	v9 =	vadd.f32 v9, v57;
	v60 =	vadd.f32 v15, v59  }
0x70: {  	v38 =	vld [tilespmem:s17+$0x1060];
	v15 =	vadd.f32 v61, v10;
	v10 =	vadd.f32 v63, v8  }
0x71: {  	v36 =	vld [tilespmem:s17+$0x10E0];
	v63 =	vadd.f32 v56, v4;
	v12 =	vadd.f32 v62, v9  }
0x72: {  	v40 =	vld [tilespmem:s17+$0x1040];
	v8 =	vadd.f32 v34, v60;
	v9 =	vadd.f32 v55, v3  }
0x73: {  	v41 =	vld [tilespmem:s17+$0x1070];
	v34 =	vadd.f32 v11, v1;
	v35 =	vadd.f32 v58, v2  }
0x74: {  	s16 =	simm.s32 $0x1;
	v11 =	vadd.f32 v37, v9;
	v9 =	vadd.f32 v42, v63;
	v37 =	vld [tilespmem:s17+$0x10F0];
	s17 =	simm.s32 $0x2180  }
.LBB2_2:
0x75: {  	v43 =	vld [tilespmem:s17+$0xFFFFE080]  }
0x76: {  	v44 =	vld [tilespmem:s17+$0xFFFFE090]  }
0x77: {  	v0 =	vld [tilespmem:$0x1FF80]  }
0x78: {  	v58 =	vld [tilespmem:$0x1FF90]  }
0x79: {  	v59 =	vld [tilespmem:$0x1FFA0]  }
0x7a: {  	v60 =	vld [tilespmem:$0x1FFB0]  }
0x7b: {  	v4 =	vld [tilespmem:$0x1FFC0]  }
0x7c: {  	v61 =	vld [tilespmem:$0x1FFD0]  }
0x7d: {  	v45 =	vld [tilespmem:s17+$0xFFFFE0F0]  }
0x7e: {  	v46 =	vld [tilespmem:s17+$0xFFFFF080]  }
0x7f: {  	v47 =	vld [tilespmem:s17+$0xFFFFF090]  }
0x80: {  	v48 =	vld [tilespmem:s17+$0xFFFFF0A0]  }
0x81: {  	v49 =	vld [tilespmem:s17+$0xFFFFF0B0]  }
0x82: {  	v50 =	vld [tilespmem:s17+$0xFFFFF0C0]  }
0x83: {  	v51 =	vld [tilespmem:s17+$0xFFFFF0D0]  }
0x84: {  	v52 =	vld [tilespmem:s17+$0xFFFFF0E0]  }
0x85: {  	v53 =	vld [tilespmem:s17+$0xFFFFF0F0]  }
0x86: {  	v54 =	vld [tilespmem:s17+$0x80]  }
0x87: {  	v55 =	vld [tilespmem:s17+$0x90]  }
0x88: {  	v56 =	vld [tilespmem:s17+$0xA0]  }
0x89: {  	v57 =	vld [tilespmem:s17+$0xB0]  }
0x8a: {  	v42 =	vld [tilespmem:s17+$0x1090]  }
0x8b: {  	v62 =	vld [tilespmem:s17+$0x10C0]  }
0x8c: {  	v63 =	vld [tilespmem:s17+$0x10D0]  }
0x8d: {  	v5 =	vld [tilespmem:s17+$0xFFFFF010]  }
0x8e: {  	v34 =	vadd.f32 v7, v34;
	v7 =	vld [tilespmem:s17+$0x10A0]  }
0x8f: {  	v35 =	vadd.f32 v6, v35;
	v6 =	vld [tilespmem:s17+$0x10B0]  }
0x90: {  	v2 =	vadd.f32 v39, v58;
	v39 =	vld [tilespmem:s17+$0xFFFFE0A0]  }
0x91: {  	v1 =	vadd.f32 v38, v59;
	v38 =	vld [tilespmem:s17+$0xFFFFE0B0]  }
0x92: {  	v3 =	vadd.f32 v40, v0;
	v40 =	vld [tilespmem:s17+$0xFFFFE0C0]  }
0x93: {  	v0 =	vadd.f32 v41, v60;
	v41 =	vld [tilespmem:s17+$0xFFFFE0E0]  }
0x94: {  	v58 =	vld [tilespmem:s17+$0xC0]  }
0x95: {  	v59 =	vld [tilespmem:s17+$0xD0]  }
0x96: {  	v60 =	vld [tilespmem:s17+$0xE0]  }
0x97: {  	[tilespmem:$0x1FFC0] =	vst v62;
	v62 =	vld [tilespmem:s17+$0xFFFFE000]  }
0x98: {  	[tilespmem:$0x1FFD0] =	vst v63;
	v63 =	vld [tilespmem:s17+$0xFFFFE010]  }
0x99: {  	v1 =	vadd.f32 v36, v1;
	v36 =	vld [tilespmem:s17+$0xFFFFE0D0]  }
0x9a: {  	v2 =	vadd.f32 v61, v2;
	v0 =	vadd.f32 v37, v0;
	v61 =	vld [tilespmem:s17+$0xF0]  }
0x9b: {  	v3 =	vadd.f32 v4, v3;
	v4 =	vld [tilespmem:s17+$0xFFFFE060]  }
0x9c: {  	[tilespmem:$0x1FFB0] =	vst v0;
	v0 =	vld [tilespmem:s17+$0xFFFFE020]  }
0x9d: {  	[tilespmem:$0x1FFA0] =	vst v1;
	v1 =	vld [tilespmem:s17+$0xFFFFE030]  }
0x9e: {  	[tilespmem:$0x1FF90] =	vst v2;
	v2 =	vld [tilespmem:s17+$0xFFFFE040]  }
0x9f: {  	v32 =	vadd.f32 v62, v32;
	v29 =	vadd.f32 v63, v29;
	v62 =	vld [tilespmem:s17+$0xFFFFE070]  }
0xa0: {  	v63 =	vld [tilespmem:s17+$0xFFFFF000]  }
0xa1: {  	[tilespmem:$0x1FF80] =	vst v3;
	v3 =	vld [tilespmem:s17+$0xFFFFE050];
	v32 =	vadd.f32 v43, v32;
	v29 =	vadd.f32 v44, v29  }
0xa2: {  	v37 =	vld [tilespmem:s17+$0x1080];
	v44 =	vadd.f32 v4, v27;
	v0 =	vadd.f32 v0, v30  }
0xa3: {  	v43 =	vld [tilespmem:s17+$0xFFFFF020];
	v1 =	vadd.f32 v1, v26;
	v33 =	vadd.f32 v2, v33  }
0xa4: {  	v2 =	vld [tilespmem:s17+$0xFFFFF030];
	v27 =	vadd.f32 v41, v44;
	v4 =	vadd.f32 v62, v23  }
0xa5: {  	v44 =	vadd.f32 v63, v28;
	v26 =	vadd.f32 v38, v1;
	v38 =	vld [tilespmem:s17+$0xFFFFF040]  }
0xa6: {  	v30 =	vadd.f32 v39, v0;
	v1 =	vadd.f32 v3, v31;
	v39 =	vld [tilespmem:s17+$0xFFFFF050]  }
0xa7: {  	v33 =	vadd.f32 v40, v33;
	v0 =	vld [tilespmem:s17+$0xFFFFF060];
	v23 =	vadd.f32 v45, v4  }
0xa8: {  	v45 =	vadd.f32 v5, v25;
	v4 =	vld [tilespmem:s17+$0xFFFFF070];
	v5 =	vadd.f32 v43, v22  }
0xa9: {  	v28 =	vadd.f32 v46, v44;
	v44 =	vld [tilespmem:s17+$0x20];
	v2 =	vadd.f32 v2, v19  }
0xaa: {  	v62 =	vld [tilespmem:s17+$0x0];
	v31 =	vadd.f32 v36, v1;
	v25 =	vadd.f32 v47, v45  }
0xab: {  	v63 =	vld [tilespmem:s17+$0x10];
	v22 =	vadd.f32 v48, v5;
	v19 =	vadd.f32 v49, v2  }
0xac: {  	v5 =	vld [tilespmem:s17+$0x30];
	v45 =	vadd.f32 v38, v24;
	v46 =	vadd.f32 v39, v21  }
0xad: {  	v47 =	vld [tilespmem:s17+$0x40];
	v0 =	vadd.f32 v0, v18;
	v4 =	vadd.f32 v4, v16  }
0xae: {  	v48 =	vld [tilespmem:s17+$0x50];
	v1 =	vadd.f32 v44, v14;
	v24 =	vadd.f32 v50, v45  }
0xaf: {  	v49 =	vld [tilespmem:s17+$0x60];
	v21 =	vadd.f32 v51, v46;
	v18 =	vadd.f32 v52, v0  }
0xb0: {  	v50 =	vadd.f32 v62, v20;
	v51 =	vadd.f32 v63, v17;
	v52 =	vld [tilespmem:s17+$0x1000]  }
0xb1: {  	v16 =	vadd.f32 v53, v4;
	v4 =	vld [tilespmem:s17+$0x70];
	v5 =	vadd.f32 v5, v13  }
0xb2: {  	v53 =	vld [tilespmem:s17+$0x1010];
	v14 =	vadd.f32 v56, v1;
	v56 =	vadd.f32 v47, v15  }
0xb3: {  	v17 =	vadd.f32 v55, v51;
	v55 =	vld [tilespmem:s17+$0x1020];
	v13 =	vadd.f32 v57, v5  }
0xb4: {  	s16 =	sadd.s32 $0x2, s16;
	v41 =	vld [tilespmem:s17+$0x1070];
	v57 =	vadd.f32 v48, v12;
	v2 =	vadd.f32 v49, v10  }
0xb5: {  	p0 =	slt.u32 s16, $0x1D;
	v20 =	vadd.f32 v54, v50;
	v5 =	vld [tilespmem:s17+$0x1030];
	v15 =	vadd.f32 v58, v56  }
.Ltmp0:
0xb6: {  	v40 =	vld [tilespmem:s17+$0x1040];
	v12 =	vadd.f32 v59, v57;
	v10 =	vadd.f32 v60, v2;
	(pc) =	sbr.rel @p0 .LBB2_2-.Ltmp0, $4  }
0xb7: {  	v36 =	vld [tilespmem:s17+$0x10E0];
	v62 =	vadd.f32 v52, v11;
	v4 =	vadd.f32 v4, v8  }
0xb8: {  	v39 =	vld [tilespmem:s17+$0x1050];
	v63 =	vadd.f32 v53, v9;
	v34 =	vadd.f32 v55, v34  }
0xb9: {  	v38 =	vld [tilespmem:s17+$0x1060];
	v11 =	vadd.f32 v37, v62;
	v8 =	vadd.f32 v61, v4  }
0xba: {  	v37 =	vld [tilespmem:s17+$0x10F0];
	s17 =	sadd.s32 $0x100, s17;
	v35 =	vadd.f32 v5, v35;
	v9 =	vadd.f32 v42, v63  }
0xbb: {  	v0 =	vld [tilespmem:$0xF80]  }
0xbc: {  	v1 =	vld [tilespmem:$0xF90]  }
0xbd: {  	v2 =	vld [tilespmem:$0xFA0]  }
0xbe: {  	v3 =	vld [tilespmem:$0xFB0]  }
0xbf: {  	v4 =	vld [tilespmem:$0xFC0]  }
0xc0: {  	v5 =	vld [tilespmem:$0xFD0]  }
0xc1: {  	v42 =	vld [tilespmem:$0xFE0]  }
0xc2: {  	v43 =	vld [tilespmem:$0xFF0]  }
0xc3: {  	v44 =	vld [tilespmem:$0x1F80]  }
0xc4: {  	v45 =	vld [tilespmem:$0x1F90]  }
0xc5: {  	v46 =	vld [tilespmem:$0x1FA0]  }
0xc6: {  	v47 =	vld [tilespmem:$0x1FB0]  }
0xc7: {  	v48 =	vld [tilespmem:$0x1FC0]  }
0xc8: {  	v49 =	vld [tilespmem:$0x1FD0]  }
0xc9: {  	v50 =	vld [tilespmem:$0x1FE0]  }
0xca: {  	v51 =	vld [tilespmem:$0x1FF0]  }
0xcb: {  	v52 =	vld [tilespmem:$0x2F80]  }
0xcc: {  	v53 =	vld [tilespmem:$0x2F90]  }
0xcd: {  	v54 =	vld [tilespmem:$0x2FA0]  }
0xce: {  	v55 =	vld [tilespmem:$0x2FB0]  }
0xcf: {  	v56 =	vld [tilespmem:$0x2FC0]  }
0xd0: {  	v57 =	vld [tilespmem:$0x2FD0]  }
0xd1: {  	v58 =	vld [tilespmem:$0x2FE0]  }
0xd2: {  	v59 =	vld [tilespmem:$0x2FF0]  }
0xd3: {  	v60 =	vld [tilespmem:$0x3F80]  }
0xd4: {  	v61 =	vld [tilespmem:$0x3F90]  }
0xd5: {  	v62 =	vld [tilespmem:$0x3FA0]  }
0xd6: {  	v63 =	vld [tilespmem:$0x3FB0]  }
0xd7: {  	v0 =	vadd.f32 v0, v32;
	v32 =	vld [tilespmem:$0x3FC0]  }
0xd8: {  	v1 =	vadd.f32 v1, v29;
	v4 =	vadd.f32 v4, v33;
	v33 =	vld [tilespmem:$0x4000]  }
0xd9: {  	v29 =	vld [tilespmem:$0x3FD0];
	v0 =	vmul.f32 $3.125000000e-02, v0  }
0xda: {  	v2 =	vadd.f32 v2, v30;
	v30 =	vld [tilespmem:$0x3FE0];
	v1 =	vmul.f32 $3.125000000e-02, v1  }
0xdb: {  	v3 =	vadd.f32 v3, v26;
	v26 =	vld [tilespmem:$0x3FF0];
	[tilespmem:$0x10000] =	vst v0  }
0xdc: {  	v48 =	vadd.f32 v48, v24;
	v24 =	vld [tilespmem:$0x5030];
	v0 =	vmul.f32 $3.125000000e-02, v2;
	[tilespmem:$0x10010] =	vst v1  }
0xdd: {  	v11 =	vadd.f32 v60, v11;
	v60 =	vld [tilespmem:$0x7050];
	v2 =	vadd.f32 v5, v31;
	v1 =	vmul.f32 $3.125000000e-02, v3;
	[tilespmem:$0x1FF10] =	vst v33  }
0xde: {  	v3 =	vadd.f32 v42, v27;
	v42 =	vmul.f32 $3.125000000e-02, v4;
	v31 =	vld [tilespmem:$0x4020];
	[tilespmem:$0x10020] =	vst v0  }
0xdf: {  	v4 =	vadd.f32 v43, v23;
	v27 =	vld [tilespmem:$0x4050];
	[tilespmem:$0x10030] =	vst v1;
	v1 =	vmul.f32 $3.125000000e-02, v2  }
0xe0: {  	v43 =	vadd.f32 v45, v25;
	v33 =	vld [tilespmem:$0x4010];
	[tilespmem:$0x10040] =	vst v42;
	v0 =	vmul.f32 $3.125000000e-02, v3  }
0xe1: {  	v23 =	vld [tilespmem:$0x4060];
	v2 =	vadd.f32 v44, v28;
	v44 =	vmul.f32 $3.125000000e-02, v4;
	[tilespmem:$0x10050] =	vst v1  }
0xe2: {  	v25 =	vld [tilespmem:$0x5000];
	v4 =	vadd.f32 v46, v22;
	v46 =	vadd.f32 v47, v19;
	v47 =	vmul.f32 $3.125000000e-02, v43;
	[tilespmem:$0x10060] =	vst v0  }
0xe3: {  	v42 =	vld [tilespmem:$0x4040];
	[tilespmem:$0x10070] =	vst v44  }
0xe4: {  	v5 =	vadd.f32 v56, v15;
	v15 =	vld [tilespmem:$0x6060];
	v45 =	vmul.f32 $3.125000000e-02, v2;
	[tilespmem:$0x10090] =	vst v47  }
0xe5: {  	v28 =	vld [tilespmem:$0x4070];
	v43 =	vmul.f32 $3.125000000e-02, v46;
	[tilespmem:$0x1FF20] =	vst v33  }
0xe6: {  	v22 =	vld [tilespmem:$0x5010];
	v44 =	vadd.f32 v50, v18;
	[tilespmem:$0x10080] =	vst v45  }
0xe7: {  	v19 =	vld [tilespmem:$0x5020];
	v46 =	vadd.f32 v51, v16;
	v45 =	vmul.f32 $3.125000000e-02, v48;
	[tilespmem:$0x100B0] =	vst v43  }
0xe8: {  	v18 =	vld [tilespmem:$0x5060];
	v48 =	vmul.f32 $3.125000000e-02, v44;
	[tilespmem:$0x1FF30] =	vst v42;
	v42 =	vmul.f32 $3.125000000e-02, v4;
	v4 =	vadd.f32 v49, v21  }
0xe9: {  	v50 =	vadd.f32 v53, v17;
	v16 =	vld [tilespmem:$0x5070];
	v51 =	vmul.f32 $3.125000000e-02, v46;
	[tilespmem:$0x100C0] =	vst v45  }
0xea: {  	v17 =	vld [tilespmem:$0x6020];
	v44 =	vmul.f32 $3.125000000e-02, v5;
	[tilespmem:$0x100E0] =	vst v48;
	v47 =	vmul.f32 $3.125000000e-02, v4;
	v4 =	vadd.f32 v52, v20  }
0xeb: {  	[tilespmem:$0x100F0] =	vst v51;
	v45 =	vadd.f32 v59, v8;
	v8 =	vld [tilespmem:$0x6050]  }
0xec: {  	v0 =	vld [tilespmem:$0x1FF10];
	[tilespmem:$0x10140] =	vst v44;
	v52 =	vadd.f32 v54, v14;
	v53 =	vmul.f32 $3.125000000e-02, v4;
	v4 =	vadd.f32 v55, v13  }
0xed: {  	v49 =	vld [tilespmem:$0x5040];
	[tilespmem:$0x100A0] =	vst v42;
	v54 =	vmul.f32 $3.125000000e-02, v50;
	v55 =	vadd.f32 v7, v34;
	v7 =	vadd.f32 v58, v10  }
0xee: {  	v48 =	vadd.f32 v61, v9;
	v42 =	vadd.f32 v6, v35;
	[tilespmem:$0x100D0] =	vst v47;
	v43 =	vmul.f32 $3.125000000e-02, v4;
	v4 =	vld [tilespmem:$0x1FF80]  }
0xef: {  	v6 =	vadd.f32 v57, v12;
	v50 =	vmul.f32 $3.125000000e-02, v11;
	[tilespmem:$0x10110] =	vst v54;
	v47 =	vmul.f32 $3.125000000e-02, v7;
	v7 =	vld [tilespmem:$0x6040]  }
0xf0: {  	[tilespmem:$0x1FF70] =	vst v8;
	v8 =	vld [tilespmem:$0x1FFC0]  }
0xf1: {  	v51 =	vmul.f32 $3.125000000e-02, v48;
	v46 =	vmul.f32 $3.125000000e-02, v6;
	v6 =	vld [tilespmem:$0x1FFA0];
	[tilespmem:$0x10180] =	vst v50  }
0xf2: {  	v33 =	vld [tilespmem:$0x4030];
	[tilespmem:$0x1FF40] =	vst v49  }
0xf3: {  	v5 =	vld [tilespmem:$0x1FF90];
	[tilespmem:$0x10190] =	vst v51;
	v4 =	vadd.f32 v40, v4  }
0xf4: {  	v56 =	vmul.f32 $3.125000000e-02, v52;
	[tilespmem:$0x1FF60] =	vst v7;
	v7 =	vld [tilespmem:$0x1FFB0]  }
0xf5: {  	[tilespmem:$0x10100] =	vst v53;
	v4 =	vadd.f32 v8, v4;
	v8 =	vld [tilespmem:$0x1FFD0]  }
0xf6: {  	v21 =	vld [tilespmem:$0x5050];
	v49 =	vmul.f32 $3.125000000e-02, v45;
	[tilespmem:$0x10120] =	vst v56;
	v6 =	vadd.f32 v38, v6  }
0xf7: {  	v34 =	vld [tilespmem:$0x6000];
	v3 =	vadd.f32 v63, v42;
	[tilespmem:$0x10150] =	vst v46  }
0xf8: {  	v59 =	vld [tilespmem:$0x7040];
	v5 =	vadd.f32 v39, v5;
	[tilespmem:$0x10170] =	vst v49;
	v6 =	vadd.f32 v36, v6  }
0xf9: {  	v61 =	vld [tilespmem:$0x7060];
	v2 =	vadd.f32 v62, v55;
	v54 =	vmul.f32 $3.125000000e-02, v3;
	[tilespmem:$0x10130] =	vst v43;
	v7 =	vadd.f32 v41, v7  }
0xfa: {  	v20 =	vld [tilespmem:$0x6010];
	[tilespmem:$0x10160] =	vst v47;
	v55 =	vadd.f32 v30, v6;
	v5 =	vadd.f32 v8, v5  }
0xfb: {  	v14 =	vld [tilespmem:$0x6030];
	v52 =	vmul.f32 $3.125000000e-02, v2;
	[tilespmem:$0x101B0] =	vst v54;
	v4 =	vadd.f32 v32, v4;
	v53 =	vadd.f32 v37, v7  }
0xfc: {  	v35 =	vld [tilespmem:$0x6070];
	[tilespmem:$0x1FF50] =	vst v34;
	v58 =	vmul.f32 $3.125000000e-02, v55;
	v5 =	vadd.f32 v29, v5  }
0xfd: {  	v42 =	vld [tilespmem:$0x7030];
	[tilespmem:$0x101A0] =	vst v52;
	v56 =	vmul.f32 $3.125000000e-02, v4;
	v2 =	vadd.f32 v26, v53  }
0xfe: {  	v62 =	vld [tilespmem:$0x7070];
	[tilespmem:$0x101E0] =	vst v58;
	v57 =	vmul.f32 $3.125000000e-02, v5  }
0xff: {  	v34 =	vld [tilespmem:$0x7000];
	[tilespmem:$0x101C0] =	vst v56;
	v4 =	vmul.f32 $3.125000000e-02, v2  }
0x100: {  	v36 =	vld [tilespmem:$0x7010];
	[tilespmem:$0x101D0] =	vst v57  }
0x101: {  	s17 =	simm.s32 $0x4080;
	v37 =	vld [tilespmem:$0x7020];
	[tilespmem:$0x101F0] =	vst v4  }
0x102: {  	v26 =	vld [tilespmem:s17+$0x80]  }
0x103: {  	v29 =	vld [tilespmem:s17+$0x90]  }
0x104: {  	v30 =	vld [tilespmem:s17+$0xA0]  }
0x105: {  	v38 =	vld [tilespmem:s17+$0xB0]  }
0x106: {  	v39 =	vld [tilespmem:s17+$0xC0]  }
0x107: {  	v40 =	vld [tilespmem:s17+$0xD0]  }
0x108: {  	v41 =	vld [tilespmem:s17+$0xE0]  }
0x109: {  	v43 =	vld [tilespmem:s17+$0xF0]  }
0x10a: {  	v44 =	vld [tilespmem:s17+$0x1080]  }
0x10b: {  	v45 =	vld [tilespmem:s17+$0x1090]  }
0x10c: {  	v46 =	vld [tilespmem:s17+$0x10A0]  }
0x10d: {  	v47 =	vld [tilespmem:s17+$0x10B0]  }
0x10e: {  	v48 =	vld [tilespmem:s17+$0x10C0]  }
0x10f: {  	v49 =	vld [tilespmem:s17+$0x10D0]  }
0x110: {  	v50 =	vld [tilespmem:s17+$0x10E0]  }
0x111: {  	v51 =	vld [tilespmem:s17+$0x10F0]  }
0x112: {  	v52 =	vld [tilespmem:s17+$0x2080]  }
0x113: {  	v53 =	vld [tilespmem:s17+$0x2090]  }
0x114: {  	v54 =	vld [tilespmem:s17+$0x20A0]  }
0x115: {  	v55 =	vld [tilespmem:s17+$0x20B0]  }
0x116: {  	v56 =	vld [tilespmem:s17+$0x20C0]  }
0x117: {  	v57 =	vld [tilespmem:s17+$0x20D0]  }
0x118: {  	v58 =	vld [tilespmem:s17+$0x20E0]  }
0x119: {  	[tilespmem:$0x1FEB0] =	vst v59;
	v59 =	vld [tilespmem:s17+$0x20F0]  }
0x11a: {  	[tilespmem:$0x1FEC0] =	vst v60;
	v60 =	vld [tilespmem:s17+$0x3080]  }
0x11b: {  	v32 =	vld [tilespmem:s17+$0x30D0]  }
0x11c: {  	[tilespmem:$0x1FED0] =	vst v61;
	v61 =	vld [tilespmem:s17+$0x3090]  }
0x11d: {  	v7 =	vld [tilespmem:s17+$0x30A0]  }
0x11e: {  	v6 =	vld [tilespmem:s17+$0x30B0]  }
0x11f: {  	v63 =	vld [tilespmem:s17+$0x30C0]  }
0x120: {  	[tilespmem:$0x1FF00] =	vst v32;
	v32 =	vld [tilespmem:s17+$0x0]  }
0x121: {  	[tilespmem:$0x1FEE0] =	vst v62;
	v62 =	vld [tilespmem:s17+$0x10]  }
0x122: {  	v8 =	vld [tilespmem:s17+$0x30]  }
0x123: {  	v11 =	vld [tilespmem:s17+$0x40]  }
0x124: {  	v9 =	vld [tilespmem:s17+$0x70]  }
0x125: {  	v32 =	vadd.f32 v32, v0;
	v0 =	vld [tilespmem:$0x1FF20]  }
0x126: {  	v12 =	vld [tilespmem:s17+$0x60]  }
0x127: {  	v10 =	vld [tilespmem:s17+$0x50]  }
0x128: {  	v3 =	vld [tilespmem:s17+$0x1030];
	v8 =	vadd.f32 v8, v33  }
0x129: {  	[tilespmem:$0x1FEF0] =	vst v63;
	v63 =	vld [tilespmem:s17+$0x20];
	v9 =	vadd.f32 v9, v28;
	v32 =	vadd.f32 v26, v32  }
0x12a: {  	v26 =	vadd.f32 v38, v8;
	v8 =	vld [tilespmem:s17+$0x1020];
	v62 =	vadd.f32 v62, v0  }
0x12b: {  	v12 =	vadd.f32 v12, v23;
	v23 =	vadd.f32 v43, v9;
	v9 =	vld [tilespmem:s17+$0x1060]  }
0x12c: {  	v29 =	vadd.f32 v29, v62;
	v62 =	vld [tilespmem:s17+$0x1010]  }
0x12d: {  	v13 =	vld [tilespmem:s17+$0x1040]  }
0x12e: {  	v10 =	vadd.f32 v10, v27;
	v38 =	vld [tilespmem:$0x1FF30]  }
0x12f: {  	v27 =	vadd.f32 v41, v12;
	v43 =	vld [tilespmem:s17+$0x2000];
	v8 =	vadd.f32 v8, v19  }
0x130: {  	v31 =	vadd.f32 v63, v31;
	v63 =	vld [tilespmem:s17+$0x1000];
	v9 =	vadd.f32 v9, v18  }
0x131: {  	v12 =	vadd.f32 v62, v22;
	v22 =	vadd.f32 v46, v8;
	v46 =	vld [tilespmem:$0x1FF40]  }
0x132: {  	v30 =	vadd.f32 v30, v31;
	v31 =	vadd.f32 v40, v10;
	v10 =	vld [tilespmem:s17+$0x1050]  }
0x133: {  	v18 =	vadd.f32 v50, v9;
	v9 =	vld [tilespmem:s17+$0x2060];
	v11 =	vadd.f32 v11, v38  }
0x134: {  	v50 =	vld [tilespmem:s17+$0x2070]  }
0x135: {  	v33 =	vadd.f32 v39, v11;
	v11 =	vadd.f32 v63, v25;
	v8 =	vld [tilespmem:s17+$0x2020]  }
0x136: {  	v25 =	vadd.f32 v45, v12;
	v12 =	vadd.f32 v13, v46;
	v13 =	vld [tilespmem:s17+$0x2030]  }
0x137: {  	v19 =	vadd.f32 v3, v24;
	v28 =	vadd.f32 v44, v11;
	v11 =	vld [tilespmem:s17+$0x2010]  }
0x138: {  	v10 =	vadd.f32 v10, v21;
	v63 =	vld [tilespmem:s17+$0x1070]  }
0x139: {  	v19 =	vadd.f32 v47, v19;
	v47 =	vld [tilespmem:s17+$0x2040]  }
0x13a: {  	v21 =	vadd.f32 v49, v10;
	v10 =	vld [tilespmem:s17+$0x2050];
	v8 =	vadd.f32 v8, v17  }
0x13b: {  	v49 =	vld [tilespmem:$0x1FF50];
	v13 =	vadd.f32 v13, v14  }
0x13c: {  	v11 =	vadd.f32 v11, v20;
	v14 =	vadd.f32 v54, v8;
	v54 =	vld [tilespmem:$0x1FF60]  }
0x13d: {  	v16 =	vadd.f32 v63, v16;
	v13 =	vadd.f32 v55, v13;
	v55 =	vld [tilespmem:$0x1FF70]  }
0x13e: {  	v17 =	vadd.f32 v53, v11;
	v11 =	vld [tilespmem:s17+$0x3010]  }
0x13f: {  	v9 =	vadd.f32 v9, v15;
	v62 =	vld [tilespmem:s17+$0x3030];
	v16 =	vadd.f32 v51, v16  }
0x140: {  	v51 =	vld [tilespmem:s17+$0x3000];
	v24 =	vadd.f32 v48, v12;
	v12 =	vadd.f32 v43, v49  }
0x141: {  	v35 =	vadd.f32 v50, v35;
	v53 =	vld [tilespmem:s17+$0x3020];
	v8 =	vadd.f32 v47, v54  }
0x142: {  	v41 =	vld [tilespmem:s17+$0x3070];
	v20 =	vadd.f32 v52, v12;
	v10 =	vadd.f32 v10, v55  }
0x143: {  	v40 =	vld [tilespmem:s17+$0x3040];
	v63 =	vadd.f32 v11, v36;
	v15 =	vadd.f32 v56, v8  }
0x144: {  	v38 =	vld [tilespmem:s17+$0x3060];
	v8 =	vadd.f32 v59, v35;
	v12 =	vadd.f32 v57, v10  }
0x145: {  	v39 =	vld [tilespmem:s17+$0x3050];
	v10 =	vadd.f32 v58, v9;
	v9 =	vadd.f32 v51, v34  }
0x146: {  	v36 =	vld [tilespmem:s17+$0x30E0];
	v35 =	vadd.f32 v62, v42;
	v34 =	vadd.f32 v53, v37  }
0x147: {  	s16 =	simm.s32 $0x1;
	v37 =	vld [tilespmem:s17+$0x30F0];
	s17 =	simm.s32 $0x4180;
	v11 =	vadd.f32 v60, v9;
	v9 =	vadd.f32 v61, v63  }
.LBB2_4:
0x148: {  	v43 =	vld [tilespmem:s17+$0x80]  }
0x149: {  	v44 =	vld [tilespmem:s17+$0x90]  }
0x14a: {  	v0 =	vld [tilespmem:$0x1FEB0]  }
0x14b: {  	v58 =	vld [tilespmem:$0x1FEC0]  }
0x14c: {  	v59 =	vld [tilespmem:$0x1FED0]  }
0x14d: {  	v60 =	vld [tilespmem:$0x1FEE0]  }
0x14e: {  	v4 =	vld [tilespmem:$0x1FEF0]  }
0x14f: {  	v61 =	vld [tilespmem:$0x1FF00]  }
0x150: {  	v45 =	vld [tilespmem:s17+$0xF0]  }
0x151: {  	v46 =	vld [tilespmem:s17+$0x1080]  }
0x152: {  	v47 =	vld [tilespmem:s17+$0x1090]  }
0x153: {  	v48 =	vld [tilespmem:s17+$0x10A0]  }
0x154: {  	v49 =	vld [tilespmem:s17+$0x10B0]  }
0x155: {  	v50 =	vld [tilespmem:s17+$0x10C0]  }
0x156: {  	v51 =	vld [tilespmem:s17+$0x10D0]  }
0x157: {  	v52 =	vld [tilespmem:s17+$0x10E0]  }
0x158: {  	v53 =	vld [tilespmem:s17+$0x10F0]  }
0x159: {  	v54 =	vld [tilespmem:s17+$0x2080]  }
0x15a: {  	v55 =	vld [tilespmem:s17+$0x2090]  }
0x15b: {  	v56 =	vld [tilespmem:s17+$0x20A0]  }
0x15c: {  	v57 =	vld [tilespmem:s17+$0x20B0]  }
0x15d: {  	v42 =	vld [tilespmem:s17+$0x3090]  }
0x15e: {  	v62 =	vld [tilespmem:s17+$0x30C0]  }
0x15f: {  	v63 =	vld [tilespmem:s17+$0x30D0]  }
0x160: {  	v5 =	vld [tilespmem:s17+$0x1010]  }
0x161: {  	v34 =	vadd.f32 v7, v34;
	v7 =	vld [tilespmem:s17+$0x30A0]  }
0x162: {  	v35 =	vadd.f32 v6, v35;
	v6 =	vld [tilespmem:s17+$0x30B0]  }
0x163: {  	v2 =	vadd.f32 v39, v58;
	v39 =	vld [tilespmem:s17+$0xA0]  }
0x164: {  	v1 =	vadd.f32 v38, v59;
	v38 =	vld [tilespmem:s17+$0xB0]  }
0x165: {  	v3 =	vadd.f32 v40, v0;
	v40 =	vld [tilespmem:s17+$0xC0]  }
0x166: {  	v0 =	vadd.f32 v41, v60;
	v41 =	vld [tilespmem:s17+$0xE0]  }
0x167: {  	v58 =	vld [tilespmem:s17+$0x20C0]  }
0x168: {  	v59 =	vld [tilespmem:s17+$0x20D0]  }
0x169: {  	v60 =	vld [tilespmem:s17+$0x20E0]  }
0x16a: {  	[tilespmem:$0x1FEF0] =	vst v62;
	v62 =	vld [tilespmem:s17+$0x0]  }
0x16b: {  	[tilespmem:$0x1FF00] =	vst v63;
	v63 =	vld [tilespmem:s17+$0x10]  }
0x16c: {  	v1 =	vadd.f32 v36, v1;
	v36 =	vld [tilespmem:s17+$0xD0]  }
0x16d: {  	v2 =	vadd.f32 v61, v2;
	v0 =	vadd.f32 v37, v0;
	v61 =	vld [tilespmem:s17+$0x20F0]  }
0x16e: {  	v3 =	vadd.f32 v4, v3;
	v4 =	vld [tilespmem:s17+$0x60]  }
0x16f: {  	[tilespmem:$0x1FEE0] =	vst v0;
	v0 =	vld [tilespmem:s17+$0x20]  }
0x170: {  	[tilespmem:$0x1FED0] =	vst v1;
	v1 =	vld [tilespmem:s17+$0x30]  }
0x171: {  	[tilespmem:$0x1FEC0] =	vst v2;
	v2 =	vld [tilespmem:s17+$0x40]  }
0x172: {  	v32 =	vadd.f32 v62, v32;
	v29 =	vadd.f32 v63, v29;
	v62 =	vld [tilespmem:s17+$0x70]  }
0x173: {  	v63 =	vld [tilespmem:s17+$0x1000]  }
0x174: {  	[tilespmem:$0x1FEB0] =	vst v3;
	v3 =	vld [tilespmem:s17+$0x50];
	v32 =	vadd.f32 v43, v32;
	v29 =	vadd.f32 v44, v29  }
0x175: {  	v37 =	vld [tilespmem:s17+$0x3080];
	v44 =	vadd.f32 v4, v27;
	v0 =	vadd.f32 v0, v30  }
0x176: {  	v43 =	vld [tilespmem:s17+$0x1020];
	v1 =	vadd.f32 v1, v26;
	v33 =	vadd.f32 v2, v33  }
0x177: {  	v2 =	vld [tilespmem:s17+$0x1030];
	v27 =	vadd.f32 v41, v44;
	v4 =	vadd.f32 v62, v23  }
0x178: {  	v44 =	vadd.f32 v63, v28;
	v26 =	vadd.f32 v38, v1;
	v38 =	vld [tilespmem:s17+$0x1040]  }
0x179: {  	v30 =	vadd.f32 v39, v0;
	v1 =	vadd.f32 v3, v31;
	v39 =	vld [tilespmem:s17+$0x1050]  }
0x17a: {  	v33 =	vadd.f32 v40, v33;
	v0 =	vld [tilespmem:s17+$0x1060];
	v23 =	vadd.f32 v45, v4  }
0x17b: {  	v45 =	vadd.f32 v5, v25;
	v4 =	vld [tilespmem:s17+$0x1070];
	v5 =	vadd.f32 v43, v22  }
0x17c: {  	v28 =	vadd.f32 v46, v44;
	v44 =	vld [tilespmem:s17+$0x2020];
	v2 =	vadd.f32 v2, v19  }
0x17d: {  	v62 =	vld [tilespmem:s17+$0x2000];
	v31 =	vadd.f32 v36, v1;
	v25 =	vadd.f32 v47, v45  }
0x17e: {  	v63 =	vld [tilespmem:s17+$0x2010];
	v22 =	vadd.f32 v48, v5;
	v19 =	vadd.f32 v49, v2  }
0x17f: {  	v5 =	vld [tilespmem:s17+$0x2030];
	v45 =	vadd.f32 v38, v24;
	v46 =	vadd.f32 v39, v21  }
0x180: {  	v47 =	vld [tilespmem:s17+$0x2040];
	v0 =	vadd.f32 v0, v18;
	v4 =	vadd.f32 v4, v16  }
0x181: {  	v48 =	vld [tilespmem:s17+$0x2050];
	v1 =	vadd.f32 v44, v14;
	v24 =	vadd.f32 v50, v45  }
0x182: {  	v49 =	vld [tilespmem:s17+$0x2060];
	v21 =	vadd.f32 v51, v46;
	v18 =	vadd.f32 v52, v0  }
0x183: {  	v50 =	vadd.f32 v62, v20;
	v51 =	vadd.f32 v63, v17;
	v52 =	vld [tilespmem:s17+$0x3000]  }
0x184: {  	v16 =	vadd.f32 v53, v4;
	v4 =	vld [tilespmem:s17+$0x2070];
	v5 =	vadd.f32 v5, v13  }
0x185: {  	v53 =	vld [tilespmem:s17+$0x3010];
	v14 =	vadd.f32 v56, v1;
	v56 =	vadd.f32 v47, v15  }
0x186: {  	v17 =	vadd.f32 v55, v51;
	v55 =	vld [tilespmem:s17+$0x3020];
	v13 =	vadd.f32 v57, v5  }
0x187: {  	s16 =	sadd.s32 $0x2, s16;
	v41 =	vld [tilespmem:s17+$0x3070];
	v57 =	vadd.f32 v48, v12;
	v2 =	vadd.f32 v49, v10  }
0x188: {  	p0 =	slt.u32 s16, $0x1D;
	v20 =	vadd.f32 v54, v50;
	v5 =	vld [tilespmem:s17+$0x3030];
	v15 =	vadd.f32 v58, v56  }
.Ltmp1:
0x189: {  	v40 =	vld [tilespmem:s17+$0x3040];
	v12 =	vadd.f32 v59, v57;
	v10 =	vadd.f32 v60, v2;
	(pc) =	sbr.rel @p0 .LBB2_4-.Ltmp1, $4  }
0x18a: {  	v36 =	vld [tilespmem:s17+$0x30E0];
	v62 =	vadd.f32 v52, v11;
	v4 =	vadd.f32 v4, v8  }
0x18b: {  	v39 =	vld [tilespmem:s17+$0x3050];
	v63 =	vadd.f32 v53, v9;
	v34 =	vadd.f32 v55, v34  }
0x18c: {  	v38 =	vld [tilespmem:s17+$0x3060];
	v11 =	vadd.f32 v37, v62;
	v8 =	vadd.f32 v61, v4  }
0x18d: {  	v37 =	vld [tilespmem:s17+$0x30F0];
	s17 =	sadd.s32 $0x100, s17;
	v35 =	vadd.f32 v5, v35;
	v9 =	vadd.f32 v42, v63  }
0x18e: {  	v0 =	vld [tilespmem:$0x4F80]  }
0x18f: {  	v1 =	vld [tilespmem:$0x4F90]  }
0x190: {  	v2 =	vld [tilespmem:$0x4FA0]  }
0x191: {  	v3 =	vld [tilespmem:$0x4FB0]  }
0x192: {  	v4 =	vld [tilespmem:$0x4FC0]  }
0x193: {  	v5 =	vld [tilespmem:$0x4FD0]  }
0x194: {  	v61 =	vld [tilespmem:$0x5F90]  }
0x195: {  	v1 =	vadd.f32 v1, v29;
	v29 =	vld [tilespmem:$0x4FE0]  }
0x196: {  	v2 =	vadd.f32 v2, v30;
	v30 =	vld [tilespmem:$0x4FF0];
	v3 =	vadd.f32 v3, v26  }
0x197: {  	v26 =	vld [tilespmem:$0x5F80]  }
0x198: {  	v4 =	vadd.f32 v4, v33;
	v63 =	vadd.f32 v5, v31;
	v5 =	vld [tilespmem:$0x5FA0];
	v33 =	vmul.f32 $3.125000000e-02, v3  }
0x199: {  	v47 =	vadd.f32 v61, v25;
	v25 =	vld [tilespmem:$0x5FE0]  }
0x19a: {  	v0 =	vadd.f32 v0, v32;
	[tilespmem:$0x10230] =	vst v33;
	v33 =	vadd.f32 v7, v34;
	v7 =	vld [tilespmem:$0x7F90]  }
0x19b: {  	v42 =	vadd.f32 v29, v27;
	v27 =	vld [tilespmem:$0x5FB0]  }
0x19c: {  	v0 =	vmul.f32 $3.125000000e-02, v0;
	v43 =	vmul.f32 $3.125000000e-02, v4;
	v4 =	vadd.f32 v30, v23;
	v23 =	vld [tilespmem:$0x5FC0]  }
0x19d: {  	v1 =	vmul.f32 $3.125000000e-02, v1;
	v45 =	vadd.f32 v26, v28;
	v26 =	vld [tilespmem:$0x5FD0]  }
0x19e: {  	v62 =	vmul.f32 $3.125000000e-02, v2;
	[tilespmem:$0x10200] =	vst v0;
	v55 =	vadd.f32 v25, v18;
	v18 =	vld [tilespmem:$0x6FB0]  }
0x19f: {  	[tilespmem:$0x10210] =	vst v1;
	v48 =	vmul.f32 $3.125000000e-02, v4;
	v4 =	vadd.f32 v5, v22;
	v5 =	vld [tilespmem:$0x5FF0]  }
0x1a0: {  	v44 =	vmul.f32 $3.125000000e-02, v63;
	[tilespmem:$0x10220] =	vst v62;
	v22 =	vld [tilespmem:$0x6F90]  }
0x1a1: {  	v51 =	vmul.f32 $3.125000000e-02, v47;
	[tilespmem:$0x10240] =	vst v43;
	v50 =	vadd.f32 v27, v19;
	v19 =	vld [tilespmem:$0x6F80]  }
0x1a2: {  	[tilespmem:$0x10250] =	vst v44;
	v46 =	vmul.f32 $3.125000000e-02, v42;
	v53 =	vmul.f32 $3.125000000e-02, v4;
	v4 =	vadd.f32 v26, v21;
	v21 =	vld [tilespmem:$0x6FA0]  }
0x1a3: {  	[tilespmem:$0x10290] =	vst v51;
	v7 =	vadd.f32 v7, v9;
	v9 =	vld [tilespmem:$0x7FE0]  }
0x1a4: {  	v49 =	vmul.f32 $3.125000000e-02, v45;
	[tilespmem:$0x10260] =	vst v46;
	v57 =	vadd.f32 v5, v16;
	v16 =	vld [tilespmem:$0x6FD0]  }
0x1a5: {  	v59 =	vmul.f32 $3.125000000e-02, v55;
	[tilespmem:$0x10270] =	vst v48;
	v5 =	vld [tilespmem:$0x6FC0]  }
0x1a6: {  	[tilespmem:$0x10280] =	vst v49;
	v58 =	vmul.f32 $3.125000000e-02, v4;
	v60 =	vadd.f32 v22, v17;
	v17 =	vld [tilespmem:$0x6FE0];
	v4 =	vadd.f32 v19, v20  }
0x1a7: {  	[tilespmem:$0x102E0] =	vst v59;
	v52 =	vadd.f32 v23, v24;
	v49 =	vmul.f32 $3.125000000e-02, v7;
	v62 =	vadd.f32 v21, v14;
	v14 =	vld [tilespmem:$0x6FF0]  }
0x1a8: {  	[tilespmem:$0x102A0] =	vst v53;
	v54 =	vmul.f32 $3.125000000e-02, v50;
	v63 =	vmul.f32 $3.125000000e-02, v4;
	v4 =	vadd.f32 v18, v13;
	v13 =	vld [tilespmem:$0x7F80]  }
0x1a9: {  	v42 =	vadd.f32 v6, v35;
	v56 =	vmul.f32 $3.125000000e-02, v52;
	[tilespmem:$0x10390] =	vst v49;
	v6 =	vadd.f32 v16, v12;
	v12 =	vld [tilespmem:$0x7FA0]  }
0x1aa: {  	[tilespmem:$0x102B0] =	vst v54;
	v5 =	vadd.f32 v5, v15;
	v15 =	vld [tilespmem:$0x7FB0]  }
0x1ab: {  	[tilespmem:$0x102C0] =	vst v56;
	v61 =	vmul.f32 $3.125000000e-02, v57;
	v43 =	vmul.f32 $3.125000000e-02, v4;
	v4 =	vld [tilespmem:$0x1FEB0]  }
0x1ac: {  	[tilespmem:$0x102D0] =	vst v58;
	v32 =	vmul.f32 $3.125000000e-02, v60;
	v45 =	vmul.f32 $3.125000000e-02, v6;
	v6 =	vld [tilespmem:$0x1FED0];
	v8 =	vadd.f32 v14, v8  }
0x1ad: {  	[tilespmem:$0x102F0] =	vst v61;
	v10 =	vadd.f32 v17, v10;
	v44 =	vmul.f32 $3.125000000e-02, v5;
	v5 =	vld [tilespmem:$0x1FEC0]  }
0x1ae: {  	[tilespmem:$0x10310] =	vst v32;
	v34 =	vmul.f32 $3.125000000e-02, v62;
	v11 =	vadd.f32 v13, v11;
	v47 =	vmul.f32 $3.125000000e-02, v8;
	v8 =	vld [tilespmem:$0x1FEF0]  }
0x1af: {  	[tilespmem:$0x10300] =	vst v63;
	v46 =	vmul.f32 $3.125000000e-02, v10;
	v10 =	vld [tilespmem:$0x1FEE0]  }
0x1b0: {  	[tilespmem:$0x10320] =	vst v34;
	v48 =	vmul.f32 $3.125000000e-02, v11;
	v11 =	vld [tilespmem:$0x1FF00]  }
0x1b1: {  	v14 =	vld [tilespmem:$0x7FC0];
	[tilespmem:$0x10330] =	vst v43;
	v4 =	vadd.f32 v40, v4;
	v6 =	vadd.f32 v38, v6  }
0x1b2: {  	[tilespmem:$0x10340] =	vst v44;
	v13 =	vld [tilespmem:$0x7FD0];
	v2 =	vadd.f32 v12, v33;
	v5 =	vadd.f32 v39, v5  }
0x1b3: {  	[tilespmem:$0x10350] =	vst v45;
	v6 =	vadd.f32 v36, v6;
	v4 =	vadd.f32 v8, v4;
	v8 =	vld [tilespmem:$0x7FF0]  }
0x1b4: {  	[tilespmem:$0x10360] =	vst v46;
	v3 =	vadd.f32 v15, v42;
	v10 =	vadd.f32 v41, v10  }
0x1b5: {  	[tilespmem:$0x10370] =	vst v47;
	v50 =	vmul.f32 $3.125000000e-02, v2;
	v53 =	vadd.f32 v9, v6;
	v5 =	vadd.f32 v11, v5  }
0x1b6: {  	v52 =	vmul.f32 $3.125000000e-02, v3;
	[tilespmem:$0x10380] =	vst v48;
	v51 =	vadd.f32 v37, v10;
	v4 =	vadd.f32 v14, v4  }
0x1b7: {  	[tilespmem:$0x103A0] =	vst v50;
	v56 =	vmul.f32 $3.125000000e-02, v53;
	v5 =	vadd.f32 v13, v5  }
0x1b8: {  	[tilespmem:$0x103B0] =	vst v52;
	v54 =	vmul.f32 $3.125000000e-02, v4;
	v2 =	vadd.f32 v8, v51  }
0x1b9: {  	[tilespmem:$0x103E0] =	vst v56;
	v55 =	vmul.f32 $3.125000000e-02, v5  }
0x1ba: {  	[tilespmem:$0x103C0] =	vst v54;
	v57 =	vmul.f32 $3.125000000e-02, v2  }
0x1bb: {  	[tilespmem:$0x103D0] =	vst v55  }
0x1bc: {  	[tilespmem:$0x103F0] =	vst v57  }
0x1bd: {  	[hbm4b:s5+s1] =	stream.linear.scatter [tilespmem:s10], [sflag:$0x3], $0x400, $0x38;
	[tilespmem:$0x10800] =	vst v63  }
0x1be: {  	_ =	swait.ge [sflag:s11], $0x8000  }
0x1bf: {  	[sflag:s11] =	ssyncset.done $0x0  }
0x1c0: {  	[sflag:s11] =	ssyncadd.s32 $0xFFFF8000  }
0x1c1: {  	v10 =	vld [tilespmem:$0x8000]  }
0x1c2: {  	v11 =	vld [tilespmem:$0x8010]  }
0x1c3: {  	v14 =	vld [tilespmem:$0x8020]  }
0x1c4: {  	v13 =	vld [tilespmem:$0x8030]  }
0x1c5: {  	v16 =	vld [tilespmem:$0x8040]  }
0x1c6: {  	v17 =	vld [tilespmem:$0x8050]  }
0x1c7: {  	v18 =	vld [tilespmem:$0x8060]  }
0x1c8: {  	v19 =	vld [tilespmem:$0x8070]  }
0x1c9: {  	v20 =	vld [tilespmem:$0x9000]  }
0x1ca: {  	v21 =	vld [tilespmem:$0x9010]  }
0x1cb: {  	v24 =	vld [tilespmem:$0x9020]  }
0x1cc: {  	v35 =	vld [tilespmem:$0x9030]  }
0x1cd: {  	v36 =	vld [tilespmem:$0x9040]  }
0x1ce: {  	v38 =	vld [tilespmem:$0x9050]  }
0x1cf: {  	v39 =	vld [tilespmem:$0x9060]  }
0x1d0: {  	v40 =	vld [tilespmem:$0x9070]  }
0x1d1: {  	v43 =	vld [tilespmem:$0xA000]  }
0x1d2: {  	v41 =	vld [tilespmem:$0xA010]  }
0x1d3: {  	v44 =	vld [tilespmem:$0xA020]  }
0x1d4: {  	v45 =	vld [tilespmem:$0xA030]  }
0x1d5: {  	v46 =	vld [tilespmem:$0xA040]  }
0x1d6: {  	v58 =	vld [tilespmem:$0xA050]  }
0x1d7: {  	v5 =	vld [tilespmem:$0xA060]  }
0x1d8: {  	v59 =	vld [tilespmem:$0xA070]  }
0x1d9: {  	v3 =	vld [tilespmem:$0xB000]  }
0x1da: {  	v4 =	vld [tilespmem:$0xB010]  }
0x1db: {  	v1 =	vld [tilespmem:$0xB020]  }
0x1dc: {  	v2 =	vld [tilespmem:$0xB030]  }
0x1dd: {  	v60 =	vld [tilespmem:$0xB040]  }
0x1de: {  	v61 =	vld [tilespmem:$0xB050]  }
0x1df: {  	v62 =	vld [tilespmem:$0xB060]  }
0x1e0: {  	s17 =	simm.s32 $0xA080;
	v63 =	vld [tilespmem:$0xB070]  }
0x1e1: {  	v22 =	vld [tilespmem:s17+$0xFFFFE080]  }
0x1e2: {  	v23 =	vld [tilespmem:s17+$0xFFFFE090]  }
0x1e3: {  	v25 =	vld [tilespmem:s17+$0xFFFFE0A0]  }
0x1e4: {  	v26 =	vld [tilespmem:s17+$0xFFFFE0B0]  }
0x1e5: {  	v27 =	vld [tilespmem:s17+$0xFFFFE0C0]  }
0x1e6: {  	v28 =	vld [tilespmem:s17+$0xFFFFE0D0]  }
0x1e7: {  	v47 =	vld [tilespmem:s17+$0xFFFFE0E0]  }
0x1e8: {  	v48 =	vld [tilespmem:s17+$0xFFFFE0F0]  }
0x1e9: {  	v49 =	vld [tilespmem:s17+$0xFFFFF080]  }
0x1ea: {  	v50 =	vld [tilespmem:s17+$0xFFFFF090]  }
0x1eb: {  	v51 =	vld [tilespmem:s17+$0xFFFFF0A0]  }
0x1ec: {  	v52 =	vld [tilespmem:s17+$0xFFFFF0B0]  }
0x1ed: {  	v53 =	vld [tilespmem:s17+$0xFFFFF0C0]  }
0x1ee: {  	v54 =	vld [tilespmem:s17+$0xFFFFF0D0]  }
0x1ef: {  	v55 =	vld [tilespmem:s17+$0xFFFFF0E0]  }
0x1f0: {  	v56 =	vld [tilespmem:s17+$0xFFFFF0F0]  }
0x1f1: {  	v57 =	vld [tilespmem:s17+$0x80]  }
0x1f2: {  	v34 =	vld [tilespmem:s17+$0xF0]  }
0x1f3: {  	v37 =	vld [tilespmem:s17+$0x1080]  }
0x1f4: {  	v42 =	vld [tilespmem:s17+$0x1090]  }
0x1f5: {  	v7 =	vld [tilespmem:s17+$0x10A0]  }
0x1f6: {  	v6 =	vld [tilespmem:s17+$0x10B0]  }
0x1f7: {  	v32 =	vld [tilespmem:s17+$0x10C0]  }
0x1f8: {  	v33 =	vld [tilespmem:s17+$0x10D0]  }
0x1f9: {  	v29 =	vld [tilespmem:s17+$0xFFFFE000]  }
0x1fa: {  	v30 =	vld [tilespmem:s17+$0xFFFFE010]  }
0x1fb: {  	v31 =	vld [tilespmem:s17+$0xFFFFE020]  }
0x1fc: {  	v0 =	vld [tilespmem:s17+$0xFFFFE040]  }
0x1fd: {  	v9 =	vld [tilespmem:s17+$0xFFFFE050]  }
0x1fe: {  	v12 =	vld [tilespmem:s17+$0xFFFFE060]  }
0x1ff: {  	v8 =	vld [tilespmem:s17+$0xFFFFE070]  }
0x200: {  	v15 =	vld [tilespmem:s17+$0xFFFFF000]  }
0x201: {  	[tilespmem:$0x1FE90] =	vst v58;
	v58 =	vld [tilespmem:s17+$0x90]  }
0x202: {  	[tilespmem:$0x1FEA0] =	vst v59;
	v59 =	vld [tilespmem:s17+$0xA0]  }
0x203: {  	[tilespmem:$0x1FE30] =	vst v60;
	v60 =	vld [tilespmem:s17+$0xB0]  }
0x204: {  	[tilespmem:$0x1FE40] =	vst v61;
	v61 =	vld [tilespmem:s17+$0xC0]  }
0x205: {  	[tilespmem:$0x1FE70] =	vst v32;
	v32 =	vld [tilespmem:s17+$0xFFFFE030];
	v11 =	vadd.f32 v30, v11  }
0x206: {  	[tilespmem:$0x1FE50] =	vst v62;
	v62 =	vld [tilespmem:s17+$0xD0];
	v10 =	vadd.f32 v29, v10;
	v14 =	vadd.f32 v31, v14  }
0x207: {  	v8 =	vadd.f32 v8, v19;
	v29 =	vadd.f32 v23, v11;
	v11 =	vld [tilespmem:s17+$0xFFFFF020]  }
0x208: {  	v30 =	vadd.f32 v25, v14;
	v14 =	vld [tilespmem:s17+$0xFFFFF030]  }
0x209: {  	v9 =	vadd.f32 v9, v17;
	v23 =	vadd.f32 v48, v8;
	v8 =	vld [tilespmem:s17+$0xFFFFF060]  }
0x20a: {  	[tilespmem:$0x1FE60] =	vst v63;
	v63 =	vld [tilespmem:s17+$0xE0];
	v12 =	vadd.f32 v12, v18;
	v13 =	vadd.f32 v32, v13  }
0x20b: {  	v31 =	vadd.f32 v28, v9;
	v9 =	vld [tilespmem:s17+$0xFFFFF050];
	v32 =	vadd.f32 v22, v10  }
0x20c: {  	v10 =	vld [tilespmem:s17+$0xFFFFF010];
	v26 =	vadd.f32 v26, v13;
	v13 =	vadd.f32 v0, v16  }
0x20d: {  	v16 =	vld [tilespmem:s17+$0xFFFFF040];
	v11 =	vadd.f32 v11, v24;
	v14 =	vadd.f32 v14, v35  }
0x20e: {  	[tilespmem:$0x1FE80] =	vst v33;
	v8 =	vadd.f32 v8, v39;
	v33 =	vadd.f32 v27, v13;
	v13 =	vld [tilespmem:s17+$0xFFFFF070]  }
0x20f: {  	v27 =	vadd.f32 v47, v12;
	v12 =	vadd.f32 v15, v20;
	v15 =	vld [tilespmem:s17+$0x0]  }
0x210: {  	v9 =	vadd.f32 v9, v38;
	v22 =	vadd.f32 v51, v11;
	v11 =	vld [tilespmem:s17+$0x20]  }
0x211: {  	v19 =	vadd.f32 v52, v14;
	v14 =	vld [tilespmem:s17+$0x30];
	v18 =	vadd.f32 v55, v8  }
0x212: {  	v52 =	vld [tilespmem:s17+$0x40];
	v10 =	vadd.f32 v10, v21;
	v21 =	vadd.f32 v54, v9  }
0x213: {  	v8 =	vld [tilespmem:s17+$0x60];
	v28 =	vadd.f32 v49, v12;
	v12 =	vadd.f32 v16, v36  }
0x214: {  	v9 =	vld [tilespmem:s17+$0x50];
	v25 =	vadd.f32 v50, v10;
	v13 =	vadd.f32 v13, v40  }
0x215: {  	v10 =	vld [tilespmem:s17+$0x10];
	v24 =	vadd.f32 v53, v12;
	v12 =	vadd.f32 v15, v43  }
0x216: {  	v15 =	vld [tilespmem:s17+$0x70];
	v11 =	vadd.f32 v11, v44  }
0x217: {  	v16 =	vadd.f32 v56, v13;
	v20 =	vadd.f32 v57, v12;
	v57 =	vld [tilespmem:$0x1FE90]  }
0x218: {  	v13 =	vadd.f32 v14, v45;
	v14 =	vadd.f32 v59, v11;
	v59 =	vld [tilespmem:$0x1FEA0]  }
0x219: {  	v55 =	vld [tilespmem:s17+$0x1000]  }
0x21a: {  	v56 =	vld [tilespmem:s17+$0x1010];
	v10 =	vadd.f32 v10, v41  }
0x21b: {  	v8 =	vadd.f32 v8, v5;
	v11 =	vld [tilespmem:s17+$0x1020];
	v13 =	vadd.f32 v60, v13  }
0x21c: {  	v17 =	vadd.f32 v58, v10;
	v10 =	vadd.f32 v52, v46;
	v58 =	vld [tilespmem:s17+$0x1030]  }
0x21d: {  	v39 =	vld [tilespmem:s17+$0x1050];
	v9 =	vadd.f32 v9, v57;
	v60 =	vadd.f32 v15, v59  }
0x21e: {  	v38 =	vld [tilespmem:s17+$0x1060];
	v15 =	vadd.f32 v61, v10;
	v10 =	vadd.f32 v63, v8  }
0x21f: {  	v36 =	vld [tilespmem:s17+$0x10E0];
	v63 =	vadd.f32 v56, v4;
	v12 =	vadd.f32 v62, v9  }
0x220: {  	v40 =	vld [tilespmem:s17+$0x1040];
	v8 =	vadd.f32 v34, v60;
	v9 =	vadd.f32 v55, v3  }
0x221: {  	v41 =	vld [tilespmem:s17+$0x1070];
	v34 =	vadd.f32 v11, v1;
	v35 =	vadd.f32 v58, v2  }
0x222: {  	s16 =	simm.s32 $0x1;
	v11 =	vadd.f32 v37, v9;
	v9 =	vadd.f32 v42, v63;
	v37 =	vld [tilespmem:s17+$0x10F0];
	s17 =	simm.s32 $0xA180  }
.LBB2_6:
0x223: {  	v43 =	vld [tilespmem:s17+$0xFFFFE080]  }
0x224: {  	v44 =	vld [tilespmem:s17+$0xFFFFE090]  }
0x225: {  	v0 =	vld [tilespmem:$0x1FE30]  }
0x226: {  	v58 =	vld [tilespmem:$0x1FE40]  }
0x227: {  	v59 =	vld [tilespmem:$0x1FE50]  }
0x228: {  	v60 =	vld [tilespmem:$0x1FE60]  }
0x229: {  	v4 =	vld [tilespmem:$0x1FE70]  }
0x22a: {  	v61 =	vld [tilespmem:$0x1FE80]  }
0x22b: {  	v45 =	vld [tilespmem:s17+$0xFFFFE0F0]  }
0x22c: {  	v46 =	vld [tilespmem:s17+$0xFFFFF080]  }
0x22d: {  	v47 =	vld [tilespmem:s17+$0xFFFFF090]  }
0x22e: {  	v48 =	vld [tilespmem:s17+$0xFFFFF0A0]  }
0x22f: {  	v49 =	vld [tilespmem:s17+$0xFFFFF0B0]  }
0x230: {  	v50 =	vld [tilespmem:s17+$0xFFFFF0C0]  }
0x231: {  	v51 =	vld [tilespmem:s17+$0xFFFFF0D0]  }
0x232: {  	v52 =	vld [tilespmem:s17+$0xFFFFF0E0]  }
0x233: {  	v53 =	vld [tilespmem:s17+$0xFFFFF0F0]  }
0x234: {  	v54 =	vld [tilespmem:s17+$0x80]  }
0x235: {  	v55 =	vld [tilespmem:s17+$0x90]  }
0x236: {  	v56 =	vld [tilespmem:s17+$0xA0]  }
0x237: {  	v57 =	vld [tilespmem:s17+$0xB0]  }
0x238: {  	v42 =	vld [tilespmem:s17+$0x1090]  }
0x239: {  	v62 =	vld [tilespmem:s17+$0x10C0]  }
0x23a: {  	v63 =	vld [tilespmem:s17+$0x10D0]  }
0x23b: {  	v5 =	vld [tilespmem:s17+$0xFFFFF010]  }
0x23c: {  	v34 =	vadd.f32 v7, v34;
	v7 =	vld [tilespmem:s17+$0x10A0]  }
0x23d: {  	v35 =	vadd.f32 v6, v35;
	v6 =	vld [tilespmem:s17+$0x10B0]  }
0x23e: {  	v2 =	vadd.f32 v39, v58;
	v39 =	vld [tilespmem:s17+$0xFFFFE0A0]  }
0x23f: {  	v1 =	vadd.f32 v38, v59;
	v38 =	vld [tilespmem:s17+$0xFFFFE0B0]  }
0x240: {  	v3 =	vadd.f32 v40, v0;
	v40 =	vld [tilespmem:s17+$0xFFFFE0C0]  }
0x241: {  	v0 =	vadd.f32 v41, v60;
	v41 =	vld [tilespmem:s17+$0xFFFFE0E0]  }
0x242: {  	v58 =	vld [tilespmem:s17+$0xC0]  }
0x243: {  	v59 =	vld [tilespmem:s17+$0xD0]  }
0x244: {  	v60 =	vld [tilespmem:s17+$0xE0]  }
0x245: {  	[tilespmem:$0x1FE70] =	vst v62;
	v62 =	vld [tilespmem:s17+$0xFFFFE000]  }
0x246: {  	[tilespmem:$0x1FE80] =	vst v63;
	v63 =	vld [tilespmem:s17+$0xFFFFE010]  }
0x247: {  	v1 =	vadd.f32 v36, v1;
	v36 =	vld [tilespmem:s17+$0xFFFFE0D0]  }
0x248: {  	v2 =	vadd.f32 v61, v2;
	v0 =	vadd.f32 v37, v0;
	v61 =	vld [tilespmem:s17+$0xF0]  }
0x249: {  	v3 =	vadd.f32 v4, v3;
	v4 =	vld [tilespmem:s17+$0xFFFFE060]  }
0x24a: {  	[tilespmem:$0x1FE60] =	vst v0;
	v0 =	vld [tilespmem:s17+$0xFFFFE020]  }
0x24b: {  	[tilespmem:$0x1FE50] =	vst v1;
	v1 =	vld [tilespmem:s17+$0xFFFFE030]  }
0x24c: {  	[tilespmem:$0x1FE40] =	vst v2;
	v2 =	vld [tilespmem:s17+$0xFFFFE040]  }
0x24d: {  	v32 =	vadd.f32 v62, v32;
	v29 =	vadd.f32 v63, v29;
	v62 =	vld [tilespmem:s17+$0xFFFFE070]  }
0x24e: {  	v63 =	vld [tilespmem:s17+$0xFFFFF000]  }
0x24f: {  	[tilespmem:$0x1FE30] =	vst v3;
	v3 =	vld [tilespmem:s17+$0xFFFFE050];
	v32 =	vadd.f32 v43, v32;
	v29 =	vadd.f32 v44, v29  }
0x250: {  	v37 =	vld [tilespmem:s17+$0x1080];
	v44 =	vadd.f32 v4, v27;
	v0 =	vadd.f32 v0, v30  }
0x251: {  	v43 =	vld [tilespmem:s17+$0xFFFFF020];
	v1 =	vadd.f32 v1, v26;
	v33 =	vadd.f32 v2, v33  }
0x252: {  	v2 =	vld [tilespmem:s17+$0xFFFFF030];
	v27 =	vadd.f32 v41, v44;
	v4 =	vadd.f32 v62, v23  }
0x253: {  	v44 =	vadd.f32 v63, v28;
	v26 =	vadd.f32 v38, v1;
	v38 =	vld [tilespmem:s17+$0xFFFFF040]  }
0x254: {  	v30 =	vadd.f32 v39, v0;
	v1 =	vadd.f32 v3, v31;
	v39 =	vld [tilespmem:s17+$0xFFFFF050]  }
0x255: {  	v33 =	vadd.f32 v40, v33;
	v0 =	vld [tilespmem:s17+$0xFFFFF060];
	v23 =	vadd.f32 v45, v4  }
0x256: {  	v45 =	vadd.f32 v5, v25;
	v4 =	vld [tilespmem:s17+$0xFFFFF070];
	v5 =	vadd.f32 v43, v22  }
0x257: {  	v28 =	vadd.f32 v46, v44;
	v44 =	vld [tilespmem:s17+$0x20];
	v2 =	vadd.f32 v2, v19  }
0x258: {  	v62 =	vld [tilespmem:s17+$0x0];
	v31 =	vadd.f32 v36, v1;
	v25 =	vadd.f32 v47, v45  }
0x259: {  	v63 =	vld [tilespmem:s17+$0x10];
	v22 =	vadd.f32 v48, v5;
	v19 =	vadd.f32 v49, v2  }
0x25a: {  	v5 =	vld [tilespmem:s17+$0x30];
	v45 =	vadd.f32 v38, v24;
	v46 =	vadd.f32 v39, v21  }
0x25b: {  	v47 =	vld [tilespmem:s17+$0x40];
	v0 =	vadd.f32 v0, v18;
	v4 =	vadd.f32 v4, v16  }
0x25c: {  	v48 =	vld [tilespmem:s17+$0x50];
	v1 =	vadd.f32 v44, v14;
	v24 =	vadd.f32 v50, v45  }
0x25d: {  	v49 =	vld [tilespmem:s17+$0x60];
	v21 =	vadd.f32 v51, v46;
	v18 =	vadd.f32 v52, v0  }
0x25e: {  	v50 =	vadd.f32 v62, v20;
	v51 =	vadd.f32 v63, v17;
	v52 =	vld [tilespmem:s17+$0x1000]  }
0x25f: {  	v16 =	vadd.f32 v53, v4;
	v4 =	vld [tilespmem:s17+$0x70];
	v5 =	vadd.f32 v5, v13  }
0x260: {  	v53 =	vld [tilespmem:s17+$0x1010];
	v14 =	vadd.f32 v56, v1;
	v56 =	vadd.f32 v47, v15  }
0x261: {  	v17 =	vadd.f32 v55, v51;
	v55 =	vld [tilespmem:s17+$0x1020];
	v13 =	vadd.f32 v57, v5  }
0x262: {  	s16 =	sadd.s32 $0x2, s16;
	v41 =	vld [tilespmem:s17+$0x1070];
	v57 =	vadd.f32 v48, v12;
	v2 =	vadd.f32 v49, v10  }
0x263: {  	p0 =	slt.u32 s16, $0x1D;
	v20 =	vadd.f32 v54, v50;
	v5 =	vld [tilespmem:s17+$0x1030];
	v15 =	vadd.f32 v58, v56  }
.Ltmp2:
0x264: {  	v40 =	vld [tilespmem:s17+$0x1040];
	v12 =	vadd.f32 v59, v57;
	v10 =	vadd.f32 v60, v2;
	(pc) =	sbr.rel @p0 .LBB2_6-.Ltmp2, $4  }
0x265: {  	v36 =	vld [tilespmem:s17+$0x10E0];
	v62 =	vadd.f32 v52, v11;
	v4 =	vadd.f32 v4, v8  }
0x266: {  	v39 =	vld [tilespmem:s17+$0x1050];
	v63 =	vadd.f32 v53, v9;
	v34 =	vadd.f32 v55, v34  }
0x267: {  	v38 =	vld [tilespmem:s17+$0x1060];
	v11 =	vadd.f32 v37, v62;
	v8 =	vadd.f32 v61, v4  }
0x268: {  	v37 =	vld [tilespmem:s17+$0x10F0];
	s17 =	sadd.s32 $0x100, s17;
	v35 =	vadd.f32 v5, v35;
	v9 =	vadd.f32 v42, v63  }
0x269: {  	v0 =	vld [tilespmem:$0x8F80]  }
0x26a: {  	v1 =	vld [tilespmem:$0x8F90]  }
0x26b: {  	v2 =	vld [tilespmem:$0x8FA0]  }
0x26c: {  	v3 =	vld [tilespmem:$0x8FB0]  }
0x26d: {  	v4 =	vld [tilespmem:$0x8FC0]  }
0x26e: {  	v5 =	vld [tilespmem:$0x8FD0]  }
0x26f: {  	v42 =	vld [tilespmem:$0x8FE0]  }
0x270: {  	v43 =	vld [tilespmem:$0x8FF0]  }
0x271: {  	v44 =	vld [tilespmem:$0x9F80]  }
0x272: {  	v45 =	vld [tilespmem:$0x9F90]  }
0x273: {  	v46 =	vld [tilespmem:$0x9FA0]  }
0x274: {  	v47 =	vld [tilespmem:$0x9FB0]  }
0x275: {  	v48 =	vld [tilespmem:$0x9FC0]  }
0x276: {  	v49 =	vld [tilespmem:$0x9FD0]  }
0x277: {  	v50 =	vld [tilespmem:$0x9FE0]  }
0x278: {  	v51 =	vld [tilespmem:$0x9FF0]  }
0x279: {  	v52 =	vld [tilespmem:$0xAF80]  }
0x27a: {  	v53 =	vld [tilespmem:$0xAF90]  }
0x27b: {  	v54 =	vld [tilespmem:$0xAFA0]  }
0x27c: {  	v55 =	vld [tilespmem:$0xAFB0]  }
0x27d: {  	v56 =	vld [tilespmem:$0xAFC0]  }
0x27e: {  	v57 =	vld [tilespmem:$0xAFD0]  }
0x27f: {  	v58 =	vld [tilespmem:$0xAFE0]  }
0x280: {  	v59 =	vld [tilespmem:$0xAFF0]  }
0x281: {  	v60 =	vld [tilespmem:$0xBF80]  }
0x282: {  	v61 =	vld [tilespmem:$0xBF90]  }
0x283: {  	v62 =	vld [tilespmem:$0xBFA0]  }
0x284: {  	v63 =	vld [tilespmem:$0xBFB0]  }
0x285: {  	v0 =	vadd.f32 v0, v32;
	v32 =	vld [tilespmem:$0xBFC0]  }
0x286: {  	v1 =	vadd.f32 v1, v29;
	v4 =	vadd.f32 v4, v33;
	v33 =	vld [tilespmem:$0xC000]  }
0x287: {  	v29 =	vld [tilespmem:$0xBFD0];
	v0 =	vmul.f32 $3.125000000e-02, v0  }
0x288: {  	v2 =	vadd.f32 v2, v30;
	v30 =	vld [tilespmem:$0xBFE0];
	v1 =	vmul.f32 $3.125000000e-02, v1  }
0x289: {  	v3 =	vadd.f32 v3, v26;
	v26 =	vld [tilespmem:$0xBFF0];
	[tilespmem:$0x10400] =	vst v0  }
0x28a: {  	v48 =	vadd.f32 v48, v24;
	v24 =	vld [tilespmem:$0xD030];
	v0 =	vmul.f32 $3.125000000e-02, v2;
	[tilespmem:$0x10410] =	vst v1  }
0x28b: {  	v11 =	vadd.f32 v60, v11;
	v60 =	vld [tilespmem:$0xF050];
	v2 =	vadd.f32 v5, v31;
	v1 =	vmul.f32 $3.125000000e-02, v3;
	[tilespmem:$0x1FDC0] =	vst v33  }
0x28c: {  	v3 =	vadd.f32 v42, v27;
	v42 =	vmul.f32 $3.125000000e-02, v4;
	v31 =	vld [tilespmem:$0xC020];
	[tilespmem:$0x10420] =	vst v0  }
0x28d: {  	v4 =	vadd.f32 v43, v23;
	v27 =	vld [tilespmem:$0xC050];
	[tilespmem:$0x10430] =	vst v1;
	v1 =	vmul.f32 $3.125000000e-02, v2  }
0x28e: {  	v43 =	vadd.f32 v45, v25;
	v33 =	vld [tilespmem:$0xC010];
	[tilespmem:$0x10440] =	vst v42;
	v0 =	vmul.f32 $3.125000000e-02, v3  }
0x28f: {  	v23 =	vld [tilespmem:$0xC060];
	v2 =	vadd.f32 v44, v28;
	v44 =	vmul.f32 $3.125000000e-02, v4;
	[tilespmem:$0x10450] =	vst v1  }
0x290: {  	v25 =	vld [tilespmem:$0xD000];
	v4 =	vadd.f32 v46, v22;
	v46 =	vadd.f32 v47, v19;
	v47 =	vmul.f32 $3.125000000e-02, v43;
	[tilespmem:$0x10460] =	vst v0  }
0x291: {  	v42 =	vld [tilespmem:$0xC040];
	[tilespmem:$0x10470] =	vst v44  }
0x292: {  	v5 =	vadd.f32 v56, v15;
	v15 =	vld [tilespmem:$0xE060];
	v45 =	vmul.f32 $3.125000000e-02, v2;
	[tilespmem:$0x10490] =	vst v47  }
0x293: {  	v28 =	vld [tilespmem:$0xC070];
	v43 =	vmul.f32 $3.125000000e-02, v46;
	[tilespmem:$0x1FDD0] =	vst v33  }
0x294: {  	v22 =	vld [tilespmem:$0xD010];
	v44 =	vadd.f32 v50, v18;
	[tilespmem:$0x10480] =	vst v45  }
0x295: {  	v19 =	vld [tilespmem:$0xD020];
	v46 =	vadd.f32 v51, v16;
	v45 =	vmul.f32 $3.125000000e-02, v48;
	[tilespmem:$0x104B0] =	vst v43  }
0x296: {  	v18 =	vld [tilespmem:$0xD060];
	v48 =	vmul.f32 $3.125000000e-02, v44;
	[tilespmem:$0x1FDE0] =	vst v42;
	v42 =	vmul.f32 $3.125000000e-02, v4;
	v4 =	vadd.f32 v49, v21  }
0x297: {  	v50 =	vadd.f32 v53, v17;
	v16 =	vld [tilespmem:$0xD070];
	v51 =	vmul.f32 $3.125000000e-02, v46;
	[tilespmem:$0x104C0] =	vst v45  }
0x298: {  	v17 =	vld [tilespmem:$0xE020];
	v44 =	vmul.f32 $3.125000000e-02, v5;
	[tilespmem:$0x104E0] =	vst v48;
	v47 =	vmul.f32 $3.125000000e-02, v4;
	v4 =	vadd.f32 v52, v20  }
0x299: {  	[tilespmem:$0x104F0] =	vst v51;
	v45 =	vadd.f32 v59, v8;
	v8 =	vld [tilespmem:$0xE050]  }
0x29a: {  	v0 =	vld [tilespmem:$0x1FDC0];
	[tilespmem:$0x10540] =	vst v44;
	v52 =	vadd.f32 v54, v14;
	v53 =	vmul.f32 $3.125000000e-02, v4;
	v4 =	vadd.f32 v55, v13  }
0x29b: {  	v49 =	vld [tilespmem:$0xD040];
	[tilespmem:$0x104A0] =	vst v42;
	v54 =	vmul.f32 $3.125000000e-02, v50;
	v55 =	vadd.f32 v7, v34;
	v7 =	vadd.f32 v58, v10  }
0x29c: {  	v48 =	vadd.f32 v61, v9;
	v42 =	vadd.f32 v6, v35;
	[tilespmem:$0x104D0] =	vst v47;
	v43 =	vmul.f32 $3.125000000e-02, v4;
	v4 =	vld [tilespmem:$0x1FE30]  }
0x29d: {  	v6 =	vadd.f32 v57, v12;
	v50 =	vmul.f32 $3.125000000e-02, v11;
	[tilespmem:$0x10510] =	vst v54;
	v47 =	vmul.f32 $3.125000000e-02, v7;
	v7 =	vld [tilespmem:$0xE040]  }
0x29e: {  	[tilespmem:$0x1FE20] =	vst v8;
	v8 =	vld [tilespmem:$0x1FE70]  }
0x29f: {  	v51 =	vmul.f32 $3.125000000e-02, v48;
	v46 =	vmul.f32 $3.125000000e-02, v6;
	v6 =	vld [tilespmem:$0x1FE50];
	[tilespmem:$0x10580] =	vst v50  }
0x2a0: {  	v33 =	vld [tilespmem:$0xC030];
	[tilespmem:$0x1FDF0] =	vst v49  }
0x2a1: {  	v5 =	vld [tilespmem:$0x1FE40];
	[tilespmem:$0x10590] =	vst v51;
	v4 =	vadd.f32 v40, v4  }
0x2a2: {  	v56 =	vmul.f32 $3.125000000e-02, v52;
	[tilespmem:$0x1FE10] =	vst v7;
	v7 =	vld [tilespmem:$0x1FE60]  }
0x2a3: {  	[tilespmem:$0x10500] =	vst v53;
	v4 =	vadd.f32 v8, v4;
	v8 =	vld [tilespmem:$0x1FE80]  }
0x2a4: {  	v21 =	vld [tilespmem:$0xD050];
	v49 =	vmul.f32 $3.125000000e-02, v45;
	[tilespmem:$0x10520] =	vst v56;
	v6 =	vadd.f32 v38, v6  }
0x2a5: {  	v34 =	vld [tilespmem:$0xE000];
	v3 =	vadd.f32 v63, v42;
	[tilespmem:$0x10550] =	vst v46  }
0x2a6: {  	v59 =	vld [tilespmem:$0xF040];
	v5 =	vadd.f32 v39, v5;
	[tilespmem:$0x10570] =	vst v49;
	v6 =	vadd.f32 v36, v6  }
0x2a7: {  	v61 =	vld [tilespmem:$0xF060];
	v2 =	vadd.f32 v62, v55;
	v54 =	vmul.f32 $3.125000000e-02, v3;
	[tilespmem:$0x10530] =	vst v43;
	v7 =	vadd.f32 v41, v7  }
0x2a8: {  	v20 =	vld [tilespmem:$0xE010];
	[tilespmem:$0x10560] =	vst v47;
	v55 =	vadd.f32 v30, v6;
	v5 =	vadd.f32 v8, v5  }
0x2a9: {  	v14 =	vld [tilespmem:$0xE030];
	v52 =	vmul.f32 $3.125000000e-02, v2;
	[tilespmem:$0x105B0] =	vst v54;
	v4 =	vadd.f32 v32, v4;
	v53 =	vadd.f32 v37, v7  }
0x2aa: {  	v35 =	vld [tilespmem:$0xE070];
	[tilespmem:$0x1FE00] =	vst v34;
	v58 =	vmul.f32 $3.125000000e-02, v55;
	v5 =	vadd.f32 v29, v5  }
0x2ab: {  	v42 =	vld [tilespmem:$0xF030];
	[tilespmem:$0x105A0] =	vst v52;
	v56 =	vmul.f32 $3.125000000e-02, v4;
	v2 =	vadd.f32 v26, v53  }
0x2ac: {  	v62 =	vld [tilespmem:$0xF070];
	[tilespmem:$0x105E0] =	vst v58;
	v57 =	vmul.f32 $3.125000000e-02, v5  }
0x2ad: {  	v34 =	vld [tilespmem:$0xF000];
	[tilespmem:$0x105C0] =	vst v56;
	v4 =	vmul.f32 $3.125000000e-02, v2  }
0x2ae: {  	v36 =	vld [tilespmem:$0xF010];
	[tilespmem:$0x105D0] =	vst v57  }
0x2af: {  	s17 =	simm.s32 $0xC080;
	v37 =	vld [tilespmem:$0xF020];
	[tilespmem:$0x105F0] =	vst v4  }
0x2b0: {  	v26 =	vld [tilespmem:s17+$0x80]  }
0x2b1: {  	v29 =	vld [tilespmem:s17+$0x90]  }
0x2b2: {  	v30 =	vld [tilespmem:s17+$0xA0]  }
0x2b3: {  	v38 =	vld [tilespmem:s17+$0xB0]  }
0x2b4: {  	v39 =	vld [tilespmem:s17+$0xC0]  }
0x2b5: {  	v40 =	vld [tilespmem:s17+$0xD0]  }
0x2b6: {  	v41 =	vld [tilespmem:s17+$0xE0]  }
0x2b7: {  	v43 =	vld [tilespmem:s17+$0xF0]  }
0x2b8: {  	v44 =	vld [tilespmem:s17+$0x1080]  }
0x2b9: {  	v45 =	vld [tilespmem:s17+$0x1090]  }
0x2ba: {  	v46 =	vld [tilespmem:s17+$0x10A0]  }
0x2bb: {  	v47 =	vld [tilespmem:s17+$0x10B0]  }
0x2bc: {  	v48 =	vld [tilespmem:s17+$0x10C0]  }
0x2bd: {  	v49 =	vld [tilespmem:s17+$0x10D0]  }
0x2be: {  	v50 =	vld [tilespmem:s17+$0x10E0]  }
0x2bf: {  	v51 =	vld [tilespmem:s17+$0x10F0]  }
0x2c0: {  	v52 =	vld [tilespmem:s17+$0x2080]  }
0x2c1: {  	v53 =	vld [tilespmem:s17+$0x2090]  }
0x2c2: {  	v54 =	vld [tilespmem:s17+$0x20A0]  }
0x2c3: {  	v55 =	vld [tilespmem:s17+$0x20B0]  }
0x2c4: {  	v56 =	vld [tilespmem:s17+$0x20C0]  }
0x2c5: {  	v57 =	vld [tilespmem:s17+$0x20D0]  }
0x2c6: {  	v58 =	vld [tilespmem:s17+$0x20E0]  }
0x2c7: {  	[tilespmem:$0x1FD60] =	vst v59;
	v59 =	vld [tilespmem:s17+$0x20F0]  }
0x2c8: {  	[tilespmem:$0x1FD70] =	vst v60;
	v60 =	vld [tilespmem:s17+$0x3080]  }
0x2c9: {  	v32 =	vld [tilespmem:s17+$0x30D0]  }
0x2ca: {  	[tilespmem:$0x1FD80] =	vst v61;
	v61 =	vld [tilespmem:s17+$0x3090]  }
0x2cb: {  	v7 =	vld [tilespmem:s17+$0x30A0]  }
0x2cc: {  	v6 =	vld [tilespmem:s17+$0x30B0]  }
0x2cd: {  	v63 =	vld [tilespmem:s17+$0x30C0]  }
0x2ce: {  	[tilespmem:$0x1FDB0] =	vst v32;
	v32 =	vld [tilespmem:s17+$0x0]  }
0x2cf: {  	[tilespmem:$0x1FD90] =	vst v62;
	v62 =	vld [tilespmem:s17+$0x10]  }
0x2d0: {  	v8 =	vld [tilespmem:s17+$0x30]  }
0x2d1: {  	v11 =	vld [tilespmem:s17+$0x40]  }
0x2d2: {  	v9 =	vld [tilespmem:s17+$0x70]  }
0x2d3: {  	v32 =	vadd.f32 v32, v0;
	v0 =	vld [tilespmem:$0x1FDD0]  }
0x2d4: {  	v12 =	vld [tilespmem:s17+$0x60]  }
0x2d5: {  	v10 =	vld [tilespmem:s17+$0x50]  }
0x2d6: {  	v3 =	vld [tilespmem:s17+$0x1030];
	v8 =	vadd.f32 v8, v33  }
0x2d7: {  	[tilespmem:$0x1FDA0] =	vst v63;
	v63 =	vld [tilespmem:s17+$0x20];
	v9 =	vadd.f32 v9, v28;
	v32 =	vadd.f32 v26, v32  }
0x2d8: {  	v26 =	vadd.f32 v38, v8;
	v8 =	vld [tilespmem:s17+$0x1020];
	v62 =	vadd.f32 v62, v0  }
0x2d9: {  	v12 =	vadd.f32 v12, v23;
	v23 =	vadd.f32 v43, v9;
	v9 =	vld [tilespmem:s17+$0x1060]  }
0x2da: {  	v29 =	vadd.f32 v29, v62;
	v62 =	vld [tilespmem:s17+$0x1010]  }
0x2db: {  	v13 =	vld [tilespmem:s17+$0x1040]  }
0x2dc: {  	v10 =	vadd.f32 v10, v27;
	v38 =	vld [tilespmem:$0x1FDE0]  }
0x2dd: {  	v27 =	vadd.f32 v41, v12;
	v43 =	vld [tilespmem:s17+$0x2000];
	v8 =	vadd.f32 v8, v19  }
0x2de: {  	v31 =	vadd.f32 v63, v31;
	v63 =	vld [tilespmem:s17+$0x1000];
	v9 =	vadd.f32 v9, v18  }
0x2df: {  	v12 =	vadd.f32 v62, v22;
	v22 =	vadd.f32 v46, v8;
	v46 =	vld [tilespmem:$0x1FDF0]  }
0x2e0: {  	v30 =	vadd.f32 v30, v31;
	v31 =	vadd.f32 v40, v10;
	v10 =	vld [tilespmem:s17+$0x1050]  }
0x2e1: {  	v18 =	vadd.f32 v50, v9;
	v9 =	vld [tilespmem:s17+$0x2060];
	v11 =	vadd.f32 v11, v38  }
0x2e2: {  	v50 =	vld [tilespmem:s17+$0x2070]  }
0x2e3: {  	v33 =	vadd.f32 v39, v11;
	v11 =	vadd.f32 v63, v25;
	v8 =	vld [tilespmem:s17+$0x2020]  }
0x2e4: {  	v25 =	vadd.f32 v45, v12;
	v12 =	vadd.f32 v13, v46;
	v13 =	vld [tilespmem:s17+$0x2030]  }
0x2e5: {  	v19 =	vadd.f32 v3, v24;
	v28 =	vadd.f32 v44, v11;
	v11 =	vld [tilespmem:s17+$0x2010]  }
0x2e6: {  	v10 =	vadd.f32 v10, v21;
	v63 =	vld [tilespmem:s17+$0x1070]  }
0x2e7: {  	v19 =	vadd.f32 v47, v19;
	v47 =	vld [tilespmem:s17+$0x2040]  }
0x2e8: {  	v21 =	vadd.f32 v49, v10;
	v10 =	vld [tilespmem:s17+$0x2050];
	v8 =	vadd.f32 v8, v17  }
0x2e9: {  	v49 =	vld [tilespmem:$0x1FE00];
	v13 =	vadd.f32 v13, v14  }
0x2ea: {  	v11 =	vadd.f32 v11, v20;
	v14 =	vadd.f32 v54, v8;
	v54 =	vld [tilespmem:$0x1FE10]  }
0x2eb: {  	v16 =	vadd.f32 v63, v16;
	v13 =	vadd.f32 v55, v13;
	v55 =	vld [tilespmem:$0x1FE20]  }
0x2ec: {  	v17 =	vadd.f32 v53, v11;
	v11 =	vld [tilespmem:s17+$0x3010]  }
0x2ed: {  	v9 =	vadd.f32 v9, v15;
	v62 =	vld [tilespmem:s17+$0x3030];
	v16 =	vadd.f32 v51, v16  }
0x2ee: {  	v51 =	vld [tilespmem:s17+$0x3000];
	v24 =	vadd.f32 v48, v12;
	v12 =	vadd.f32 v43, v49  }
0x2ef: {  	v35 =	vadd.f32 v50, v35;
	v53 =	vld [tilespmem:s17+$0x3020];
	v8 =	vadd.f32 v47, v54  }
0x2f0: {  	v41 =	vld [tilespmem:s17+$0x3070];
	v20 =	vadd.f32 v52, v12;
	v10 =	vadd.f32 v10, v55  }
0x2f1: {  	v40 =	vld [tilespmem:s17+$0x3040];
	v63 =	vadd.f32 v11, v36;
	v15 =	vadd.f32 v56, v8  }
0x2f2: {  	v38 =	vld [tilespmem:s17+$0x3060];
	v8 =	vadd.f32 v59, v35;
	v12 =	vadd.f32 v57, v10  }
0x2f3: {  	v39 =	vld [tilespmem:s17+$0x3050];
	v10 =	vadd.f32 v58, v9;
	v9 =	vadd.f32 v51, v34  }
0x2f4: {  	v36 =	vld [tilespmem:s17+$0x30E0];
	v35 =	vadd.f32 v62, v42;
	v34 =	vadd.f32 v53, v37  }
0x2f5: {  	s16 =	simm.s32 $0x1;
	v37 =	vld [tilespmem:s17+$0x30F0];
	s17 =	simm.s32 $0xC180;
	v11 =	vadd.f32 v60, v9;
	v9 =	vadd.f32 v61, v63  }
.LBB2_8:
0x2f6: {  	v43 =	vld [tilespmem:s17+$0x80]  }
0x2f7: {  	v44 =	vld [tilespmem:s17+$0x90]  }
0x2f8: {  	v0 =	vld [tilespmem:$0x1FD60]  }
0x2f9: {  	v58 =	vld [tilespmem:$0x1FD70]  }
0x2fa: {  	v59 =	vld [tilespmem:$0x1FD80]  }
0x2fb: {  	v60 =	vld [tilespmem:$0x1FD90]  }
0x2fc: {  	v4 =	vld [tilespmem:$0x1FDA0]  }
0x2fd: {  	v61 =	vld [tilespmem:$0x1FDB0]  }
0x2fe: {  	v45 =	vld [tilespmem:s17+$0xF0]  }
0x2ff: {  	v46 =	vld [tilespmem:s17+$0x1080]  }
0x300: {  	v47 =	vld [tilespmem:s17+$0x1090]  }
0x301: {  	v48 =	vld [tilespmem:s17+$0x10A0]  }
0x302: {  	v49 =	vld [tilespmem:s17+$0x10B0]  }
0x303: {  	v50 =	vld [tilespmem:s17+$0x10C0]  }
0x304: {  	v51 =	vld [tilespmem:s17+$0x10D0]  }
0x305: {  	v52 =	vld [tilespmem:s17+$0x10E0]  }
0x306: {  	v53 =	vld [tilespmem:s17+$0x10F0]  }
0x307: {  	v54 =	vld [tilespmem:s17+$0x2080]  }
0x308: {  	v55 =	vld [tilespmem:s17+$0x2090]  }
0x309: {  	v56 =	vld [tilespmem:s17+$0x20A0]  }
0x30a: {  	v57 =	vld [tilespmem:s17+$0x20B0]  }
0x30b: {  	v42 =	vld [tilespmem:s17+$0x3090]  }
0x30c: {  	v62 =	vld [tilespmem:s17+$0x30C0]  }
0x30d: {  	v63 =	vld [tilespmem:s17+$0x30D0]  }
0x30e: {  	v5 =	vld [tilespmem:s17+$0x1010]  }
0x30f: {  	v34 =	vadd.f32 v7, v34;
	v7 =	vld [tilespmem:s17+$0x30A0]  }
0x310: {  	v35 =	vadd.f32 v6, v35;
	v6 =	vld [tilespmem:s17+$0x30B0]  }
0x311: {  	v2 =	vadd.f32 v39, v58;
	v39 =	vld [tilespmem:s17+$0xA0]  }
0x312: {  	v1 =	vadd.f32 v38, v59;
	v38 =	vld [tilespmem:s17+$0xB0]  }
0x313: {  	v3 =	vadd.f32 v40, v0;
	v40 =	vld [tilespmem:s17+$0xC0]  }
0x314: {  	v0 =	vadd.f32 v41, v60;
	v41 =	vld [tilespmem:s17+$0xE0]  }
0x315: {  	v58 =	vld [tilespmem:s17+$0x20C0]  }
0x316: {  	v59 =	vld [tilespmem:s17+$0x20D0]  }
0x317: {  	v60 =	vld [tilespmem:s17+$0x20E0]  }
0x318: {  	[tilespmem:$0x1FDA0] =	vst v62;
	v62 =	vld [tilespmem:s17+$0x0]  }
0x319: {  	[tilespmem:$0x1FDB0] =	vst v63;
	v63 =	vld [tilespmem:s17+$0x10]  }
0x31a: {  	v1 =	vadd.f32 v36, v1;
	v36 =	vld [tilespmem:s17+$0xD0]  }
0x31b: {  	v2 =	vadd.f32 v61, v2;
	v0 =	vadd.f32 v37, v0;
	v61 =	vld [tilespmem:s17+$0x20F0]  }
0x31c: {  	v3 =	vadd.f32 v4, v3;
	v4 =	vld [tilespmem:s17+$0x60]  }
0x31d: {  	[tilespmem:$0x1FD90] =	vst v0;
	v0 =	vld [tilespmem:s17+$0x20]  }
0x31e: {  	[tilespmem:$0x1FD80] =	vst v1;
	v1 =	vld [tilespmem:s17+$0x30]  }
0x31f: {  	[tilespmem:$0x1FD70] =	vst v2;
	v2 =	vld [tilespmem:s17+$0x40]  }
0x320: {  	v32 =	vadd.f32 v62, v32;
	v29 =	vadd.f32 v63, v29;
	v62 =	vld [tilespmem:s17+$0x70]  }
0x321: {  	v63 =	vld [tilespmem:s17+$0x1000]  }
0x322: {  	[tilespmem:$0x1FD60] =	vst v3;
	v3 =	vld [tilespmem:s17+$0x50];
	v32 =	vadd.f32 v43, v32;
	v29 =	vadd.f32 v44, v29  }
0x323: {  	v37 =	vld [tilespmem:s17+$0x3080];
	v44 =	vadd.f32 v4, v27;
	v0 =	vadd.f32 v0, v30  }
0x324: {  	v43 =	vld [tilespmem:s17+$0x1020];
	v1 =	vadd.f32 v1, v26;
	v33 =	vadd.f32 v2, v33  }
0x325: {  	v2 =	vld [tilespmem:s17+$0x1030];
	v27 =	vadd.f32 v41, v44;
	v4 =	vadd.f32 v62, v23  }
0x326: {  	v44 =	vadd.f32 v63, v28;
	v26 =	vadd.f32 v38, v1;
	v38 =	vld [tilespmem:s17+$0x1040]  }
0x327: {  	v30 =	vadd.f32 v39, v0;
	v1 =	vadd.f32 v3, v31;
	v39 =	vld [tilespmem:s17+$0x1050]  }
0x328: {  	v33 =	vadd.f32 v40, v33;
	v0 =	vld [tilespmem:s17+$0x1060];
	v23 =	vadd.f32 v45, v4  }
0x329: {  	v45 =	vadd.f32 v5, v25;
	v4 =	vld [tilespmem:s17+$0x1070];
	v5 =	vadd.f32 v43, v22  }
0x32a: {  	v28 =	vadd.f32 v46, v44;
	v44 =	vld [tilespmem:s17+$0x2020];
	v2 =	vadd.f32 v2, v19  }
0x32b: {  	v62 =	vld [tilespmem:s17+$0x2000];
	v31 =	vadd.f32 v36, v1;
	v25 =	vadd.f32 v47, v45  }
0x32c: {  	v63 =	vld [tilespmem:s17+$0x2010];
	v22 =	vadd.f32 v48, v5;
	v19 =	vadd.f32 v49, v2  }
0x32d: {  	v5 =	vld [tilespmem:s17+$0x2030];
	v45 =	vadd.f32 v38, v24;
	v46 =	vadd.f32 v39, v21  }
0x32e: {  	v47 =	vld [tilespmem:s17+$0x2040];
	v0 =	vadd.f32 v0, v18;
	v4 =	vadd.f32 v4, v16  }
0x32f: {  	v48 =	vld [tilespmem:s17+$0x2050];
	v1 =	vadd.f32 v44, v14;
	v24 =	vadd.f32 v50, v45  }
0x330: {  	v49 =	vld [tilespmem:s17+$0x2060];
	v21 =	vadd.f32 v51, v46;
	v18 =	vadd.f32 v52, v0  }
0x331: {  	v50 =	vadd.f32 v62, v20;
	v51 =	vadd.f32 v63, v17;
	v52 =	vld [tilespmem:s17+$0x3000]  }
0x332: {  	v16 =	vadd.f32 v53, v4;
	v4 =	vld [tilespmem:s17+$0x2070];
	v5 =	vadd.f32 v5, v13  }
0x333: {  	v53 =	vld [tilespmem:s17+$0x3010];
	v14 =	vadd.f32 v56, v1;
	v56 =	vadd.f32 v47, v15  }
0x334: {  	v17 =	vadd.f32 v55, v51;
	v55 =	vld [tilespmem:s17+$0x3020];
	v13 =	vadd.f32 v57, v5  }
0x335: {  	s16 =	sadd.s32 $0x2, s16;
	v41 =	vld [tilespmem:s17+$0x3070];
	v57 =	vadd.f32 v48, v12;
	v2 =	vadd.f32 v49, v10  }
0x336: {  	p0 =	slt.u32 s16, $0x1D;
	v20 =	vadd.f32 v54, v50;
	v5 =	vld [tilespmem:s17+$0x3030];
	v15 =	vadd.f32 v58, v56  }
.Ltmp3:
0x337: {  	v40 =	vld [tilespmem:s17+$0x3040];
	v12 =	vadd.f32 v59, v57;
	v10 =	vadd.f32 v60, v2;
	(pc) =	sbr.rel @p0 .LBB2_8-.Ltmp3, $4  }
0x338: {  	v36 =	vld [tilespmem:s17+$0x30E0];
	v62 =	vadd.f32 v52, v11;
	v4 =	vadd.f32 v4, v8  }
0x339: {  	v39 =	vld [tilespmem:s17+$0x3050];
	v63 =	vadd.f32 v53, v9;
	v34 =	vadd.f32 v55, v34  }
0x33a: {  	v38 =	vld [tilespmem:s17+$0x3060];
	v11 =	vadd.f32 v37, v62;
	v8 =	vadd.f32 v61, v4  }
0x33b: {  	v37 =	vld [tilespmem:s17+$0x30F0];
	s17 =	sadd.s32 $0x100, s17;
	v35 =	vadd.f32 v5, v35;
	v9 =	vadd.f32 v42, v63  }
0x33c: {  	v0 =	vld [tilespmem:$0xCF80]  }
0x33d: {  	v1 =	vld [tilespmem:$0xCF90]  }
0x33e: {  	v2 =	vld [tilespmem:$0xCFA0]  }
0x33f: {  	v3 =	vld [tilespmem:$0xCFB0]  }
0x340: {  	v4 =	vld [tilespmem:$0xCFC0]  }
0x341: {  	v5 =	vld [tilespmem:$0xCFD0]  }
0x342: {  	v60 =	vld [tilespmem:$0xCFE0]  }
0x343: {  	v61 =	vld [tilespmem:$0xCFF0]  }
0x344: {  	v62 =	vld [tilespmem:$0xDF80]  }
0x345: {  	v63 =	vld [tilespmem:$0xDF90]  }
0x346: {  	v42 =	vld [tilespmem:$0xDFD0]  }
0x347: {  	v43 =	vld [tilespmem:$0xDFE0];
	v0 =	vadd.f32 v0, v32  }
0x348: {  	v45 =	vld [tilespmem:$0xDFF0];
	v1 =	vadd.f32 v1, v29  }
0x349: {  	v47 =	vld [tilespmem:$0xEF80];
	v2 =	vadd.f32 v2, v30;
	v0 =	vmul.f32 $3.125000000e-02, v0  }
0x34a: {  	v48 =	vld [tilespmem:$0xEF90];
	v3 =	vadd.f32 v3, v26;
	v1 =	vmul.f32 $3.125000000e-02, v1  }
0x34b: {  	v49 =	vld [tilespmem:$0xEFA0];
	v4 =	vadd.f32 v4, v33;
	v2 =	vmul.f32 $3.125000000e-02, v2;
	[tilespmem:$0x10600] =	vst v0  }
0x34c: {  	v52 =	vld [tilespmem:$0xEFB0];
	v5 =	vadd.f32 v5, v31;
	v3 =	vmul.f32 $3.125000000e-02, v3;
	[tilespmem:$0x10610] =	vst v1  }
0x34d: {  	v58 =	vld [tilespmem:$0xEFD0];
	v27 =	vadd.f32 v60, v27;
	v4 =	vmul.f32 $3.125000000e-02, v4;
	[tilespmem:$0x10620] =	vst v2  }
0x34e: {  	v55 =	vld [tilespmem:$0xEFC0];
	v23 =	vadd.f32 v61, v23;
	v5 =	vmul.f32 $3.125000000e-02, v5;
	[tilespmem:$0x10630] =	vst v3  }
0x34f: {  	v31 =	vld [tilespmem:$0xDFA0];
	v26 =	vadd.f32 v62, v28;
	v27 =	vmul.f32 $3.125000000e-02, v27;
	[tilespmem:$0x10640] =	vst v4  }
0x350: {  	v32 =	vld [tilespmem:$0xDFB0];
	v51 =	vadd.f32 v43, v18;
	v44 =	vmul.f32 $3.125000000e-02, v23;
	[tilespmem:$0x10650] =	vst v5  }
0x351: {  	v33 =	vld [tilespmem:$0xDFC0];
	v54 =	vadd.f32 v45, v16;
	v46 =	vmul.f32 $3.125000000e-02, v26;
	[tilespmem:$0x10660] =	vst v27  }
0x352: {  	v61 =	vld [tilespmem:$0xEFE0];
	v30 =	vadd.f32 v58, v12;
	v59 =	vmul.f32 $3.125000000e-02, v51;
	[tilespmem:$0x10670] =	vst v44  }
0x353: {  	v57 =	vadd.f32 v47, v20;
	v20 =	vld [tilespmem:$0xEFF0];
	v62 =	vmul.f32 $3.125000000e-02, v54;
	[tilespmem:$0x10680] =	vst v46  }
0x354: {  	v47 =	vld [tilespmem:$0x1FD90];
	v26 =	vadd.f32 v55, v15;
	v43 =	vmul.f32 $3.125000000e-02, v30;
	[tilespmem:$0x106E0] =	vst v59  }
0x355: {  	v60 =	vadd.f32 v48, v17;
	v48 =	vld [tilespmem:$0xFFE0];
	v4 =	vadd.f32 v42, v21;
	v21 =	vmul.f32 $3.125000000e-02, v57;
	[tilespmem:$0x106F0] =	vst v62  }
0x356: {  	v29 =	vadd.f32 v6, v35;
	v23 =	vld [tilespmem:$0xFF80];
	v0 =	vadd.f32 v63, v25;
	v35 =	vmul.f32 $3.125000000e-02, v26;
	[tilespmem:$0x10750] =	vst v43  }
0x357: {  	v51 =	vld [tilespmem:$0xFFF0];
	v3 =	vadd.f32 v33, v24;
	v24 =	vmul.f32 $3.125000000e-02, v60;
	[tilespmem:$0x10700] =	vst v21  }
0x358: {  	v63 =	vadd.f32 v49, v14;
	v33 =	vld [tilespmem:$0x1FD60];
	v0 =	vmul.f32 $3.125000000e-02, v0;
	[tilespmem:$0x10740] =	vst v35  }
0x359: {  	v27 =	vld [tilespmem:$0xFF90];
	v1 =	vadd.f32 v31, v22;
	v56 =	vmul.f32 $3.125000000e-02, v4;
	[tilespmem:$0x10710] =	vst v24  }
0x35a: {  	v25 =	vadd.f32 v7, v34;
	v34 =	vld [tilespmem:$0xFFB0];
	v2 =	vadd.f32 v32, v19;
	v28 =	vmul.f32 $3.125000000e-02, v63;
	[tilespmem:$0x10690] =	vst v0  }
0x35b: {  	v44 =	vld [tilespmem:$0x1FD80];
	v1 =	vmul.f32 $3.125000000e-02, v1;
	[tilespmem:$0x106D0] =	vst v56  }
0x35c: {  	v22 =	vadd.f32 v52, v13;
	v31 =	vld [tilespmem:$0xFFA0];
	v5 =	vadd.f32 v61, v10;
	v50 =	vmul.f32 $3.125000000e-02, v2;
	[tilespmem:$0x10720] =	vst v28  }
0x35d: {  	v8 =	vadd.f32 v20, v8;
	v53 =	vmul.f32 $3.125000000e-02, v3;
	[tilespmem:$0x106A0] =	vst v1;
	v4 =	vadd.f32 v40, v33;
	v40 =	vld [tilespmem:$0x1FD70]  }
0x35e: {  	v32 =	vmul.f32 $3.125000000e-02, v22;
	v11 =	vadd.f32 v23, v11;
	v46 =	vmul.f32 $3.125000000e-02, v5;
	[tilespmem:$0x106B0] =	vst v50;
	v50 =	vld [tilespmem:$0x1FDA0]  }
0x35f: {  	v5 =	vadd.f32 v41, v47;
	v49 =	vmul.f32 $3.125000000e-02, v8;
	[tilespmem:$0x106C0] =	vst v53;
	v9 =	vadd.f32 v27, v9;
	v53 =	vld [tilespmem:$0x1FDB0]  }
0x360: {  	v42 =	vld [tilespmem:$0xFFC0];
	[tilespmem:$0x10730] =	vst v32;
	v6 =	vadd.f32 v38, v44;
	v52 =	vmul.f32 $3.125000000e-02, v11;
	v3 =	vadd.f32 v34, v29  }
0x361: {  	v45 =	vld [tilespmem:$0xFFD0];
	[tilespmem:$0x10760] =	vst v46;
	v56 =	vadd.f32 v37, v5;
	v2 =	vadd.f32 v31, v25;
	v54 =	vmul.f32 $3.125000000e-02, v9  }
0x362: {  	[tilespmem:$0x10770] =	vst v49;
	v6 =	vadd.f32 v36, v6;
	v58 =	vmul.f32 $3.125000000e-02, v3;
	v7 =	vadd.f32 v39, v40  }
0x363: {  	[tilespmem:$0x10780] =	vst v52;
	v55 =	vmul.f32 $3.125000000e-02, v2;
	v2 =	vadd.f32 v51, v56;
	v4 =	vadd.f32 v50, v4  }
0x364: {  	[tilespmem:$0x10790] =	vst v54;
	v59 =	vadd.f32 v48, v6;
	v7 =	vadd.f32 v53, v7  }
0x365: {  	[tilespmem:$0x107B0] =	vst v58;
	v63 =	vmul.f32 $3.125000000e-02, v2;
	v4 =	vadd.f32 v42, v4  }
0x366: {  	[tilespmem:$0x107A0] =	vst v55;
	v62 =	vmul.f32 $3.125000000e-02, v59;
	v57 =	vadd.f32 v45, v7  }
0x367: {  	[tilespmem:$0x107F0] =	vst v63;
	v60 =	vmul.f32 $3.125000000e-02, v4  }
0x368: {  	[tilespmem:$0x107E0] =	vst v62;
	v61 =	vmul.f32 $3.125000000e-02, v57  }
0x369: {  	[tilespmem:$0x107C0] =	vst v60  }
0x36a: {  	s15 =	sadd.s32 $0x1, s15;
	[tilespmem:$0x107D0] =	vst v61  }
0x36b: {  	[hbm4b:s6+s1] =	stream.linear.scatter [tilespmem:s12], [sflag:$0x4], $0x400, $0x38;
	[tilespmem:$0x10800] =	vst v63  }
0x36c: {  	p0 =	sne.s32 s15, s7;
	_ =	swait.ge [sflag:s13], $0x400  }
.Ltmp4:
0x36d: {  	[sflag:s13] =	ssyncset.done $0x0;
	(pc) =	sbr.rel @p0 .LBB2_1-.Ltmp4, $4  }
0x36e: {  	[sflag:s13] =	ssyncadd.s32 $0xFFFFFC00  }
0x36f: {  	_ =	swait.ge [sflag:s14], $0x400  }
0x370: {  	[sflag:s14] =	ssyncset.done $0x0  }
0x371: {  	[sflag:s14] =	ssyncadd.s32 $0xFFFFFC00  }
0x372: {  	_ =	sfence.sel $0x180000  }
0x373: {  	[bflag:$0x0] =	sbarrier.arrive $0xFFFF  }
0x374: {  	p0 =	sne.s32 s2, $0x0;
	_ =	strace $0x90000047  }
0x375: {  	s0 =	sadd.s32 @!p0 $0x100000, s0;
	[bflag:$0x2] =	sbarrier.arrive $0xFFFF  }
0x376: {  	[sflag:s0] =	ssyncadd.tile.s32 @!p0 $0x1;
	_ =	shalt  }
.Lfunc_end2:
_tile_overlayer_lowered:
.L_overlay_start_2:
0x377: {  	(tag) =	ssettag $0x2  }
0x378: {  	s0 =	rddreg [dreg:$0x0];
	s2 =	stileid.u32  }
0x379: {  	s1 =	rddreg [dreg:$0x1];
	p0 =	sne.s32 s2, $0x0  }
0x37a: {  	s3 =	rddreg [dreg:$0x2];
	[bflag:$0x3] =	sbarrier.arrive $0xFFFF;
	s2 =	simm.s32 @!p0 $0x1C05  }
0x37b: {  	[timem:s3], [sflag:s2] =	dma.local @!p0 [hbm:s0], s1  }
0x37c: {  	s0 =	simm.s32 @!p0 $0x5  }
0x37d: {  	_ =	swait.ge @!p0 [sflag:s0], s1  }
0x37e: {  	s1 =	ssub.s32 @!p0 $0x0, s1;
	[sflag:s0] =	ssyncset.done @!p0 $0x0  }
0x37f: {  	[sflag:s0] =	ssyncadd.s32 @!p0 s1  }
0x380: {  	[bflag:$0x3] =	sbarrier.arrive $0xFFFF  }
0x381: {  	_ =	shalt  }

</sc_bundles>
